<compile_context>
chip_gen: v7x
topology: tpu7x:2x2x1
jax: 0.10.2.dev20260603
libtpu: 0.0.44.dev20260713+nightly
codegen_flags: <defaults>
</compile_context>

<pallas_src>
import functools

import jax
import jax.numpy as jnp
from jax import lax
from jax.experimental import pallas as pl
from jax.experimental.pallas import tpu as pltpu
from jax.experimental.pallas import tpu_sc as plsc

NC = 2
NS = 16
NW = NC * NS


def _make_sc_edge_weights(E, N):
    EP = E // NW
    C1 = 2000
    NCHUNK = EP // C1
    NV = C1 // 16
    mesh = plsc.VectorSubcoreMesh(core_axis_name="c", subcore_axis_name="s")

    @functools.partial(
        pl.kernel,
        mesh=mesh,
        compiler_params=pltpu.CompilerParams(needs_layout_passes=False),
        out_type=[
            jax.ShapeDtypeStruct((E,), jnp.float32),
            jax.ShapeDtypeStruct((NW * N,), jnp.float32),
        ],
        scratch_types=[
            pltpu.VMEM((16,), jnp.float32),
            [pltpu.VMEM((C1,), jnp.float32)] * NCHUNK,
            [pltpu.VMEM((C1,), jnp.int32)] * NCHUNK,
            [pltpu.VMEM((C1,), jnp.float32)] * NCHUNK,
            pltpu.VMEM((N,), jnp.float32),
            pltpu.SemaphoreType.DMA,
            pltpu.SemaphoreType.DMA,
        ],
    )
    def sc1(curva_hbm, col_hbm, wpack_hbm, ew_hbm, degp_hbm,
            wv, curv_b, col_b, ew_b, deg_l, fsem, wsem):
        c = lax.axis_index("c")
        s = lax.axis_index("s")
        wid = s * NC + c
        base = wid * EP

        for k in range(NCHUNK):
            pltpu.async_copy(curva_hbm.at[pl.ds(base + k * C1, C1)],
                             curv_b[k], fsem)
            pltpu.async_copy(col_hbm.at[pl.ds(base + k * C1, C1)],
                             col_b[k], fsem)

        pltpu.sync_copy(wpack_hbm, wv)
        wsp = [plsc.load_gather(wv, [jnp.full((16,), k, jnp.int32)])
               for k in range(10)]
        csp = plsc.load_gather(wv, [jnp.full((16,), 10, jnp.int32)])

        zero16 = jnp.zeros((16,), jnp.float32)

        def zbody(i, _):
            deg_l[pl.ds(i * 16, 16)] = zero16
            return 0
        lax.fori_loop(0, N // 16, zbody, 0)

        for k in range(NCHUNK):
            pltpu.make_async_copy(curva_hbm.at[pl.ds(base, C1)],
                                  curv_b[k], fsem).wait()
            pltpu.make_async_copy(col_hbm.at[pl.ds(base, C1)],
                                  col_b[k], fsem).wait()

        for k in range(NCHUNK):
            def vbody(i, _):
                cv = curv_b[k][pl.ds(i * 16, 16)]
                cols = col_b[k][pl.ds(i * 16, 16)]
                t = jnp.exp(-cv)
                p = wsp[9]
                for q in range(8, -1, -1):
                    p = p * t + wsp[q]
                ewv = csp + 0.5 * (t * p)
                ew_b[k][pl.ds(i * 16, 16)] = ewv
                plsc.addupdate_scatter(deg_l, [cols], ewv)
                return 0
            lax.fori_loop(0, NV, vbody, 0, unroll=2)
            pltpu.async_copy(ew_b[k], ew_hbm.at[pl.ds(base + k * C1, C1)],
                             wsem)

        pltpu.sync_copy(deg_l, degp_hbm.at[pl.ds(wid * N, N)])
        for k in range(NCHUNK):
            pltpu.make_async_copy(ew_b[k], ew_hbm.at[pl.ds(base, C1)],
                                  wsem).wait()

    return sc1


def _tc_norm_linear(degp, x, W, ones_nw, NP):
    N, D = x.shape
    H = W.shape[1]

    def body(degp_ref, x_ref, w_ref, ones_ref, dinv_ref, xwn_ref):
        deg = lax.dot_general(degp_ref[...], ones_ref[...],
                              (((0,), (0,)), ((), ())),
                              preferred_element_type=jnp.float32) + 1.0
        safe = jnp.where(deg > 0.0, deg, 1.0)
        dinv = jnp.where(deg > 0.0, lax.rsqrt(safe), 0.0)
        xw = jnp.dot(x_ref[...], w_ref[...], preferred_element_type=jnp.float32)
        pad1 = jnp.zeros((NP - N, 1), jnp.float32)
        padh = jnp.zeros((NP - N, H), jnp.float32)
        dinv_ref[...] = jnp.concatenate([dinv, pad1], axis=0)
        xwn_ref[...] = jnp.concatenate([xw * dinv, padh], axis=0)

    return pl.pallas_call(
        body,
        out_shape=[
            jax.ShapeDtypeStruct((NP, 1), jnp.float32),
            jax.ShapeDtypeStruct((NP, H), jnp.float32),
        ],
    )(degp, x, W, ones_nw)


def _make_sc_scatter(E, NP, H):
    EP = E // NW
    C2 = 80
    NCH = EP // C2
    NT = (NCH - 2) // 3
    NPS = NP // NS
    NL = H // 16
    mesh = plsc.VectorSubcoreMesh(core_axis_name="c", subcore_axis_name="s")

    @functools.partial(
        pl.kernel,
        mesh=mesh,
        compiler_params=pltpu.CompilerParams(needs_layout_passes=False),
        out_type=jax.ShapeDtypeStruct((NC, NP, H), jnp.float32),
        scratch_types=[
            pltpu.VMEM_SHARED((NP, H), jnp.float32),
            pltpu.VMEM((EP,), jnp.int32),
            pltpu.VMEM((C2, H), jnp.float32),
            pltpu.VMEM((C2, H), jnp.float32),
            pltpu.VMEM((C2, H), jnp.float32),
            pltpu.VMEM((C2,), jnp.int32),
            pltpu.VMEM((C2,), jnp.int32),
            pltpu.VMEM((C2,), jnp.int32),
            pltpu.VMEM((C2,), jnp.float32),
            pltpu.VMEM((C2,), jnp.float32),
            pltpu.VMEM((C2,), jnp.float32),
            pltpu.SemaphoreType.DMA,
            pltpu.SemaphoreType.DMA,
            pltpu.SemaphoreType.DMA,
            pltpu.SemaphoreType.DMA,
            pltpu.SemaphoreType.DMA,
            pltpu.SemaphoreType.DMA,
        ],
    )
    def sc2(xwn_hbm, row_hbm, col_hbm, ew_hbm, zeros_hbm, acc_hbm,
            acc_sh, rowb, r0, r1, r2, cb0, cb1, cb2, eb0, eb1, eb2,
            g0, g1, g2, s0, s1, s2):
        c = lax.axis_index("c")
        s = lax.axis_index("s")
        wid = s * NC + c
        base = wid * EP
        nsl = pl.ds(s * NPS, NPS)
        rows = (r0, r1, r2)
        cbs = (cb0, cb1, cb2)
        ebs = (eb0, eb1, eb2)
        gs = (g0, g1, g2)
        ss = (s0, s1, s2)

        @pl.when(c == 0)
        def _():
            pltpu.sync_copy(xwn_hbm.at[nsl], acc_sh.at[nsl])

        @pl.when(c != 0)
        def _():
            pltpu.sync_copy(zeros_hbm.at[nsl], acc_sh.at[nsl])

        pltpu.sync_copy(row_hbm.at[pl.ds(base, EP)], rowb)
        plsc.subcore_barrier()

        def start_fetch(k, j):
            pltpu.async_copy(col_hbm.at[pl.ds(base + k * C2, C2)],
                             cbs[j], gs[j])
            pltpu.async_copy(ew_hbm.at[pl.ds(base + k * C2, C2)],
                             ebs[j], gs[j])
            pltpu.async_copy(xwn_hbm.at[rowb.at[pl.ds(k * C2, C2)]],
                             rows[j], gs[j])

        def wait_fetch(j):
            pltpu.make_async_copy(col_hbm.at[pl.ds(base, C2)],
                                  cbs[j], gs[j]).wait()
            pltpu.make_async_copy(ew_hbm.at[pl.ds(base, C2)],
                                  ebs[j], gs[j]).wait()
            pltpu.make_async_copy(xwn_hbm.at[rowb.at[pl.ds(0, C2)]],
                                  rows[j], gs[j]).wait()

        def scale(j, k):
            def rb(r, _):
                w = plsc.load_gather(
                    ebs[j], [jnp.full((16,), r, jnp.int32)])
                for q in range(NL):
                    rows[j][r, pl.ds(q * 16, 16)] = \
                        rows[j][r, pl.ds(q * 16, 16)] * w
                return 0
            lax.fori_loop(0, C2, rb, 0, unroll=4)

        def start_scatter(j):
            pltpu.async_copy(rows[j], acc_sh.at[cbs[j]], ss[j], add=True)

        def wait_scatter(j):
            pltpu.make_async_copy(rows[j], acc_sh.at[cbs[j]], ss[j]).wait()

        for j in range(3):
            start_fetch(j, j)

        def triple(t, _):
            for j in range(3):
                k = t * 3 + j
                wait_fetch(j)
                scale(j, k)
                start_scatter(j)
                jp = (j - 1) % 3
                if j == 0:
                    @pl.when(t > 0)
                    def _():
                        wait_scatter(jp)
                        start_fetch(k + 2, jp)
                else:
                    wait_scatter(jp)
                    start_fetch(k + 2, jp)
            return 0
        lax.fori_loop(0, NT, triple, 0)

        for j, k in ((0, NT * 3), (1, NT * 3 + 1)):
            wait_fetch(j)
            scale(j, k)
            start_scatter(j)
        wait_scatter(2)
        wait_scatter(0)
        wait_scatter(1)

        plsc.subcore_barrier()
        pltpu.sync_copy(acc_sh.at[nsl], acc_hbm.at[c, nsl])

    return sc2


def _tc_combine_relu(accp, dinv, b2d):
    _, NP, H = accp.shape

    def body(acc_ref, dinv_ref, b_ref, out_ref):
        tot = acc_ref[0] + acc_ref[1]
        out_ref[...] = jnp.maximum(tot * dinv_ref[...] + b_ref[...], 0.0)

    return pl.pallas_call(
        body,
        out_shape=jax.ShapeDtypeStruct((NP, H), jnp.float32),
    )(accp, dinv, b2d)


def _make_sc_gather(BT, NPR, H):
    RP = BT // NW
    C3 = 128
    NCHUNK = RP // C3
    NB = 4
    mesh = plsc.VectorSubcoreMesh(core_axis_name="c", subcore_axis_name="s")

    @functools.partial(
        pl.kernel,
        mesh=mesh,
        compiler_params=pltpu.CompilerParams(needs_layout_passes=False),
        out_type=jax.ShapeDtypeStruct((BT, H), jnp.float32),
        scratch_types=[
            [pltpu.VMEM((C3,), jnp.int32)] * NCHUNK,
            pltpu.VMEM((C3, H), jnp.float32),
            pltpu.VMEM((C3, H), jnp.float32),
            pltpu.VMEM((C3, H), jnp.float32),
            pltpu.VMEM((C3, H), jnp.float32),
            pltpu.SemaphoreType.DMA,
            pltpu.SemaphoreType.DMA,
            pltpu.SemaphoreType.DMA,
            pltpu.SemaphoreType.DMA,
            pltpu.SemaphoreType.DMA,
            pltpu.SemaphoreType.DMA,
            pltpu.SemaphoreType.DMA,
            pltpu.SemaphoreType.DMA,
            pltpu.SemaphoreType.DMA,
        ],
    )
    def sc3(x1_hbm, idx_hbm, out_hbm, ibs, b0, b1, b2, b3,
            isem, g0, g1, g2, g3, w0, w1, w2, w3):
        c = lax.axis_index("c")
        s = lax.axis_index("s")
        wid = s * NC + c
        base = wid * RP
        bufs = (b0, b1, b2, b3)
        gs = (g0, g1, g2, g3)
        ws = (w0, w1, w2, w3)

        for k in range(NCHUNK):
            pltpu.async_copy(idx_hbm.at[pl.ds(base + k * C3, C3)],
                             ibs[k], isem)
        for k in range(NCHUNK):
            pltpu.make_async_copy(idx_hbm.at[pl.ds(base, C3)],
                                  ibs[k], isem).wait()

        def start_g(k, j):
            pltpu.async_copy(x1_hbm.at[ibs[k]], bufs[j], gs[j])

        def wait_g(j):
            pltpu.make_async_copy(x1_hbm.at[ibs[0]], bufs[j], gs[j]).wait()

        def start_w(k, j):
            pltpu.async_copy(bufs[j], out_hbm.at[pl.ds(base + k * C3, C3)],
                             ws[j])

        def wait_w(j):
            pltpu.make_async_copy(bufs[j], out_hbm.at[pl.ds(base, C3)],
                                  ws[j]).wait()

        for k in range(NB):
            start_g(k, k)
        for k in range(NCHUNK):
            j = k % NB
            wait_g(j)
            start_w(k, j)
            if k + NB < NCHUNK:
                wait_w(j)
                start_g(k + NB, j)
        for j in range(NB):
            wait_w(j)

    return sc3


def _tc_decoder(e12, B, W_d1, b1_2d, W_d2, b2_2d):
    H = e12.shape[1]
    BLK = 2048
    grid = B // BLK
    goff = B // BLK

    def body(e1_ref, e2_ref, w1_ref, b1_ref, w2_ref, b2_ref, out_ref):
        a = e1_ref[...]
        b = e2_ref[...]
        feat = jnp.concatenate([a + b, a * b, a, b], axis=1)
        h = jnp.dot(feat, w1_ref[...], preferred_element_type=jnp.float32)
        h = jnp.maximum(h + b1_ref[...], 0.0)
        out_ref[...] = jnp.dot(h, w2_ref[...],
                               preferred_element_type=jnp.float32) + b2_ref[...]

    return pl.pallas_call(
        body,
        grid=(grid,),
        in_specs=[
            pl.BlockSpec((BLK, H), lambda i: (i, 0)),
            pl.BlockSpec((BLK, H), lambda i: (i + goff, 0)),
            pl.BlockSpec(W_d1.shape, lambda i: (0, 0)),
            pl.BlockSpec(b1_2d.shape, lambda i: (0, 0)),
            pl.BlockSpec(W_d2.shape, lambda i: (0, 0)),
            pl.BlockSpec(b2_2d.shape, lambda i: (0, 0)),
        ],
        out_specs=pl.BlockSpec((BLK, 1), lambda i: (i, 0)),
        out_shape=jax.ShapeDtypeStruct((B, 1), jnp.float32),
    )(e12, e12, W_d1, b1_2d, W_d2, b2_2d)


def kernel(x, edge_index, curva, idx, W_lin1, b_lin1, W_gcn, b_gcn,
           W_d1, b_d1, W_d2, b_d2):
    N, D = x.shape
    E = curva.shape[0]
    B = idx.shape[1]
    H = W_gcn.shape[1]
    NP = 10240

    row = edge_index[0]
    col = edge_index[1]

    c0 = b_lin1[0] + 0.5 * jnp.sum(W_lin1)
    wpack = jnp.concatenate(
        [W_lin1[:, 0], c0[None], jnp.zeros((5,), jnp.float32)])

    sc1 = _make_sc_edge_weights(E, N)
    ew, degp = sc1(curva, col, wpack)

    ones_nw = jnp.ones((NW, 1), jnp.float32)
    dinv, xwn = _tc_norm_linear(degp.reshape(NW, N), x, W_gcn, ones_nw, NP)

    sc2 = _make_sc_scatter(E, NP, H)
    accp = sc2(xwn, row, col, ew, jnp.zeros((NP, H), jnp.float32))

    x1 = _tc_combine_relu(accp, dinv, b_gcn[None, :])

    sc3 = _make_sc_gather(2 * B, NP, H)
    e12 = sc3(x1, idx.reshape(2 * B))

    log = _tc_decoder(e12, B, W_d1, b_d1[None, :], W_d2, b_d2[None, :])
    return log

# --- scband reference (transcript-rebuilt; emitter-appended) ---
"""Pipeline reference for scband-cgcn-39161511805531 (READ-ONLY COPY).

The authoritative reference and input builder live on the scoring server;
editing this copy changes nothing except your own understanding.
"""

import jax, jax.numpy as jnp
import numpy as np

N = 10000
E = 320000
D = 128
H2 = 128
DEC1 = 128
B = 16384


def func_k(curve):
    ks = jnp.arange(1, 11, dtype=curve.dtype)
    return (1.0 + jnp.exp(-ks[None, :] * curve[:, None])) / 2.0


def setup_inputs(seed: int = 0):
    key = jax.random.key(seed)
    ks = jax.random.split(key, 12)
    x = jax.random.normal(ks[0], (N, D), dtype=jnp.float32)
    edge_index = jax.random.randint(ks[1], (2, E), 0, N, dtype=jnp.int32)
    curva = jax.random.normal(ks[2], (E,), dtype=jnp.float32)
    idx = jax.random.randint(ks[3], (2, B), 0, N, dtype=jnp.int32)
    W_lin1 = jax.random.normal(ks[4], (10, 1), dtype=jnp.float32) * (1.0 / np.sqrt(10.0))
    b_lin1 = jnp.zeros((1,), dtype=jnp.float32)
    W_gcn = jax.random.normal(ks[5], (D, H2), dtype=jnp.float32) * (1.0 / np.sqrt(D))
    b_gcn = jnp.zeros((H2,), dtype=jnp.float32)
    W_d1 = jax.random.normal(ks[6], (H2 * 4, DEC1), dtype=jnp.float32) * (1.0 / np.sqrt(H2 * 4.0))
    b_d1 = jnp.zeros((DEC1,), dtype=jnp.float32)
    W_d2 = jax.random.normal(ks[7], (DEC1, 1), dtype=jnp.float32) * (1.0 / np.sqrt(DEC1))
    b_d2 = jnp.zeros((1,), dtype=jnp.float32)
    return {"x": x, "edge_index": edge_index, "curva": curva, "idx": idx,
            "W_lin1": W_lin1, "b_lin1": b_lin1, "W_gcn": W_gcn, "b_gcn": b_gcn,
            "W_d1": W_d1, "b_d1": b_d1, "W_d2": W_d2, "b_d2": b_d2}


def gcn_conv(x, edge_index, edge_weight, W, b):
    # PyG GCNConv with edge_weight: add self loops (weight 1), symmetric norm, linear, aggregate, bias
    row = edge_index[0]
    col = edge_index[1]
    loop = jnp.arange(N, dtype=row.dtype)
    row = jnp.concatenate([row, loop])
    col = jnp.concatenate([col, loop])
    w = jnp.concatenate([edge_weight, jnp.ones((N,), dtype=edge_weight.dtype)])
    deg = jax.ops.segment_sum(w, col, num_segments=N)
    safe_deg = jnp.where(deg > 0, deg, 1.0)
    dinv = jnp.where(deg > 0, jax.lax.rsqrt(safe_deg), 0.0)
    norm = dinv[row] * w * dinv[col]
    xw = x @ W
    out = jax.ops.segment_sum(xw[row] * norm[:, None], col, num_segments=N)
    return out + b


def reference(x, edge_index, curva, idx, W_lin1, b_lin1, W_gcn, b_gcn, W_d1, b_d1, W_d2, b_d2):
    # curvature multi-scale encoding -> per-edge weight (dropout off in eval)
    curva1 = func_k(curva) @ W_lin1 + b_lin1  # [E, 1]
    ew = curva1[:, 0]
    x1 = jax.nn.relu(gcn_conv(x, edge_index, ew, W_gcn, b_gcn))
    e1 = x1[idx[0]]
    e2 = x1[idx[1]]
    feat = jnp.concatenate([e1 + e2, e1 * e2, e1, e2], axis=1)
    h = jax.nn.relu(feat @ W_d1 + b_d1)
    log = h @ W_d2 + b_d2
    return log

if __name__ == "__main__":
    import jax
    _d = setup_inputs()
    print(jax.jit(kernel)(*tuple(_d.values())))

</pallas_src>

<mosaic_0001>
#map = affine_map<(d0, d1) -> (0, 0)>
#map1 = affine_map<(d0, d1) -> (0)>
#map2 = affine_map<(d0, d1) -> (0, 0, 0)>
module attributes {stable_mosaic.version = 14 : i64} {
  func.func @sc2(%arg0: i32, %arg1: i32, %arg2: memref<10240x128xf32, #tpu.memory_space<hbm>>, %arg3: memref<320000xi32, #tpu.memory_space<hbm>>, %arg4: memref<320000xi32, #tpu.memory_space<hbm>>, %arg5: memref<320000xf32, #tpu.memory_space<hbm>>, %arg6: memref<10240x128xf32, #tpu.memory_space<hbm>>, %arg7: memref<2x10240x128xf32, #tpu.memory_space<hbm>>, %arg8: memref<10240x128xf32, #tpu.memory_space<vmem_shared>>, %arg9: memref<10000xi32, #tpu.memory_space<vmem>>, %arg10: memref<80x128xf32, #tpu.memory_space<vmem>>, %arg11: memref<80x128xf32, #tpu.memory_space<vmem>>, %arg12: memref<80x128xf32, #tpu.memory_space<vmem>>, %arg13: memref<80xi32, #tpu.memory_space<vmem>>, %arg14: memref<80xi32, #tpu.memory_space<vmem>>, %arg15: memref<80xi32, #tpu.memory_space<vmem>>, %arg16: memref<80xf32, #tpu.memory_space<vmem>>, %arg17: memref<80xf32, #tpu.memory_space<vmem>>, %arg18: memref<80xf32, #tpu.memory_space<vmem>>, %arg19: memref<!tpu.dma_semaphore, #tpu.memory_space<semaphore_mem>>, %arg20: memref<!tpu.dma_semaphore, #tpu.memory_space<semaphore_mem>>, %arg21: memref<!tpu.dma_semaphore, #tpu.memory_space<semaphore_mem>>, %arg22: memref<!tpu.dma_semaphore, #tpu.memory_space<semaphore_mem>>, %arg23: memref<!tpu.dma_semaphore, #tpu.memory_space<semaphore_mem>>, %arg24: memref<!tpu.dma_semaphore, #tpu.memory_space<semaphore_mem>>) attributes {dimension_semantics = [#tpu.dimension_semantics<core_parallel>, #tpu.dimension_semantics<subcore_parallel>], iteration_bounds = array<i64: 2, 16>, scalar_prefetch = 0 : i64, scratch_operands = 17 : i64, tpu.core_type = #tpu.core_type<sc_vector_subcore>, window_params = [{transform_indices = #map}, {transform_indices = #map1}, {transform_indices = #map1}, {transform_indices = #map1}, {transform_indices = #map}, {transform_indices = #map2}]} {
    %mul3A = arith.constant 2 : i32
    %mul3A_0 = arith.muli %arg1, %mul3A : i32
    %add3A = arith.addi %mul3A_0, %arg0 : i32
    %mul3A_1 = arith.constant 10000 : i32
    %mul3A_2 = arith.muli %add3A, %mul3A_1 : i32
    %mul3A_3 = arith.constant 640 : i32
    %mul3A_4 = arith.muli %arg1, %mul3A_3 : i32
    %eq3A = arith.constant 0 : i32
    %eq3A_5 = arith.cmpi eq, %arg0, %eq3A : i32
    %convert_element_type3A = arith.extui %eq3A_5 : i1 to i32
    %cond3A = arith.constant 0 : i32
    %cond3A_6 = arith.cmpi ne, %convert_element_type3A, %cond3A : i32
    scf.if %cond3A_6 {
      "tpu.region"() ({
        %run_scoped3A = tpu.sem_alloc : memref<!tpu.dma_semaphore, #tpu.memory_space<semaphore_mem>>
        %dma_start3A_102 = arith.constant 0 : i32
        %dma_start3A_103 = tpu.memref_slice %arg8[%mul3A_4, %dma_start3A_102] : memref<10240x128xf32, #tpu.memory_space<vmem_shared>> -> memref<640x128xf32, #tpu.memory_space<vmem_shared>>
        %dma_start3A_104 = arith.constant 0 : i32
        %dma_start3A_105 = tpu.memref_slice %arg2[%mul3A_4, %dma_start3A_104] : memref<10240x128xf32, #tpu.memory_space<hbm>> -> memref<640x128xf32, #tpu.memory_space<hbm>>
        tpu.enqueue_dma source(%dma_start3A_105 : memref<640x128xf32, #tpu.memory_space<hbm>>) target(%dma_start3A_103 : memref<640x128xf32, #tpu.memory_space<vmem_shared>>) target_semaphore(%run_scoped3A : memref<!tpu.dma_semaphore, #tpu.memory_space<semaphore_mem>>)
        %dma_wait3A_106 = arith.constant 0 : i32
        %dma_wait3A_107 = tpu.memref_slice %arg8[%mul3A_4, %dma_wait3A_106] : memref<10240x128xf32, #tpu.memory_space<vmem_shared>> -> memref<640x128xf32, #tpu.memory_space<vmem_shared>>
        %dma_wait3A_108 = arith.constant 0 : i32
        %dma_wait3A_109 = tpu.memref_slice %arg2[%mul3A_4, %dma_wait3A_108] : memref<10240x128xf32, #tpu.memory_space<hbm>> -> memref<640x128xf32, #tpu.memory_space<hbm>>
        tpu.wait_dma2 semaphore(%run_scoped3A : memref<!tpu.dma_semaphore, #tpu.memory_space<semaphore_mem>>) src(%dma_wait3A_109 : memref<640x128xf32, #tpu.memory_space<hbm>>) dst(%dma_wait3A_107 : memref<640x128xf32, #tpu.memory_space<vmem_shared>>)
        tpu.yield
      }) : () -> ()
    } else {
    }
    %ne3A = arith.constant 0 : i32
    %ne3A_7 = arith.cmpi ne, %arg0, %ne3A : i32
    %convert_element_type3A_8 = arith.extui %ne3A_7 : i1 to i32
    %cond3A_9 = arith.constant 0 : i32
    %cond3A_10 = arith.cmpi ne, %convert_element_type3A_8, %cond3A_9 : i32
    scf.if %cond3A_10 {
      "tpu.region"() ({
        %run_scoped3A = tpu.sem_alloc : memref<!tpu.dma_semaphore, #tpu.memory_space<semaphore_mem>>
        %dma_start3A_102 = arith.constant 0 : i32
        %dma_start3A_103 = tpu.memref_slice %arg8[%mul3A_4, %dma_start3A_102] : memref<10240x128xf32, #tpu.memory_space<vmem_shared>> -> memref<640x128xf32, #tpu.memory_space<vmem_shared>>
        %dma_start3A_104 = arith.constant 0 : i32
        %dma_start3A_105 = tpu.memref_slice %arg6[%mul3A_4, %dma_start3A_104] : memref<10240x128xf32, #tpu.memory_space<hbm>> -> memref<640x128xf32, #tpu.memory_space<hbm>>
        tpu.enqueue_dma source(%dma_start3A_105 : memref<640x128xf32, #tpu.memory_space<hbm>>) target(%dma_start3A_103 : memref<640x128xf32, #tpu.memory_space<vmem_shared>>) target_semaphore(%run_scoped3A : memref<!tpu.dma_semaphore, #tpu.memory_space<semaphore_mem>>)
        %dma_wait3A_106 = arith.constant 0 : i32
        %dma_wait3A_107 = tpu.memref_slice %arg8[%mul3A_4, %dma_wait3A_106] : memref<10240x128xf32, #tpu.memory_space<vmem_shared>> -> memref<640x128xf32, #tpu.memory_space<vmem_shared>>
        %dma_wait3A_108 = arith.constant 0 : i32
        %dma_wait3A_109 = tpu.memref_slice %arg6[%mul3A_4, %dma_wait3A_108] : memref<10240x128xf32, #tpu.memory_space<hbm>> -> memref<640x128xf32, #tpu.memory_space<hbm>>
        tpu.wait_dma2 semaphore(%run_scoped3A : memref<!tpu.dma_semaphore, #tpu.memory_space<semaphore_mem>>) src(%dma_wait3A_109 : memref<640x128xf32, #tpu.memory_space<hbm>>) dst(%dma_wait3A_107 : memref<640x128xf32, #tpu.memory_space<vmem_shared>>)
        tpu.yield
      }) : () -> ()
    } else {
    }
    "tpu.region"() ({
      %run_scoped3A = tpu.sem_alloc : memref<!tpu.dma_semaphore, #tpu.memory_space<semaphore_mem>>
      %dma_start3A_102 = tpu.memref_slice %arg3[%mul3A_2] : memref<320000xi32, #tpu.memory_space<hbm>> -> memref<10000xi32, #tpu.memory_space<hbm>>
      %dma_start3A_103 = tpu.memref_slice %arg3[%mul3A_2] : memref<320000xi32, #tpu.memory_space<hbm>> -> memref<10000xi32, #tpu.memory_space<hbm>>
      tpu.enqueue_dma source(%dma_start3A_103 : memref<10000xi32, #tpu.memory_space<hbm>>) target(%arg9 : memref<10000xi32, #tpu.memory_space<vmem>>) target_semaphore(%run_scoped3A : memref<!tpu.dma_semaphore, #tpu.memory_space<semaphore_mem>>)
      %dma_wait3A_104 = tpu.memref_slice %arg3[%mul3A_2] : memref<320000xi32, #tpu.memory_space<hbm>> -> memref<10000xi32, #tpu.memory_space<hbm>>
      %dma_wait3A_105 = tpu.memref_slice %arg3[%mul3A_2] : memref<320000xi32, #tpu.memory_space<hbm>> -> memref<10000xi32, #tpu.memory_space<hbm>>
      tpu.wait_dma2 semaphore(%run_scoped3A : memref<!tpu.dma_semaphore, #tpu.memory_space<semaphore_mem>>) src(%dma_wait3A_105 : memref<10000xi32, #tpu.memory_space<hbm>>) dst(%arg9 : memref<10000xi32, #tpu.memory_space<vmem>>)
      tpu.yield
    }) : () -> ()
    %barrier3A = arith.constant 0 : index
    tpu.barrier barrier_id(%barrier3A)
    %add3A_11 = arith.constant 0 : i32
    %add3A_12 = arith.addi %mul3A_2, %add3A_11 : i32
    %dma_start3A = tpu.memref_slice %arg4[%add3A_12] : memref<320000xi32, #tpu.memory_space<hbm>> -> memref<80xi32, #tpu.memory_space<hbm>>
    %dma_start3A_13 = tpu.memref_slice %arg4[%add3A_12] : memref<320000xi32, #tpu.memory_space<hbm>> -> memref<80xi32, #tpu.memory_space<hbm>>
    tpu.enqueue_dma source(%dma_start3A_13 : memref<80xi32, #tpu.memory_space<hbm>>) target(%arg13 : memref<80xi32, #tpu.memory_space<vmem>>) target_semaphore(%arg19 : memref<!tpu.dma_semaphore, #tpu.memory_space<semaphore_mem>>)
    %add3A_14 = arith.constant 0 : i32
    %add3A_15 = arith.addi %mul3A_2, %add3A_14 : i32
    %dma_start3A_16 = tpu.memref_slice %arg5[%add3A_15] : memref<320000xf32, #tpu.memory_space<hbm>> -> memref<80xf32, #tpu.memory_space<hbm>>
    %dma_start3A_17 = tpu.memref_slice %arg5[%add3A_15] : memref<320000xf32, #tpu.memory_space<hbm>> -> memref<80xf32, #tpu.memory_space<hbm>>
    tpu.enqueue_dma source(%dma_start3A_17 : memref<80xf32, #tpu.memory_space<hbm>>) target(%arg16 : memref<80xf32, #tpu.memory_space<vmem>>) target_semaphore(%arg19 : memref<!tpu.dma_semaphore, #tpu.memory_space<semaphore_mem>>)
    %dma_start3A_18 = arith.constant 0 : i32
    %dma_start3A_19 = tpu.memref_slice %arg9[%dma_start3A_18] : memref<10000xi32, #tpu.memory_space<vmem>> -> memref<80xi32, #tpu.memory_space<vmem>>
    %dma_start3A_20 = arith.constant 0 : i32
    %dma_start3A_21 = arith.constant 0 : i32
    %dma_start3A_22 = tpu.memref_slice %arg2[%dma_start3A_20, %dma_start3A_21] : memref<10240x128xf32, #tpu.memory_space<hbm>> -> memref<10240x128xf32, #tpu.memory_space<hbm>>
    tpu.enqueue_indirect_dma source(%dma_start3A_22 : memref<10240x128xf32, #tpu.memory_space<hbm>>) target(%arg10 : memref<80x128xf32, #tpu.memory_space<vmem>>) offsets(%dma_start3A_19 : memref<80xi32, #tpu.memory_space<vmem>>) semaphore(%arg19 : memref<!tpu.dma_semaphore, #tpu.memory_space<semaphore_mem>>)
    %add3A_23 = arith.constant 80 : i32
    %add3A_24 = arith.addi %mul3A_2, %add3A_23 : i32
    %dma_start3A_25 = tpu.memref_slice %arg4[%add3A_24] : memref<320000xi32, #tpu.memory_space<hbm>> -> memref<80xi32, #tpu.memory_space<hbm>>
    %dma_start3A_26 = tpu.memref_slice %arg4[%add3A_24] : memref<320000xi32, #tpu.memory_space<hbm>> -> memref<80xi32, #tpu.memory_space<hbm>>
    tpu.enqueue_dma source(%dma_start3A_26 : memref<80xi32, #tpu.memory_space<hbm>>) target(%arg14 : memref<80xi32, #tpu.memory_space<vmem>>) target_semaphore(%arg20 : memref<!tpu.dma_semaphore, #tpu.memory_space<semaphore_mem>>)
    %add3A_27 = arith.constant 80 : i32
    %add3A_28 = arith.addi %mul3A_2, %add3A_27 : i32
    %dma_start3A_29 = tpu.memref_slice %arg5[%add3A_28] : memref<320000xf32, #tpu.memory_space<hbm>> -> memref<80xf32, #tpu.memory_space<hbm>>
    %dma_start3A_30 = tpu.memref_slice %arg5[%add3A_28] : memref<320000xf32, #tpu.memory_space<hbm>> -> memref<80xf32, #tpu.memory_space<hbm>>
    tpu.enqueue_dma source(%dma_start3A_30 : memref<80xf32, #tpu.memory_space<hbm>>) target(%arg17 : memref<80xf32, #tpu.memory_space<vmem>>) target_semaphore(%arg20 : memref<!tpu.dma_semaphore, #tpu.memory_space<semaphore_mem>>)
    %dma_start3A_31 = arith.constant 80 : i32
    %dma_start3A_32 = tpu.memref_slice %arg9[%dma_start3A_31] : memref<10000xi32, #tpu.memory_space<vmem>> -> memref<80xi32, #tpu.memory_space<vmem>>
    %dma_start3A_33 = arith.constant 0 : i32
    %dma_start3A_34 = arith.constant 0 : i32
    %dma_start3A_35 = tpu.memref_slice %arg2[%dma_start3A_33, %dma_start3A_34] : memref<10240x128xf32, #tpu.memory_space<hbm>> -> memref<10240x128xf32, #tpu.memory_space<hbm>>
    tpu.enqueue_indirect_dma source(%dma_start3A_35 : memref<10240x128xf32, #tpu.memory_space<hbm>>) target(%arg11 : memref<80x128xf32, #tpu.memory_space<vmem>>) offsets(%dma_start3A_32 : memref<80xi32, #tpu.memory_space<vmem>>) semaphore(%arg20 : memref<!tpu.dma_semaphore, #tpu.memory_space<semaphore_mem>>)
    %add3A_36 = arith.constant 160 : i32
    %add3A_37 = arith.addi %mul3A_2, %add3A_36 : i32
    %dma_start3A_38 = tpu.memref_slice %arg4[%add3A_37] : memref<320000xi32, #tpu.memory_space<hbm>> -> memref<80xi32, #tpu.memory_space<hbm>>
    %dma_start3A_39 = tpu.memref_slice %arg4[%add3A_37] : memref<320000xi32, #tpu.memory_space<hbm>> -> memref<80xi32, #tpu.memory_space<hbm>>
    tpu.enqueue_dma source(%dma_start3A_39 : memref<80xi32, #tpu.memory_space<hbm>>) target(%arg15 : memref<80xi32, #tpu.memory_space<vmem>>) target_semaphore(%arg21 : memref<!tpu.dma_semaphore, #tpu.memory_space<semaphore_mem>>)
    %add3A_40 = arith.constant 160 : i32
    %add3A_41 = arith.addi %mul3A_2, %add3A_40 : i32
    %dma_start3A_42 = tpu.memref_slice %arg5[%add3A_41] : memref<320000xf32, #tpu.memory_space<hbm>> -> memref<80xf32, #tpu.memory_space<hbm>>
    %dma_start3A_43 = tpu.memref_slice %arg5[%add3A_41] : memref<320000xf32, #tpu.memory_space<hbm>> -> memref<80xf32, #tpu.memory_space<hbm>>
    tpu.enqueue_dma source(%dma_start3A_43 : memref<80xf32, #tpu.memory_space<hbm>>) target(%arg18 : memref<80xf32, #tpu.memory_space<vmem>>) target_semaphore(%arg21 : memref<!tpu.dma_semaphore, #tpu.memory_space<semaphore_mem>>)
    %dma_start3A_44 = arith.constant 160 : i32
    %dma_start3A_45 = tpu.memref_slice %arg9[%dma_start3A_44] : memref<10000xi32, #tpu.memory_space<vmem>> -> memref<80xi32, #tpu.memory_space<vmem>>
    %dma_start3A_46 = arith.constant 0 : i32
    %dma_start3A_47 = arith.constant 0 : i32
    %dma_start3A_48 = tpu.memref_slice %arg2[%dma_start3A_46, %dma_start3A_47] : memref<10240x128xf32, #tpu.memory_space<hbm>> -> memref<10240x128xf32, #tpu.memory_space<hbm>>
    tpu.enqueue_indirect_dma source(%dma_start3A_48 : memref<10240x128xf32, #tpu.memory_space<hbm>>) target(%arg12 : memref<80x128xf32, #tpu.memory_space<vmem>>) offsets(%dma_start3A_45 : memref<80xi32, #tpu.memory_space<vmem>>) semaphore(%arg21 : memref<!tpu.dma_semaphore, #tpu.memory_space<semaphore_mem>>)
    %scan3A = arith.constant 0 : i32
    %scan3A_49 = arith.constant 0 : i32
    %scan3A_50 = arith.constant 41 : i32
    %scan3A_51 = arith.addi %scan3A_49, %scan3A_50 : i32
    %scan3A_52 = arith.constant 1 : i32
    %scan3A_53 = scf.for %scan3A_102 = %scan3A_49 to %scan3A_51 step %scan3A_52 iter_args(%scan3A_103 = %scan3A) -> (i32)  : i32 {
      %mul3A_104 = arith.constant 3 : i32
      %mul3A_105 = arith.muli %scan3A_102, %mul3A_104 : i32
      %add3A_106 = arith.constant 0 : i32
      %add3A_107 = arith.addi %mul3A_105, %add3A_106 : i32
      %dma_wait3A_108 = tpu.memref_slice %arg4[%mul3A_2] : memref<320000xi32, #tpu.memory_space<hbm>> -> memref<80xi32, #tpu.memory_space<hbm>>
      %dma_wait3A_109 = tpu.memref_slice %arg4[%mul3A_2] : memref<320000xi32, #tpu.memory_space<hbm>> -> memref<80xi32, #tpu.memory_space<hbm>>
      tpu.wait_dma2 semaphore(%arg19 : memref<!tpu.dma_semaphore, #tpu.memory_space<semaphore_mem>>) src(%dma_wait3A_109 : memref<80xi32, #tpu.memory_space<hbm>>) dst(%arg13 : memref<80xi32, #tpu.memory_space<vmem>>)
      %dma_wait3A_110 = tpu.memref_slice %arg5[%mul3A_2] : memref<320000xf32, #tpu.memory_space<hbm>> -> memref<80xf32, #tpu.memory_space<hbm>>
      %dma_wait3A_111 = tpu.memref_slice %arg5[%mul3A_2] : memref<320000xf32, #tpu.memory_space<hbm>> -> memref<80xf32, #tpu.memory_space<hbm>>
      tpu.wait_dma2 semaphore(%arg19 : memref<!tpu.dma_semaphore, #tpu.memory_space<semaphore_mem>>) src(%dma_wait3A_111 : memref<80xf32, #tpu.memory_space<hbm>>) dst(%arg16 : memref<80xf32, #tpu.memory_space<vmem>>)
      %dma_wait3A_112 = arith.constant 0 : i32
      %dma_wait3A_113 = tpu.memref_slice %arg9[%dma_wait3A_112] : memref<10000xi32, #tpu.memory_space<vmem>> -> memref<80xi32, #tpu.memory_space<vmem>>
      %dma_wait3A_114 = arith.constant 0 : i32
      %dma_wait3A_115 = arith.constant 0 : i32
      %dma_wait3A_116 = tpu.memref_slice %arg2[%dma_wait3A_114, %dma_wait3A_115] : memref<10240x128xf32, #tpu.memory_space<hbm>> -> memref<10240x128xf32, #tpu.memory_space<hbm>>
      tpu.wait_indirect_dma semaphore(%arg19 : memref<!tpu.dma_semaphore, #tpu.memory_space<semaphore_mem>>) src(%dma_wait3A_116 : memref<10240x128xf32, #tpu.memory_space<hbm>>) dst(%arg10 : memref<80x128xf32, #tpu.memory_space<vmem>>)
      %scan3A_117 = arith.constant 0 : i32
      %scan3A_118 = arith.constant 0 : i32
      %scan3A_119 = arith.constant 80 : i32
      %scan3A_120 = arith.addi %scan3A_118, %scan3A_119 : i32
      %scan3A_121 = arith.constant 4 : i32
      %scan3A_122 = scf.for %scan3A_220 = %scan3A_118 to %scan3A_120 step %scan3A_121 iter_args(%scan3A_221 = %scan3A_117) -> (i32)  : i32 {
        %broadcast_in_dim3A = vector.broadcast %scan3A_220 : i32 to vector<16xi32>
        %gather3A = tpu.vector_load_idx %arg16[%broadcast_in_dim3A] : memref<80xf32, #tpu.memory_space<vmem>>[vector<16xi32>], vector<16xf32>,
        %get3A = arith.index_cast %scan3A_220 : i32 to index
        %get3A_222 = arith.constant 0 : index
        %get3A_223 = tpu.vector_load %arg10[%get3A, %get3A_222] {strides = array<i32>} : memref<80x128xf32, #tpu.memory_space<vmem>>, vector<16xf32>,
        %mul3A_224 = arith.mulf %get3A_223, %gather3A : vector<16xf32>
        %swap3A = arith.index_cast %scan3A_220 : i32 to index
        %swap3A_225 = arith.constant 0 : index
        %swap3A_226 = tpu.vector_load %arg10[%swap3A, %swap3A_225] {strides = array<i32>} : memref<80x128xf32, #tpu.memory_space<vmem>>, vector<16xf32>,
        tpu.vector_store %arg10[%swap3A, %swap3A_225], %mul3A_224 {strides = array<i32>} : memref<80x128xf32, #tpu.memory_space<vmem>>, vector<16xf32>,
        %get3A_227 = arith.index_cast %scan3A_220 : i32 to index
        %get3A_228 = arith.constant 16 : index
        %get3A_229 = tpu.vector_load %arg10[%get3A_227, %get3A_228] {strides = array<i32>} : memref<80x128xf32, #tpu.memory_space<vmem>>, vector<16xf32>,
        %mul3A_230 = arith.mulf %get3A_229, %gather3A : vector<16xf32>
        %swap3A_231 = arith.index_cast %scan3A_220 : i32 to index
        %swap3A_232 = arith.constant 16 : index
        %swap3A_233 = tpu.vector_load %arg10[%swap3A_231, %swap3A_232] {strides = array<i32>} : memref<80x128xf32, #tpu.memory_space<vmem>>, vector<16xf32>,
        tpu.vector_store %arg10[%swap3A_231, %swap3A_232], %mul3A_230 {strides = array<i32>} : memref<80x128xf32, #tpu.memory_space<vmem>>, vector<16xf32>,
        %get3A_234 = arith.index_cast %scan3A_220 : i32 to index
        %get3A_235 = arith.constant 32 : index
        %get3A_236 = tpu.vector_load %arg10[%get3A_234, %get3A_235] {strides = array<i32>} : memref<80x128xf32, #tpu.memory_space<vmem>>, vector<16xf32>,
        %mul3A_237 = arith.mulf %get3A_236, %gather3A : vector<16xf32>
        %swap3A_238 = arith.index_cast %scan3A_220 : i32 to index
        %swap3A_239 = arith.constant 32 : index
        %swap3A_240 = tpu.vector_load %arg10[%swap3A_238, %swap3A_239] {strides = array<i32>} : memref<80x128xf32, #tpu.memory_space<vmem>>, vector<16xf32>,
        tpu.vector_store %arg10[%swap3A_238, %swap3A_239], %mul3A_237 {strides = array<i32>} : memref<80x128xf32, #tpu.memory_space<vmem>>, vector<16xf32>,
        %get3A_241 = arith.index_cast %scan3A_220 : i32 to index
        %get3A_242 = arith.constant 48 : index
        %get3A_243 = tpu.vector_load %arg10[%get3A_241, %get3A_242] {strides = array<i32>} : memref<80x128xf32, #tpu.memory_space<vmem>>, vector<16xf32>,
        %mul3A_244 = arith.mulf %get3A_243, %gather3A : vector<16xf32>
        %swap3A_245 = arith.index_cast %scan3A_220 : i32 to index
        %swap3A_246 = arith.constant 48 : index
        %swap3A_247 = tpu.vector_load %arg10[%swap3A_245, %swap3A_246] {strides = array<i32>} : memref<80x128xf32, #tpu.memory_space<vmem>>, vector<16xf32>,
        tpu.vector_store %arg10[%swap3A_245, %swap3A_246], %mul3A_244 {strides = array<i32>} : memref<80x128xf32, #tpu.memory_space<vmem>>, vector<16xf32>,
        %get3A_248 = arith.index_cast %scan3A_220 : i32 to index
        %get3A_249 = arith.constant 64 : index
        %get3A_250 = tpu.vector_load %arg10[%get3A_248, %get3A_249] {strides = array<i32>} : memref<80x128xf32, #tpu.memory_space<vmem>>, vector<16xf32>,
        %mul3A_251 = arith.mulf %get3A_250, %gather3A : vector<16xf32>
        %swap3A_252 = arith.index_cast %scan3A_220 : i32 to index
        %swap3A_253 = arith.constant 64 : index
        %swap3A_254 = tpu.vector_load %arg10[%swap3A_252, %swap3A_253] {strides = array<i32>} : memref<80x128xf32, #tpu.memory_space<vmem>>, vector<16xf32>,
        tpu.vector_store %arg10[%swap3A_252, %swap3A_253], %mul3A_251 {strides = array<i32>} : memref<80x128xf32, #tpu.memory_space<vmem>>, vector<16xf32>,
        %get3A_255 = arith.index_cast %scan3A_220 : i32 to index
        %get3A_256 = arith.constant 80 : index
        %get3A_257 = tpu.vector_load %arg10[%get3A_255, %get3A_256] {strides = array<i32>} : memref<80x128xf32, #tpu.memory_space<vmem>>, vector<16xf32>,
        %mul3A_258 = arith.mulf %get3A_257, %gather3A : vector<16xf32>
        %swap3A_259 = arith.index_cast %scan3A_220 : i32 to index
        %swap3A_260 = arith.constant 80 : index
        %swap3A_261 = tpu.vector_load %arg10[%swap3A_259, %swap3A_260] {strides = array<i32>} : memref<80x128xf32, #tpu.memory_space<vmem>>, vector<16xf32>,
        tpu.vector_store %arg10[%swap3A_259, %swap3A_260], %mul3A_258 {strides = array<i32>} : memref<80x128xf32, #tpu.memory_space<vmem>>, vector<16xf32>,
        %get3A_262 = arith.index_cast %scan3A_220 : i32 to index
        %get3A_263 = arith.constant 96 : index
        %get3A_264 = tpu.vector_load %arg10[%get3A_262, %get3A_263] {strides = array<i32>} : memref<80x128xf32, #tpu.memory_space<vmem>>, vector<16xf32>,
        %mul3A_265 = arith.mulf %get3A_264, %gather3A : vector<16xf32>
        %swap3A_266 = arith.index_cast %scan3A_220 : i32 to index
        %swap3A_267 = arith.constant 96 : index
        %swap3A_268 = tpu.vector_load %arg10[%swap3A_266, %swap3A_267] {strides = array<i32>} : memref<80x128xf32, #tpu.memory_space<vmem>>, vector<16xf32>,
        tpu.vector_store %arg10[%swap3A_266, %swap3A_267], %mul3A_265 {strides = array<i32>} : memref<80x128xf32, #tpu.memory_space<vmem>>, vector<16xf32>,
        %get3A_269 = arith.index_cast %scan3A_220 : i32 to index
        %get3A_270 = arith.constant 112 : index
        %get3A_271 = tpu.vector_load %arg10[%get3A_269, %get3A_270] {strides = array<i32>} : memref<80x128xf32, #tpu.memory_space<vmem>>, vector<16xf32>,
        %mul3A_272 = arith.mulf %get3A_271, %gather3A : vector<16xf32>
        %swap3A_273 = arith.index_cast %scan3A_220 : i32 to index
        %swap3A_274 = arith.constant 112 : index
        %swap3A_275 = tpu.vector_load %arg10[%swap3A_273, %swap3A_274] {strides = array<i32>} : memref<80x128xf32, #tpu.memory_space<vmem>>, vector<16xf32>,
        tpu.vector_store %arg10[%swap3A_273, %swap3A_274], %mul3A_272 {strides = array<i32>} : memref<80x128xf32, #tpu.memory_space<vmem>>, vector<16xf32>,
        %scan3A_276 = arith.constant 0 : i32
        %scan3A_277 = arith.constant 1 : i32
        %scan3A_278 = arith.addi %scan3A_220, %scan3A_277 : i32
        %broadcast_in_dim3A_279 = vector.broadcast %scan3A_278 : i32 to vector<16xi32>
        %gather3A_280 = tpu.vector_load_idx %arg16[%broadcast_in_dim3A_279] : memref<80xf32, #tpu.memory_space<vmem>>[vector<16xi32>], vector<16xf32>,
        %get3A_281 = arith.index_cast %scan3A_278 : i32 to index
        %get3A_282 = arith.constant 0 : index
        %get3A_283 = tpu.vector_load %arg10[%get3A_281, %get3A_282] {strides = array<i32>} : memref<80x128xf32, #tpu.memory_space<vmem>>, vector<16xf32>,
        %mul3A_284 = arith.mulf %get3A_283, %gather3A_280 : vector<16xf32>
        %swap3A_285 = arith.index_cast %scan3A_278 : i32 to index
        %swap3A_286 = arith.constant 0 : index
        %swap3A_287 = tpu.vector_load %arg10[%swap3A_285, %swap3A_286] {strides = array<i32>} : memref<80x128xf32, #tpu.memory_space<vmem>>, vector<16xf32>,
        tpu.vector_store %arg10[%swap3A_285, %swap3A_286], %mul3A_284 {strides = array<i32>} : memref<80x128xf32, #tpu.memory_space<vmem>>, vector<16xf32>,
        %get3A_288 = arith.index_cast %scan3A_278 : i32 to index
        %get3A_289 = arith.constant 16 : index
        %get3A_290 = tpu.vector_load %arg10[%get3A_288, %get3A_289] {strides = array<i32>} : memref<80x128xf32, #tpu.memory_space<vmem>>, vector<16xf32>,
        %mul3A_291 = arith.mulf %get3A_290, %gather3A_280 : vector<16xf32>
        %swap3A_292 = arith.index_cast %scan3A_278 : i32 to index
        %swap3A_293 = arith.constant 16 : index
        %swap3A_294 = tpu.vector_load %arg10[%swap3A_292, %swap3A_293] {strides = array<i32>} : memref<80x128xf32, #tpu.memory_space<vmem>>, vector<16xf32>,
        tpu.vector_store %arg10[%swap3A_292, %swap3A_293], %mul3A_291 {strides = array<i32>} : memref<80x128xf32, #tpu.memory_space<vmem>>, vector<16xf32>,
        %get3A_295 = arith.index_cast %scan3A_278 : i32 to index
        %get3A_296 = arith.constant 32 : index
        %get3A_297 = tpu.vector_load %arg10[%get3A_295, %get3A_296] {strides = array<i32>} : memref<80x128xf32, #tpu.memory_space<vmem>>, vector<16xf32>,
        %mul3A_298 = arith.mulf %get3A_297, %gather3A_280 : vector<16xf32>
        %swap3A_299 = arith.index_cast %scan3A_278 : i32 to index
        %swap3A_300 = arith.constant 32 : index
        %swap3A_301 = tpu.vector_load %arg10[%swap3A_299, %swap3A_300] {strides = array<i32>} : memref<80x128xf32, #tpu.memory_space<vmem>>, vector<16xf32>,
        tpu.vector_store %arg10[%swap3A_299, %swap3A_300], %mul3A_298 {strides = array<i32>} : memref<80x128xf32, #tpu.memory_space<vmem>>, vector<16xf32>,
        %get3A_302 = arith.index_cast %scan3A_278 : i32 to index
        %get3A_303 = arith.constant 48 : index
        %get3A_304 = tpu.vector_load %arg10[%get3A_302, %get3A_303] {strides = array<i32>} : memref<80x128xf32, #tpu.memory_space<vmem>>, vector<16xf32>,
        %mul3A_305 = arith.mulf %get3A_304, %gather3A_280 : vector<16xf32>
        %swap3A_306 = arith.index_cast %scan3A_278 : i32 to index
        %swap3A_307 = arith.constant 48 : index
        %swap3A_308 = tpu.vector_load %arg10[%swap3A_306, %swap3A_307] {strides = array<i32>} : memref<80x128xf32, #tpu.memory_space<vmem>>, vector<16xf32>,
        tpu.vector_store %arg10[%swap3A_306, %swap3A_307], %mul3A_305 {strides = array<i32>} : memref<80x128xf32, #tpu.memory_space<vmem>>, vector<16xf32>,
        %get3A_309 = arith.index_cast %scan3A_278 : i32 to index
        %get3A_310 = arith.constant 64 : index
        %get3A_311 = tpu.vector_load %arg10[%get3A_309, %get3A_310] {strides = array<i32>} : memref<80x128xf32, #tpu.memory_space<vmem>>, vector<16xf32>,
        %mul3A_312 = arith.mulf %get3A_311, %gather3A_280 : vector<16xf32>
        %swap3A_313 = arith.index_cast %scan3A_278 : i32 to index
        %swap3A_314 = arith.constant 64 : index
        %swap3A_315 = tpu.vector_load %arg10[%swap3A_313, %swap3A_314] {strides = array<i32>} : memref<80x128xf32, #tpu.memory_space<vmem>>, vector<16xf32>,
        tpu.vector_store %arg10[%swap3A_313, %swap3A_314], %mul3A_312 {strides = array<i32>} : memref<80x128xf32, #tpu.memory_space<vmem>>, vector<16xf32>,
        %get3A_316 = arith.index_cast %scan3A_278 : i32 to index
        %get3A_317 = arith.constant 80 : index
        %get3A_318 = tpu.vector_load %arg10[%get3A_316, %get3A_317] {strides = array<i32>} : memref<80x128xf32, #tpu.memory_space<vmem>>, vector<16xf32>,
        %mul3A_319 = arith.mulf %get3A_318, %gather3A_280 : vector<16xf32>
        %swap3A_320 = arith.index_cast %scan3A_278 : i32 to index
        %swap3A_321 = arith.constant 80 : index
        %swap3A_322 = tpu.vector_load %arg10[%swap3A_320, %swap3A_321] {strides = array<i32>} : memref<80x128xf32, #tpu.memory_space<vmem>>, vector<16xf32>,
        tpu.vector_store %arg10[%swap3A_320, %swap3A_321], %mul3A_319 {strides = array<i32>} : memref<80x128xf32, #tpu.memory_space<vmem>>, vector<16xf32>,
        %get3A_323 = arith.index_cast %scan3A_278 : i32 to index
        %get3A_324 = arith.constant 96 : index
        %get3A_325 = tpu.vector_load %arg10[%get3A_323, %get3A_324] {strides = array<i32>} : memref<80x128xf32, #tpu.memory_space<vmem>>, vector<16xf32>,
        %mul3A_326 = arith.mulf %get3A_325, %gather3A_280 : vector<16xf32>
        %swap3A_327 = arith.index_cast %scan3A_278 : i32 to index
        %swap3A_328 = arith.constant 96 : index
        %swap3A_329 = tpu.vector_load %arg10[%swap3A_327, %swap3A_328] {strides = array<i32>} : memref<80x128xf32, #tpu.memory_space<vmem>>, vector<16xf32>,
        tpu.vector_store %arg10[%swap3A_327, %swap3A_328], %mul3A_326 {strides = array<i32>} : memref<80x128xf32, #tpu.memory_space<vmem>>, vector<16xf32>,
        %get3A_330 = arith.index_cast %scan3A_278 : i32 to index
        %get3A_331 = arith.constant 112 : index
        %get3A_332 = tpu.vector_load %arg10[%get3A_330, %get3A_331] {strides = array<i32>} : memref<80x128xf32, #tpu.memory_space<vmem>>, vector<16xf32>,
        %mul3A_333 = arith.mulf %get3A_332, %gather3A_280 : vector<16xf32>
        %swap3A_334 = arith.index_cast %scan3A_278 : i32 to index
        %swap3A_335 = arith.constant 112 : index
        %swap3A_336 = tpu.vector_load %arg10[%swap3A_334, %swap3A_335] {strides = array<i32>} : memref<80x128xf32, #tpu.memory_space<vmem>>, vector<16xf32>,
        tpu.vector_store %arg10[%swap3A_334, %swap3A_335], %mul3A_333 {strides = array<i32>} : memref<80x128xf32, #tpu.memory_space<vmem>>, vector<16xf32>,
        %scan3A_337 = arith.constant 0 : i32
        %scan3A_338 = arith.constant 2 : i32
        %scan3A_339 = arith.addi %scan3A_220, %scan3A_338 : i32
        %broadcast_in_dim3A_340 = vector.broadcast %scan3A_339 : i32 to vector<16xi32>
        %gather3A_341 = tpu.vector_load_idx %arg16[%broadcast_in_dim3A_340] : memref<80xf32, #tpu.memory_space<vmem>>[vector<16xi32>], vector<16xf32>,
        %get3A_342 = arith.index_cast %scan3A_339 : i32 to index
        %get3A_343 = arith.constant 0 : index
        %get3A_344 = tpu.vector_load %arg10[%get3A_342, %get3A_343] {strides = array<i32>} : memref<80x128xf32, #tpu.memory_space<vmem>>, vector<16xf32>,
        %mul3A_345 = arith.mulf %get3A_344, %gather3A_341 : vector<16xf32>
        %swap3A_346 = arith.index_cast %scan3A_339 : i32 to index
        %swap3A_347 = arith.constant 0 : index
        %swap3A_348 = tpu.vector_load %arg10[%swap3A_346, %swap3A_347] {strides = array<i32>} : memref<80x128xf32, #tpu.memory_space<vmem>>, vector<16xf32>,
        tpu.vector_store %arg10[%swap3A_346, %swap3A_347], %mul3A_345 {strides = array<i32>} : memref<80x128xf32, #tpu.memory_space<vmem>>, vector<16xf32>,
        %get3A_349 = arith.index_cast %scan3A_339 : i32 to index
        %get3A_350 = arith.constant 16 : index
        %get3A_351 = tpu.vector_load %arg10[%get3A_349, %get3A_350] {strides = array<i32>} : memref<80x128xf32, #tpu.memory_space<vmem>>, vector<16xf32>,
        %mul3A_352 = arith.mulf %get3A_351, %gather3A_341 : vector<16xf32>
        %swap3A_353 = arith.index_cast %scan3A_339 : i32 to index
        %swap3A_354 = arith.constant 16 : index
        %swap3A_355 = tpu.vector_load %arg10[%swap3A_353, %swap3A_354] {strides = array<i32>} : memref<80x128xf32, #tpu.memory_space<vmem>>, vector<16xf32>,
        tpu.vector_store %arg10[%swap3A_353, %swap3A_354], %mul3A_352 {strides = array<i32>} : memref<80x128xf32, #tpu.memory_space<vmem>>, vector<16xf32>,
        %get3A_356 = arith.index_cast %scan3A_339 : i32 to index
        %get3A_357 = arith.constant 32 : index
        %get3A_358 = tpu.vector_load %arg10[%get3A_356, %get3A_357] {strides = array<i32>} : memref<80x128xf32, #tpu.memory_space<vmem>>, vector<16xf32>,
        %mul3A_359 = arith.mulf %get3A_358, %gather3A_341 : vector<16xf32>
        %swap3A_360 = arith.index_cast %scan3A_339 : i32 to index
        %swap3A_361 = arith.constant 32 : index
        %swap3A_362 = tpu.vector_load %arg10[%swap3A_360, %swap3A_361] {strides = array<i32>} : memref<80x128xf32, #tpu.memory_space<vmem>>, vector<16xf32>,
        tpu.vector_store %arg10[%swap3A_360, %swap3A_361], %mul3A_359 {strides = array<i32>} : memref<80x128xf32, #tpu.memory_space<vmem>>, vector<16xf32>,
        %get3A_363 = arith.index_cast %scan3A_339 : i32 to index
        %get3A_364 = arith.constant 48 : index
        %get3A_365 = tpu.vector_load %arg10[%get3A_363, %get3A_364] {strides = array<i32>} : memref<80x128xf32, #tpu.memory_space<vmem>>, vector<16xf32>,
        %mul3A_366 = arith.mulf %get3A_365, %gather3A_341 : vector<16xf32>
        %swap3A_367 = arith.index_cast %scan3A_339 : i32 to index
        %swap3A_368 = arith.constant 48 : index
        %swap3A_369 = tpu.vector_load %arg10[%swap3A_367, %swap3A_368] {strides = array<i32>} : memref<80x128xf32, #tpu.memory_space<vmem>>, vector<16xf32>,
        tpu.vector_store %arg10[%swap3A_367, %swap3A_368], %mul3A_366 {strides = array<i32>} : memref<80x128xf32, #tpu.memory_space<vmem>>, vector<16xf32>,
        %get3A_370 = arith.index_cast %scan3A_339 : i32 to index
        %get3A_371 = arith.constant 64 : index
        %get3A_372 = tpu.vector_load %arg10[%get3A_370, %get3A_371] {strides = array<i32>} : memref<80x128xf32, #tpu.memory_space<vmem>>, vector<16xf32>,
        %mul3A_373 = arith.mulf %get3A_372, %gather3A_341 : vector<16xf32>
        %swap3A_374 = arith.index_cast %scan3A_339 : i32 to index
        %swap3A_375 = arith.constant 64 : index
        %swap3A_376 = tpu.vector_load %arg10[%swap3A_374, %swap3A_375] {strides = array<i32>} : memref<80x128xf32, #tpu.memory_space<vmem>>, vector<16xf32>,
        tpu.vector_store %arg10[%swap3A_374, %swap3A_375], %mul3A_373 {strides = array<i32>} : memref<80x128xf32, #tpu.memory_space<vmem>>, vector<16xf32>,
        %get3A_377 = arith.index_cast %scan3A_339 : i32 to index
        %get3A_378 = arith.constant 80 : index
        %get3A_379 = tpu.vector_load %arg10[%get3A_377, %get3A_378] {strides = array<i32>} : memref<80x128xf32, #tpu.memory_space<vmem>>, vector<16xf32>,
        %mul3A_380 = arith.mulf %get3A_379, %gather3A_341 : vector<16xf32>
        %swap3A_381 = arith.index_cast %scan3A_339 : i32 to index
        %swap3A_382 = arith.constant 80 : index
        %swap3A_383 = tpu.vector_load %arg10[%swap3A_381, %swap3A_382] {strides = array<i32>} : memref<80x128xf32, #tpu.memory_space<vmem>>, vector<16xf32>,
        tpu.vector_store %arg10[%swap3A_381, %swap3A_382], %mul3A_380 {strides = array<i32>} : memref<80x128xf32, #tpu.memory_space<vmem>>, vector<16xf32>,
        %get3A_384 = arith.index_cast %scan3A_339 : i32 to index
        %get3A_385 = arith.constant 96 : index
        %get3A_386 = tpu.vector_load %arg10[%get3A_384, %get3A_385] {strides = array<i32>} : memref<80x128xf32, #tpu.memory_space<vmem>>, vector<16xf32>,
        %mul3A_387 = arith.mulf %get3A_386, %gather3A_341 : vector<16xf32>
        %swap3A_388 = arith.index_cast %scan3A_339 : i32 to index
        %swap3A_389 = arith.constant 96 : index
        %swap3A_390 = tpu.vector_load %arg10[%swap3A_388, %swap3A_389] {strides = array<i32>} : memref<80x128xf32, #tpu.memory_space<vmem>>, vector<16xf32>,
        tpu.vector_store %arg10[%swap3A_388, %swap3A_389], %mul3A_387 {strides = array<i32>} : memref<80x128xf32, #tpu.memory_space<vmem>>, vector<16xf32>,
        %get3A_391 = arith.index_cast %scan3A_339 : i32 to index
        %get3A_392 = arith.constant 112 : index
        %get3A_393 = tpu.vector_load %arg10[%get3A_391, %get3A_392] {strides = array<i32>} : memref<80x128xf32, #tpu.memory_space<vmem>>, vector<16xf32>,
        %mul3A_394 = arith.mulf %get3A_393, %gather3A_341 : vector<16xf32>
        %swap3A_395 = arith.index_cast %scan3A_339 : i32 to index
        %swap3A_396 = arith.constant 112 : index
        %swap3A_397 = tpu.vector_load %arg10[%swap3A_395, %swap3A_396] {strides = array<i32>} : memref<80x128xf32, #tpu.memory_space<vmem>>, vector<16xf32>,
        tpu.vector_store %arg10[%swap3A_395, %swap3A_396], %mul3A_394 {strides = array<i32>} : memref<80x128xf32, #tpu.memory_space<vmem>>, vector<16xf32>,
        %scan3A_398 = arith.constant 0 : i32
        %scan3A_399 = arith.constant 3 : i32
        %scan3A_400 = arith.addi %scan3A_220, %scan3A_399 : i32
        %broadcast_in_dim3A_401 = vector.broadcast %scan3A_400 : i32 to vector<16xi32>
        %gather3A_402 = tpu.vector_load_idx %arg16[%broadcast_in_dim3A_401] : memref<80xf32, #tpu.memory_space<vmem>>[vector<16xi32>], vector<16xf32>,
        %get3A_403 = arith.index_cast %scan3A_400 : i32 to index
        %get3A_404 = arith.constant 0 : index
        %get3A_405 = tpu.vector_load %arg10[%get3A_403, %get3A_404] {strides = array<i32>} : memref<80x128xf32, #tpu.memory_space<vmem>>, vector<16xf32>,
        %mul3A_406 = arith.mulf %get3A_405, %gather3A_402 : vector<16xf32>
        %swap3A_407 = arith.index_cast %scan3A_400 : i32 to index
        %swap3A_408 = arith.constant 0 : index
        %swap3A_409 = tpu.vector_load %arg10[%swap3A_407, %swap3A_408] {strides = array<i32>} : memref<80x128xf32, #tpu.memory_space<vmem>>, vector<16xf32>,
        tpu.vector_store %arg10[%swap3A_407, %swap3A_408], %mul3A_406 {strides = array<i32>} : memref<80x128xf32, #tpu.memory_space<vmem>>, vector<16xf32>,
        %get3A_410 = arith.index_cast %scan3A_400 : i32 to index
        %get3A_411 = arith.constant 16 : index
        %get3A_412 = tpu.vector_load %arg10[%get3A_410, %get3A_411] {strides = array<i32>} : memref<80x128xf32, #tpu.memory_space<vmem>>, vector<16xf32>,
        %mul3A_413 = arith.mulf %get3A_412, %gather3A_402 : vector<16xf32>
        %swap3A_414 = arith.index_cast %scan3A_400 : i32 to index
        %swap3A_415 = arith.constant 16 : index
        %swap3A_416 = tpu.vector_load %arg10[%swap3A_414, %swap3A_415] {strides = array<i32>} : memref<80x128xf32, #tpu.memory_space<vmem>>, vector<16xf32>,
        tpu.vector_store %arg10[%swap3A_414, %swap3A_415], %mul3A_413 {strides = array<i32>} : memref<80x128xf32, #tpu.memory_space<vmem>>, vector<16xf32>,
        %get3A_417 = arith.index_cast %scan3A_400 : i32 to index
        %get3A_418 = arith.constant 32 : index
        %get3A_419 = tpu.vector_load %arg10[%get3A_417, %get3A_418] {strides = array<i32>} : memref<80x128xf32, #tpu.memory_space<vmem>>, vector<16xf32>,
        %mul3A_420 = arith.mulf %get3A_419, %gather3A_402 : vector<16xf32>
        %swap3A_421 = arith.index_cast %scan3A_400 : i32 to index
        %swap3A_422 = arith.constant 32 : index
        %swap3A_423 = tpu.vector_load %arg10[%swap3A_421, %swap3A_422] {strides = array<i32>} : memref<80x128xf32, #tpu.memory_space<vmem>>, vector<16xf32>,
        tpu.vector_store %arg10[%swap3A_421, %swap3A_422], %mul3A_420 {strides = array<i32>} : memref<80x128xf32, #tpu.memory_space<vmem>>, vector<16xf32>,
        %get3A_424 = arith.index_cast %scan3A_400 : i32 to index
        %get3A_425 = arith.constant 48 : index
        %get3A_426 = tpu.vector_load %arg10[%get3A_424, %get3A_425] {strides = array<i32>} : memref<80x128xf32, #tpu.memory_space<vmem>>, vector<16xf32>,
        %mul3A_427 = arith.mulf %get3A_426, %gather3A_402 : vector<16xf32>
        %swap3A_428 = arith.index_cast %scan3A_400 : i32 to index
        %swap3A_429 = arith.constant 48 : index
        %swap3A_430 = tpu.vector_load %arg10[%swap3A_428, %swap3A_429] {strides = array<i32>} : memref<80x128xf32, #tpu.memory_space<vmem>>, vector<16xf32>,
        tpu.vector_store %arg10[%swap3A_428, %swap3A_429], %mul3A_427 {strides = array<i32>} : memref<80x128xf32, #tpu.memory_space<vmem>>, vector<16xf32>,
        %get3A_431 = arith.index_cast %scan3A_400 : i32 to index
        %get3A_432 = arith.constant 64 : index
        %get3A_433 = tpu.vector_load %arg10[%get3A_431, %get3A_432] {strides = array<i32>} : memref<80x128xf32, #tpu.memory_space<vmem>>, vector<16xf32>,
        %mul3A_434 = arith.mulf %get3A_433, %gather3A_402 : vector<16xf32>
        %swap3A_435 = arith.index_cast %scan3A_400 : i32 to index
        %swap3A_436 = arith.constant 64 : index
        %swap3A_437 = tpu.vector_load %arg10[%swap3A_435, %swap3A_436] {strides = array<i32>} : memref<80x128xf32, #tpu.memory_space<vmem>>, vector<16xf32>,
        tpu.vector_store %arg10[%swap3A_435, %swap3A_436], %mul3A_434 {strides = array<i32>} : memref<80x128xf32, #tpu.memory_space<vmem>>, vector<16xf32>,
        %get3A_438 = arith.index_cast %scan3A_400 : i32 to index
        %get3A_439 = arith.constant 80 : index
        %get3A_440 = tpu.vector_load %arg10[%get3A_438, %get3A_439] {strides = array<i32>} : memref<80x128xf32, #tpu.memory_space<vmem>>, vector<16xf32>,
        %mul3A_441 = arith.mulf %get3A_440, %gather3A_402 : vector<16xf32>
        %swap3A_442 = arith.index_cast %scan3A_400 : i32 to index
        %swap3A_443 = arith.constant 80 : index
        %swap3A_444 = tpu.vector_load %arg10[%swap3A_442, %swap3A_443] {strides = array<i32>} : memref<80x128xf32, #tpu.memory_space<vmem>>, vector<16xf32>,
        tpu.vector_store %arg10[%swap3A_442, %swap3A_443], %mul3A_441 {strides = array<i32>} : memref<80x128xf32, #tpu.memory_space<vmem>>, vector<16xf32>,
        %get3A_445 = arith.index_cast %scan3A_400 : i32 to index
        %get3A_446 = arith.constant 96 : index
        %get3A_447 = tpu.vector_load %arg10[%get3A_445, %get3A_446] {strides = array<i32>} : memref<80x128xf32, #tpu.memory_space<vmem>>, vector<16xf32>,
        %mul3A_448 = arith.mulf %get3A_447, %gather3A_402 : vector<16xf32>
        %swap3A_449 = arith.index_cast %scan3A_400 : i32 to index
        %swap3A_450 = arith.constant 96 : index
        %swap3A_451 = tpu.vector_load %arg10[%swap3A_449, %swap3A_450] {strides = array<i32>} : memref<80x128xf32, #tpu.memory_space<vmem>>, vector<16xf32>,
        tpu.vector_store %arg10[%swap3A_449, %swap3A_450], %mul3A_448 {strides = array<i32>} : memref<80x128xf32, #tpu.memory_space<vmem>>, vector<16xf32>,
        %get3A_452 = arith.index_cast %scan3A_400 : i32 to index
        %get3A_453 = arith.constant 112 : index
        %get3A_454 = tpu.vector_load %arg10[%get3A_452, %get3A_453] {strides = array<i32>} : memref<80x128xf32, #tpu.memory_space<vmem>>, vector<16xf32>,
        %mul3A_455 = arith.mulf %get3A_454, %gather3A_402 : vector<16xf32>
        %swap3A_456 = arith.index_cast %scan3A_400 : i32 to index
        %swap3A_457 = arith.constant 112 : index
        %swap3A_458 = tpu.vector_load %arg10[%swap3A_456, %swap3A_457] {strides = array<i32>} : memref<80x128xf32, #tpu.memory_space<vmem>>, vector<16xf32>,
        tpu.vector_store %arg10[%swap3A_456, %swap3A_457], %mul3A_455 {strides = array<i32>} : memref<80x128xf32, #tpu.memory_space<vmem>>, vector<16xf32>,
        %scan3A_459 = arith.constant 0 : i32
        scf.yield %scan3A_459 : i32
      }
      %scan3A_123 = arith.constant 80 : i32
      %dma_start3A_124 = arith.constant 0 : i32
      %dma_start3A_125 = arith.constant 0 : i32
      %dma_start3A_126 = tpu.memref_slice %arg8[%dma_start3A_124, %dma_start3A_125] : memref<10240x128xf32, #tpu.memory_space<vmem_shared>> -> memref<10240x128xf32, #tpu.memory_space<vmem_shared>>
      tpu.enqueue_indirect_dma source(%arg10 : memref<80x128xf32, #tpu.memory_space<vmem>>) target(%dma_start3A_126 : memref<10240x128xf32, #tpu.memory_space<vmem_shared>>) offsets(%arg13 : memref<80xi32, #tpu.memory_space<vmem>>) semaphore(%arg22 : memref<!tpu.dma_semaphore, #tpu.memory_space<semaphore_mem>>) {add = true}
      %gt3A = arith.constant 0 : i32
      %gt3A_127 = arith.cmpi sgt, %scan3A_102, %gt3A : i32
      %convert_element_type3A_128 = arith.extui %gt3A_127 : i1 to i32
      %cond3A_129 = arith.constant 0 : i32
      %cond3A_130 = arith.cmpi ne, %convert_element_type3A_128, %cond3A_129 : i32
      scf.if %cond3A_130 {
        %dma_wait3A_220 = arith.constant 0 : i32
        %dma_wait3A_221 = arith.constant 0 : i32
        %dma_wait3A_222 = tpu.memref_slice %arg8[%dma_wait3A_220, %dma_wait3A_221] : memref<10240x128xf32, #tpu.memory_space<vmem_shared>> -> memref<10240x128xf32, #tpu.memory_space<vmem_shared>>
        tpu.wait_indirect_dma semaphore(%arg24 : memref<!tpu.dma_semaphore, #tpu.memory_space<semaphore_mem>>) src(%arg12 : memref<80x128xf32, #tpu.memory_space<vmem>>) dst(%dma_wait3A_222 : memref<10240x128xf32, #tpu.memory_space<vmem_shared>>)
        %add3A_223 = arith.constant 2 : i32
        %add3A_224 = arith.addi %add3A_107, %add3A_223 : i32
        %mul3A_225 = arith.constant 80 : i32
        %mul3A_226 = arith.muli %add3A_224, %mul3A_225 : i32
        %add3A_227 = arith.addi %mul3A_2, %mul3A_226 : i32
        %dma_start3A_228 = tpu.memref_slice %arg4[%add3A_227] : memref<320000xi32, #tpu.memory_space<hbm>> -> memref<80xi32, #tpu.memory_space<hbm>>
        %dma_start3A_229 = tpu.memref_slice %arg4[%add3A_227] : memref<320000xi32, #tpu.memory_space<hbm>> -> memref<80xi32, #tpu.memory_space<hbm>>
        tpu.enqueue_dma source(%dma_start3A_229 : memref<80xi32, #tpu.memory_space<hbm>>) target(%arg15 : memref<80xi32, #tpu.memory_space<vmem>>) target_semaphore(%arg21 : memref<!tpu.dma_semaphore, #tpu.memory_space<semaphore_mem>>)
        %mul3A_230 = arith.constant 80 : i32
        %mul3A_231 = arith.muli %add3A_224, %mul3A_230 : i32
        %add3A_232 = arith.addi %mul3A_2, %mul3A_231 : i32
        %dma_start3A_233 = tpu.memref_slice %arg5[%add3A_232] : memref<320000xf32, #tpu.memory_space<hbm>> -> memref<80xf32, #tpu.memory_space<hbm>>
        %dma_start3A_234 = tpu.memref_slice %arg5[%add3A_232] : memref<320000xf32, #tpu.memory_space<hbm>> -> memref<80xf32, #tpu.memory_space<hbm>>
        tpu.enqueue_dma source(%dma_start3A_234 : memref<80xf32, #tpu.memory_space<hbm>>) target(%arg18 : memref<80xf32, #tpu.memory_space<vmem>>) target_semaphore(%arg21 : memref<!tpu.dma_semaphore, #tpu.memory_space<semaphore_mem>>)
        %mul3A_235 = arith.constant 80 : i32
        %mul3A_236 = arith.muli %add3A_224, %mul3A_235 : i32
        %dma_start3A_237 = tpu.memref_slice %arg9[%mul3A_236] : memref<10000xi32, #tpu.memory_space<vmem>> -> memref<80xi32, #tpu.memory_space<vmem>>
        %dma_start3A_238 = arith.constant 0 : i32
        %dma_start3A_239 = arith.constant 0 : i32
        %dma_start3A_240 = tpu.memref_slice %arg2[%dma_start3A_238, %dma_start3A_239] : memref<10240x128xf32, #tpu.memory_space<hbm>> -> memref<10240x128xf32, #tpu.memory_space<hbm>>
        tpu.enqueue_indirect_dma source(%dma_start3A_240 : memref<10240x128xf32, #tpu.memory_space<hbm>>) target(%arg12 : memref<80x128xf32, #tpu.memory_space<vmem>>) offsets(%dma_start3A_237 : memref<80xi32, #tpu.memory_space<vmem>>) semaphore(%arg21 : memref<!tpu.dma_semaphore, #tpu.memory_space<semaphore_mem>>)
      } else {
      }
      %mul3A_131 = arith.constant 3 : i32
      %mul3A_132 = arith.muli %scan3A_102, %mul3A_131 : i32
      %add3A_133 = arith.constant 1 : i32
      %add3A_134 = arith.addi %mul3A_132, %add3A_133 : i32
      %dma_wait3A_135 = tpu.memref_slice %arg4[%mul3A_2] : memref<320000xi32, #tpu.memory_space<hbm>> -> memref<80xi32, #tpu.memory_space<hbm>>
      %dma_wait3A_136 = tpu.memref_slice %arg4[%mul3A_2] : memref<320000xi32, #tpu.memory_space<hbm>> -> memref<80xi32, #tpu.memory_space<hbm>>
      tpu.wait_dma2 semaphore(%arg20 : memref<!tpu.dma_semaphore, #tpu.memory_space<semaphore_mem>>) src(%dma_wait3A_136 : memref<80xi32, #tpu.memory_space<hbm>>) dst(%arg14 : memref<80xi32, #tpu.memory_space<vmem>>)
      %dma_wait3A_137 = tpu.memref_slice %arg5[%mul3A_2] : memref<320000xf32, #tpu.memory_space<hbm>> -> memref<80xf32, #tpu.memory_space<hbm>>
      %dma_wait3A_138 = tpu.memref_slice %arg5[%mul3A_2] : memref<320000xf32, #tpu.memory_space<hbm>> -> memref<80xf32, #tpu.memory_space<hbm>>
      tpu.wait_dma2 semaphore(%arg20 : memref<!tpu.dma_semaphore, #tpu.memory_space<semaphore_mem>>) src(%dma_wait3A_138 : memref<80xf32, #tpu.memory_space<hbm>>) dst(%arg17 : memref<80xf32, #tpu.memory_space<vmem>>)
      %dma_wait3A_139 = arith.constant 0 : i32
      %dma_wait3A_140 = tpu.memref_slice %arg9[%dma_wait3A_139] : memref<10000xi32, #tpu.memory_space<vmem>> -> memref<80xi32, #tpu.memory_space<vmem>>
      %dma_wait3A_141 = arith.constant 0 : i32
      %dma_wait3A_142 = arith.constant 0 : i32
      %dma_wait3A_143 = tpu.memref_slice %arg2[%dma_wait3A_141, %dma_wait3A_142] : memref<10240x128xf32, #tpu.memory_space<hbm>> -> memref<10240x128xf32, #tpu.memory_space<hbm>>
      tpu.wait_indirect_dma semaphore(%arg20 : memref<!tpu.dma_semaphore, #tpu.memory_space<semaphore_mem>>) src(%dma_wait3A_143 : memref<10240x128xf32, #tpu.memory_space<hbm>>) dst(%arg11 : memref<80x128xf32, #tpu.memory_space<vmem>>)
      %scan3A_144 = arith.constant 0 : i32
      %scan3A_145 = arith.constant 0 : i32
      %scan3A_146 = arith.constant 80 : i32
      %scan3A_147 = arith.addi %scan3A_145, %scan3A_146 : i32
      %scan3A_148 = arith.constant 4 : i32
      %scan3A_149 = scf.for %scan3A_220 = %scan3A_145 to %scan3A_147 step %scan3A_148 iter_args(%scan3A_221 = %scan3A_144) -> (i32)  : i32 {
        %broadcast_in_dim3A = vector.broadcast %scan3A_220 : i32 to vector<16xi32>
        %gather3A = tpu.vector_load_idx %arg17[%broadcast_in_dim3A] : memref<80xf32, #tpu.memory_space<vmem>>[vector<16xi32>], vector<16xf32>,
        %get3A = arith.index_cast %scan3A_220 : i32 to index
        %get3A_222 = arith.constant 0 : index
        %get3A_223 = tpu.vector_load %arg11[%get3A, %get3A_222] {strides = array<i32>} : memref<80x128xf32, #tpu.memory_space<vmem>>, vector<16xf32>,
        %mul3A_224 = arith.mulf %get3A_223, %gather3A : vector<16xf32>
        %swap3A = arith.index_cast %scan3A_220 : i32 to index
        %swap3A_225 = arith.constant 0 : index
        %swap3A_226 = tpu.vector_load %arg11[%swap3A, %swap3A_225] {strides = array<i32>} : memref<80x128xf32, #tpu.memory_space<vmem>>, vector<16xf32>,
        tpu.vector_store %arg11[%swap3A, %swap3A_225], %mul3A_224 {strides = array<i32>} : memref<80x128xf32, #tpu.memory_space<vmem>>, vector<16xf32>,
        %get3A_227 = arith.index_cast %scan3A_220 : i32 to index
        %get3A_228 = arith.constant 16 : index
        %get3A_229 = tpu.vector_load %arg11[%get3A_227, %get3A_228] {strides = array<i32>} : memref<80x128xf32, #tpu.memory_space<vmem>>, vector<16xf32>,
        %mul3A_230 = arith.mulf %get3A_229, %gather3A : vector<16xf32>
        %swap3A_231 = arith.index_cast %scan3A_220 : i32 to index
        %swap3A_232 = arith.constant 16 : index
        %swap3A_233 = tpu.vector_load %arg11[%swap3A_231, %swap3A_232] {strides = array<i32>} : memref<80x128xf32, #tpu.memory_space<vmem>>, vector<16xf32>,
        tpu.vector_store %arg11[%swap3A_231, %swap3A_232], %mul3A_230 {strides = array<i32>} : memref<80x128xf32, #tpu.memory_space<vmem>>, vector<16xf32>,
        %get3A_234 = arith.index_cast %scan3A_220 : i32 to index
        %get3A_235 = arith.constant 32 : index
        %get3A_236 = tpu.vector_load %arg11[%get3A_234, %get3A_235] {strides = array<i32>} : memref<80x128xf32, #tpu.memory_space<vmem>>, vector<16xf32>,
        %mul3A_237 = arith.mulf %get3A_236, %gather3A : vector<16xf32>
        %swap3A_238 = arith.index_cast %scan3A_220 : i32 to index
        %swap3A_239 = arith.constant 32 : index
        %swap3A_240 = tpu.vector_load %arg11[%swap3A_238, %swap3A_239] {strides = array<i32>} : memref<80x128xf32, #tpu.memory_space<vmem>>, vector<16xf32>,
        tpu.vector_store %arg11[%swap3A_238, %swap3A_239], %mul3A_237 {strides = array<i32>} : memref<80x128xf32, #tpu.memory_space<vmem>>, vector<16xf32>,
        %get3A_241 = arith.index_cast %scan3A_220 : i32 to index
        %get3A_242 = arith.constant 48 : index
        %get3A_243 = tpu.vector_load %arg11[%get3A_241, %get3A_242] {strides = array<i32>} : memref<80x128xf32, #tpu.memory_space<vmem>>, vector<16xf32>,
        %mul3A_244 = arith.mulf %get3A_243, %gather3A : vector<16xf32>
        %swap3A_245 = arith.index_cast %scan3A_220 : i32 to index
        %swap3A_246 = arith.constant 48 : index
        %swap3A_247 = tpu.vector_load %arg11[%swap3A_245, %swap3A_246] {strides = array<i32>} : memref<80x128xf32, #tpu.memory_space<vmem>>, vector<16xf32>,
        tpu.vector_store %arg11[%swap3A_245, %swap3A_246], %mul3A_244 {strides = array<i32>} : memref<80x128xf32, #tpu.memory_space<vmem>>, vector<16xf32>,
        %get3A_248 = arith.index_cast %scan3A_220 : i32 to index
        %get3A_249 = arith.constant 64 : index
        %get3A_250 = tpu.vector_load %arg11[%get3A_248, %get3A_249] {strides = array<i32>} : memref<80x128xf32, #tpu.memory_space<vmem>>, vector<16xf32>,
        %mul3A_251 = arith.mulf %get3A_250, %gather3A : vector<16xf32>
        %swap3A_252 = arith.index_cast %scan3A_220 : i32 to index
        %swap3A_253 = arith.constant 64 : index
        %swap3A_254 = tpu.vector_load %arg11[%swap3A_252, %swap3A_253] {strides = array<i32>} : memref<80x128xf32, #tpu.memory_space<vmem>>, vector<16xf32>,
        tpu.vector_store %arg11[%swap3A_252, %swap3A_253], %mul3A_251 {strides = array<i32>} : memref<80x128xf32, #tpu.memory_space<vmem>>, vector<16xf32>,
        %get3A_255 = arith.index_cast %scan3A_220 : i32 to index
        %get3A_256 = arith.constant 80 : index
        %get3A_257 = tpu.vector_load %arg11[%get3A_255, %get3A_256] {strides = array<i32>} : memref<80x128xf32, #tpu.memory_space<vmem>>, vector<16xf32>,
        %mul3A_258 = arith.mulf %get3A_257, %gather3A : vector<16xf32>
        %swap3A_259 = arith.index_cast %scan3A_220 : i32 to index
        %swap3A_260 = arith.constant 80 : index
        %swap3A_261 = tpu.vector_load %arg11[%swap3A_259, %swap3A_260] {strides = array<i32>} : memref<80x128xf32, #tpu.memory_space<vmem>>, vector<16xf32>,
        tpu.vector_store %arg11[%swap3A_259, %swap3A_260], %mul3A_258 {strides = array<i32>} : memref<80x128xf32, #tpu.memory_space<vmem>>, vector<16xf32>,
        %get3A_262 = arith.index_cast %scan3A_220 : i32 to index
        %get3A_263 = arith.constant 96 : index
        %get3A_264 = tpu.vector_load %arg11[%get3A_262, %get3A_263] {strides = array<i32>} : memref<80x128xf32, #tpu.memory_space<vmem>>, vector<16xf32>,
        %mul3A_265 = arith.mulf %get3A_264, %gather3A : vector<16xf32>
        %swap3A_266 = arith.index_cast %scan3A_220 : i32 to index
        %swap3A_267 = arith.constant 96 : index
        %swap3A_268 = tpu.vector_load %arg11[%swap3A_266, %swap3A_267] {strides = array<i32>} : memref<80x128xf32, #tpu.memory_space<vmem>>, vector<16xf32>,
        tpu.vector_store %arg11[%swap3A_266, %swap3A_267], %mul3A_265 {strides = array<i32>} : memref<80x128xf32, #tpu.memory_space<vmem>>, vector<16xf32>,
        %get3A_269 = arith.index_cast %scan3A_220 : i32 to index
        %get3A_270 = arith.constant 112 : index
        %get3A_271 = tpu.vector_load %arg11[%get3A_269, %get3A_270] {strides = array<i32>} : memref<80x128xf32, #tpu.memory_space<vmem>>, vector<16xf32>,
        %mul3A_272 = arith.mulf %get3A_271, %gather3A : vector<16xf32>
        %swap3A_273 = arith.index_cast %scan3A_220 : i32 to index
        %swap3A_274 = arith.constant 112 : index
        %swap3A_275 = tpu.vector_load %arg11[%swap3A_273, %swap3A_274] {strides = array<i32>} : memref<80x128xf32, #tpu.memory_space<vmem>>, vector<16xf32>,
        tpu.vector_store %arg11[%swap3A_273, %swap3A_274], %mul3A_272 {strides = array<i32>} : memref<80x128xf32, #tpu.memory_space<vmem>>, vector<16xf32>,
        %scan3A_276 = arith.constant 0 : i32
        %scan3A_277 = arith.constant 1 : i32
        %scan3A_278 = arith.addi %scan3A_220, %scan3A_277 : i32
        %broadcast_in_dim3A_279 = vector.broadcast %scan3A_278 : i32 to vector<16xi32>
        %gather3A_280 = tpu.vector_load_idx %arg17[%broadcast_in_dim3A_279] : memref<80xf32, #tpu.memory_space<vmem>>[vector<16xi32>], vector<16xf32>,
        %get3A_281 = arith.index_cast %scan3A_278 : i32 to index
        %get3A_282 = arith.constant 0 : index
        %get3A_283 = tpu.vector_load %arg11[%get3A_281, %get3A_282] {strides = array<i32>} : memref<80x128xf32, #tpu.memory_space<vmem>>, vector<16xf32>,
        %mul3A_284 = arith.mulf %get3A_283, %gather3A_280 : vector<16xf32>
        %swap3A_285 = arith.index_cast %scan3A_278 : i32 to index
        %swap3A_286 = arith.constant 0 : index
        %swap3A_287 = tpu.vector_load %arg11[%swap3A_285, %swap3A_286] {strides = array<i32>} : memref<80x128xf32, #tpu.memory_space<vmem>>, vector<16xf32>,
        tpu.vector_store %arg11[%swap3A_285, %swap3A_286], %mul3A_284 {strides = array<i32>} : memref<80x128xf32, #tpu.memory_space<vmem>>, vector<16xf32>,
        %get3A_288 = arith.index_cast %scan3A_278 : i32 to index
        %get3A_289 = arith.constant 16 : index
        %get3A_290 = tpu.vector_load %arg11[%get3A_288, %get3A_289] {strides = array<i32>} : memref<80x128xf32, #tpu.memory_space<vmem>>, vector<16xf32>,
        %mul3A_291 = arith.mulf %get3A_290, %gather3A_280 : vector<16xf32>
        %swap3A_292 = arith.index_cast %scan3A_278 : i32 to index
        %swap3A_293 = arith.constant 16 : index
        %swap3A_294 = tpu.vector_load %arg11[%swap3A_292, %swap3A_293] {strides = array<i32>} : memref<80x128xf32, #tpu.memory_space<vmem>>, vector<16xf32>,
        tpu.vector_store %arg11[%swap3A_292, %swap3A_293], %mul3A_291 {strides = array<i32>} : memref<80x128xf32, #tpu.memory_space<vmem>>, vector<16xf32>,
        %get3A_295 = arith.index_cast %scan3A_278 : i32 to index
        %get3A_296 = arith.constant 32 : index
        %get3A_297 = tpu.vector_load %arg11[%get3A_295, %get3A_296] {strides = array<i32>} : memref<80x128xf32, #tpu.memory_space<vmem>>, vector<16xf32>,
        %mul3A_298 = arith.mulf %get3A_297, %gather3A_280 : vector<16xf32>
        %swap3A_299 = arith.index_cast %scan3A_278 : i32 to index
        %swap3A_300 = arith.constant 32 : index
        %swap3A_301 = tpu.vector_load %arg11[%swap3A_299, %swap3A_300] {strides = array<i32>} : memref<80x128xf32, #tpu.memory_space<vmem>>, vector<16xf32>,
        tpu.vector_store %arg11[%swap3A_299, %swap3A_300], %mul3A_298 {strides = array<i32>} : memref<80x128xf32, #tpu.memory_space<vmem>>, vector<16xf32>,
        %get3A_302 = arith.index_cast %scan3A_278 : i32 to index
        %get3A_303 = arith.constant 48 : index
        %get3A_304 = tpu.vector_load %arg11[%get3A_302, %get3A_303] {strides = array<i32>} : memref<80x128xf32, #tpu.memory_space<vmem>>, vector<16xf32>,
        %mul3A_305 = arith.mulf %get3A_304, %gather3A_280 : vector<16xf32>
        %swap3A_306 = arith.index_cast %scan3A_278 : i32 to index
        %swap3A_307 = arith.constant 48 : index
        %swap3A_308 = tpu.vector_load %arg11[%swap3A_306, %swap3A_307] {strides = array<i32>} : memref<80x128xf32, #tpu.memory_space<vmem>>, vector<16xf32>,
        tpu.vector_store %arg11[%swap3A_306, %swap3A_307], %mul3A_305 {strides = array<i32>} : memref<80x128xf32, #tpu.memory_space<vmem>>, vector<16xf32>,
        %get3A_309 = arith.index_cast %scan3A_278 : i32 to index
        %get3A_310 = arith.constant 64 : index
        %get3A_311 = tpu.vector_load %arg11[%get3A_309, %get3A_310] {strides = array<i32>} : memref<80x128xf32, #tpu.memory_space<vmem>>, vector<16xf32>,
        %mul3A_312 = arith.mulf %get3A_311, %gather3A_280 : vector<16xf32>
        %swap3A_313 = arith.index_cast %scan3A_278 : i32 to index
        %swap3A_314 = arith.constant 64 : index
        %swap3A_315 = tpu.vector_load %arg11[%swap3A_313, %swap3A_314] {strides = array<i32>} : memref<80x128xf32, #tpu.memory_space<vmem>>, vector<16xf32>,
        tpu.vector_store %arg11[%swap3A_313, %swap3A_314], %mul3A_312 {strides = array<i32>} : memref<80x128xf32, #tpu.memory_space<vmem>>, vector<16xf32>,
        %get3A_316 = arith.index_cast %scan3A_278 : i32 to index
        %get3A_317 = arith.constant 80 : index
        %get3A_318 = tpu.vector_load %arg11[%get3A_316, %get3A_317] {strides = array<i32>} : memref<80x128xf32, #tpu.memory_space<vmem>>, vector<16xf32>,
        %mul3A_319 = arith.mulf %get3A_318, %gather3A_280 : vector<16xf32>
        %swap3A_320 = arith.index_cast %scan3A_278 : i32 to index
        %swap3A_321 = arith.constant 80 : index
        %swap3A_322 = tpu.vector_load %arg11[%swap3A_320, %swap3A_321] {strides = array<i32>} : memref<80x128xf32, #tpu.memory_space<vmem>>, vector<16xf32>,
        tpu.vector_store %arg11[%swap3A_320, %swap3A_321], %mul3A_319 {strides = array<i32>} : memref<80x128xf32, #tpu.memory_space<vmem>>, vector<16xf32>,
        %get3A_323 = arith.index_cast %scan3A_278 : i32 to index
        %get3A_324 = arith.constant 96 : index
        %get3A_325 = tpu.vector_load %arg11[%get3A_323, %get3A_324] {strides = array<i32>} : memref<80x128xf32, #tpu.memory_space<vmem>>, vector<16xf32>,
        %mul3A_326 = arith.mulf %get3A_325, %gather3A_280 : vector<16xf32>
        %swap3A_327 = arith.index_cast %scan3A_278 : i32 to index
        %swap3A_328 = arith.constant 96 : index
        %swap3A_329 = tpu.vector_load %arg11[%swap3A_327, %swap3A_328] {strides = array<i32>} : memref<80x128xf32, #tpu.memory_space<vmem>>, vector<16xf32>,
        tpu.vector_store %arg11[%swap3A_327, %swap3A_328], %mul3A_326 {strides = array<i32>} : memref<80x128xf32, #tpu.memory_space<vmem>>, vector<16xf32>,
        %get3A_330 = arith.index_cast %scan3A_278 : i32 to index
        %get3A_331 = arith.constant 112 : index
        %get3A_332 = tpu.vector_load %arg11[%get3A_330, %get3A_331] {strides = array<i32>} : memref<80x128xf32, #tpu.memory_space<vmem>>, vector<16xf32>,
        %mul3A_333 = arith.mulf %get3A_332, %gather3A_280 : vector<16xf32>
        %swap3A_334 = arith.index_cast %scan3A_278 : i32 to index
        %swap3A_335 = arith.constant 112 : index
        %swap3A_336 = tpu.vector_load %arg11[%swap3A_334, %swap3A_335] {strides = array<i32>} : memref<80x128xf32, #tpu.memory_space<vmem>>, vector<16xf32>,
        tpu.vector_store %arg11[%swap3A_334, %swap3A_335], %mul3A_333 {strides = array<i32>} : memref<80x128xf32, #tpu.memory_space<vmem>>, vector<16xf32>,
        %scan3A_337 = arith.constant 0 : i32
        %scan3A_338 = arith.constant 2 : i32
        %scan3A_339 = arith.addi %scan3A_220, %scan3A_338 : i32
        %broadcast_in_dim3A_340 = vector.broadcast %scan3A_339 : i32 to vector<16xi32>
        %gather3A_341 = tpu.vector_load_idx %arg17[%broadcast_in_dim3A_340] : memref<80xf32, #tpu.memory_space<vmem>>[vector<16xi32>], vector<16xf32>,
        %get3A_342 = arith.index_cast %scan3A_339 : i32 to index
        %get3A_343 = arith.constant 0 : index
        %get3A_344 = tpu.vector_load %arg11[%get3A_342, %get3A_343] {strides = array<i32>} : memref<80x128xf32, #tpu.memory_space<vmem>>, vector<16xf32>,
        %mul3A_345 = arith.mulf %get3A_344, %gather3A_341 : vector<16xf32>
        %swap3A_346 = arith.index_cast %scan3A_339 : i32 to index
        %swap3A_347 = arith.constant 0 : index
        %swap3A_348 = tpu.vector_load %arg11[%swap3A_346, %swap3A_347] {strides = array<i32>} : memref<80x128xf32, #tpu.memory_space<vmem>>, vector<16xf32>,
        tpu.vector_store %arg11[%swap3A_346, %swap3A_347], %mul3A_345 {strides = array<i32>} : memref<80x128xf32, #tpu.memory_space<vmem>>, vector<16xf32>,
        %get3A_349 = arith.index_cast %scan3A_339 : i32 to index
        %get3A_350 = arith.constant 16 : index
        %get3A_351 = tpu.vector_load %arg11[%get3A_349, %get3A_350] {strides = array<i32>} : memref<80x128xf32, #tpu.memory_space<vmem>>, vector<16xf32>,
        %mul3A_352 = arith.mulf %get3A_351, %gather3A_341 : vector<16xf32>
        %swap3A_353 = arith.index_cast %scan3A_339 : i32 to index
        %swap3A_354 = arith.constant 16 : index
        %swap3A_355 = tpu.vector_load %arg11[%swap3A_353, %swap3A_354] {strides = array<i32>} : memref<80x128xf32, #tpu.memory_space<vmem>>, vector<16xf32>,
        tpu.vector_store %arg11[%swap3A_353, %swap3A_354], %mul3A_352 {strides = array<i32>} : memref<80x128xf32, #tpu.memory_space<vmem>>, vector<16xf32>,
        %get3A_356 = arith.index_cast %scan3A_339 : i32 to index
        %get3A_357 = arith.constant 32 : index
        %get3A_358 = tpu.vector_load %arg11[%get3A_356, %get3A_357] {strides = array<i32>} : memref<80x128xf32, #tpu.memory_space<vmem>>, vector<16xf32>,
        %mul3A_359 = arith.mulf %get3A_358, %gather3A_341 : vector<16xf32>
        %swap3A_360 = arith.index_cast %scan3A_339 : i32 to index
        %swap3A_361 = arith.constant 32 : index
        %swap3A_362 = tpu.vector_load %arg11[%swap3A_360, %swap3A_361] {strides = array<i32>} : memref<80x128xf32, #tpu.memory_space<vmem>>, vector<16xf32>,
        tpu.vector_store %arg11[%swap3A_360, %swap3A_361], %mul3A_359 {strides = array<i32>} : memref<80x128xf32, #tpu.memory_space<vmem>>, vector<16xf32>,
        %get3A_363 = arith.index_cast %scan3A_339 : i32 to index
        %get3A_364 = arith.constant 48 : index
        %get3A_365 = tpu.vector_load %arg11[%get3A_363, %get3A_364] {strides = array<i32>} : memref<80x128xf32, #tpu.memory_space<vmem>>, vector<16xf32>,
        %mul3A_366 = arith.mulf %get3A_365, %gather3A_341 : vector<16xf32>
        %swap3A_367 = arith.index_cast %scan3A_339 : i32 to index
        %swap3A_368 = arith.constant 48 : index
        %swap3A_369 = tpu.vector_load %arg11[%swap3A_367, %swap3A_368] {strides = array<i32>} : memref<80x128xf32, #tpu.memory_space<vmem>>, vector<16xf32>,
        tpu.vector_store %arg11[%swap3A_367, %swap3A_368], %mul3A_366 {strides = array<i32>} : memref<80x128xf32, #tpu.memory_space<vmem>>, vector<16xf32>,
        %get3A_370 = arith.index_cast %scan3A_339 : i32 to index
        %get3A_371 = arith.constant 64 : index
        %get3A_372 = tpu.vector_load %arg11[%get3A_370, %get3A_371] {strides = array<i32>} : memref<80x128xf32, #tpu.memory_space<vmem>>, vector<16xf32>,
        %mul3A_373 = arith.mulf %get3A_372, %gather3A_341 : vector<16xf32>
        %swap3A_374 = arith.index_cast %scan3A_339 : i32 to index
        %swap3A_375 = arith.constant 64 : index
        %swap3A_376 = tpu.vector_load %arg11[%swap3A_374, %swap3A_375] {strides = array<i32>} : memref<80x128xf32, #tpu.memory_space<vmem>>, vector<16xf32>,
        tpu.vector_store %arg11[%swap3A_374, %swap3A_375], %mul3A_373 {strides = array<i32>} : memref<80x128xf32, #tpu.memory_space<vmem>>, vector<16xf32>,
        %get3A_377 = arith.index_cast %scan3A_339 : i32 to index
        %get3A_378 = arith.constant 80 : index
        %get3A_379 = tpu.vector_load %arg11[%get3A_377, %get3A_378] {strides = array<i32>} : memref<80x128xf32, #tpu.memory_space<vmem>>, vector<16xf32>,
        %mul3A_380 = arith.mulf %get3A_379, %gather3A_341 : vector<16xf32>
        %swap3A_381 = arith.index_cast %scan3A_339 : i32 to index
        %swap3A_382 = arith.constant 80 : index
        %swap3A_383 = tpu.vector_load %arg11[%swap3A_381, %swap3A_382] {strides = array<i32>} : memref<80x128xf32, #tpu.memory_space<vmem>>, vector<16xf32>,
        tpu.vector_store %arg11[%swap3A_381, %swap3A_382], %mul3A_380 {strides = array<i32>} : memref<80x128xf32, #tpu.memory_space<vmem>>, vector<16xf32>,
        %get3A_384 = arith.index_cast %scan3A_339 : i32 to index
        %get3A_385 = arith.constant 96 : index
        %get3A_386 = tpu.vector_load %arg11[%get3A_384, %get3A_385] {strides = array<i32>} : memref<80x128xf32, #tpu.memory_space<vmem>>, vector<16xf32>,
        %mul3A_387 = arith.mulf %get3A_386, %gather3A_341 : vector<16xf32>
        %swap3A_388 = arith.index_cast %scan3A_339 : i32 to index
        %swap3A_389 = arith.constant 96 : index
        %swap3A_390 = tpu.vector_load %arg11[%swap3A_388, %swap3A_389] {strides = array<i32>} : memref<80x128xf32, #tpu.memory_space<vmem>>, vector<16xf32>,
        tpu.vector_store %arg11[%swap3A_388, %swap3A_389], %mul3A_387 {strides = array<i32>} : memref<80x128xf32, #tpu.memory_space<vmem>>, vector<16xf32>,
        %get3A_391 = arith.index_cast %scan3A_339 : i32 to index
        %get3A_392 = arith.constant 112 : index
        %get3A_393 = tpu.vector_load %arg11[%get3A_391, %get3A_392] {strides = array<i32>} : memref<80x128xf32, #tpu.memory_space<vmem>>, vector<16xf32>,
        %mul3A_394 = arith.mulf %get3A_393, %gather3A_341 : vector<16xf32>
        %swap3A_395 = arith.index_cast %scan3A_339 : i32 to index
        %swap3A_396 = arith.constant 112 : index
        %swap3A_397 = tpu.vector_load %arg11[%swap3A_395, %swap3A_396] {strides = array<i32>} : memref<80x128xf32, #tpu.memory_space<vmem>>, vector<16xf32>,
        tpu.vector_store %arg11[%swap3A_395, %swap3A_396], %mul3A_394 {strides = array<i32>} : memref<80x128xf32, #tpu.memory_space<vmem>>, vector<16xf32>,
        %scan3A_398 = arith.constant 0 : i32
        %scan3A_399 = arith.constant 3 : i32
        %scan3A_400 = arith.addi %scan3A_220, %scan3A_399 : i32
        %broadcast_in_dim3A_401 = vector.broadcast %scan3A_400 : i32 to vector<16xi32>
        %gather3A_402 = tpu.vector_load_idx %arg17[%broadcast_in_dim3A_401] : memref<80xf32, #tpu.memory_space<vmem>>[vector<16xi32>], vector<16xf32>,
        %get3A_403 = arith.index_cast %scan3A_400 : i32 to index
        %get3A_404 = arith.constant 0 : index
        %get3A_405 = tpu.vector_load %arg11[%get3A_403, %get3A_404] {strides = array<i32>} : memref<80x128xf32, #tpu.memory_space<vmem>>, vector<16xf32>,
        %mul3A_406 = arith.mulf %get3A_405, %gather3A_402 : vector<16xf32>
        %swap3A_407 = arith.index_cast %scan3A_400 : i32 to index
        %swap3A_408 = arith.constant 0 : index
        %swap3A_409 = tpu.vector_load %arg11[%swap3A_407, %swap3A_408] {strides = array<i32>} : memref<80x128xf32, #tpu.memory_space<vmem>>, vector<16xf32>,
        tpu.vector_store %arg11[%swap3A_407, %swap3A_408], %mul3A_406 {strides = array<i32>} : memref<80x128xf32, #tpu.memory_space<vmem>>, vector<16xf32>,
        %get3A_410 = arith.index_cast %scan3A_400 : i32 to index
        %get3A_411 = arith.constant 16 : index
        %get3A_412 = tpu.vector_load %arg11[%get3A_410, %get3A_411] {strides = array<i32>} : memref<80x128xf32, #tpu.memory_space<vmem>>, vector<16xf32>,
        %mul3A_413 = arith.mulf %get3A_412, %gather3A_402 : vector<16xf32>
        %swap3A_414 = arith.index_cast %scan3A_400 : i32 to index
        %swap3A_415 = arith.constant 16 : index
        %swap3A_416 = tpu.vector_load %arg11[%swap3A_414, %swap3A_415] {strides = array<i32>} : memref<80x128xf32, #tpu.memory_space<vmem>>, vector<16xf32>,
        tpu.vector_store %arg11[%swap3A_414, %swap3A_415], %mul3A_413 {strides = array<i32>} : memref<80x128xf32, #tpu.memory_space<vmem>>, vector<16xf32>,
        %get3A_417 = arith.index_cast %scan3A_400 : i32 to index
        %get3A_418 = arith.constant 32 : index
        %get3A_419 = tpu.vector_load %arg11[%get3A_417, %get3A_418] {strides = array<i32>} : memref<80x128xf32, #tpu.memory_space<vmem>>, vector<16xf32>,
        %mul3A_420 = arith.mulf %get3A_419, %gather3A_402 : vector<16xf32>
        %swap3A_421 = arith.index_cast %scan3A_400 : i32 to index
        %swap3A_422 = arith.constant 32 : index
        %swap3A_423 = tpu.vector_load %arg11[%swap3A_421, %swap3A_422] {strides = array<i32>} : memref<80x128xf32, #tpu.memory_space<vmem>>, vector<16xf32>,
        tpu.vector_store %arg11[%swap3A_421, %swap3A_422], %mul3A_420 {strides = array<i32>} : memref<80x128xf32, #tpu.memory_space<vmem>>, vector<16xf32>,
        %get3A_424 = arith.index_cast %scan3A_400 : i32 to index
        %get3A_425 = arith.constant 48 : index
        %get3A_426 = tpu.vector_load %arg11[%get3A_424, %get3A_425] {strides = array<i32>} : memref<80x128xf32, #tpu.memory_space<vmem>>, vector<16xf32>,
        %mul3A_427 = arith.mulf %get3A_426, %gather3A_402 : vector<16xf32>
        %swap3A_428 = arith.index_cast %scan3A_400 : i32 to index
        %swap3A_429 = arith.constant 48 : index
        %swap3A_430 = tpu.vector_load %arg11[%swap3A_428, %swap3A_429] {strides = array<i32>} : memref<80x128xf32, #tpu.memory_space<vmem>>, vector<16xf32>,
        tpu.vector_store %arg11[%swap3A_428, %swap3A_429], %mul3A_427 {strides = array<i32>} : memref<80x128xf32, #tpu.memory_space<vmem>>, vector<16xf32>,
        %get3A_431 = arith.index_cast %scan3A_400 : i32 to index
        %get3A_432 = arith.constant 64 : index
        %get3A_433 = tpu.vector_load %arg11[%get3A_431, %get3A_432] {strides = array<i32>} : memref<80x128xf32, #tpu.memory_space<vmem>>, vector<16xf32>,
        %mul3A_434 = arith.mulf %get3A_433, %gather3A_402 : vector<16xf32>
        %swap3A_435 = arith.index_cast %scan3A_400 : i32 to index
        %swap3A_436 = arith.constant 64 : index
        %swap3A_437 = tpu.vector_load %arg11[%swap3A_435, %swap3A_436] {strides = array<i32>} : memref<80x128xf32, #tpu.memory_space<vmem>>, vector<16xf32>,
        tpu.vector_store %arg11[%swap3A_435, %swap3A_436], %mul3A_434 {strides = array<i32>} : memref<80x128xf32, #tpu.memory_space<vmem>>, vector<16xf32>,
        %get3A_438 = arith.index_cast %scan3A_400 : i32 to index
        %get3A_439 = arith.constant 80 : index
        %get3A_440 = tpu.vector_load %arg11[%get3A_438, %get3A_439] {strides = array<i32>} : memref<80x128xf32, #tpu.memory_space<vmem>>, vector<16xf32>,
        %mul3A_441 = arith.mulf %get3A_440, %gather3A_402 : vector<16xf32>
        %swap3A_442 = arith.index_cast %scan3A_400 : i32 to index
        %swap3A_443 = arith.constant 80 : index
        %swap3A_444 = tpu.vector_load %arg11[%swap3A_442, %swap3A_443] {strides = array<i32>} : memref<80x128xf32, #tpu.memory_space<vmem>>, vector<16xf32>,
        tpu.vector_store %arg11[%swap3A_442, %swap3A_443], %mul3A_441 {strides = array<i32>} : memref<80x128xf32, #tpu.memory_space<vmem>>, vector<16xf32>,
        %get3A_445 = arith.index_cast %scan3A_400 : i32 to index
        %get3A_446 = arith.constant 96 : index
        %get3A_447 = tpu.vector_load %arg11[%get3A_445, %get3A_446] {strides = array<i32>} : memref<80x128xf32, #tpu.memory_space<vmem>>, vector<16xf32>,
        %mul3A_448 = arith.mulf %get3A_447, %gather3A_402 : vector<16xf32>
        %swap3A_449 = arith.index_cast %scan3A_400 : i32 to index
        %swap3A_450 = arith.constant 96 : index
        %swap3A_451 = tpu.vector_load %arg11[%swap3A_449, %swap3A_450] {strides = array<i32>} : memref<80x128xf32, #tpu.memory_space<vmem>>, vector<16xf32>,
        tpu.vector_store %arg11[%swap3A_449, %swap3A_450], %mul3A_448 {strides = array<i32>} : memref<80x128xf32, #tpu.memory_space<vmem>>, vector<16xf32>,
        %get3A_452 = arith.index_cast %scan3A_400 : i32 to index
        %get3A_453 = arith.constant 112 : index
        %get3A_454 = tpu.vector_load %arg11[%get3A_452, %get3A_453] {strides = array<i32>} : memref<80x128xf32, #tpu.memory_space<vmem>>, vector<16xf32>,
        %mul3A_455 = arith.mulf %get3A_454, %gather3A_402 : vector<16xf32>
        %swap3A_456 = arith.index_cast %scan3A_400 : i32 to index
        %swap3A_457 = arith.constant 112 : index
        %swap3A_458 = tpu.vector_load %arg11[%swap3A_456, %swap3A_457] {strides = array<i32>} : memref<80x128xf32, #tpu.memory_space<vmem>>, vector<16xf32>,
        tpu.vector_store %arg11[%swap3A_456, %swap3A_457], %mul3A_455 {strides = array<i32>} : memref<80x128xf32, #tpu.memory_space<vmem>>, vector<16xf32>,
        %scan3A_459 = arith.constant 0 : i32
        scf.yield %scan3A_459 : i32
      }
      %scan3A_150 = arith.constant 80 : i32
      %dma_start3A_151 = arith.constant 0 : i32
      %dma_start3A_152 = arith.constant 0 : i32
      %dma_start3A_153 = tpu.memref_slice %arg8[%dma_start3A_151, %dma_start3A_152] : memref<10240x128xf32, #tpu.memory_space<vmem_shared>> -> memref<10240x128xf32, #tpu.memory_space<vmem_shared>>
      tpu.enqueue_indirect_dma source(%arg11 : memref<80x128xf32, #tpu.memory_space<vmem>>) target(%dma_start3A_153 : memref<10240x128xf32, #tpu.memory_space<vmem_shared>>) offsets(%arg14 : memref<80xi32, #tpu.memory_space<vmem>>) semaphore(%arg23 : memref<!tpu.dma_semaphore, #tpu.memory_space<semaphore_mem>>) {add = true}
      %dma_wait3A_154 = arith.constant 0 : i32
      %dma_wait3A_155 = arith.constant 0 : i32
      %dma_wait3A_156 = tpu.memref_slice %arg8[%dma_wait3A_154, %dma_wait3A_155] : memref<10240x128xf32, #tpu.memory_space<vmem_shared>> -> memref<10240x128xf32, #tpu.memory_space<vmem_shared>>
      tpu.wait_indirect_dma semaphore(%arg22 : memref<!tpu.dma_semaphore, #tpu.memory_space<semaphore_mem>>) src(%arg10 : memref<80x128xf32, #tpu.memory_space<vmem>>) dst(%dma_wait3A_156 : memref<10240x128xf32, #tpu.memory_space<vmem_shared>>)
      %add3A_157 = arith.constant 2 : i32
      %add3A_158 = arith.addi %add3A_134, %add3A_157 : i32
      %mul3A_159 = arith.constant 80 : i32
      %mul3A_160 = arith.muli %add3A_158, %mul3A_159 : i32
      %add3A_161 = arith.addi %mul3A_2, %mul3A_160 : i32
      %dma_start3A_162 = tpu.memref_slice %arg4[%add3A_161] : memref<320000xi32, #tpu.memory_space<hbm>> -> memref<80xi32, #tpu.memory_space<hbm>>
      %dma_start3A_163 = tpu.memref_slice %arg4[%add3A_161] : memref<320000xi32, #tpu.memory_space<hbm>> -> memref<80xi32, #tpu.memory_space<hbm>>
      tpu.enqueue_dma source(%dma_start3A_163 : memref<80xi32, #tpu.memory_space<hbm>>) target(%arg13 : memref<80xi32, #tpu.memory_space<vmem>>) target_semaphore(%arg19 : memref<!tpu.dma_semaphore, #tpu.memory_space<semaphore_mem>>)
      %mul3A_164 = arith.constant 80 : i32
      %mul3A_165 = arith.muli %add3A_158, %mul3A_164 : i32
      %add3A_166 = arith.addi %mul3A_2, %mul3A_165 : i32
      %dma_start3A_167 = tpu.memref_slice %arg5[%add3A_166] : memref<320000xf32, #tpu.memory_space<hbm>> -> memref<80xf32, #tpu.memory_space<hbm>>
      %dma_start3A_168 = tpu.memref_slice %arg5[%add3A_166] : memref<320000xf32, #tpu.memory_space<hbm>> -> memref<80xf32, #tpu.memory_space<hbm>>
      tpu.enqueue_dma source(%dma_start3A_168 : memref<80xf32, #tpu.memory_space<hbm>>) target(%arg16 : memref<80xf32, #tpu.memory_space<vmem>>) target_semaphore(%arg19 : memref<!tpu.dma_semaphore, #tpu.memory_space<semaphore_mem>>)
      %mul3A_169 = arith.constant 80 : i32
      %mul3A_170 = arith.muli %add3A_158, %mul3A_169 : i32
      %dma_start3A_171 = tpu.memref_slice %arg9[%mul3A_170] : memref<10000xi32, #tpu.memory_space<vmem>> -> memref<80xi32, #tpu.memory_space<vmem>>
      %dma_start3A_172 = arith.constant 0 : i32
      %dma_start3A_173 = arith.constant 0 : i32
      %dma_start3A_174 = tpu.memref_slice %arg2[%dma_start3A_172, %dma_start3A_173] : memref<10240x128xf32, #tpu.memory_space<hbm>> -> memref<10240x128xf32, #tpu.memory_space<hbm>>
      tpu.enqueue_indirect_dma source(%dma_start3A_174 : memref<10240x128xf32, #tpu.memory_space<hbm>>) target(%arg10 : memref<80x128xf32, #tpu.memory_space<vmem>>) offsets(%dma_start3A_171 : memref<80xi32, #tpu.memory_space<vmem>>) semaphore(%arg19 : memref<!tpu.dma_semaphore, #tpu.memory_space<semaphore_mem>>)
      %mul3A_175 = arith.constant 3 : i32
      %mul3A_176 = arith.muli %scan3A_102, %mul3A_175 : i32
      %add3A_177 = arith.constant 2 : i32
      %add3A_178 = arith.addi %mul3A_176, %add3A_177 : i32
      %dma_wait3A_179 = tpu.memref_slice %arg4[%mul3A_2] : memref<320000xi32, #tpu.memory_space<hbm>> -> memref<80xi32, #tpu.memory_space<hbm>>
      %dma_wait3A_180 = tpu.memref_slice %arg4[%mul3A_2] : memref<320000xi32, #tpu.memory_space<hbm>> -> memref<80xi32, #tpu.memory_space<hbm>>
      tpu.wait_dma2 semaphore(%arg21 : memref<!tpu.dma_semaphore, #tpu.memory_space<semaphore_mem>>) src(%dma_wait3A_180 : memref<80xi32, #tpu.memory_space<hbm>>) dst(%arg15 : memref<80xi32, #tpu.memory_space<vmem>>)
      %dma_wait3A_181 = tpu.memref_slice %arg5[%mul3A_2] : memref<320000xf32, #tpu.memory_space<hbm>> -> memref<80xf32, #tpu.memory_space<hbm>>
      %dma_wait3A_182 = tpu.memref_slice %arg5[%mul3A_2] : memref<320000xf32, #tpu.memory_space<hbm>> -> memref<80xf32, #tpu.memory_space<hbm>>
      tpu.wait_dma2 semaphore(%arg21 : memref<!tpu.dma_semaphore, #tpu.memory_space<semaphore_mem>>) src(%dma_wait3A_182 : memref<80xf32, #tpu.memory_space<hbm>>) dst(%arg18 : memref<80xf32, #tpu.memory_space<vmem>>)
      %dma_wait3A_183 = arith.constant 0 : i32
      %dma_wait3A_184 = tpu.memref_slice %arg9[%dma_wait3A_183] : memref<10000xi32, #tpu.memory_space<vmem>> -> memref<80xi32, #tpu.memory_space<vmem>>
      %dma_wait3A_185 = arith.constant 0 : i32
      %dma_wait3A_186 = arith.constant 0 : i32
      %dma_wait3A_187 = tpu.memref_slice %arg2[%dma_wait3A_185, %dma_wait3A_186] : memref<10240x128xf32, #tpu.memory_space<hbm>> -> memref<10240x128xf32, #tpu.memory_space<hbm>>
      tpu.wait_indirect_dma semaphore(%arg21 : memref<!tpu.dma_semaphore, #tpu.memory_space<semaphore_mem>>) src(%dma_wait3A_187 : memref<10240x128xf32, #tpu.memory_space<hbm>>) dst(%arg12 : memref<80x128xf32, #tpu.memory_space<vmem>>)
      %scan3A_188 = arith.constant 0 : i32
      %scan3A_189 = arith.constant 0 : i32
      %scan3A_190 = arith.constant 80 : i32
      %scan3A_191 = arith.addi %scan3A_189, %scan3A_190 : i32
      %scan3A_192 = arith.constant 4 : i32
      %scan3A_193 = scf.for %scan3A_220 = %scan3A_189 to %scan3A_191 step %scan3A_192 iter_args(%scan3A_221 = %scan3A_188) -> (i32)  : i32 {
        %broadcast_in_dim3A = vector.broadcast %scan3A_220 : i32 to vector<16xi32>
        %gather3A = tpu.vector_load_idx %arg18[%broadcast_in_dim3A] : memref<80xf32, #tpu.memory_space<vmem>>[vector<16xi32>], vector<16xf32>,
        %get3A = arith.index_cast %scan3A_220 : i32 to index
        %get3A_222 = arith.constant 0 : index
        %get3A_223 = tpu.vector_load %arg12[%get3A, %get3A_222] {strides = array<i32>} : memref<80x128xf32, #tpu.memory_space<vmem>>, vector<16xf32>,
        %mul3A_224 = arith.mulf %get3A_223, %gather3A : vector<16xf32>
        %swap3A = arith.index_cast %scan3A_220 : i32 to index
        %swap3A_225 = arith.constant 0 : index
        %swap3A_226 = tpu.vector_load %arg12[%swap3A, %swap3A_225] {strides = array<i32>} : memref<80x128xf32, #tpu.memory_space<vmem>>, vector<16xf32>,
        tpu.vector_store %arg12[%swap3A, %swap3A_225], %mul3A_224 {strides = array<i32>} : memref<80x128xf32, #tpu.memory_space<vmem>>, vector<16xf32>,
        %get3A_227 = arith.index_cast %scan3A_220 : i32 to index
        %get3A_228 = arith.constant 16 : index
        %get3A_229 = tpu.vector_load %arg12[%get3A_227, %get3A_228] {strides = array<i32>} : memref<80x128xf32, #tpu.memory_space<vmem>>, vector<16xf32>,
        %mul3A_230 = arith.mulf %get3A_229, %gather3A : vector<16xf32>
        %swap3A_231 = arith.index_cast %scan3A_220 : i32 to index
        %swap3A_232 = arith.constant 16 : index
        %swap3A_233 = tpu.vector_load %arg12[%swap3A_231, %swap3A_232] {strides = array<i32>} : memref<80x128xf32, #tpu.memory_space<vmem>>, vector<16xf32>,
        tpu.vector_store %arg12[%swap3A_231, %swap3A_232], %mul3A_230 {strides = array<i32>} : memref<80x128xf32, #tpu.memory_space<vmem>>, vector<16xf32>,
        %get3A_234 = arith.index_cast %scan3A_220 : i32 to index
        %get3A_235 = arith.constant 32 : index
        %get3A_236 = tpu.vector_load %arg12[%get3A_234, %get3A_235] {strides = array<i32>} : memref<80x128xf32, #tpu.memory_space<vmem>>, vector<16xf32>,
        %mul3A_237 = arith.mulf %get3A_236, %gather3A : vector<16xf32>
        %swap3A_238 = arith.index_cast %scan3A_220 : i32 to index
        %swap3A_239 = arith.constant 32 : index
        %swap3A_240 = tpu.vector_load %arg12[%swap3A_238, %swap3A_239] {strides = array<i32>} : memref<80x128xf32, #tpu.memory_space<vmem>>, vector<16xf32>,
        tpu.vector_store %arg12[%swap3A_238, %swap3A_239], %mul3A_237 {strides = array<i32>} : memref<80x128xf32, #tpu.memory_space<vmem>>, vector<16xf32>,
        %get3A_241 = arith.index_cast %scan3A_220 : i32 to index
        %get3A_242 = arith.constant 48 : index
        %get3A_243 = tpu.vector_load %arg12[%get3A_241, %get3A_242] {strides = array<i32>} : memref<80x128xf32, #tpu.memory_space<vmem>>, vector<16xf32>,
        %mul3A_244 = arith.mulf %get3A_243, %gather3A : vector<16xf32>
        %swap3A_245 = arith.index_cast %scan3A_220 : i32 to index
        %swap3A_246 = arith.constant 48 : index
        %swap3A_247 = tpu.vector_load %arg12[%swap3A_245, %swap3A_246] {strides = array<i32>} : memref<80x128xf32, #tpu.memory_space<vmem>>, vector<16xf32>,
        tpu.vector_store %arg12[%swap3A_245, %swap3A_246], %mul3A_244 {strides = array<i32>} : memref<80x128xf32, #tpu.memory_space<vmem>>, vector<16xf32>,
        %get3A_248 = arith.index_cast %scan3A_220 : i32 to index
        %get3A_249 = arith.constant 64 : index
        %get3A_250 = tpu.vector_load %arg12[%get3A_248, %get3A_249] {strides = array<i32>} : memref<80x128xf32, #tpu.memory_space<vmem>>, vector<16xf32>,
        %mul3A_251 = arith.mulf %get3A_250, %gather3A : vector<16xf32>
        %swap3A_252 = arith.index_cast %scan3A_220 : i32 to index
        %swap3A_253 = arith.constant 64 : index
        %swap3A_254 = tpu.vector_load %arg12[%swap3A_252, %swap3A_253] {strides = array<i32>} : memref<80x128xf32, #tpu.memory_space<vmem>>, vector<16xf32>,
        tpu.vector_store %arg12[%swap3A_252, %swap3A_253], %mul3A_251 {strides = array<i32>} : memref<80x128xf32, #tpu.memory_space<vmem>>, vector<16xf32>,
        %get3A_255 = arith.index_cast %scan3A_220 : i32 to index
        %get3A_256 = arith.constant 80 : index
        %get3A_257 = tpu.vector_load %arg12[%get3A_255, %get3A_256] {strides = array<i32>} : memref<80x128xf32, #tpu.memory_space<vmem>>, vector<16xf32>,
        %mul3A_258 = arith.mulf %get3A_257, %gather3A : vector<16xf32>
        %swap3A_259 = arith.index_cast %scan3A_220 : i32 to index
        %swap3A_260 = arith.constant 80 : index
        %swap3A_261 = tpu.vector_load %arg12[%swap3A_259, %swap3A_260] {strides = array<i32>} : memref<80x128xf32, #tpu.memory_space<vmem>>, vector<16xf32>,
        tpu.vector_store %arg12[%swap3A_259, %swap3A_260], %mul3A_258 {strides = array<i32>} : memref<80x128xf32, #tpu.memory_space<vmem>>, vector<16xf32>,
        %get3A_262 = arith.index_cast %scan3A_220 : i32 to index
        %get3A_263 = arith.constant 96 : index
        %get3A_264 = tpu.vector_load %arg12[%get3A_262, %get3A_263] {strides = array<i32>} : memref<80x128xf32, #tpu.memory_space<vmem>>, vector<16xf32>,
        %mul3A_265 = arith.mulf %get3A_264, %gather3A : vector<16xf32>
        %swap3A_266 = arith.index_cast %scan3A_220 : i32 to index
        %swap3A_267 = arith.constant 96 : index
        %swap3A_268 = tpu.vector_load %arg12[%swap3A_266, %swap3A_267] {strides = array<i32>} : memref<80x128xf32, #tpu.memory_space<vmem>>, vector<16xf32>,
        tpu.vector_store %arg12[%swap3A_266, %swap3A_267], %mul3A_265 {strides = array<i32>} : memref<80x128xf32, #tpu.memory_space<vmem>>, vector<16xf32>,
        %get3A_269 = arith.index_cast %scan3A_220 : i32 to index
        %get3A_270 = arith.constant 112 : index
        %get3A_271 = tpu.vector_load %arg12[%get3A_269, %get3A_270] {strides = array<i32>} : memref<80x128xf32, #tpu.memory_space<vmem>>, vector<16xf32>,
        %mul3A_272 = arith.mulf %get3A_271, %gather3A : vector<16xf32>
        %swap3A_273 = arith.index_cast %scan3A_220 : i32 to index
        %swap3A_274 = arith.constant 112 : index
        %swap3A_275 = tpu.vector_load %arg12[%swap3A_273, %swap3A_274] {strides = array<i32>} : memref<80x128xf32, #tpu.memory_space<vmem>>, vector<16xf32>,
        tpu.vector_store %arg12[%swap3A_273, %swap3A_274], %mul3A_272 {strides = array<i32>} : memref<80x128xf32, #tpu.memory_space<vmem>>, vector<16xf32>,
        %scan3A_276 = arith.constant 0 : i32
        %scan3A_277 = arith.constant 1 : i32
        %scan3A_278 = arith.addi %scan3A_220, %scan3A_277 : i32
        %broadcast_in_dim3A_279 = vector.broadcast %scan3A_278 : i32 to vector<16xi32>
        %gather3A_280 = tpu.vector_load_idx %arg18[%broadcast_in_dim3A_279] : memref<80xf32, #tpu.memory_space<vmem>>[vector<16xi32>], vector<16xf32>,
        %get3A_281 = arith.index_cast %scan3A_278 : i32 to index
        %get3A_282 = arith.constant 0 : index
        %get3A_283 = tpu.vector_load %arg12[%get3A_281, %get3A_282] {strides = array<i32>} : memref<80x128xf32, #tpu.memory_space<vmem>>, vector<16xf32>,
        %mul3A_284 = arith.mulf %get3A_283, %gather3A_280 : vector<16xf32>
        %swap3A_285 = arith.index_cast %scan3A_278 : i32 to index
        %swap3A_286 = arith.constant 0 : index
        %swap3A_287 = tpu.vector_load %arg12[%swap3A_285, %swap3A_286] {strides = array<i32>} : memref<80x128xf32, #tpu.memory_space<vmem>>, vector<16xf32>,
        tpu.vector_store %arg12[%swap3A_285, %swap3A_286], %mul3A_284 {strides = array<i32>} : memref<80x128xf32, #tpu.memory_space<vmem>>, vector<16xf32>,
        %get3A_288 = arith.index_cast %scan3A_278 : i32 to index
        %get3A_289 = arith.constant 16 : index
        %get3A_290 = tpu.vector_load %arg12[%get3A_288, %get3A_289] {strides = array<i32>} : memref<80x128xf32, #tpu.memory_space<vmem>>, vector<16xf32>,
        %mul3A_291 = arith.mulf %get3A_290, %gather3A_280 : vector<16xf32>
        %swap3A_292 = arith.index_cast %scan3A_278 : i32 to index
        %swap3A_293 = arith.constant 16 : index
        %swap3A_294 = tpu.vector_load %arg12[%swap3A_292, %swap3A_293] {strides = array<i32>} : memref<80x128xf32, #tpu.memory_space<vmem>>, vector<16xf32>,
        tpu.vector_store %arg12[%swap3A_292, %swap3A_293], %mul3A_291 {strides = array<i32>} : memref<80x128xf32, #tpu.memory_space<vmem>>, vector<16xf32>,
        %get3A_295 = arith.index_cast %scan3A_278 : i32 to index
        %get3A_296 = arith.constant 32 : index
        %get3A_297 = tpu.vector_load %arg12[%get3A_295, %get3A_296] {strides = array<i32>} : memref<80x128xf32, #tpu.memory_space<vmem>>, vector<16xf32>,
        %mul3A_298 = arith.mulf %get3A_297, %gather3A_280 : vector<16xf32>
        %swap3A_299 = arith.index_cast %scan3A_278 : i32 to index
        %swap3A_300 = arith.constant 32 : index
        %swap3A_301 = tpu.vector_load %arg12[%swap3A_299, %swap3A_300] {strides = array<i32>} : memref<80x128xf32, #tpu.memory_space<vmem>>, vector<16xf32>,
        tpu.vector_store %arg12[%swap3A_299, %swap3A_300], %mul3A_298 {strides = array<i32>} : memref<80x128xf32, #tpu.memory_space<vmem>>, vector<16xf32>,
        %get3A_302 = arith.index_cast %scan3A_278 : i32 to index
        %get3A_303 = arith.constant 48 : index
        %get3A_304 = tpu.vector_load %arg12[%get3A_302, %get3A_303] {strides = array<i32>} : memref<80x128xf32, #tpu.memory_space<vmem>>, vector<16xf32>,
        %mul3A_305 = arith.mulf %get3A_304, %gather3A_280 : vector<16xf32>
        %swap3A_306 = arith.index_cast %scan3A_278 : i32 to index
        %swap3A_307 = arith.constant 48 : index
        %swap3A_308 = tpu.vector_load %arg12[%swap3A_306, %swap3A_307] {strides = array<i32>} : memref<80x128xf32, #tpu.memory_space<vmem>>, vector<16xf32>,
        tpu.vector_store %arg12[%swap3A_306, %swap3A_307], %mul3A_305 {strides = array<i32>} : memref<80x128xf32, #tpu.memory_space<vmem>>, vector<16xf32>,
        %get3A_309 = arith.index_cast %scan3A_278 : i32 to index
        %get3A_310 = arith.constant 64 : index
        %get3A_311 = tpu.vector_load %arg12[%get3A_309, %get3A_310] {strides = array<i32>} : memref<80x128xf32, #tpu.memory_space<vmem>>, vector<16xf32>,
        %mul3A_312 = arith.mulf %get3A_311, %gather3A_280 : vector<16xf32>
        %swap3A_313 = arith.index_cast %scan3A_278 : i32 to index
        %swap3A_314 = arith.constant 64 : index
        %swap3A_315 = tpu.vector_load %arg12[%swap3A_313, %swap3A_314] {strides = array<i32>} : memref<80x128xf32, #tpu.memory_space<vmem>>, vector<16xf32>,
        tpu.vector_store %arg12[%swap3A_313, %swap3A_314], %mul3A_312 {strides = array<i32>} : memref<80x128xf32, #tpu.memory_space<vmem>>, vector<16xf32>,
        %get3A_316 = arith.index_cast %scan3A_278 : i32 to index
        %get3A_317 = arith.constant 80 : index
        %get3A_318 = tpu.vector_load %arg12[%get3A_316, %get3A_317] {strides = array<i32>} : memref<80x128xf32, #tpu.memory_space<vmem>>, vector<16xf32>,
        %mul3A_319 = arith.mulf %get3A_318, %gather3A_280 : vector<16xf32>
        %swap3A_320 = arith.index_cast %scan3A_278 : i32 to index
        %swap3A_321 = arith.constant 80 : index
        %swap3A_322 = tpu.vector_load %arg12[%swap3A_320, %swap3A_321] {strides = array<i32>} : memref<80x128xf32, #tpu.memory_space<vmem>>, vector<16xf32>,
        tpu.vector_store %arg12[%swap3A_320, %swap3A_321], %mul3A_319 {strides = array<i32>} : memref<80x128xf32, #tpu.memory_space<vmem>>, vector<16xf32>,
        %get3A_323 = arith.index_cast %scan3A_278 : i32 to index
        %get3A_324 = arith.constant 96 : index
        %get3A_325 = tpu.vector_load %arg12[%get3A_323, %get3A_324] {strides = array<i32>} : memref<80x128xf32, #tpu.memory_space<vmem>>, vector<16xf32>,
        %mul3A_326 = arith.mulf %get3A_325, %gather3A_280 : vector<16xf32>
        %swap3A_327 = arith.index_cast %scan3A_278 : i32 to index
        %swap3A_328 = arith.constant 96 : index
        %swap3A_329 = tpu.vector_load %arg12[%swap3A_327, %swap3A_328] {strides = array<i32>} : memref<80x128xf32, #tpu.memory_space<vmem>>, vector<16xf32>,
        tpu.vector_store %arg12[%swap3A_327, %swap3A_328], %mul3A_326 {strides = array<i32>} : memref<80x128xf32, #tpu.memory_space<vmem>>, vector<16xf32>,
        %get3A_330 = arith.index_cast %scan3A_278 : i32 to index
        %get3A_331 = arith.constant 112 : index
        %get3A_332 = tpu.vector_load %arg12[%get3A_330, %get3A_331] {strides = array<i32>} : memref<80x128xf32, #tpu.memory_space<vmem>>, vector<16xf32>,
        %mul3A_333 = arith.mulf %get3A_332, %gather3A_280 : vector<16xf32>
        %swap3A_334 = arith.index_cast %scan3A_278 : i32 to index
        %swap3A_335 = arith.constant 112 : index
        %swap3A_336 = tpu.vector_load %arg12[%swap3A_334, %swap3A_335] {strides = array<i32>} : memref<80x128xf32, #tpu.memory_space<vmem>>, vector<16xf32>,
        tpu.vector_store %arg12[%swap3A_334, %swap3A_335], %mul3A_333 {strides = array<i32>} : memref<80x128xf32, #tpu.memory_space<vmem>>, vector<16xf32>,
        %scan3A_337 = arith.constant 0 : i32
        %scan3A_338 = arith.constant 2 : i32
        %scan3A_339 = arith.addi %scan3A_220, %scan3A_338 : i32
        %broadcast_in_dim3A_340 = vector.broadcast %scan3A_339 : i32 to vector<16xi32>
        %gather3A_341 = tpu.vector_load_idx %arg18[%broadcast_in_dim3A_340] : memref<80xf32, #tpu.memory_space<vmem>>[vector<16xi32>], vector<16xf32>,
        %get3A_342 = arith.index_cast %scan3A_339 : i32 to index
        %get3A_343 = arith.constant 0 : index
        %get3A_344 = tpu.vector_load %arg12[%get3A_342, %get3A_343] {strides = array<i32>} : memref<80x128xf32, #tpu.memory_space<vmem>>, vector<16xf32>,
        %mul3A_345 = arith.mulf %get3A_344, %gather3A_341 : vector<16xf32>
        %swap3A_346 = arith.index_cast %scan3A_339 : i32 to index
        %swap3A_347 = arith.constant 0 : index
        %swap3A_348 = tpu.vector_load %arg12[%swap3A_346, %swap3A_347] {strides = array<i32>} : memref<80x128xf32, #tpu.memory_space<vmem>>, vector<16xf32>,
        tpu.vector_store %arg12[%swap3A_346, %swap3A_347], %mul3A_345 {strides = array<i32>} : memref<80x128xf32, #tpu.memory_space<vmem>>, vector<16xf32>,
        %get3A_349 = arith.index_cast %scan3A_339 : i32 to index
        %get3A_350 = arith.constant 16 : index
        %get3A_351 = tpu.vector_load %arg12[%get3A_349, %get3A_350] {strides = array<i32>} : memref<80x128xf32, #tpu.memory_space<vmem>>, vector<16xf32>,
        %mul3A_352 = arith.mulf %get3A_351, %gather3A_341 : vector<16xf32>
        %swap3A_353 = arith.index_cast %scan3A_339 : i32 to index
        %swap3A_354 = arith.constant 16 : index
        %swap3A_355 = tpu.vector_load %arg12[%swap3A_353, %swap3A_354] {strides = array<i32>} : memref<80x128xf32, #tpu.memory_space<vmem>>, vector<16xf32>,
        tpu.vector_store %arg12[%swap3A_353, %swap3A_354], %mul3A_352 {strides = array<i32>} : memref<80x128xf32, #tpu.memory_space<vmem>>, vector<16xf32>,
        %get3A_356 = arith.index_cast %scan3A_339 : i32 to index
        %get3A_357 = arith.constant 32 : index
        %get3A_358 = tpu.vector_load %arg12[%get3A_356, %get3A_357] {strides = array<i32>} : memref<80x128xf32, #tpu.memory_space<vmem>>, vector<16xf32>,
        %mul3A_359 = arith.mulf %get3A_358, %gather3A_341 : vector<16xf32>
        %swap3A_360 = arith.index_cast %scan3A_339 : i32 to index
        %swap3A_361 = arith.constant 32 : index
        %swap3A_362 = tpu.vector_load %arg12[%swap3A_360, %swap3A_361] {strides = array<i32>} : memref<80x128xf32, #tpu.memory_space<vmem>>, vector<16xf32>,
        tpu.vector_store %arg12[%swap3A_360, %swap3A_361], %mul3A_359 {strides = array<i32>} : memref<80x128xf32, #tpu.memory_space<vmem>>, vector<16xf32>,
        %get3A_363 = arith.index_cast %scan3A_339 : i32 to index
        %get3A_364 = arith.constant 48 : index
        %get3A_365 = tpu.vector_load %arg12[%get3A_363, %get3A_364] {strides = array<i32>} : memref<80x128xf32, #tpu.memory_space<vmem>>, vector<16xf32>,
        %mul3A_366 = arith.mulf %get3A_365, %gather3A_341 : vector<16xf32>
        %swap3A_367 = arith.index_cast %scan3A_339 : i32 to index
        %swap3A_368 = arith.constant 48 : index
        %swap3A_369 = tpu.vector_load %arg12[%swap3A_367, %swap3A_368] {strides = array<i32>} : memref<80x128xf32, #tpu.memory_space<vmem>>, vector<16xf32>,
        tpu.vector_store %arg12[%swap3A_367, %swap3A_368], %mul3A_366 {strides = array<i32>} : memref<80x128xf32, #tpu.memory_space<vmem>>, vector<16xf32>,
        %get3A_370 = arith.index_cast %scan3A_339 : i32 to index
        %get3A_371 = arith.constant 64 : index
        %get3A_372 = tpu.vector_load %arg12[%get3A_370, %get3A_371] {strides = array<i32>} : memref<80x128xf32, #tpu.memory_space<vmem>>, vector<16xf32>,
        %mul3A_373 = arith.mulf %get3A_372, %gather3A_341 : vector<16xf32>
        %swap3A_374 = arith.index_cast %scan3A_339 : i32 to index
        %swap3A_375 = arith.constant 64 : index
        %swap3A_376 = tpu.vector_load %arg12[%swap3A_374, %swap3A_375] {strides = array<i32>} : memref<80x128xf32, #tpu.memory_space<vmem>>, vector<16xf32>,
        tpu.vector_store %arg12[%swap3A_374, %swap3A_375], %mul3A_373 {strides = array<i32>} : memref<80x128xf32, #tpu.memory_space<vmem>>, vector<16xf32>,
        %get3A_377 = arith.index_cast %scan3A_339 : i32 to index
        %get3A_378 = arith.constant 80 : index
        %get3A_379 = tpu.vector_load %arg12[%get3A_377, %get3A_378] {strides = array<i32>} : memref<80x128xf32, #tpu.memory_space<vmem>>, vector<16xf32>,
        %mul3A_380 = arith.mulf %get3A_379, %gather3A_341 : vector<16xf32>
        %swap3A_381 = arith.index_cast %scan3A_339 : i32 to index
        %swap3A_382 = arith.constant 80 : index
        %swap3A_383 = tpu.vector_load %arg12[%swap3A_381, %swap3A_382] {strides = array<i32>} : memref<80x128xf32, #tpu.memory_space<vmem>>, vector<16xf32>,
        tpu.vector_store %arg12[%swap3A_381, %swap3A_382], %mul3A_380 {strides = array<i32>} : memref<80x128xf32, #tpu.memory_space<vmem>>, vector<16xf32>,
        %get3A_384 = arith.index_cast %scan3A_339 : i32 to index
        %get3A_385 = arith.constant 96 : index
        %get3A_386 = tpu.vector_load %arg12[%get3A_384, %get3A_385] {strides = array<i32>} : memref<80x128xf32, #tpu.memory_space<vmem>>, vector<16xf32>,
        %mul3A_387 = arith.mulf %get3A_386, %gather3A_341 : vector<16xf32>
        %swap3A_388 = arith.index_cast %scan3A_339 : i32 to index
        %swap3A_389 = arith.constant 96 : index
        %swap3A_390 = tpu.vector_load %arg12[%swap3A_388, %swap3A_389] {strides = array<i32>} : memref<80x128xf32, #tpu.memory_space<vmem>>, vector<16xf32>,
        tpu.vector_store %arg12[%swap3A_388, %swap3A_389], %mul3A_387 {strides = array<i32>} : memref<80x128xf32, #tpu.memory_space<vmem>>, vector<16xf32>,
        %get3A_391 = arith.index_cast %scan3A_339 : i32 to index
        %get3A_392 = arith.constant 112 : index
        %get3A_393 = tpu.vector_load %arg12[%get3A_391, %get3A_392] {strides = array<i32>} : memref<80x128xf32, #tpu.memory_space<vmem>>, vector<16xf32>,
        %mul3A_394 = arith.mulf %get3A_393, %gather3A_341 : vector<16xf32>
        %swap3A_395 = arith.index_cast %scan3A_339 : i32 to index
        %swap3A_396 = arith.constant 112 : index
        %swap3A_397 = tpu.vector_load %arg12[%swap3A_395, %swap3A_396] {strides = array<i32>} : memref<80x128xf32, #tpu.memory_space<vmem>>, vector<16xf32>,
        tpu.vector_store %arg12[%swap3A_395, %swap3A_396], %mul3A_394 {strides = array<i32>} : memref<80x128xf32, #tpu.memory_space<vmem>>, vector<16xf32>,
        %scan3A_398 = arith.constant 0 : i32
        %scan3A_399 = arith.constant 3 : i32
        %scan3A_400 = arith.addi %scan3A_220, %scan3A_399 : i32
        %broadcast_in_dim3A_401 = vector.broadcast %scan3A_400 : i32 to vector<16xi32>
        %gather3A_402 = tpu.vector_load_idx %arg18[%broadcast_in_dim3A_401] : memref<80xf32, #tpu.memory_space<vmem>>[vector<16xi32>], vector<16xf32>,
        %get3A_403 = arith.index_cast %scan3A_400 : i32 to index
        %get3A_404 = arith.constant 0 : index
        %get3A_405 = tpu.vector_load %arg12[%get3A_403, %get3A_404] {strides = array<i32>} : memref<80x128xf32, #tpu.memory_space<vmem>>, vector<16xf32>,
        %mul3A_406 = arith.mulf %get3A_405, %gather3A_402 : vector<16xf32>
        %swap3A_407 = arith.index_cast %scan3A_400 : i32 to index
        %swap3A_408 = arith.constant 0 : index
        %swap3A_409 = tpu.vector_load %arg12[%swap3A_407, %swap3A_408] {strides = array<i32>} : memref<80x128xf32, #tpu.memory_space<vmem>>, vector<16xf32>,
        tpu.vector_store %arg12[%swap3A_407, %swap3A_408], %mul3A_406 {strides = array<i32>} : memref<80x128xf32, #tpu.memory_space<vmem>>, vector<16xf32>,
        %get3A_410 = arith.index_cast %scan3A_400 : i32 to index
        %get3A_411 = arith.constant 16 : index
        %get3A_412 = tpu.vector_load %arg12[%get3A_410, %get3A_411] {strides = array<i32>} : memref<80x128xf32, #tpu.memory_space<vmem>>, vector<16xf32>,
        %mul3A_413 = arith.mulf %get3A_412, %gather3A_402 : vector<16xf32>
        %swap3A_414 = arith.index_cast %scan3A_400 : i32 to index
        %swap3A_415 = arith.constant 16 : index
        %swap3A_416 = tpu.vector_load %arg12[%swap3A_414, %swap3A_415] {strides = array<i32>} : memref<80x128xf32, #tpu.memory_space<vmem>>, vector<16xf32>,
        tpu.vector_store %arg12[%swap3A_414, %swap3A_415], %mul3A_413 {strides = array<i32>} : memref<80x128xf32, #tpu.memory_space<vmem>>, vector<16xf32>,
        %get3A_417 = arith.index_cast %scan3A_400 : i32 to index
        %get3A_418 = arith.constant 32 : index
        %get3A_419 = tpu.vector_load %arg12[%get3A_417, %get3A_418] {strides = array<i32>} : memref<80x128xf32, #tpu.memory_space<vmem>>, vector<16xf32>,
        %mul3A_420 = arith.mulf %get3A_419, %gather3A_402 : vector<16xf32>
        %swap3A_421 = arith.index_cast %scan3A_400 : i32 to index
        %swap3A_422 = arith.constant 32 : index
        %swap3A_423 = tpu.vector_load %arg12[%swap3A_421, %swap3A_422] {strides = array<i32>} : memref<80x128xf32, #tpu.memory_space<vmem>>, vector<16xf32>,
        tpu.vector_store %arg12[%swap3A_421, %swap3A_422], %mul3A_420 {strides = array<i32>} : memref<80x128xf32, #tpu.memory_space<vmem>>, vector<16xf32>,
        %get3A_424 = arith.index_cast %scan3A_400 : i32 to index
        %get3A_425 = arith.constant 48 : index
        %get3A_426 = tpu.vector_load %arg12[%get3A_424, %get3A_425] {strides = array<i32>} : memref<80x128xf32, #tpu.memory_space<vmem>>, vector<16xf32>,
        %mul3A_427 = arith.mulf %get3A_426, %gather3A_402 : vector<16xf32>
        %swap3A_428 = arith.index_cast %scan3A_400 : i32 to index
        %swap3A_429 = arith.constant 48 : index
        %swap3A_430 = tpu.vector_load %arg12[%swap3A_428, %swap3A_429] {strides = array<i32>} : memref<80x128xf32, #tpu.memory_space<vmem>>, vector<16xf32>,
        tpu.vector_store %arg12[%swap3A_428, %swap3A_429], %mul3A_427 {strides = array<i32>} : memref<80x128xf32, #tpu.memory_space<vmem>>, vector<16xf32>,
        %get3A_431 = arith.index_cast %scan3A_400 : i32 to index
        %get3A_432 = arith.constant 64 : index
        %get3A_433 = tpu.vector_load %arg12[%get3A_431, %get3A_432] {strides = array<i32>} : memref<80x128xf32, #tpu.memory_space<vmem>>, vector<16xf32>,
        %mul3A_434 = arith.mulf %get3A_433, %gather3A_402 : vector<16xf32>
        %swap3A_435 = arith.index_cast %scan3A_400 : i32 to index
        %swap3A_436 = arith.constant 64 : index
        %swap3A_437 = tpu.vector_load %arg12[%swap3A_435, %swap3A_436] {strides = array<i32>} : memref<80x128xf32, #tpu.memory_space<vmem>>, vector<16xf32>,
        tpu.vector_store %arg12[%swap3A_435, %swap3A_436], %mul3A_434 {strides = array<i32>} : memref<80x128xf32, #tpu.memory_space<vmem>>, vector<16xf32>,
        %get3A_438 = arith.index_cast %scan3A_400 : i32 to index
        %get3A_439 = arith.constant 80 : index
        %get3A_440 = tpu.vector_load %arg12[%get3A_438, %get3A_439] {strides = array<i32>} : memref<80x128xf32, #tpu.memory_space<vmem>>, vector<16xf32>,
        %mul3A_441 = arith.mulf %get3A_440, %gather3A_402 : vector<16xf32>
        %swap3A_442 = arith.index_cast %scan3A_400 : i32 to index
        %swap3A_443 = arith.constant 80 : index
        %swap3A_444 = tpu.vector_load %arg12[%swap3A_442, %swap3A_443] {strides = array<i32>} : memref<80x128xf32, #tpu.memory_space<vmem>>, vector<16xf32>,
        tpu.vector_store %arg12[%swap3A_442, %swap3A_443], %mul3A_441 {strides = array<i32>} : memref<80x128xf32, #tpu.memory_space<vmem>>, vector<16xf32>,
        %get3A_445 = arith.index_cast %scan3A_400 : i32 to index
        %get3A_446 = arith.constant 96 : index
        %get3A_447 = tpu.vector_load %arg12[%get3A_445, %get3A_446] {strides = array<i32>} : memref<80x128xf32, #tpu.memory_space<vmem>>, vector<16xf32>,
        %mul3A_448 = arith.mulf %get3A_447, %gather3A_402 : vector<16xf32>
        %swap3A_449 = arith.index_cast %scan3A_400 : i32 to index
        %swap3A_450 = arith.constant 96 : index
        %swap3A_451 = tpu.vector_load %arg12[%swap3A_449, %swap3A_450] {strides = array<i32>} : memref<80x128xf32, #tpu.memory_space<vmem>>, vector<16xf32>,
        tpu.vector_store %arg12[%swap3A_449, %swap3A_450], %mul3A_448 {strides = array<i32>} : memref<80x128xf32, #tpu.memory_space<vmem>>, vector<16xf32>,
        %get3A_452 = arith.index_cast %scan3A_400 : i32 to index
        %get3A_453 = arith.constant 112 : index
        %get3A_454 = tpu.vector_load %arg12[%get3A_452, %get3A_453] {strides = array<i32>} : memref<80x128xf32, #tpu.memory_space<vmem>>, vector<16xf32>,
        %mul3A_455 = arith.mulf %get3A_454, %gather3A_402 : vector<16xf32>
        %swap3A_456 = arith.index_cast %scan3A_400 : i32 to index
        %swap3A_457 = arith.constant 112 : index
        %swap3A_458 = tpu.vector_load %arg12[%swap3A_456, %swap3A_457] {strides = array<i32>} : memref<80x128xf32, #tpu.memory_space<vmem>>, vector<16xf32>,
        tpu.vector_store %arg12[%swap3A_456, %swap3A_457], %mul3A_455 {strides = array<i32>} : memref<80x128xf32, #tpu.memory_space<vmem>>, vector<16xf32>,
        %scan3A_459 = arith.constant 0 : i32
        scf.yield %scan3A_459 : i32
      }
      %scan3A_194 = arith.constant 80 : i32
      %dma_start3A_195 = arith.constant 0 : i32
      %dma_start3A_196 = arith.constant 0 : i32
      %dma_start3A_197 = tpu.memref_slice %arg8[%dma_start3A_195, %dma_start3A_196] : memref<10240x128xf32, #tpu.memory_space<vmem_shared>> -> memref<10240x128xf32, #tpu.memory_space<vmem_shared>>
      tpu.enqueue_indirect_dma source(%arg12 : memref<80x128xf32, #tpu.memory_space<vmem>>) target(%dma_start3A_197 : memref<10240x128xf32, #tpu.memory_space<vmem_shared>>) offsets(%arg15 : memref<80xi32, #tpu.memory_space<vmem>>) semaphore(%arg24 : memref<!tpu.dma_semaphore, #tpu.memory_space<semaphore_mem>>) {add = true}
      %dma_wait3A_198 = arith.constant 0 : i32
      %dma_wait3A_199 = arith.constant 0 : i32
      %dma_wait3A_200 = tpu.memref_slice %arg8[%dma_wait3A_198, %dma_wait3A_199] : memref<10240x128xf32, #tpu.memory_space<vmem_shared>> -> memref<10240x128xf32, #tpu.memory_space<vmem_shared>>
      tpu.wait_indirect_dma semaphore(%arg23 : memref<!tpu.dma_semaphore, #tpu.memory_space<semaphore_mem>>) src(%arg11 : memref<80x128xf32, #tpu.memory_space<vmem>>) dst(%dma_wait3A_200 : memref<10240x128xf32, #tpu.memory_space<vmem_shared>>)
      %add3A_201 = arith.constant 2 : i32
      %add3A_202 = arith.addi %add3A_178, %add3A_201 : i32
      %mul3A_203 = arith.constant 80 : i32
      %mul3A_204 = arith.muli %add3A_202, %mul3A_203 : i32
      %add3A_205 = arith.addi %mul3A_2, %mul3A_204 : i32
      %dma_start3A_206 = tpu.memref_slice %arg4[%add3A_205] : memref<320000xi32, #tpu.memory_space<hbm>> -> memref<80xi32, #tpu.memory_space<hbm>>
      %dma_start3A_207 = tpu.memref_slice %arg4[%add3A_205] : memref<320000xi32, #tpu.memory_space<hbm>> -> memref<80xi32, #tpu.memory_space<hbm>>
      tpu.enqueue_dma source(%dma_start3A_207 : memref<80xi32, #tpu.memory_space<hbm>>) target(%arg14 : memref<80xi32, #tpu.memory_space<vmem>>) target_semaphore(%arg20 : memref<!tpu.dma_semaphore, #tpu.memory_space<semaphore_mem>>)
      %mul3A_208 = arith.constant 80 : i32
      %mul3A_209 = arith.muli %add3A_202, %mul3A_208 : i32
      %add3A_210 = arith.addi %mul3A_2, %mul3A_209 : i32
      %dma_start3A_211 = tpu.memref_slice %arg5[%add3A_210] : memref<320000xf32, #tpu.memory_space<hbm>> -> memref<80xf32, #tpu.memory_space<hbm>>
      %dma_start3A_212 = tpu.memref_slice %arg5[%add3A_210] : memref<320000xf32, #tpu.memory_space<hbm>> -> memref<80xf32, #tpu.memory_space<hbm>>
      tpu.enqueue_dma source(%dma_start3A_212 : memref<80xf32, #tpu.memory_space<hbm>>) target(%arg17 : memref<80xf32, #tpu.memory_space<vmem>>) target_semaphore(%arg20 : memref<!tpu.dma_semaphore, #tpu.memory_space<semaphore_mem>>)
      %mul3A_213 = arith.constant 80 : i32
      %mul3A_214 = arith.muli %add3A_202, %mul3A_213 : i32
      %dma_start3A_215 = tpu.memref_slice %arg9[%mul3A_214] : memref<10000xi32, #tpu.memory_space<vmem>> -> memref<80xi32, #tpu.memory_space<vmem>>
      %dma_start3A_216 = arith.constant 0 : i32
      %dma_start3A_217 = arith.constant 0 : i32
      %dma_start3A_218 = tpu.memref_slice %arg2[%dma_start3A_216, %dma_start3A_217] : memref<10240x128xf32, #tpu.memory_space<hbm>> -> memref<10240x128xf32, #tpu.memory_space<hbm>>
      tpu.enqueue_indirect_dma source(%dma_start3A_218 : memref<10240x128xf32, #tpu.memory_space<hbm>>) target(%arg11 : memref<80x128xf32, #tpu.memory_space<vmem>>) offsets(%dma_start3A_215 : memref<80xi32, #tpu.memory_space<vmem>>) semaphore(%arg20 : memref<!tpu.dma_semaphore, #tpu.memory_space<semaphore_mem>>)
      %scan3A_219 = arith.constant 0 : i32
      scf.yield %scan3A_219 : i32
    }
    %scan3A_54 = arith.constant 41 : i32
    %dma_wait3A = tpu.memref_slice %arg4[%mul3A_2] : memref<320000xi32, #tpu.memory_space<hbm>> -> memref<80xi32, #tpu.memory_space<hbm>>
    %dma_wait3A_55 = tpu.memref_slice %arg4[%mul3A_2] : memref<320000xi32, #tpu.memory_space<hbm>> -> memref<80xi32, #tpu.memory_space<hbm>>
    tpu.wait_dma2 semaphore(%arg19 : memref<!tpu.dma_semaphore, #tpu.memory_space<semaphore_mem>>) src(%dma_wait3A_55 : memref<80xi32, #tpu.memory_space<hbm>>) dst(%arg13 : memref<80xi32, #tpu.memory_space<vmem>>)
    %dma_wait3A_56 = tpu.memref_slice %arg5[%mul3A_2] : memref<320000xf32, #tpu.memory_space<hbm>> -> memref<80xf32, #tpu.memory_space<hbm>>
    %dma_wait3A_57 = tpu.memref_slice %arg5[%mul3A_2] : memref<320000xf32, #tpu.memory_space<hbm>> -> memref<80xf32, #tpu.memory_space<hbm>>
    tpu.wait_dma2 semaphore(%arg19 : memref<!tpu.dma_semaphore, #tpu.memory_space<semaphore_mem>>) src(%dma_wait3A_57 : memref<80xf32, #tpu.memory_space<hbm>>) dst(%arg16 : memref<80xf32, #tpu.memory_space<vmem>>)
    %dma_wait3A_58 = arith.constant 0 : i32
    %dma_wait3A_59 = tpu.memref_slice %arg9[%dma_wait3A_58] : memref<10000xi32, #tpu.memory_space<vmem>> -> memref<80xi32, #tpu.memory_space<vmem>>
    %dma_wait3A_60 = arith.constant 0 : i32
    %dma_wait3A_61 = arith.constant 0 : i32
    %dma_wait3A_62 = tpu.memref_slice %arg2[%dma_wait3A_60, %dma_wait3A_61] : memref<10240x128xf32, #tpu.memory_space<hbm>> -> memref<10240x128xf32, #tpu.memory_space<hbm>>
    tpu.wait_indirect_dma semaphore(%arg19 : memref<!tpu.dma_semaphore, #tpu.memory_space<semaphore_mem>>) src(%dma_wait3A_62 : memref<10240x128xf32, #tpu.memory_space<hbm>>) dst(%arg10 : memref<80x128xf32, #tpu.memory_space<vmem>>)
    %scan3A_63 = arith.constant 0 : i32
    %scan3A_64 = arith.constant 0 : i32
    %scan3A_65 = arith.constant 80 : i32
    %scan3A_66 = arith.addi %scan3A_64, %scan3A_65 : i32
    %scan3A_67 = arith.constant 4 : i32
    %scan3A_68 = scf.for %scan3A_102 = %scan3A_64 to %scan3A_66 step %scan3A_67 iter_args(%scan3A_103 = %scan3A_63) -> (i32)  : i32 {
      %broadcast_in_dim3A = vector.broadcast %scan3A_102 : i32 to vector<16xi32>
      %gather3A = tpu.vector_load_idx %arg16[%broadcast_in_dim3A] : memref<80xf32, #tpu.memory_space<vmem>>[vector<16xi32>], vector<16xf32>,
      %get3A = arith.index_cast %scan3A_102 : i32 to index
      %get3A_104 = arith.constant 0 : index
      %get3A_105 = tpu.vector_load %arg10[%get3A, %get3A_104] {strides = array<i32>} : memref<80x128xf32, #tpu.memory_space<vmem>>, vector<16xf32>,
      %mul3A_106 = arith.mulf %get3A_105, %gather3A : vector<16xf32>
      %swap3A = arith.index_cast %scan3A_102 : i32 to index
      %swap3A_107 = arith.constant 0 : index
      %swap3A_108 = tpu.vector_load %arg10[%swap3A, %swap3A_107] {strides = array<i32>} : memref<80x128xf32, #tpu.memory_space<vmem>>, vector<16xf32>,
      tpu.vector_store %arg10[%swap3A, %swap3A_107], %mul3A_106 {strides = array<i32>} : memref<80x128xf32, #tpu.memory_space<vmem>>, vector<16xf32>,
      %get3A_109 = arith.index_cast %scan3A_102 : i32 to index
      %get3A_110 = arith.constant 16 : index
      %get3A_111 = tpu.vector_load %arg10[%get3A_109, %get3A_110] {strides = array<i32>} : memref<80x128xf32, #tpu.memory_space<vmem>>, vector<16xf32>,
      %mul3A_112 = arith.mulf %get3A_111, %gather3A : vector<16xf32>
      %swap3A_113 = arith.index_cast %scan3A_102 : i32 to index
      %swap3A_114 = arith.constant 16 : index
      %swap3A_115 = tpu.vector_load %arg10[%swap3A_113, %swap3A_114] {strides = array<i32>} : memref<80x128xf32, #tpu.memory_space<vmem>>, vector<16xf32>,
      tpu.vector_store %arg10[%swap3A_113, %swap3A_114], %mul3A_112 {strides = array<i32>} : memref<80x128xf32, #tpu.memory_space<vmem>>, vector<16xf32>,
      %get3A_116 = arith.index_cast %scan3A_102 : i32 to index
      %get3A_117 = arith.constant 32 : index
      %get3A_118 = tpu.vector_load %arg10[%get3A_116, %get3A_117] {strides = array<i32>} : memref<80x128xf32, #tpu.memory_space<vmem>>, vector<16xf32>,
      %mul3A_119 = arith.mulf %get3A_118, %gather3A : vector<16xf32>
      %swap3A_120 = arith.index_cast %scan3A_102 : i32 to index
      %swap3A_121 = arith.constant 32 : index
      %swap3A_122 = tpu.vector_load %arg10[%swap3A_120, %swap3A_121] {strides = array<i32>} : memref<80x128xf32, #tpu.memory_space<vmem>>, vector<16xf32>,
      tpu.vector_store %arg10[%swap3A_120, %swap3A_121], %mul3A_119 {strides = array<i32>} : memref<80x128xf32, #tpu.memory_space<vmem>>, vector<16xf32>,
      %get3A_123 = arith.index_cast %scan3A_102 : i32 to index
      %get3A_124 = arith.constant 48 : index
      %get3A_125 = tpu.vector_load %arg10[%get3A_123, %get3A_124] {strides = array<i32>} : memref<80x128xf32, #tpu.memory_space<vmem>>, vector<16xf32>,
      %mul3A_126 = arith.mulf %get3A_125, %gather3A : vector<16xf32>
      %swap3A_127 = arith.index_cast %scan3A_102 : i32 to index
      %swap3A_128 = arith.constant 48 : index
      %swap3A_129 = tpu.vector_load %arg10[%swap3A_127, %swap3A_128] {strides = array<i32>} : memref<80x128xf32, #tpu.memory_space<vmem>>, vector<16xf32>,
      tpu.vector_store %arg10[%swap3A_127, %swap3A_128], %mul3A_126 {strides = array<i32>} : memref<80x128xf32, #tpu.memory_space<vmem>>, vector<16xf32>,
      %get3A_130 = arith.index_cast %scan3A_102 : i32 to index
      %get3A_131 = arith.constant 64 : index
      %get3A_132 = tpu.vector_load %arg10[%get3A_130, %get3A_131] {strides = array<i32>} : memref<80x128xf32, #tpu.memory_space<vmem>>, vector<16xf32>,
      %mul3A_133 = arith.mulf %get3A_132, %gather3A : vector<16xf32>
      %swap3A_134 = arith.index_cast %scan3A_102 : i32 to index
      %swap3A_135 = arith.constant 64 : index
      %swap3A_136 = tpu.vector_load %arg10[%swap3A_134, %swap3A_135] {strides = array<i32>} : memref<80x128xf32, #tpu.memory_space<vmem>>, vector<16xf32>,
      tpu.vector_store %arg10[%swap3A_134, %swap3A_135], %mul3A_133 {strides = array<i32>} : memref<80x128xf32, #tpu.memory_space<vmem>>, vector<16xf32>,
      %get3A_137 = arith.index_cast %scan3A_102 : i32 to index
      %get3A_138 = arith.constant 80 : index
      %get3A_139 = tpu.vector_load %arg10[%get3A_137, %get3A_138] {strides = array<i32>} : memref<80x128xf32, #tpu.memory_space<vmem>>, vector<16xf32>,
      %mul3A_140 = arith.mulf %get3A_139, %gather3A : vector<16xf32>
      %swap3A_141 = arith.index_cast %scan3A_102 : i32 to index
      %swap3A_142 = arith.constant 80 : index
      %swap3A_143 = tpu.vector_load %arg10[%swap3A_141, %swap3A_142] {strides = array<i32>} : memref<80x128xf32, #tpu.memory_space<vmem>>, vector<16xf32>,
      tpu.vector_store %arg10[%swap3A_141, %swap3A_142], %mul3A_140 {strides = array<i32>} : memref<80x128xf32, #tpu.memory_space<vmem>>, vector<16xf32>,
      %get3A_144 = arith.index_cast %scan3A_102 : i32 to index
      %get3A_145 = arith.constant 96 : index
      %get3A_146 = tpu.vector_load %arg10[%get3A_144, %get3A_145] {strides = array<i32>} : memref<80x128xf32, #tpu.memory_space<vmem>>, vector<16xf32>,
      %mul3A_147 = arith.mulf %get3A_146, %gather3A : vector<16xf32>
      %swap3A_148 = arith.index_cast %scan3A_102 : i32 to index
      %swap3A_149 = arith.constant 96 : index
      %swap3A_150 = tpu.vector_load %arg10[%swap3A_148, %swap3A_149] {strides = array<i32>} : memref<80x128xf32, #tpu.memory_space<vmem>>, vector<16xf32>,
      tpu.vector_store %arg10[%swap3A_148, %swap3A_149], %mul3A_147 {strides = array<i32>} : memref<80x128xf32, #tpu.memory_space<vmem>>, vector<16xf32>,
      %get3A_151 = arith.index_cast %scan3A_102 : i32 to index
      %get3A_152 = arith.constant 112 : index
      %get3A_153 = tpu.vector_load %arg10[%get3A_151, %get3A_152] {strides = array<i32>} : memref<80x128xf32, #tpu.memory_space<vmem>>, vector<16xf32>,
      %mul3A_154 = arith.mulf %get3A_153, %gather3A : vector<16xf32>
      %swap3A_155 = arith.index_cast %scan3A_102 : i32 to index
      %swap3A_156 = arith.constant 112 : index
      %swap3A_157 = tpu.vector_load %arg10[%swap3A_155, %swap3A_156] {strides = array<i32>} : memref<80x128xf32, #tpu.memory_space<vmem>>, vector<16xf32>,
      tpu.vector_store %arg10[%swap3A_155, %swap3A_156], %mul3A_154 {strides = array<i32>} : memref<80x128xf32, #tpu.memory_space<vmem>>, vector<16xf32>,
      %scan3A_158 = arith.constant 0 : i32
      %scan3A_159 = arith.constant 1 : i32
      %scan3A_160 = arith.addi %scan3A_102, %scan3A_159 : i32
      %broadcast_in_dim3A_161 = vector.broadcast %scan3A_160 : i32 to vector<16xi32>
      %gather3A_162 = tpu.vector_load_idx %arg16[%broadcast_in_dim3A_161] : memref<80xf32, #tpu.memory_space<vmem>>[vector<16xi32>], vector<16xf32>,
      %get3A_163 = arith.index_cast %scan3A_160 : i32 to index
      %get3A_164 = arith.constant 0 : index
      %get3A_165 = tpu.vector_load %arg10[%get3A_163, %get3A_164] {strides = array<i32>} : memref<80x128xf32, #tpu.memory_space<vmem>>, vector<16xf32>,
      %mul3A_166 = arith.mulf %get3A_165, %gather3A_162 : vector<16xf32>
      %swap3A_167 = arith.index_cast %scan3A_160 : i32 to index
      %swap3A_168 = arith.constant 0 : index
      %swap3A_169 = tpu.vector_load %arg10[%swap3A_167, %swap3A_168] {strides = array<i32>} : memref<80x128xf32, #tpu.memory_space<vmem>>, vector<16xf32>,
      tpu.vector_store %arg10[%swap3A_167, %swap3A_168], %mul3A_166 {strides = array<i32>} : memref<80x128xf32, #tpu.memory_space<vmem>>, vector<16xf32>,
      %get3A_170 = arith.index_cast %scan3A_160 : i32 to index
      %get3A_171 = arith.constant 16 : index
      %get3A_172 = tpu.vector_load %arg10[%get3A_170, %get3A_171] {strides = array<i32>} : memref<80x128xf32, #tpu.memory_space<vmem>>, vector<16xf32>,
      %mul3A_173 = arith.mulf %get3A_172, %gather3A_162 : vector<16xf32>
      %swap3A_174 = arith.index_cast %scan3A_160 : i32 to index
      %swap3A_175 = arith.constant 16 : index
      %swap3A_176 = tpu.vector_load %arg10[%swap3A_174, %swap3A_175] {strides = array<i32>} : memref<80x128xf32, #tpu.memory_space<vmem>>, vector<16xf32>,
      tpu.vector_store %arg10[%swap3A_174, %swap3A_175], %mul3A_173 {strides = array<i32>} : memref<80x128xf32, #tpu.memory_space<vmem>>, vector<16xf32>,
      %get3A_177 = arith.index_cast %scan3A_160 : i32 to index
      %get3A_178 = arith.constant 32 : index
      %get3A_179 = tpu.vector_load %arg10[%get3A_177, %get3A_178] {strides = array<i32>} : memref<80x128xf32, #tpu.memory_space<vmem>>, vector<16xf32>,
      %mul3A_180 = arith.mulf %get3A_179, %gather3A_162 : vector<16xf32>
      %swap3A_181 = arith.index_cast %scan3A_160 : i32 to index
      %swap3A_182 = arith.constant 32 : index
      %swap3A_183 = tpu.vector_load %arg10[%swap3A_181, %swap3A_182] {strides = array<i32>} : memref<80x128xf32, #tpu.memory_space<vmem>>, vector<16xf32>,
      tpu.vector_store %arg10[%swap3A_181, %swap3A_182], %mul3A_180 {strides = array<i32>} : memref<80x128xf32, #tpu.memory_space<vmem>>, vector<16xf32>,
      %get3A_184 = arith.index_cast %scan3A_160 : i32 to index
      %get3A_185 = arith.constant 48 : index
      %get3A_186 = tpu.vector_load %arg10[%get3A_184, %get3A_185] {strides = array<i32>} : memref<80x128xf32, #tpu.memory_space<vmem>>, vector<16xf32>,
      %mul3A_187 = arith.mulf %get3A_186, %gather3A_162 : vector<16xf32>
      %swap3A_188 = arith.index_cast %scan3A_160 : i32 to index
      %swap3A_189 = arith.constant 48 : index
      %swap3A_190 = tpu.vector_load %arg10[%swap3A_188, %swap3A_189] {strides = array<i32>} : memref<80x128xf32, #tpu.memory_space<vmem>>, vector<16xf32>,
      tpu.vector_store %arg10[%swap3A_188, %swap3A_189], %mul3A_187 {strides = array<i32>} : memref<80x128xf32, #tpu.memory_space<vmem>>, vector<16xf32>,
      %get3A_191 = arith.index_cast %scan3A_160 : i32 to index
      %get3A_192 = arith.constant 64 : index
      %get3A_193 = tpu.vector_load %arg10[%get3A_191, %get3A_192] {strides = array<i32>} : memref<80x128xf32, #tpu.memory_space<vmem>>, vector<16xf32>,
      %mul3A_194 = arith.mulf %get3A_193, %gather3A_162 : vector<16xf32>
      %swap3A_195 = arith.index_cast %scan3A_160 : i32 to index
      %swap3A_196 = arith.constant 64 : index
      %swap3A_197 = tpu.vector_load %arg10[%swap3A_195, %swap3A_196] {strides = array<i32>} : memref<80x128xf32, #tpu.memory_space<vmem>>, vector<16xf32>,
      tpu.vector_store %arg10[%swap3A_195, %swap3A_196], %mul3A_194 {strides = array<i32>} : memref<80x128xf32, #tpu.memory_space<vmem>>, vector<16xf32>,
      %get3A_198 = arith.index_cast %scan3A_160 : i32 to index
      %get3A_199 = arith.constant 80 : index
      %get3A_200 = tpu.vector_load %arg10[%get3A_198, %get3A_199] {strides = array<i32>} : memref<80x128xf32, #tpu.memory_space<vmem>>, vector<16xf32>,
      %mul3A_201 = arith.mulf %get3A_200, %gather3A_162 : vector<16xf32>
      %swap3A_202 = arith.index_cast %scan3A_160 : i32 to index
      %swap3A_203 = arith.constant 80 : index
      %swap3A_204 = tpu.vector_load %arg10[%swap3A_202, %swap3A_203] {strides = array<i32>} : memref<80x128xf32, #tpu.memory_space<vmem>>, vector<16xf32>,
      tpu.vector_store %arg10[%swap3A_202, %swap3A_203], %mul3A_201 {strides = array<i32>} : memref<80x128xf32, #tpu.memory_space<vmem>>, vector<16xf32>,
      %get3A_205 = arith.index_cast %scan3A_160 : i32 to index
      %get3A_206 = arith.constant 96 : index
      %get3A_207 = tpu.vector_load %arg10[%get3A_205, %get3A_206] {strides = array<i32>} : memref<80x128xf32, #tpu.memory_space<vmem>>, vector<16xf32>,
      %mul3A_208 = arith.mulf %get3A_207, %gather3A_162 : vector<16xf32>
      %swap3A_209 = arith.index_cast %scan3A_160 : i32 to index
      %swap3A_210 = arith.constant 96 : index
      %swap3A_211 = tpu.vector_load %arg10[%swap3A_209, %swap3A_210] {strides = array<i32>} : memref<80x128xf32, #tpu.memory_space<vmem>>, vector<16xf32>,
      tpu.vector_store %arg10[%swap3A_209, %swap3A_210], %mul3A_208 {strides = array<i32>} : memref<80x128xf32, #tpu.memory_space<vmem>>, vector<16xf32>,
      %get3A_212 = arith.index_cast %scan3A_160 : i32 to index
      %get3A_213 = arith.constant 112 : index
      %get3A_214 = tpu.vector_load %arg10[%get3A_212, %get3A_213] {strides = array<i32>} : memref<80x128xf32, #tpu.memory_space<vmem>>, vector<16xf32>,
      %mul3A_215 = arith.mulf %get3A_214, %gather3A_162 : vector<16xf32>
      %swap3A_216 = arith.index_cast %scan3A_160 : i32 to index
      %swap3A_217 = arith.constant 112 : index
      %swap3A_218 = tpu.vector_load %arg10[%swap3A_216, %swap3A_217] {strides = array<i32>} : memref<80x128xf32, #tpu.memory_space<vmem>>, vector<16xf32>,
      tpu.vector_store %arg10[%swap3A_216, %swap3A_217], %mul3A_215 {strides = array<i32>} : memref<80x128xf32, #tpu.memory_space<vmem>>, vector<16xf32>,
      %scan3A_219 = arith.constant 0 : i32
      %scan3A_220 = arith.constant 2 : i32
      %scan3A_221 = arith.addi %scan3A_102, %scan3A_220 : i32
      %broadcast_in_dim3A_222 = vector.broadcast %scan3A_221 : i32 to vector<16xi32>
      %gather3A_223 = tpu.vector_load_idx %arg16[%broadcast_in_dim3A_222] : memref<80xf32, #tpu.memory_space<vmem>>[vector<16xi32>], vector<16xf32>,
      %get3A_224 = arith.index_cast %scan3A_221 : i32 to index
      %get3A_225 = arith.constant 0 : index
      %get3A_226 = tpu.vector_load %arg10[%get3A_224, %get3A_225] {strides = array<i32>} : memref<80x128xf32, #tpu.memory_space<vmem>>, vector<16xf32>,
      %mul3A_227 = arith.mulf %get3A_226, %gather3A_223 : vector<16xf32>
      %swap3A_228 = arith.index_cast %scan3A_221 : i32 to index
      %swap3A_229 = arith.constant 0 : index
      %swap3A_230 = tpu.vector_load %arg10[%swap3A_228, %swap3A_229] {strides = array<i32>} : memref<80x128xf32, #tpu.memory_space<vmem>>, vector<16xf32>,
      tpu.vector_store %arg10[%swap3A_228, %swap3A_229], %mul3A_227 {strides = array<i32>} : memref<80x128xf32, #tpu.memory_space<vmem>>, vector<16xf32>,
      %get3A_231 = arith.index_cast %scan3A_221 : i32 to index
      %get3A_232 = arith.constant 16 : index
      %get3A_233 = tpu.vector_load %arg10[%get3A_231, %get3A_232] {strides = array<i32>} : memref<80x128xf32, #tpu.memory_space<vmem>>, vector<16xf32>,
      %mul3A_234 = arith.mulf %get3A_233, %gather3A_223 : vector<16xf32>
      %swap3A_235 = arith.index_cast %scan3A_221 : i32 to index
      %swap3A_236 = arith.constant 16 : index
      %swap3A_237 = tpu.vector_load %arg10[%swap3A_235, %swap3A_236] {strides = array<i32>} : memref<80x128xf32, #tpu.memory_space<vmem>>, vector<16xf32>,
      tpu.vector_store %arg10[%swap3A_235, %swap3A_236], %mul3A_234 {strides = array<i32>} : memref<80x128xf32, #tpu.memory_space<vmem>>, vector<16xf32>,
      %get3A_238 = arith.index_cast %scan3A_221 : i32 to index
      %get3A_239 = arith.constant 32 : index
      %get3A_240 = tpu.vector_load %arg10[%get3A_238, %get3A_239] {strides = array<i32>} : memref<80x128xf32, #tpu.memory_space<vmem>>, vector<16xf32>,
      %mul3A_241 = arith.mulf %get3A_240, %gather3A_223 : vector<16xf32>
      %swap3A_242 = arith.index_cast %scan3A_221 : i32 to index
      %swap3A_243 = arith.constant 32 : index
      %swap3A_244 = tpu.vector_load %arg10[%swap3A_242, %swap3A_243] {strides = array<i32>} : memref<80x128xf32, #tpu.memory_space<vmem>>, vector<16xf32>,
      tpu.vector_store %arg10[%swap3A_242, %swap3A_243], %mul3A_241 {strides = array<i32>} : memref<80x128xf32, #tpu.memory_space<vmem>>, vector<16xf32>,
      %get3A_245 = arith.index_cast %scan3A_221 : i32 to index
      %get3A_246 = arith.constant 48 : index
      %get3A_247 = tpu.vector_load %arg10[%get3A_245, %get3A_246] {strides = array<i32>} : memref<80x128xf32, #tpu.memory_space<vmem>>, vector<16xf32>,
      %mul3A_248 = arith.mulf %get3A_247, %gather3A_223 : vector<16xf32>
      %swap3A_249 = arith.index_cast %scan3A_221 : i32 to index
      %swap3A_250 = arith.constant 48 : index
      %swap3A_251 = tpu.vector_load %arg10[%swap3A_249, %swap3A_250] {strides = array<i32>} : memref<80x128xf32, #tpu.memory_space<vmem>>, vector<16xf32>,
      tpu.vector_store %arg10[%swap3A_249, %swap3A_250], %mul3A_248 {strides = array<i32>} : memref<80x128xf32, #tpu.memory_space<vmem>>, vector<16xf32>,
      %get3A_252 = arith.index_cast %scan3A_221 : i32 to index
      %get3A_253 = arith.constant 64 : index
      %get3A_254 = tpu.vector_load %arg10[%get3A_252, %get3A_253] {strides = array<i32>} : memref<80x128xf32, #tpu.memory_space<vmem>>, vector<16xf32>,
      %mul3A_255 = arith.mulf %get3A_254, %gather3A_223 : vector<16xf32>
      %swap3A_256 = arith.index_cast %scan3A_221 : i32 to index
      %swap3A_257 = arith.constant 64 : index
      %swap3A_258 = tpu.vector_load %arg10[%swap3A_256, %swap3A_257] {strides = array<i32>} : memref<80x128xf32, #tpu.memory_space<vmem>>, vector<16xf32>,
      tpu.vector_store %arg10[%swap3A_256, %swap3A_257], %mul3A_255 {strides = array<i32>} : memref<80x128xf32, #tpu.memory_space<vmem>>, vector<16xf32>,
      %get3A_259 = arith.index_cast %scan3A_221 : i32 to index
      %get3A_260 = arith.constant 80 : index
      %get3A_261 = tpu.vector_load %arg10[%get3A_259, %get3A_260] {strides = array<i32>} : memref<80x128xf32, #tpu.memory_space<vmem>>, vector<16xf32>,
      %mul3A_262 = arith.mulf %get3A_261, %gather3A_223 : vector<16xf32>
      %swap3A_263 = arith.index_cast %scan3A_221 : i32 to index
      %swap3A_264 = arith.constant 80 : index
      %swap3A_265 = tpu.vector_load %arg10[%swap3A_263, %swap3A_264] {strides = array<i32>} : memref<80x128xf32, #tpu.memory_space<vmem>>, vector<16xf32>,
      tpu.vector_store %arg10[%swap3A_263, %swap3A_264], %mul3A_262 {strides = array<i32>} : memref<80x128xf32, #tpu.memory_space<vmem>>, vector<16xf32>,
      %get3A_266 = arith.index_cast %scan3A_221 : i32 to index
      %get3A_267 = arith.constant 96 : index
      %get3A_268 = tpu.vector_load %arg10[%get3A_266, %get3A_267] {strides = array<i32>} : memref<80x128xf32, #tpu.memory_space<vmem>>, vector<16xf32>,
      %mul3A_269 = arith.mulf %get3A_268, %gather3A_223 : vector<16xf32>
      %swap3A_270 = arith.index_cast %scan3A_221 : i32 to index
      %swap3A_271 = arith.constant 96 : index
      %swap3A_272 = tpu.vector_load %arg10[%swap3A_270, %swap3A_271] {strides = array<i32>} : memref<80x128xf32, #tpu.memory_space<vmem>>, vector<16xf32>,
      tpu.vector_store %arg10[%swap3A_270, %swap3A_271], %mul3A_269 {strides = array<i32>} : memref<80x128xf32, #tpu.memory_space<vmem>>, vector<16xf32>,
      %get3A_273 = arith.index_cast %scan3A_221 : i32 to index
      %get3A_274 = arith.constant 112 : index
      %get3A_275 = tpu.vector_load %arg10[%get3A_273, %get3A_274] {strides = array<i32>} : memref<80x128xf32, #tpu.memory_space<vmem>>, vector<16xf32>,
      %mul3A_276 = arith.mulf %get3A_275, %gather3A_223 : vector<16xf32>
      %swap3A_277 = arith.index_cast %scan3A_221 : i32 to index
      %swap3A_278 = arith.constant 112 : index
      %swap3A_279 = tpu.vector_load %arg10[%swap3A_277, %swap3A_278] {strides = array<i32>} : memref<80x128xf32, #tpu.memory_space<vmem>>, vector<16xf32>,
      tpu.vector_store %arg10[%swap3A_277, %swap3A_278], %mul3A_276 {strides = array<i32>} : memref<80x128xf32, #tpu.memory_space<vmem>>, vector<16xf32>,
      %scan3A_280 = arith.constant 0 : i32
      %scan3A_281 = arith.constant 3 : i32
      %scan3A_282 = arith.addi %scan3A_102, %scan3A_281 : i32
      %broadcast_in_dim3A_283 = vector.broadcast %scan3A_282 : i32 to vector<16xi32>
      %gather3A_284 = tpu.vector_load_idx %arg16[%broadcast_in_dim3A_283] : memref<80xf32, #tpu.memory_space<vmem>>[vector<16xi32>], vector<16xf32>,
      %get3A_285 = arith.index_cast %scan3A_282 : i32 to index
      %get3A_286 = arith.constant 0 : index
      %get3A_287 = tpu.vector_load %arg10[%get3A_285, %get3A_286] {strides = array<i32>} : memref<80x128xf32, #tpu.memory_space<vmem>>, vector<16xf32>,
      %mul3A_288 = arith.mulf %get3A_287, %gather3A_284 : vector<16xf32>
      %swap3A_289 = arith.index_cast %scan3A_282 : i32 to index
      %swap3A_290 = arith.constant 0 : index
      %swap3A_291 = tpu.vector_load %arg10[%swap3A_289, %swap3A_290] {strides = array<i32>} : memref<80x128xf32, #tpu.memory_space<vmem>>, vector<16xf32>,
      tpu.vector_store %arg10[%swap3A_289, %swap3A_290], %mul3A_288 {strides = array<i32>} : memref<80x128xf32, #tpu.memory_space<vmem>>, vector<16xf32>,
      %get3A_292 = arith.index_cast %scan3A_282 : i32 to index
      %get3A_293 = arith.constant 16 : index
      %get3A_294 = tpu.vector_load %arg10[%get3A_292, %get3A_293] {strides = array<i32>} : memref<80x128xf32, #tpu.memory_space<vmem>>, vector<16xf32>,
      %mul3A_295 = arith.mulf %get3A_294, %gather3A_284 : vector<16xf32>
      %swap3A_296 = arith.index_cast %scan3A_282 : i32 to index
      %swap3A_297 = arith.constant 16 : index
      %swap3A_298 = tpu.vector_load %arg10[%swap3A_296, %swap3A_297] {strides = array<i32>} : memref<80x128xf32, #tpu.memory_space<vmem>>, vector<16xf32>,
      tpu.vector_store %arg10[%swap3A_296, %swap3A_297], %mul3A_295 {strides = array<i32>} : memref<80x128xf32, #tpu.memory_space<vmem>>, vector<16xf32>,
      %get3A_299 = arith.index_cast %scan3A_282 : i32 to index
      %get3A_300 = arith.constant 32 : index
      %get3A_301 = tpu.vector_load %arg10[%get3A_299, %get3A_300] {strides = array<i32>} : memref<80x128xf32, #tpu.memory_space<vmem>>, vector<16xf32>,
      %mul3A_302 = arith.mulf %get3A_301, %gather3A_284 : vector<16xf32>
      %swap3A_303 = arith.index_cast %scan3A_282 : i32 to index
      %swap3A_304 = arith.constant 32 : index
      %swap3A_305 = tpu.vector_load %arg10[%swap3A_303, %swap3A_304] {strides = array<i32>} : memref<80x128xf32, #tpu.memory_space<vmem>>, vector<16xf32>,
      tpu.vector_store %arg10[%swap3A_303, %swap3A_304], %mul3A_302 {strides = array<i32>} : memref<80x128xf32, #tpu.memory_space<vmem>>, vector<16xf32>,
      %get3A_306 = arith.index_cast %scan3A_282 : i32 to index
      %get3A_307 = arith.constant 48 : index
      %get3A_308 = tpu.vector_load %arg10[%get3A_306, %get3A_307] {strides = array<i32>} : memref<80x128xf32, #tpu.memory_space<vmem>>, vector<16xf32>,
      %mul3A_309 = arith.mulf %get3A_308, %gather3A_284 : vector<16xf32>
      %swap3A_310 = arith.index_cast %scan3A_282 : i32 to index
      %swap3A_311 = arith.constant 48 : index
      %swap3A_312 = tpu.vector_load %arg10[%swap3A_310, %swap3A_311] {strides = array<i32>} : memref<80x128xf32, #tpu.memory_space<vmem>>, vector<16xf32>,
      tpu.vector_store %arg10[%swap3A_310, %swap3A_311], %mul3A_309 {strides = array<i32>} : memref<80x128xf32, #tpu.memory_space<vmem>>, vector<16xf32>,
      %get3A_313 = arith.index_cast %scan3A_282 : i32 to index
      %get3A_314 = arith.constant 64 : index
      %get3A_315 = tpu.vector_load %arg10[%get3A_313, %get3A_314] {strides = array<i32>} : memref<80x128xf32, #tpu.memory_space<vmem>>, vector<16xf32>,
      %mul3A_316 = arith.mulf %get3A_315, %gather3A_284 : vector<16xf32>
      %swap3A_317 = arith.index_cast %scan3A_282 : i32 to index
      %swap3A_318 = arith.constant 64 : index
      %swap3A_319 = tpu.vector_load %arg10[%swap3A_317, %swap3A_318] {strides = array<i32>} : memref<80x128xf32, #tpu.memory_space<vmem>>, vector<16xf32>,
      tpu.vector_store %arg10[%swap3A_317, %swap3A_318], %mul3A_316 {strides = array<i32>} : memref<80x128xf32, #tpu.memory_space<vmem>>, vector<16xf32>,
      %get3A_320 = arith.index_cast %scan3A_282 : i32 to index
      %get3A_321 = arith.constant 80 : index
      %get3A_322 = tpu.vector_load %arg10[%get3A_320, %get3A_321] {strides = array<i32>} : memref<80x128xf32, #tpu.memory_space<vmem>>, vector<16xf32>,
      %mul3A_323 = arith.mulf %get3A_322, %gather3A_284 : vector<16xf32>
      %swap3A_324 = arith.index_cast %scan3A_282 : i32 to index
      %swap3A_325 = arith.constant 80 : index
      %swap3A_326 = tpu.vector_load %arg10[%swap3A_324, %swap3A_325] {strides = array<i32>} : memref<80x128xf32, #tpu.memory_space<vmem>>, vector<16xf32>,
      tpu.vector_store %arg10[%swap3A_324, %swap3A_325], %mul3A_323 {strides = array<i32>} : memref<80x128xf32, #tpu.memory_space<vmem>>, vector<16xf32>,
      %get3A_327 = arith.index_cast %scan3A_282 : i32 to index
      %get3A_328 = arith.constant 96 : index
      %get3A_329 = tpu.vector_load %arg10[%get3A_327, %get3A_328] {strides = array<i32>} : memref<80x128xf32, #tpu.memory_space<vmem>>, vector<16xf32>,
      %mul3A_330 = arith.mulf %get3A_329, %gather3A_284 : vector<16xf32>
      %swap3A_331 = arith.index_cast %scan3A_282 : i32 to index
      %swap3A_332 = arith.constant 96 : index
      %swap3A_333 = tpu.vector_load %arg10[%swap3A_331, %swap3A_332] {strides = array<i32>} : memref<80x128xf32, #tpu.memory_space<vmem>>, vector<16xf32>,
      tpu.vector_store %arg10[%swap3A_331, %swap3A_332], %mul3A_330 {strides = array<i32>} : memref<80x128xf32, #tpu.memory_space<vmem>>, vector<16xf32>,
      %get3A_334 = arith.index_cast %scan3A_282 : i32 to index
      %get3A_335 = arith.constant 112 : index
      %get3A_336 = tpu.vector_load %arg10[%get3A_334, %get3A_335] {strides = array<i32>} : memref<80x128xf32, #tpu.memory_space<vmem>>, vector<16xf32>,
      %mul3A_337 = arith.mulf %get3A_336, %gather3A_284 : vector<16xf32>
      %swap3A_338 = arith.index_cast %scan3A_282 : i32 to index
      %swap3A_339 = arith.constant 112 : index
      %swap3A_340 = tpu.vector_load %arg10[%swap3A_338, %swap3A_339] {strides = array<i32>} : memref<80x128xf32, #tpu.memory_space<vmem>>, vector<16xf32>,
      tpu.vector_store %arg10[%swap3A_338, %swap3A_339], %mul3A_337 {strides = array<i32>} : memref<80x128xf32, #tpu.memory_space<vmem>>, vector<16xf32>,
      %scan3A_341 = arith.constant 0 : i32
      scf.yield %scan3A_341 : i32
    }
    %scan3A_69 = arith.constant 80 : i32
    %dma_start3A_70 = arith.constant 0 : i32
    %dma_start3A_71 = arith.constant 0 : i32
    %dma_start3A_72 = tpu.memref_slice %arg8[%dma_start3A_70, %dma_start3A_71] : memref<10240x128xf32, #tpu.memory_space<vmem_shared>> -> memref<10240x128xf32, #tpu.memory_space<vmem_shared>>
    tpu.enqueue_indirect_dma source(%arg10 : memref<80x128xf32, #tpu.memory_space<vmem>>) target(%dma_start3A_72 : memref<10240x128xf32, #tpu.memory_space<vmem_shared>>) offsets(%arg13 : memref<80xi32, #tpu.memory_space<vmem>>) semaphore(%arg22 : memref<!tpu.dma_semaphore, #tpu.memory_space<semaphore_mem>>) {add = true}
    %dma_wait3A_73 = tpu.memref_slice %arg4[%mul3A_2] : memref<320000xi32, #tpu.memory_space<hbm>> -> memref<80xi32, #tpu.memory_space<hbm>>
    %dma_wait3A_74 = tpu.memref_slice %arg4[%mul3A_2] : memref<320000xi32, #tpu.memory_space<hbm>> -> memref<80xi32, #tpu.memory_space<hbm>>
    tpu.wait_dma2 semaphore(%arg20 : memref<!tpu.dma_semaphore, #tpu.memory_space<semaphore_mem>>) src(%dma_wait3A_74 : memref<80xi32, #tpu.memory_space<hbm>>) dst(%arg14 : memref<80xi32, #tpu.memory_space<vmem>>)
    %dma_wait3A_75 = tpu.memref_slice %arg5[%mul3A_2] : memref<320000xf32, #tpu.memory_space<hbm>> -> memref<80xf32, #tpu.memory_space<hbm>>
    %dma_wait3A_76 = tpu.memref_slice %arg5[%mul3A_2] : memref<320000xf32, #tpu.memory_space<hbm>> -> memref<80xf32, #tpu.memory_space<hbm>>
    tpu.wait_dma2 semaphore(%arg20 : memref<!tpu.dma_semaphore, #tpu.memory_space<semaphore_mem>>) src(%dma_wait3A_76 : memref<80xf32, #tpu.memory_space<hbm>>) dst(%arg17 : memref<80xf32, #tpu.memory_space<vmem>>)
    %dma_wait3A_77 = arith.constant 0 : i32
    %dma_wait3A_78 = tpu.memref_slice %arg9[%dma_wait3A_77] : memref<10000xi32, #tpu.memory_space<vmem>> -> memref<80xi32, #tpu.memory_space<vmem>>
    %dma_wait3A_79 = arith.constant 0 : i32
    %dma_wait3A_80 = arith.constant 0 : i32
    %dma_wait3A_81 = tpu.memref_slice %arg2[%dma_wait3A_79, %dma_wait3A_80] : memref<10240x128xf32, #tpu.memory_space<hbm>> -> memref<10240x128xf32, #tpu.memory_space<hbm>>
    tpu.wait_indirect_dma semaphore(%arg20 : memref<!tpu.dma_semaphore, #tpu.memory_space<semaphore_mem>>) src(%dma_wait3A_81 : memref<10240x128xf32, #tpu.memory_space<hbm>>) dst(%arg11 : memref<80x128xf32, #tpu.memory_space<vmem>>)
    %scan3A_82 = arith.constant 0 : i32
    %scan3A_83 = arith.constant 0 : i32
    %scan3A_84 = arith.constant 80 : i32
    %scan3A_85 = arith.addi %scan3A_83, %scan3A_84 : i32
    %scan3A_86 = arith.constant 4 : i32
    %scan3A_87 = scf.for %scan3A_102 = %scan3A_83 to %scan3A_85 step %scan3A_86 iter_args(%scan3A_103 = %scan3A_82) -> (i32)  : i32 {
      %broadcast_in_dim3A = vector.broadcast %scan3A_102 : i32 to vector<16xi32>
      %gather3A = tpu.vector_load_idx %arg17[%broadcast_in_dim3A] : memref<80xf32, #tpu.memory_space<vmem>>[vector<16xi32>], vector<16xf32>,
      %get3A = arith.index_cast %scan3A_102 : i32 to index
      %get3A_104 = arith.constant 0 : index
      %get3A_105 = tpu.vector_load %arg11[%get3A, %get3A_104] {strides = array<i32>} : memref<80x128xf32, #tpu.memory_space<vmem>>, vector<16xf32>,
      %mul3A_106 = arith.mulf %get3A_105, %gather3A : vector<16xf32>
      %swap3A = arith.index_cast %scan3A_102 : i32 to index
      %swap3A_107 = arith.constant 0 : index
      %swap3A_108 = tpu.vector_load %arg11[%swap3A, %swap3A_107] {strides = array<i32>} : memref<80x128xf32, #tpu.memory_space<vmem>>, vector<16xf32>,
      tpu.vector_store %arg11[%swap3A, %swap3A_107], %mul3A_106 {strides = array<i32>} : memref<80x128xf32, #tpu.memory_space<vmem>>, vector<16xf32>,
      %get3A_109 = arith.index_cast %scan3A_102 : i32 to index
      %get3A_110 = arith.constant 16 : index
      %get3A_111 = tpu.vector_load %arg11[%get3A_109, %get3A_110] {strides = array<i32>} : memref<80x128xf32, #tpu.memory_space<vmem>>, vector<16xf32>,
      %mul3A_112 = arith.mulf %get3A_111, %gather3A : vector<16xf32>
      %swap3A_113 = arith.index_cast %scan3A_102 : i32 to index
      %swap3A_114 = arith.constant 16 : index
      %swap3A_115 = tpu.vector_load %arg11[%swap3A_113, %swap3A_114] {strides = array<i32>} : memref<80x128xf32, #tpu.memory_space<vmem>>, vector<16xf32>,
      tpu.vector_store %arg11[%swap3A_113, %swap3A_114], %mul3A_112 {strides = array<i32>} : memref<80x128xf32, #tpu.memory_space<vmem>>, vector<16xf32>,
      %get3A_116 = arith.index_cast %scan3A_102 : i32 to index
      %get3A_117 = arith.constant 32 : index
      %get3A_118 = tpu.vector_load %arg11[%get3A_116, %get3A_117] {strides = array<i32>} : memref<80x128xf32, #tpu.memory_space<vmem>>, vector<16xf32>,
      %mul3A_119 = arith.mulf %get3A_118, %gather3A : vector<16xf32>
      %swap3A_120 = arith.index_cast %scan3A_102 : i32 to index
      %swap3A_121 = arith.constant 32 : index
      %swap3A_122 = tpu.vector_load %arg11[%swap3A_120, %swap3A_121] {strides = array<i32>} : memref<80x128xf32, #tpu.memory_space<vmem>>, vector<16xf32>,
      tpu.vector_store %arg11[%swap3A_120, %swap3A_121], %mul3A_119 {strides = array<i32>} : memref<80x128xf32, #tpu.memory_space<vmem>>, vector<16xf32>,
      %get3A_123 = arith.index_cast %scan3A_102 : i32 to index
      %get3A_124 = arith.constant 48 : index
      %get3A_125 = tpu.vector_load %arg11[%get3A_123, %get3A_124] {strides = array<i32>} : memref<80x128xf32, #tpu.memory_space<vmem>>, vector<16xf32>,
      %mul3A_126 = arith.mulf %get3A_125, %gather3A : vector<16xf32>
      %swap3A_127 = arith.index_cast %scan3A_102 : i32 to index
      %swap3A_128 = arith.constant 48 : index
      %swap3A_129 = tpu.vector_load %arg11[%swap3A_127, %swap3A_128] {strides = array<i32>} : memref<80x128xf32, #tpu.memory_space<vmem>>, vector<16xf32>,
      tpu.vector_store %arg11[%swap3A_127, %swap3A_128], %mul3A_126 {strides = array<i32>} : memref<80x128xf32, #tpu.memory_space<vmem>>, vector<16xf32>,
      %get3A_130 = arith.index_cast %scan3A_102 : i32 to index
      %get3A_131 = arith.constant 64 : index
      %get3A_132 = tpu.vector_load %arg11[%get3A_130, %get3A_131] {strides = array<i32>} : memref<80x128xf32, #tpu.memory_space<vmem>>, vector<16xf32>,
      %mul3A_133 = arith.mulf %get3A_132, %gather3A : vector<16xf32>
      %swap3A_134 = arith.index_cast %scan3A_102 : i32 to index
      %swap3A_135 = arith.constant 64 : index
      %swap3A_136 = tpu.vector_load %arg11[%swap3A_134, %swap3A_135] {strides = array<i32>} : memref<80x128xf32, #tpu.memory_space<vmem>>, vector<16xf32>,
      tpu.vector_store %arg11[%swap3A_134, %swap3A_135], %mul3A_133 {strides = array<i32>} : memref<80x128xf32, #tpu.memory_space<vmem>>, vector<16xf32>,
      %get3A_137 = arith.index_cast %scan3A_102 : i32 to index
      %get3A_138 = arith.constant 80 : index
      %get3A_139 = tpu.vector_load %arg11[%get3A_137, %get3A_138] {strides = array<i32>} : memref<80x128xf32, #tpu.memory_space<vmem>>, vector<16xf32>,
      %mul3A_140 = arith.mulf %get3A_139, %gather3A : vector<16xf32>
      %swap3A_141 = arith.index_cast %scan3A_102 : i32 to index
      %swap3A_142 = arith.constant 80 : index
      %swap3A_143 = tpu.vector_load %arg11[%swap3A_141, %swap3A_142] {strides = array<i32>} : memref<80x128xf32, #tpu.memory_space<vmem>>, vector<16xf32>,
      tpu.vector_store %arg11[%swap3A_141, %swap3A_142], %mul3A_140 {strides = array<i32>} : memref<80x128xf32, #tpu.memory_space<vmem>>, vector<16xf32>,
      %get3A_144 = arith.index_cast %scan3A_102 : i32 to index
      %get3A_145 = arith.constant 96 : index
      %get3A_146 = tpu.vector_load %arg11[%get3A_144, %get3A_145] {strides = array<i32>} : memref<80x128xf32, #tpu.memory_space<vmem>>, vector<16xf32>,
      %mul3A_147 = arith.mulf %get3A_146, %gather3A : vector<16xf32>
      %swap3A_148 = arith.index_cast %scan3A_102 : i32 to index
      %swap3A_149 = arith.constant 96 : index
      %swap3A_150 = tpu.vector_load %arg11[%swap3A_148, %swap3A_149] {strides = array<i32>} : memref<80x128xf32, #tpu.memory_space<vmem>>, vector<16xf32>,
      tpu.vector_store %arg11[%swap3A_148, %swap3A_149], %mul3A_147 {strides = array<i32>} : memref<80x128xf32, #tpu.memory_space<vmem>>, vector<16xf32>,
      %get3A_151 = arith.index_cast %scan3A_102 : i32 to index
      %get3A_152 = arith.constant 112 : index
      %get3A_153 = tpu.vector_load %arg11[%get3A_151, %get3A_152] {strides = array<i32>} : memref<80x128xf32, #tpu.memory_space<vmem>>, vector<16xf32>,
      %mul3A_154 = arith.mulf %get3A_153, %gather3A : vector<16xf32>
      %swap3A_155 = arith.index_cast %scan3A_102 : i32 to index
      %swap3A_156 = arith.constant 112 : index
      %swap3A_157 = tpu.vector_load %arg11[%swap3A_155, %swap3A_156] {strides = array<i32>} : memref<80x128xf32, #tpu.memory_space<vmem>>, vector<16xf32>,
      tpu.vector_store %arg11[%swap3A_155, %swap3A_156], %mul3A_154 {strides = array<i32>} : memref<80x128xf32, #tpu.memory_space<vmem>>, vector<16xf32>,
      %scan3A_158 = arith.constant 0 : i32
      %scan3A_159 = arith.constant 1 : i32
      %scan3A_160 = arith.addi %scan3A_102, %scan3A_159 : i32
      %broadcast_in_dim3A_161 = vector.broadcast %scan3A_160 : i32 to vector<16xi32>
      %gather3A_162 = tpu.vector_load_idx %arg17[%broadcast_in_dim3A_161] : memref<80xf32, #tpu.memory_space<vmem>>[vector<16xi32>], vector<16xf32>,
      %get3A_163 = arith.index_cast %scan3A_160 : i32 to index
      %get3A_164 = arith.constant 0 : index
      %get3A_165 = tpu.vector_load %arg11[%get3A_163, %get3A_164] {strides = array<i32>} : memref<80x128xf32, #tpu.memory_space<vmem>>, vector<16xf32>,
      %mul3A_166 = arith.mulf %get3A_165, %gather3A_162 : vector<16xf32>
      %swap3A_167 = arith.index_cast %scan3A_160 : i32 to index
      %swap3A_168 = arith.constant 0 : index
      %swap3A_169 = tpu.vector_load %arg11[%swap3A_167, %swap3A_168] {strides = array<i32>} : memref<80x128xf32, #tpu.memory_space<vmem>>, vector<16xf32>,
      tpu.vector_store %arg11[%swap3A_167, %swap3A_168], %mul3A_166 {strides = array<i32>} : memref<80x128xf32, #tpu.memory_space<vmem>>, vector<16xf32>,
      %get3A_170 = arith.index_cast %scan3A_160 : i32 to index
      %get3A_171 = arith.constant 16 : index
      %get3A_172 = tpu.vector_load %arg11[%get3A_170, %get3A_171] {strides = array<i32>} : memref<80x128xf32, #tpu.memory_space<vmem>>, vector<16xf32>,
      %mul3A_173 = arith.mulf %get3A_172, %gather3A_162 : vector<16xf32>
      %swap3A_174 = arith.index_cast %scan3A_160 : i32 to index
      %swap3A_175 = arith.constant 16 : index
      %swap3A_176 = tpu.vector_load %arg11[%swap3A_174, %swap3A_175] {strides = array<i32>} : memref<80x128xf32, #tpu.memory_space<vmem>>, vector<16xf32>,
      tpu.vector_store %arg11[%swap3A_174, %swap3A_175], %mul3A_173 {strides = array<i32>} : memref<80x128xf32, #tpu.memory_space<vmem>>, vector<16xf32>,
      %get3A_177 = arith.index_cast %scan3A_160 : i32 to index
      %get3A_178 = arith.constant 32 : index
      %get3A_179 = tpu.vector_load %arg11[%get3A_177, %get3A_178] {strides = array<i32>} : memref<80x128xf32, #tpu.memory_space<vmem>>, vector<16xf32>,
      %mul3A_180 = arith.mulf %get3A_179, %gather3A_162 : vector<16xf32>
      %swap3A_181 = arith.index_cast %scan3A_160 : i32 to index
      %swap3A_182 = arith.constant 32 : index
      %swap3A_183 = tpu.vector_load %arg11[%swap3A_181, %swap3A_182] {strides = array<i32>} : memref<80x128xf32, #tpu.memory_space<vmem>>, vector<16xf32>,
      tpu.vector_store %arg11[%swap3A_181, %swap3A_182], %mul3A_180 {strides = array<i32>} : memref<80x128xf32, #tpu.memory_space<vmem>>, vector<16xf32>,
      %get3A_184 = arith.index_cast %scan3A_160 : i32 to index
      %get3A_185 = arith.constant 48 : index
      %get3A_186 = tpu.vector_load %arg11[%get3A_184, %get3A_185] {strides = array<i32>} : memref<80x128xf32, #tpu.memory_space<vmem>>, vector<16xf32>,
      %mul3A_187 = arith.mulf %get3A_186, %gather3A_162 : vector<16xf32>
      %swap3A_188 = arith.index_cast %scan3A_160 : i32 to index
      %swap3A_189 = arith.constant 48 : index
      %swap3A_190 = tpu.vector_load %arg11[%swap3A_188, %swap3A_189] {strides = array<i32>} : memref<80x128xf32, #tpu.memory_space<vmem>>, vector<16xf32>,
      tpu.vector_store %arg11[%swap3A_188, %swap3A_189], %mul3A_187 {strides = array<i32>} : memref<80x128xf32, #tpu.memory_space<vmem>>, vector<16xf32>,
      %get3A_191 = arith.index_cast %scan3A_160 : i32 to index
      %get3A_192 = arith.constant 64 : index
      %get3A_193 = tpu.vector_load %arg11[%get3A_191, %get3A_192] {strides = array<i32>} : memref<80x128xf32, #tpu.memory_space<vmem>>, vector<16xf32>,
      %mul3A_194 = arith.mulf %get3A_193, %gather3A_162 : vector<16xf32>
      %swap3A_195 = arith.index_cast %scan3A_160 : i32 to index
      %swap3A_196 = arith.constant 64 : index
      %swap3A_197 = tpu.vector_load %arg11[%swap3A_195, %swap3A_196] {strides = array<i32>} : memref<80x128xf32, #tpu.memory_space<vmem>>, vector<16xf32>,
      tpu.vector_store %arg11[%swap3A_195, %swap3A_196], %mul3A_194 {strides = array<i32>} : memref<80x128xf32, #tpu.memory_space<vmem>>, vector<16xf32>,
      %get3A_198 = arith.index_cast %scan3A_160 : i32 to index
      %get3A_199 = arith.constant 80 : index
      %get3A_200 = tpu.vector_load %arg11[%get3A_198, %get3A_199] {strides = array<i32>} : memref<80x128xf32, #tpu.memory_space<vmem>>, vector<16xf32>,
      %mul3A_201 = arith.mulf %get3A_200, %gather3A_162 : vector<16xf32>
      %swap3A_202 = arith.index_cast %scan3A_160 : i32 to index
      %swap3A_203 = arith.constant 80 : index
      %swap3A_204 = tpu.vector_load %arg11[%swap3A_202, %swap3A_203] {strides = array<i32>} : memref<80x128xf32, #tpu.memory_space<vmem>>, vector<16xf32>,
      tpu.vector_store %arg11[%swap3A_202, %swap3A_203], %mul3A_201 {strides = array<i32>} : memref<80x128xf32, #tpu.memory_space<vmem>>, vector<16xf32>,
      %get3A_205 = arith.index_cast %scan3A_160 : i32 to index
      %get3A_206 = arith.constant 96 : index
      %get3A_207 = tpu.vector_load %arg11[%get3A_205, %get3A_206] {strides = array<i32>} : memref<80x128xf32, #tpu.memory_space<vmem>>, vector<16xf32>,
      %mul3A_208 = arith.mulf %get3A_207, %gather3A_162 : vector<16xf32>
      %swap3A_209 = arith.index_cast %scan3A_160 : i32 to index
      %swap3A_210 = arith.constant 96 : index
      %swap3A_211 = tpu.vector_load %arg11[%swap3A_209, %swap3A_210] {strides = array<i32>} : memref<80x128xf32, #tpu.memory_space<vmem>>, vector<16xf32>,
      tpu.vector_store %arg11[%swap3A_209, %swap3A_210], %mul3A_208 {strides = array<i32>} : memref<80x128xf32, #tpu.memory_space<vmem>>, vector<16xf32>,
      %get3A_212 = arith.index_cast %scan3A_160 : i32 to index
      %get3A_213 = arith.constant 112 : index
      %get3A_214 = tpu.vector_load %arg11[%get3A_212, %get3A_213] {strides = array<i32>} : memref<80x128xf32, #tpu.memory_space<vmem>>, vector<16xf32>,
      %mul3A_215 = arith.mulf %get3A_214, %gather3A_162 : vector<16xf32>
      %swap3A_216 = arith.index_cast %scan3A_160 : i32 to index
      %swap3A_217 = arith.constant 112 : index
      %swap3A_218 = tpu.vector_load %arg11[%swap3A_216, %swap3A_217] {strides = array<i32>} : memref<80x128xf32, #tpu.memory_space<vmem>>, vector<16xf32>,
      tpu.vector_store %arg11[%swap3A_216, %swap3A_217], %mul3A_215 {strides = array<i32>} : memref<80x128xf32, #tpu.memory_space<vmem>>, vector<16xf32>,
      %scan3A_219 = arith.constant 0 : i32
      %scan3A_220 = arith.constant 2 : i32
      %scan3A_221 = arith.addi %scan3A_102, %scan3A_220 : i32
      %broadcast_in_dim3A_222 = vector.broadcast %scan3A_221 : i32 to vector<16xi32>
      %gather3A_223 = tpu.vector_load_idx %arg17[%broadcast_in_dim3A_222] : memref<80xf32, #tpu.memory_space<vmem>>[vector<16xi32>], vector<16xf32>,
      %get3A_224 = arith.index_cast %scan3A_221 : i32 to index
      %get3A_225 = arith.constant 0 : index
      %get3A_226 = tpu.vector_load %arg11[%get3A_224, %get3A_225] {strides = array<i32>} : memref<80x128xf32, #tpu.memory_space<vmem>>, vector<16xf32>,
      %mul3A_227 = arith.mulf %get3A_226, %gather3A_223 : vector<16xf32>
      %swap3A_228 = arith.index_cast %scan3A_221 : i32 to index
      %swap3A_229 = arith.constant 0 : index
      %swap3A_230 = tpu.vector_load %arg11[%swap3A_228, %swap3A_229] {strides = array<i32>} : memref<80x128xf32, #tpu.memory_space<vmem>>, vector<16xf32>,
      tpu.vector_store %arg11[%swap3A_228, %swap3A_229], %mul3A_227 {strides = array<i32>} : memref<80x128xf32, #tpu.memory_space<vmem>>, vector<16xf32>,
      %get3A_231 = arith.index_cast %scan3A_221 : i32 to index
      %get3A_232 = arith.constant 16 : index
      %get3A_233 = tpu.vector_load %arg11[%get3A_231, %get3A_232] {strides = array<i32>} : memref<80x128xf32, #tpu.memory_space<vmem>>, vector<16xf32>,
      %mul3A_234 = arith.mulf %get3A_233, %gather3A_223 : vector<16xf32>
      %swap3A_235 = arith.index_cast %scan3A_221 : i32 to index
      %swap3A_236 = arith.constant 16 : index
      %swap3A_237 = tpu.vector_load %arg11[%swap3A_235, %swap3A_236] {strides = array<i32>} : memref<80x128xf32, #tpu.memory_space<vmem>>, vector<16xf32>,
      tpu.vector_store %arg11[%swap3A_235, %swap3A_236], %mul3A_234 {strides = array<i32>} : memref<80x128xf32, #tpu.memory_space<vmem>>, vector<16xf32>,
      %get3A_238 = arith.index_cast %scan3A_221 : i32 to index
      %get3A_239 = arith.constant 32 : index
      %get3A_240 = tpu.vector_load %arg11[%get3A_238, %get3A_239] {strides = array<i32>} : memref<80x128xf32, #tpu.memory_space<vmem>>, vector<16xf32>,
      %mul3A_241 = arith.mulf %get3A_240, %gather3A_223 : vector<16xf32>
      %swap3A_242 = arith.index_cast %scan3A_221 : i32 to index
      %swap3A_243 = arith.constant 32 : index
      %swap3A_244 = tpu.vector_load %arg11[%swap3A_242, %swap3A_243] {strides = array<i32>} : memref<80x128xf32, #tpu.memory_space<vmem>>, vector<16xf32>,
      tpu.vector_store %arg11[%swap3A_242, %swap3A_243], %mul3A_241 {strides = array<i32>} : memref<80x128xf32, #tpu.memory_space<vmem>>, vector<16xf32>,
      %get3A_245 = arith.index_cast %scan3A_221 : i32 to index
      %get3A_246 = arith.constant 48 : index
      %get3A_247 = tpu.vector_load %arg11[%get3A_245, %get3A_246] {strides = array<i32>} : memref<80x128xf32, #tpu.memory_space<vmem>>, vector<16xf32>,
      %mul3A_248 = arith.mulf %get3A_247, %gather3A_223 : vector<16xf32>
      %swap3A_249 = arith.index_cast %scan3A_221 : i32 to index
      %swap3A_250 = arith.constant 48 : index
      %swap3A_251 = tpu.vector_load %arg11[%swap3A_249, %swap3A_250] {strides = array<i32>} : memref<80x128xf32, #tpu.memory_space<vmem>>, vector<16xf32>,
      tpu.vector_store %arg11[%swap3A_249, %swap3A_250], %mul3A_248 {strides = array<i32>} : memref<80x128xf32, #tpu.memory_space<vmem>>, vector<16xf32>,
      %get3A_252 = arith.index_cast %scan3A_221 : i32 to index
      %get3A_253 = arith.constant 64 : index
      %get3A_254 = tpu.vector_load %arg11[%get3A_252, %get3A_253] {strides = array<i32>} : memref<80x128xf32, #tpu.memory_space<vmem>>, vector<16xf32>,
      %mul3A_255 = arith.mulf %get3A_254, %gather3A_223 : vector<16xf32>
      %swap3A_256 = arith.index_cast %scan3A_221 : i32 to index
      %swap3A_257 = arith.constant 64 : index
      %swap3A_258 = tpu.vector_load %arg11[%swap3A_256, %swap3A_257] {strides = array<i32>} : memref<80x128xf32, #tpu.memory_space<vmem>>, vector<16xf32>,
      tpu.vector_store %arg11[%swap3A_256, %swap3A_257], %mul3A_255 {strides = array<i32>} : memref<80x128xf32, #tpu.memory_space<vmem>>, vector<16xf32>,
      %get3A_259 = arith.index_cast %scan3A_221 : i32 to index
      %get3A_260 = arith.constant 80 : index
      %get3A_261 = tpu.vector_load %arg11[%get3A_259, %get3A_260] {strides = array<i32>} : memref<80x128xf32, #tpu.memory_space<vmem>>, vector<16xf32>,
      %mul3A_262 = arith.mulf %get3A_261, %gather3A_223 : vector<16xf32>
      %swap3A_263 = arith.index_cast %scan3A_221 : i32 to index
      %swap3A_264 = arith.constant 80 : index
      %swap3A_265 = tpu.vector_load %arg11[%swap3A_263, %swap3A_264] {strides = array<i32>} : memref<80x128xf32, #tpu.memory_space<vmem>>, vector<16xf32>,
      tpu.vector_store %arg11[%swap3A_263, %swap3A_264], %mul3A_262 {strides = array<i32>} : memref<80x128xf32, #tpu.memory_space<vmem>>, vector<16xf32>,
      %get3A_266 = arith.index_cast %scan3A_221 : i32 to index
      %get3A_267 = arith.constant 96 : index
      %get3A_268 = tpu.vector_load %arg11[%get3A_266, %get3A_267] {strides = array<i32>} : memref<80x128xf32, #tpu.memory_space<vmem>>, vector<16xf32>,
      %mul3A_269 = arith.mulf %get3A_268, %gather3A_223 : vector<16xf32>
      %swap3A_270 = arith.index_cast %scan3A_221 : i32 to index
      %swap3A_271 = arith.constant 96 : index
      %swap3A_272 = tpu.vector_load %arg11[%swap3A_270, %swap3A_271] {strides = array<i32>} : memref<80x128xf32, #tpu.memory_space<vmem>>, vector<16xf32>,
      tpu.vector_store %arg11[%swap3A_270, %swap3A_271], %mul3A_269 {strides = array<i32>} : memref<80x128xf32, #tpu.memory_space<vmem>>, vector<16xf32>,
      %get3A_273 = arith.index_cast %scan3A_221 : i32 to index
      %get3A_274 = arith.constant 112 : index
      %get3A_275 = tpu.vector_load %arg11[%get3A_273, %get3A_274] {strides = array<i32>} : memref<80x128xf32, #tpu.memory_space<vmem>>, vector<16xf32>,
      %mul3A_276 = arith.mulf %get3A_275, %gather3A_223 : vector<16xf32>
      %swap3A_277 = arith.index_cast %scan3A_221 : i32 to index
      %swap3A_278 = arith.constant 112 : index
      %swap3A_279 = tpu.vector_load %arg11[%swap3A_277, %swap3A_278] {strides = array<i32>} : memref<80x128xf32, #tpu.memory_space<vmem>>, vector<16xf32>,
      tpu.vector_store %arg11[%swap3A_277, %swap3A_278], %mul3A_276 {strides = array<i32>} : memref<80x128xf32, #tpu.memory_space<vmem>>, vector<16xf32>,
      %scan3A_280 = arith.constant 0 : i32
      %scan3A_281 = arith.constant 3 : i32
      %scan3A_282 = arith.addi %scan3A_102, %scan3A_281 : i32
      %broadcast_in_dim3A_283 = vector.broadcast %scan3A_282 : i32 to vector<16xi32>
      %gather3A_284 = tpu.vector_load_idx %arg17[%broadcast_in_dim3A_283] : memref<80xf32, #tpu.memory_space<vmem>>[vector<16xi32>], vector<16xf32>,
      %get3A_285 = arith.index_cast %scan3A_282 : i32 to index
      %get3A_286 = arith.constant 0 : index
      %get3A_287 = tpu.vector_load %arg11[%get3A_285, %get3A_286] {strides = array<i32>} : memref<80x128xf32, #tpu.memory_space<vmem>>, vector<16xf32>,
      %mul3A_288 = arith.mulf %get3A_287, %gather3A_284 : vector<16xf32>
      %swap3A_289 = arith.index_cast %scan3A_282 : i32 to index
      %swap3A_290 = arith.constant 0 : index
      %swap3A_291 = tpu.vector_load %arg11[%swap3A_289, %swap3A_290] {strides = array<i32>} : memref<80x128xf32, #tpu.memory_space<vmem>>, vector<16xf32>,
      tpu.vector_store %arg11[%swap3A_289, %swap3A_290], %mul3A_288 {strides = array<i32>} : memref<80x128xf32, #tpu.memory_space<vmem>>, vector<16xf32>,
      %get3A_292 = arith.index_cast %scan3A_282 : i32 to index
      %get3A_293 = arith.constant 16 : index
      %get3A_294 = tpu.vector_load %arg11[%get3A_292, %get3A_293] {strides = array<i32>} : memref<80x128xf32, #tpu.memory_space<vmem>>, vector<16xf32>,
      %mul3A_295 = arith.mulf %get3A_294, %gather3A_284 : vector<16xf32>
      %swap3A_296 = arith.index_cast %scan3A_282 : i32 to index
      %swap3A_297 = arith.constant 16 : index
      %swap3A_298 = tpu.vector_load %arg11[%swap3A_296, %swap3A_297] {strides = array<i32>} : memref<80x128xf32, #tpu.memory_space<vmem>>, vector<16xf32>,
      tpu.vector_store %arg11[%swap3A_296, %swap3A_297], %mul3A_295 {strides = array<i32>} : memref<80x128xf32, #tpu.memory_space<vmem>>, vector<16xf32>,
      %get3A_299 = arith.index_cast %scan3A_282 : i32 to index
      %get3A_300 = arith.constant 32 : index
      %get3A_301 = tpu.vector_load %arg11[%get3A_299, %get3A_300] {strides = array<i32>} : memref<80x128xf32, #tpu.memory_space<vmem>>, vector<16xf32>,
      %mul3A_302 = arith.mulf %get3A_301, %gather3A_284 : vector<16xf32>
      %swap3A_303 = arith.index_cast %scan3A_282 : i32 to index
      %swap3A_304 = arith.constant 32 : index
      %swap3A_305 = tpu.vector_load %arg11[%swap3A_303, %swap3A_304] {strides = array<i32>} : memref<80x128xf32, #tpu.memory_space<vmem>>, vector<16xf32>,
      tpu.vector_store %arg11[%swap3A_303, %swap3A_304], %mul3A_302 {strides = array<i32>} : memref<80x128xf32, #tpu.memory_space<vmem>>, vector<16xf32>,
      %get3A_306 = arith.index_cast %scan3A_282 : i32 to index
      %get3A_307 = arith.constant 48 : index
      %get3A_308 = tpu.vector_load %arg11[%get3A_306, %get3A_307] {strides = array<i32>} : memref<80x128xf32, #tpu.memory_space<vmem>>, vector<16xf32>,
      %mul3A_309 = arith.mulf %get3A_308, %gather3A_284 : vector<16xf32>
      %swap3A_310 = arith.index_cast %scan3A_282 : i32 to index
      %swap3A_311 = arith.constant 48 : index
      %swap3A_312 = tpu.vector_load %arg11[%swap3A_310, %swap3A_311] {strides = array<i32>} : memref<80x128xf32, #tpu.memory_space<vmem>>, vector<16xf32>,
      tpu.vector_store %arg11[%swap3A_310, %swap3A_311], %mul3A_309 {strides = array<i32>} : memref<80x128xf32, #tpu.memory_space<vmem>>, vector<16xf32>,
      %get3A_313 = arith.index_cast %scan3A_282 : i32 to index
      %get3A_314 = arith.constant 64 : index
      %get3A_315 = tpu.vector_load %arg11[%get3A_313, %get3A_314] {strides = array<i32>} : memref<80x128xf32, #tpu.memory_space<vmem>>, vector<16xf32>,
      %mul3A_316 = arith.mulf %get3A_315, %gather3A_284 : vector<16xf32>
      %swap3A_317 = arith.index_cast %scan3A_282 : i32 to index
      %swap3A_318 = arith.constant 64 : index
      %swap3A_319 = tpu.vector_load %arg11[%swap3A_317, %swap3A_318] {strides = array<i32>} : memref<80x128xf32, #tpu.memory_space<vmem>>, vector<16xf32>,
      tpu.vector_store %arg11[%swap3A_317, %swap3A_318], %mul3A_316 {strides = array<i32>} : memref<80x128xf32, #tpu.memory_space<vmem>>, vector<16xf32>,
      %get3A_320 = arith.index_cast %scan3A_282 : i32 to index
      %get3A_321 = arith.constant 80 : index
      %get3A_322 = tpu.vector_load %arg11[%get3A_320, %get3A_321] {strides = array<i32>} : memref<80x128xf32, #tpu.memory_space<vmem>>, vector<16xf32>,
      %mul3A_323 = arith.mulf %get3A_322, %gather3A_284 : vector<16xf32>
      %swap3A_324 = arith.index_cast %scan3A_282 : i32 to index
      %swap3A_325 = arith.constant 80 : index
      %swap3A_326 = tpu.vector_load %arg11[%swap3A_324, %swap3A_325] {strides = array<i32>} : memref<80x128xf32, #tpu.memory_space<vmem>>, vector<16xf32>,
      tpu.vector_store %arg11[%swap3A_324, %swap3A_325], %mul3A_323 {strides = array<i32>} : memref<80x128xf32, #tpu.memory_space<vmem>>, vector<16xf32>,
      %get3A_327 = arith.index_cast %scan3A_282 : i32 to index
      %get3A_328 = arith.constant 96 : index
      %get3A_329 = tpu.vector_load %arg11[%get3A_327, %get3A_328] {strides = array<i32>} : memref<80x128xf32, #tpu.memory_space<vmem>>, vector<16xf32>,
      %mul3A_330 = arith.mulf %get3A_329, %gather3A_284 : vector<16xf32>
      %swap3A_331 = arith.index_cast %scan3A_282 : i32 to index
      %swap3A_332 = arith.constant 96 : index
      %swap3A_333 = tpu.vector_load %arg11[%swap3A_331, %swap3A_332] {strides = array<i32>} : memref<80x128xf32, #tpu.memory_space<vmem>>, vector<16xf32>,
      tpu.vector_store %arg11[%swap3A_331, %swap3A_332], %mul3A_330 {strides = array<i32>} : memref<80x128xf32, #tpu.memory_space<vmem>>, vector<16xf32>,
      %get3A_334 = arith.index_cast %scan3A_282 : i32 to index
      %get3A_335 = arith.constant 112 : index
      %get3A_336 = tpu.vector_load %arg11[%get3A_334, %get3A_335] {strides = array<i32>} : memref<80x128xf32, #tpu.memory_space<vmem>>, vector<16xf32>,
      %mul3A_337 = arith.mulf %get3A_336, %gather3A_284 : vector<16xf32>
      %swap3A_338 = arith.index_cast %scan3A_282 : i32 to index
      %swap3A_339 = arith.constant 112 : index
      %swap3A_340 = tpu.vector_load %arg11[%swap3A_338, %swap3A_339] {strides = array<i32>} : memref<80x128xf32, #tpu.memory_space<vmem>>, vector<16xf32>,
      tpu.vector_store %arg11[%swap3A_338, %swap3A_339], %mul3A_337 {strides = array<i32>} : memref<80x128xf32, #tpu.memory_space<vmem>>, vector<16xf32>,
      %scan3A_341 = arith.constant 0 : i32
      scf.yield %scan3A_341 : i32
    }
    %scan3A_88 = arith.constant 80 : i32
    %dma_start3A_89 = arith.constant 0 : i32
    %dma_start3A_90 = arith.constant 0 : i32
    %dma_start3A_91 = tpu.memref_slice %arg8[%dma_start3A_89, %dma_start3A_90] : memref<10240x128xf32, #tpu.memory_space<vmem_shared>> -> memref<10240x128xf32, #tpu.memory_space<vmem_shared>>
    tpu.enqueue_indirect_dma source(%arg11 : memref<80x128xf32, #tpu.memory_space<vmem>>) target(%dma_start3A_91 : memref<10240x128xf32, #tpu.memory_space<vmem_shared>>) offsets(%arg14 : memref<80xi32, #tpu.memory_space<vmem>>) semaphore(%arg23 : memref<!tpu.dma_semaphore, #tpu.memory_space<semaphore_mem>>) {add = true}
    %dma_wait3A_92 = arith.constant 0 : i32
    %dma_wait3A_93 = arith.constant 0 : i32
    %dma_wait3A_94 = tpu.memref_slice %arg8[%dma_wait3A_92, %dma_wait3A_93] : memref<10240x128xf32, #tpu.memory_space<vmem_shared>> -> memref<10240x128xf32, #tpu.memory_space<vmem_shared>>
    tpu.wait_indirect_dma semaphore(%arg24 : memref<!tpu.dma_semaphore, #tpu.memory_space<semaphore_mem>>) src(%arg12 : memref<80x128xf32, #tpu.memory_space<vmem>>) dst(%dma_wait3A_94 : memref<10240x128xf32, #tpu.memory_space<vmem_shared>>)
    %dma_wait3A_95 = arith.constant 0 : i32
    %dma_wait3A_96 = arith.constant 0 : i32
    %dma_wait3A_97 = tpu.memref_slice %arg8[%dma_wait3A_95, %dma_wait3A_96] : memref<10240x128xf32, #tpu.memory_space<vmem_shared>> -> memref<10240x128xf32, #tpu.memory_space<vmem_shared>>
    tpu.wait_indirect_dma semaphore(%arg22 : memref<!tpu.dma_semaphore, #tpu.memory_space<semaphore_mem>>) src(%arg10 : memref<80x128xf32, #tpu.memory_space<vmem>>) dst(%dma_wait3A_97 : memref<10240x128xf32, #tpu.memory_space<vmem_shared>>)
    %dma_wait3A_98 = arith.constant 0 : i32
    %dma_wait3A_99 = arith.constant 0 : i32
    %dma_wait3A_100 = tpu.memref_slice %arg8[%dma_wait3A_98, %dma_wait3A_99] : memref<10240x128xf32, #tpu.memory_space<vmem_shared>> -> memref<10240x128xf32, #tpu.memory_space<vmem_shared>>
    tpu.wait_indirect_dma semaphore(%arg23 : memref<!tpu.dma_semaphore, #tpu.memory_space<semaphore_mem>>) src(%arg11 : memref<80x128xf32, #tpu.memory_space<vmem>>) dst(%dma_wait3A_100 : memref<10240x128xf32, #tpu.memory_space<vmem_shared>>)
    %barrier3A_101 = arith.constant 0 : index
    tpu.barrier barrier_id(%barrier3A_101)
    "tpu.region"() ({
      %run_scoped3A = tpu.sem_alloc : memref<!tpu.dma_semaphore, #tpu.memory_space<semaphore_mem>>
      %dma_start3A_102 = arith.constant 0 : i32
      %dma_start3A_103 = tpu.memref_slice %arg7[%arg0, %mul3A_4, %dma_start3A_102] : memref<2x10240x128xf32, #tpu.memory_space<hbm>> -> memref<1x640x128xf32, #tpu.memory_space<hbm>>
      %dma_start3A_104 = tpu.memref_squeeze %dma_start3A_103 : memref<1x640x128xf32, #tpu.memory_space<hbm>> -> memref<640x128xf32, #tpu.memory_space<hbm>>
      %dma_start3A_105 = arith.constant 0 : i32
      %dma_start3A_106 = tpu.memref_slice %arg8[%mul3A_4, %dma_start3A_105] : memref<10240x128xf32, #tpu.memory_space<vmem_shared>> -> memref<640x128xf32, #tpu.memory_space<vmem_shared>>
      tpu.enqueue_dma source(%dma_start3A_106 : memref<640x128xf32, #tpu.memory_space<vmem_shared>>) target(%dma_start3A_104 : memref<640x128xf32, #tpu.memory_space<hbm>>) target_semaphore(%run_scoped3A : memref<!tpu.dma_semaphore, #tpu.memory_space<semaphore_mem>>)
      %dma_wait3A_107 = arith.constant 0 : i32
      %dma_wait3A_108 = tpu.memref_slice %arg7[%arg0, %mul3A_4, %dma_wait3A_107] : memref<2x10240x128xf32, #tpu.memory_space<hbm>> -> memref<1x640x128xf32, #tpu.memory_space<hbm>>
      %dma_wait3A_109 = tpu.memref_squeeze %dma_wait3A_108 : memref<1x640x128xf32, #tpu.memory_space<hbm>> -> memref<640x128xf32, #tpu.memory_space<hbm>>
      %dma_wait3A_110 = arith.constant 0 : i32
      %dma_wait3A_111 = tpu.memref_slice %arg8[%mul3A_4, %dma_wait3A_110] : memref<10240x128xf32, #tpu.memory_space<vmem_shared>> -> memref<640x128xf32, #tpu.memory_space<vmem_shared>>
      tpu.wait_dma2 semaphore(%run_scoped3A : memref<!tpu.dma_semaphore, #tpu.memory_space<semaphore_mem>>) src(%dma_wait3A_111 : memref<640x128xf32, #tpu.memory_space<vmem_shared>>) dst(%dma_wait3A_109 : memref<640x128xf32, #tpu.memory_space<hbm>>)
      tpu.yield
    }) : () -> ()
    return
  }
}

#map = affine_map<(d0, d1) -> (0)>
module attributes {stable_mosaic.version = 14 : i64} {
  func.func @sc1(%arg0: i32, %arg1: i32, %arg2: memref<320000xf32, #tpu.memory_space<hbm>>, %arg3: memref<320000xi32, #tpu.memory_space<hbm>>, %arg4: memref<16xf32, #tpu.memory_space<hbm>>, %arg5: memref<320000xf32, #tpu.memory_space<hbm>>, %arg6: memref<320000xf32, #tpu.memory_space<hbm>>, %arg7: memref<16xf32, #tpu.memory_space<vmem>>, %arg8: memref<2000xf32, #tpu.memory_space<vmem>>, %arg9: memref<2000xf32, #tpu.memory_space<vmem>>, %arg10: memref<2000xf32, #tpu.memory_space<vmem>>, %arg11: memref<2000xf32, #tpu.memory_space<vmem>>, %arg12: memref<2000xf32, #tpu.memory_space<vmem>>, %arg13: memref<2000xi32, #tpu.memory_space<vmem>>, %arg14: memref<2000xi32, #tpu.memory_space<vmem>>, %arg15: memref<2000xi32, #tpu.memory_space<vmem>>, %arg16: memref<2000xi32, #tpu.memory_space<vmem>>, %arg17: memref<2000xi32, #tpu.memory_space<vmem>>, %arg18: memref<2000xf32, #tpu.memory_space<vmem>>, %arg19: memref<2000xf32, #tpu.memory_space<vmem>>, %arg20: memref<2000xf32, #tpu.memory_space<vmem>>, %arg21: memref<2000xf32, #tpu.memory_space<vmem>>, %arg22: memref<2000xf32, #tpu.memory_space<vmem>>, %arg23: memref<10000xf32, #tpu.memory_space<vmem>>, %arg24: memref<!tpu.dma_semaphore, #tpu.memory_space<semaphore_mem>>, %arg25: memref<!tpu.dma_semaphore, #tpu.memory_space<semaphore_mem>>) attributes {dimension_semantics = [#tpu.dimension_semantics<core_parallel>, #tpu.dimension_semantics<subcore_parallel>], iteration_bounds = array<i64: 2, 16>, scalar_prefetch = 0 : i64, scratch_operands = 19 : i64, tpu.core_type = #tpu.core_type<sc_vector_subcore>, window_params = [{transform_indices = #map}, {transform_indices = #map}, {transform_indices = #map}, {transform_indices = #map}, {transform_indices = #map}]} {
    %mul3A = arith.constant 2 : i32
    %mul3A_0 = arith.muli %arg1, %mul3A : i32
    %add3A = arith.addi %mul3A_0, %arg0 : i32
    %mul3A_1 = arith.constant 10000 : i32
    %mul3A_2 = arith.muli %add3A, %mul3A_1 : i32
    %add3A_3 = arith.constant 0 : i32
    %add3A_4 = arith.addi %mul3A_2, %add3A_3 : i32
    %dma_start3A = tpu.memref_slice %arg2[%add3A_4] : memref<320000xf32, #tpu.memory_space<hbm>> -> memref<2000xf32, #tpu.memory_space<hbm>>
    %dma_start3A_5 = tpu.memref_slice %arg2[%add3A_4] : memref<320000xf32, #tpu.memory_space<hbm>> -> memref<2000xf32, #tpu.memory_space<hbm>>
    tpu.enqueue_dma source(%dma_start3A_5 : memref<2000xf32, #tpu.memory_space<hbm>>) target(%arg8 : memref<2000xf32, #tpu.memory_space<vmem>>) target_semaphore(%arg24 : memref<!tpu.dma_semaphore, #tpu.memory_space<semaphore_mem>>)
    %add3A_6 = arith.constant 0 : i32
    %add3A_7 = arith.addi %mul3A_2, %add3A_6 : i32
    %dma_start3A_8 = tpu.memref_slice %arg3[%add3A_7] : memref<320000xi32, #tpu.memory_space<hbm>> -> memref<2000xi32, #tpu.memory_space<hbm>>
    %dma_start3A_9 = tpu.memref_slice %arg3[%add3A_7] : memref<320000xi32, #tpu.memory_space<hbm>> -> memref<2000xi32, #tpu.memory_space<hbm>>
    tpu.enqueue_dma source(%dma_start3A_9 : memref<2000xi32, #tpu.memory_space<hbm>>) target(%arg13 : memref<2000xi32, #tpu.memory_space<vmem>>) target_semaphore(%arg24 : memref<!tpu.dma_semaphore, #tpu.memory_space<semaphore_mem>>)
    %add3A_10 = arith.constant 2000 : i32
    %add3A_11 = arith.addi %mul3A_2, %add3A_10 : i32
    %dma_start3A_12 = tpu.memref_slice %arg2[%add3A_11] : memref<320000xf32, #tpu.memory_space<hbm>> -> memref<2000xf32, #tpu.memory_space<hbm>>
    %dma_start3A_13 = tpu.memref_slice %arg2[%add3A_11] : memref<320000xf32, #tpu.memory_space<hbm>> -> memref<2000xf32, #tpu.memory_space<hbm>>
    tpu.enqueue_dma source(%dma_start3A_13 : memref<2000xf32, #tpu.memory_space<hbm>>) target(%arg9 : memref<2000xf32, #tpu.memory_space<vmem>>) target_semaphore(%arg24 : memref<!tpu.dma_semaphore, #tpu.memory_space<semaphore_mem>>)
    %add3A_14 = arith.constant 2000 : i32
    %add3A_15 = arith.addi %mul3A_2, %add3A_14 : i32
    %dma_start3A_16 = tpu.memref_slice %arg3[%add3A_15] : memref<320000xi32, #tpu.memory_space<hbm>> -> memref<2000xi32, #tpu.memory_space<hbm>>
    %dma_start3A_17 = tpu.memref_slice %arg3[%add3A_15] : memref<320000xi32, #tpu.memory_space<hbm>> -> memref<2000xi32, #tpu.memory_space<hbm>>
    tpu.enqueue_dma source(%dma_start3A_17 : memref<2000xi32, #tpu.memory_space<hbm>>) target(%arg14 : memref<2000xi32, #tpu.memory_space<vmem>>) target_semaphore(%arg24 : memref<!tpu.dma_semaphore, #tpu.memory_space<semaphore_mem>>)
    %add3A_18 = arith.constant 4000 : i32
    %add3A_19 = arith.addi %mul3A_2, %add3A_18 : i32
    %dma_start3A_20 = tpu.memref_slice %arg2[%add3A_19] : memref<320000xf32, #tpu.memory_space<hbm>> -> memref<2000xf32, #tpu.memory_space<hbm>>
    %dma_start3A_21 = tpu.memref_slice %arg2[%add3A_19] : memref<320000xf32, #tpu.memory_space<hbm>> -> memref<2000xf32, #tpu.memory_space<hbm>>
    tpu.enqueue_dma source(%dma_start3A_21 : memref<2000xf32, #tpu.memory_space<hbm>>) target(%arg10 : memref<2000xf32, #tpu.memory_space<vmem>>) target_semaphore(%arg24 : memref<!tpu.dma_semaphore, #tpu.memory_space<semaphore_mem>>)
    %add3A_22 = arith.constant 4000 : i32
    %add3A_23 = arith.addi %mul3A_2, %add3A_22 : i32
    %dma_start3A_24 = tpu.memref_slice %arg3[%add3A_23] : memref<320000xi32, #tpu.memory_space<hbm>> -> memref<2000xi32, #tpu.memory_space<hbm>>
    %dma_start3A_25 = tpu.memref_slice %arg3[%add3A_23] : memref<320000xi32, #tpu.memory_space<hbm>> -> memref<2000xi32, #tpu.memory_space<hbm>>
    tpu.enqueue_dma source(%dma_start3A_25 : memref<2000xi32, #tpu.memory_space<hbm>>) target(%arg15 : memref<2000xi32, #tpu.memory_space<vmem>>) target_semaphore(%arg24 : memref<!tpu.dma_semaphore, #tpu.memory_space<semaphore_mem>>)
    %add3A_26 = arith.constant 6000 : i32
    %add3A_27 = arith.addi %mul3A_2, %add3A_26 : i32
    %dma_start3A_28 = tpu.memref_slice %arg2[%add3A_27] : memref<320000xf32, #tpu.memory_space<hbm>> -> memref<2000xf32, #tpu.memory_space<hbm>>
    %dma_start3A_29 = tpu.memref_slice %arg2[%add3A_27] : memref<320000xf32, #tpu.memory_space<hbm>> -> memref<2000xf32, #tpu.memory_space<hbm>>
    tpu.enqueue_dma source(%dma_start3A_29 : memref<2000xf32, #tpu.memory_space<hbm>>) target(%arg11 : memref<2000xf32, #tpu.memory_space<vmem>>) target_semaphore(%arg24 : memref<!tpu.dma_semaphore, #tpu.memory_space<semaphore_mem>>)
    %add3A_30 = arith.constant 6000 : i32
    %add3A_31 = arith.addi %mul3A_2, %add3A_30 : i32
    %dma_start3A_32 = tpu.memref_slice %arg3[%add3A_31] : memref<320000xi32, #tpu.memory_space<hbm>> -> memref<2000xi32, #tpu.memory_space<hbm>>
    %dma_start3A_33 = tpu.memref_slice %arg3[%add3A_31] : memref<320000xi32, #tpu.memory_space<hbm>> -> memref<2000xi32, #tpu.memory_space<hbm>>
    tpu.enqueue_dma source(%dma_start3A_33 : memref<2000xi32, #tpu.memory_space<hbm>>) target(%arg16 : memref<2000xi32, #tpu.memory_space<vmem>>) target_semaphore(%arg24 : memref<!tpu.dma_semaphore, #tpu.memory_space<semaphore_mem>>)
    %add3A_34 = arith.constant 8000 : i32
    %add3A_35 = arith.addi %mul3A_2, %add3A_34 : i32
    %dma_start3A_36 = tpu.memref_slice %arg2[%add3A_35] : memref<320000xf32, #tpu.memory_space<hbm>> -> memref<2000xf32, #tpu.memory_space<hbm>>
    %dma_start3A_37 = tpu.memref_slice %arg2[%add3A_35] : memref<320000xf32, #tpu.memory_space<hbm>> -> memref<2000xf32, #tpu.memory_space<hbm>>
    tpu.enqueue_dma source(%dma_start3A_37 : memref<2000xf32, #tpu.memory_space<hbm>>) target(%arg12 : memref<2000xf32, #tpu.memory_space<vmem>>) target_semaphore(%arg24 : memref<!tpu.dma_semaphore, #tpu.memory_space<semaphore_mem>>)
    %add3A_38 = arith.constant 8000 : i32
    %add3A_39 = arith.addi %mul3A_2, %add3A_38 : i32
    %dma_start3A_40 = tpu.memref_slice %arg3[%add3A_39] : memref<320000xi32, #tpu.memory_space<hbm>> -> memref<2000xi32, #tpu.memory_space<hbm>>
    %dma_start3A_41 = tpu.memref_slice %arg3[%add3A_39] : memref<320000xi32, #tpu.memory_space<hbm>> -> memref<2000xi32, #tpu.memory_space<hbm>>
    tpu.enqueue_dma source(%dma_start3A_41 : memref<2000xi32, #tpu.memory_space<hbm>>) target(%arg17 : memref<2000xi32, #tpu.memory_space<vmem>>) target_semaphore(%arg24 : memref<!tpu.dma_semaphore, #tpu.memory_space<semaphore_mem>>)
    "tpu.region"() ({
      %run_scoped3A = tpu.sem_alloc : memref<!tpu.dma_semaphore, #tpu.memory_space<semaphore_mem>>
      tpu.enqueue_dma source(%arg4 : memref<16xf32, #tpu.memory_space<hbm>>) target(%arg7 : memref<16xf32, #tpu.memory_space<vmem>>) target_semaphore(%run_scoped3A : memref<!tpu.dma_semaphore, #tpu.memory_space<semaphore_mem>>)
      tpu.wait_dma2 semaphore(%run_scoped3A : memref<!tpu.dma_semaphore, #tpu.memory_space<semaphore_mem>>) src(%arg4 : memref<16xf32, #tpu.memory_space<hbm>>) dst(%arg7 : memref<16xf32, #tpu.memory_space<vmem>>)
      tpu.yield
    }) : () -> ()
    %broadcast_in_dim3A = arith.constant 0 : i32
    %broadcast_in_dim3A_42 = vector.broadcast %broadcast_in_dim3A : i32 to vector<16xi32>
    %gather3A = tpu.vector_load_idx %arg7[%broadcast_in_dim3A_42] : memref<16xf32, #tpu.memory_space<vmem>>[vector<16xi32>], vector<16xf32>,
    %broadcast_in_dim3A_43 = arith.constant 1 : i32
    %broadcast_in_dim3A_44 = vector.broadcast %broadcast_in_dim3A_43 : i32 to vector<16xi32>
    %gather3A_45 = tpu.vector_load_idx %arg7[%broadcast_in_dim3A_44] : memref<16xf32, #tpu.memory_space<vmem>>[vector<16xi32>], vector<16xf32>,
    %broadcast_in_dim3A_46 = arith.constant 2 : i32
    %broadcast_in_dim3A_47 = vector.broadcast %broadcast_in_dim3A_46 : i32 to vector<16xi32>
    %gather3A_48 = tpu.vector_load_idx %arg7[%broadcast_in_dim3A_47] : memref<16xf32, #tpu.memory_space<vmem>>[vector<16xi32>], vector<16xf32>,
    %broadcast_in_dim3A_49 = arith.constant 3 : i32
    %broadcast_in_dim3A_50 = vector.broadcast %broadcast_in_dim3A_49 : i32 to vector<16xi32>
    %gather3A_51 = tpu.vector_load_idx %arg7[%broadcast_in_dim3A_50] : memref<16xf32, #tpu.memory_space<vmem>>[vector<16xi32>], vector<16xf32>,
    %broadcast_in_dim3A_52 = arith.constant 4 : i32
    %broadcast_in_dim3A_53 = vector.broadcast %broadcast_in_dim3A_52 : i32 to vector<16xi32>
    %gather3A_54 = tpu.vector_load_idx %arg7[%broadcast_in_dim3A_53] : memref<16xf32, #tpu.memory_space<vmem>>[vector<16xi32>], vector<16xf32>,
    %broadcast_in_dim3A_55 = arith.constant 5 : i32
    %broadcast_in_dim3A_56 = vector.broadcast %broadcast_in_dim3A_55 : i32 to vector<16xi32>
    %gather3A_57 = tpu.vector_load_idx %arg7[%broadcast_in_dim3A_56] : memref<16xf32, #tpu.memory_space<vmem>>[vector<16xi32>], vector<16xf32>,
    %broadcast_in_dim3A_58 = arith.constant 6 : i32
    %broadcast_in_dim3A_59 = vector.broadcast %broadcast_in_dim3A_58 : i32 to vector<16xi32>
    %gather3A_60 = tpu.vector_load_idx %arg7[%broadcast_in_dim3A_59] : memref<16xf32, #tpu.memory_space<vmem>>[vector<16xi32>], vector<16xf32>,
    %broadcast_in_dim3A_61 = arith.constant 7 : i32
    %broadcast_in_dim3A_62 = vector.broadcast %broadcast_in_dim3A_61 : i32 to vector<16xi32>
    %gather3A_63 = tpu.vector_load_idx %arg7[%broadcast_in_dim3A_62] : memref<16xf32, #tpu.memory_space<vmem>>[vector<16xi32>], vector<16xf32>,
    %broadcast_in_dim3A_64 = arith.constant 8 : i32
    %broadcast_in_dim3A_65 = vector.broadcast %broadcast_in_dim3A_64 : i32 to vector<16xi32>
    %gather3A_66 = tpu.vector_load_idx %arg7[%broadcast_in_dim3A_65] : memref<16xf32, #tpu.memory_space<vmem>>[vector<16xi32>], vector<16xf32>,
    %broadcast_in_dim3A_67 = arith.constant 9 : i32
    %broadcast_in_dim3A_68 = vector.broadcast %broadcast_in_dim3A_67 : i32 to vector<16xi32>
    %gather3A_69 = tpu.vector_load_idx %arg7[%broadcast_in_dim3A_68] : memref<16xf32, #tpu.memory_space<vmem>>[vector<16xi32>], vector<16xf32>,
    %broadcast_in_dim3A_70 = arith.constant 10 : i32
    %broadcast_in_dim3A_71 = vector.broadcast %broadcast_in_dim3A_70 : i32 to vector<16xi32>
    %gather3A_72 = tpu.vector_load_idx %arg7[%broadcast_in_dim3A_71] : memref<16xf32, #tpu.memory_space<vmem>>[vector<16xi32>], vector<16xf32>,
    %broadcast_in_dim3A_73 = arith.constant 0.000000e+00 : f32
    %broadcast_in_dim3A_74 = vector.broadcast %broadcast_in_dim3A_73 : f32 to vector<16xf32>
    %scan3A = arith.constant 0 : i32
    %scan3A_75 = arith.constant 0 : i32
    %scan3A_76 = arith.constant 625 : i32
    %scan3A_77 = arith.addi %scan3A_75, %scan3A_76 : i32
    %scan3A_78 = arith.constant 1 : i32
    %scan3A_79 = scf.for %scan3A_373 = %scan3A_75 to %scan3A_77 step %scan3A_78 iter_args(%scan3A_374 = %scan3A) -> (i32)  : i32 {
      %mul3A_375 = arith.constant 16 : i32
      %mul3A_376 = arith.muli %scan3A_373, %mul3A_375 : i32
      %swap3A_377 = arith.index_cast %mul3A_376 : i32 to index
      %swap3A_378 = tpu.vector_load %arg23[%swap3A_377] {strides = array<i32>} : memref<10000xf32, #tpu.memory_space<vmem>>, vector<16xf32>,
      tpu.vector_store %arg23[%swap3A_377], %broadcast_in_dim3A_74 {strides = array<i32>} : memref<10000xf32, #tpu.memory_space<vmem>>, vector<16xf32>,
      %scan3A_379 = arith.constant 0 : i32
      scf.yield %scan3A_379 : i32
    }
    %scan3A_80 = arith.constant 625 : i32
    %dma_wait3A = tpu.memref_slice %arg2[%mul3A_2] : memref<320000xf32, #tpu.memory_space<hbm>> -> memref<2000xf32, #tpu.memory_space<hbm>>
    %dma_wait3A_81 = tpu.memref_slice %arg2[%mul3A_2] : memref<320000xf32, #tpu.memory_space<hbm>> -> memref<2000xf32, #tpu.memory_space<hbm>>
    tpu.wait_dma2 semaphore(%arg24 : memref<!tpu.dma_semaphore, #tpu.memory_space<semaphore_mem>>) src(%dma_wait3A_81 : memref<2000xf32, #tpu.memory_space<hbm>>) dst(%arg8 : memref<2000xf32, #tpu.memory_space<vmem>>)
    %dma_wait3A_82 = tpu.memref_slice %arg3[%mul3A_2] : memref<320000xi32, #tpu.memory_space<hbm>> -> memref<2000xi32, #tpu.memory_space<hbm>>
    %dma_wait3A_83 = tpu.memref_slice %arg3[%mul3A_2] : memref<320000xi32, #tpu.memory_space<hbm>> -> memref<2000xi32, #tpu.memory_space<hbm>>
    tpu.wait_dma2 semaphore(%arg24 : memref<!tpu.dma_semaphore, #tpu.memory_space<semaphore_mem>>) src(%dma_wait3A_83 : memref<2000xi32, #tpu.memory_space<hbm>>) dst(%arg13 : memref<2000xi32, #tpu.memory_space<vmem>>)
    %dma_wait3A_84 = tpu.memref_slice %arg2[%mul3A_2] : memref<320000xf32, #tpu.memory_space<hbm>> -> memref<2000xf32, #tpu.memory_space<hbm>>
    %dma_wait3A_85 = tpu.memref_slice %arg2[%mul3A_2] : memref<320000xf32, #tpu.memory_space<hbm>> -> memref<2000xf32, #tpu.memory_space<hbm>>
    tpu.wait_dma2 semaphore(%arg24 : memref<!tpu.dma_semaphore, #tpu.memory_space<semaphore_mem>>) src(%dma_wait3A_85 : memref<2000xf32, #tpu.memory_space<hbm>>) dst(%arg9 : memref<2000xf32, #tpu.memory_space<vmem>>)
    %dma_wait3A_86 = tpu.memref_slice %arg3[%mul3A_2] : memref<320000xi32, #tpu.memory_space<hbm>> -> memref<2000xi32, #tpu.memory_space<hbm>>
    %dma_wait3A_87 = tpu.memref_slice %arg3[%mul3A_2] : memref<320000xi32, #tpu.memory_space<hbm>> -> memref<2000xi32, #tpu.memory_space<hbm>>
    tpu.wait_dma2 semaphore(%arg24 : memref<!tpu.dma_semaphore, #tpu.memory_space<semaphore_mem>>) src(%dma_wait3A_87 : memref<2000xi32, #tpu.memory_space<hbm>>) dst(%arg14 : memref<2000xi32, #tpu.memory_space<vmem>>)
    %dma_wait3A_88 = tpu.memref_slice %arg2[%mul3A_2] : memref<320000xf32, #tpu.memory_space<hbm>> -> memref<2000xf32, #tpu.memory_space<hbm>>
    %dma_wait3A_89 = tpu.memref_slice %arg2[%mul3A_2] : memref<320000xf32, #tpu.memory_space<hbm>> -> memref<2000xf32, #tpu.memory_space<hbm>>
    tpu.wait_dma2 semaphore(%arg24 : memref<!tpu.dma_semaphore, #tpu.memory_space<semaphore_mem>>) src(%dma_wait3A_89 : memref<2000xf32, #tpu.memory_space<hbm>>) dst(%arg10 : memref<2000xf32, #tpu.memory_space<vmem>>)
    %dma_wait3A_90 = tpu.memref_slice %arg3[%mul3A_2] : memref<320000xi32, #tpu.memory_space<hbm>> -> memref<2000xi32, #tpu.memory_space<hbm>>
    %dma_wait3A_91 = tpu.memref_slice %arg3[%mul3A_2] : memref<320000xi32, #tpu.memory_space<hbm>> -> memref<2000xi32, #tpu.memory_space<hbm>>
    tpu.wait_dma2 semaphore(%arg24 : memref<!tpu.dma_semaphore, #tpu.memory_space<semaphore_mem>>) src(%dma_wait3A_91 : memref<2000xi32, #tpu.memory_space<hbm>>) dst(%arg15 : memref<2000xi32, #tpu.memory_space<vmem>>)
    %dma_wait3A_92 = tpu.memref_slice %arg2[%mul3A_2] : memref<320000xf32, #tpu.memory_space<hbm>> -> memref<2000xf32, #tpu.memory_space<hbm>>
    %dma_wait3A_93 = tpu.memref_slice %arg2[%mul3A_2] : memref<320000xf32, #tpu.memory_space<hbm>> -> memref<2000xf32, #tpu.memory_space<hbm>>
    tpu.wait_dma2 semaphore(%arg24 : memref<!tpu.dma_semaphore, #tpu.memory_space<semaphore_mem>>) src(%dma_wait3A_93 : memref<2000xf32, #tpu.memory_space<hbm>>) dst(%arg11 : memref<2000xf32, #tpu.memory_space<vmem>>)
    %dma_wait3A_94 = tpu.memref_slice %arg3[%mul3A_2] : memref<320000xi32, #tpu.memory_space<hbm>> -> memref<2000xi32, #tpu.memory_space<hbm>>
    %dma_wait3A_95 = tpu.memref_slice %arg3[%mul3A_2] : memref<320000xi32, #tpu.memory_space<hbm>> -> memref<2000xi32, #tpu.memory_space<hbm>>
    tpu.wait_dma2 semaphore(%arg24 : memref<!tpu.dma_semaphore, #tpu.memory_space<semaphore_mem>>) src(%dma_wait3A_95 : memref<2000xi32, #tpu.memory_space<hbm>>) dst(%arg16 : memref<2000xi32, #tpu.memory_space<vmem>>)
    %dma_wait3A_96 = tpu.memref_slice %arg2[%mul3A_2] : memref<320000xf32, #tpu.memory_space<hbm>> -> memref<2000xf32, #tpu.memory_space<hbm>>
    %dma_wait3A_97 = tpu.memref_slice %arg2[%mul3A_2] : memref<320000xf32, #tpu.memory_space<hbm>> -> memref<2000xf32, #tpu.memory_space<hbm>>
    tpu.wait_dma2 semaphore(%arg24 : memref<!tpu.dma_semaphore, #tpu.memory_space<semaphore_mem>>) src(%dma_wait3A_97 : memref<2000xf32, #tpu.memory_space<hbm>>) dst(%arg12 : memref<2000xf32, #tpu.memory_space<vmem>>)
    %dma_wait3A_98 = tpu.memref_slice %arg3[%mul3A_2] : memref<320000xi32, #tpu.memory_space<hbm>> -> memref<2000xi32, #tpu.memory_space<hbm>>
    %dma_wait3A_99 = tpu.memref_slice %arg3[%mul3A_2] : memref<320000xi32, #tpu.memory_space<hbm>> -> memref<2000xi32, #tpu.memory_space<hbm>>
    tpu.wait_dma2 semaphore(%arg24 : memref<!tpu.dma_semaphore, #tpu.memory_space<semaphore_mem>>) src(%dma_wait3A_99 : memref<2000xi32, #tpu.memory_space<hbm>>) dst(%arg17 : memref<2000xi32, #tpu.memory_space<vmem>>)
    %scan3A_100 = arith.constant 0 : i32
    %scan3A_101 = arith.constant 0 : i32
    %scan3A_102 = arith.constant 124 : i32
    %scan3A_103 = arith.addi %scan3A_101, %scan3A_102 : i32
    %scan3A_104 = arith.constant 2 : i32
    %scan3A_105 = scf.for %scan3A_373 = %scan3A_101 to %scan3A_103 step %scan3A_104 iter_args(%scan3A_374 = %scan3A_100) -> (i32)  : i32 {
      %mul3A_375 = arith.constant 16 : i32
      %mul3A_376 = arith.muli %scan3A_373, %mul3A_375 : i32
      %get3A_377 = arith.index_cast %mul3A_376 : i32 to index
      %get3A_378 = tpu.vector_load %arg8[%get3A_377] {strides = array<i32>} : memref<2000xf32, #tpu.memory_space<vmem>>, vector<16xf32>,
      %mul3A_379 = arith.constant 16 : i32
      %mul3A_380 = arith.muli %scan3A_373, %mul3A_379 : i32
      %get3A_381 = arith.index_cast %mul3A_380 : i32 to index
      %get3A_382 = tpu.vector_load %arg13[%get3A_381] {strides = array<i32>} : memref<2000xi32, #tpu.memory_space<vmem>>, vector<16xi32>,
      %neg3A_383 = arith.constant 0.000000e+00 : f32
      %neg3A_384 = vector.broadcast %neg3A_383 : f32 to vector<16xf32>
      %neg3A_385 = arith.subf %neg3A_384, %get3A_378 : vector<16xf32>
      %exp3A_386 = math.exp %neg3A_385 : vector<16xf32>
      %mul3A_387 = arith.mulf %gather3A_69, %exp3A_386 : vector<16xf32>
      %add3A_388 = arith.addf %mul3A_387, %gather3A_66 : vector<16xf32>
      %mul3A_389 = arith.mulf %add3A_388, %exp3A_386 : vector<16xf32>
      %add3A_390 = arith.addf %mul3A_389, %gather3A_63 : vector<16xf32>
      %mul3A_391 = arith.mulf %add3A_390, %exp3A_386 : vector<16xf32>
      %add3A_392 = arith.addf %mul3A_391, %gather3A_60 : vector<16xf32>
      %mul3A_393 = arith.mulf %add3A_392, %exp3A_386 : vector<16xf32>
      %add3A_394 = arith.addf %mul3A_393, %gather3A_57 : vector<16xf32>
      %mul3A_395 = arith.mulf %add3A_394, %exp3A_386 : vector<16xf32>
      %add3A_396 = arith.addf %mul3A_395, %gather3A_54 : vector<16xf32>
      %mul3A_397 = arith.mulf %add3A_396, %exp3A_386 : vector<16xf32>
      %add3A_398 = arith.addf %mul3A_397, %gather3A_51 : vector<16xf32>
      %mul3A_399 = arith.mulf %add3A_398, %exp3A_386 : vector<16xf32>
      %add3A_400 = arith.addf %mul3A_399, %gather3A_48 : vector<16xf32>
      %mul3A_401 = arith.mulf %add3A_400, %exp3A_386 : vector<16xf32>
      %add3A_402 = arith.addf %mul3A_401, %gather3A_45 : vector<16xf32>
      %mul3A_403 = arith.mulf %add3A_402, %exp3A_386 : vector<16xf32>
      %add3A_404 = arith.addf %mul3A_403, %gather3A : vector<16xf32>
      %mul3A_405 = arith.mulf %exp3A_386, %add3A_404 : vector<16xf32>
      %mul3A_406 = arith.constant 5.000000e-01 : f32
      %mul3A_407 = vector.broadcast %mul3A_406 : f32 to vector<16xf32>
      %mul3A_408 = arith.mulf %mul3A_407, %mul3A_405 : vector<16xf32>
      %add3A_409 = arith.addf %gather3A_72, %mul3A_408 : vector<16xf32>
      %mul3A_410 = arith.constant 16 : i32
      %mul3A_411 = arith.muli %scan3A_373, %mul3A_410 : i32
      %swap3A_412 = arith.index_cast %mul3A_411 : i32 to index
      %swap3A_413 = tpu.vector_load %arg18[%swap3A_412] {strides = array<i32>} : memref<2000xf32, #tpu.memory_space<vmem>>, vector<16xf32>,
      tpu.vector_store %arg18[%swap3A_412], %add3A_409 {strides = array<i32>} : memref<2000xf32, #tpu.memory_space<vmem>>, vector<16xf32>,
      tpu.vector_store_idx %arg23[%get3A_382], %add3A_409 {add = true} : memref<10000xf32, #tpu.memory_space<vmem>>[vector<16xi32>], vector<16xf32>,
      %scan3A_414 = arith.constant 0 : i32
      %scan3A_415 = arith.constant 1 : i32
      %scan3A_416 = arith.addi %scan3A_373, %scan3A_415 : i32
      %mul3A_417 = arith.constant 16 : i32
      %mul3A_418 = arith.muli %scan3A_416, %mul3A_417 : i32
      %get3A_419 = arith.index_cast %mul3A_418 : i32 to index
      %get3A_420 = tpu.vector_load %arg8[%get3A_419] {strides = array<i32>} : memref<2000xf32, #tpu.memory_space<vmem>>, vector<16xf32>,
      %mul3A_421 = arith.constant 16 : i32
      %mul3A_422 = arith.muli %scan3A_416, %mul3A_421 : i32
      %get3A_423 = arith.index_cast %mul3A_422 : i32 to index
      %get3A_424 = tpu.vector_load %arg13[%get3A_423] {strides = array<i32>} : memref<2000xi32, #tpu.memory_space<vmem>>, vector<16xi32>,
      %neg3A_425 = arith.constant 0.000000e+00 : f32
      %neg3A_426 = vector.broadcast %neg3A_425 : f32 to vector<16xf32>
      %neg3A_427 = arith.subf %neg3A_426, %get3A_420 : vector<16xf32>
      %exp3A_428 = math.exp %neg3A_427 : vector<16xf32>
      %mul3A_429 = arith.mulf %gather3A_69, %exp3A_428 : vector<16xf32>
      %add3A_430 = arith.addf %mul3A_429, %gather3A_66 : vector<16xf32>
      %mul3A_431 = arith.mulf %add3A_430, %exp3A_428 : vector<16xf32>
      %add3A_432 = arith.addf %mul3A_431, %gather3A_63 : vector<16xf32>
      %mul3A_433 = arith.mulf %add3A_432, %exp3A_428 : vector<16xf32>
      %add3A_434 = arith.addf %mul3A_433, %gather3A_60 : vector<16xf32>
      %mul3A_435 = arith.mulf %add3A_434, %exp3A_428 : vector<16xf32>
      %add3A_436 = arith.addf %mul3A_435, %gather3A_57 : vector<16xf32>
      %mul3A_437 = arith.mulf %add3A_436, %exp3A_428 : vector<16xf32>
      %add3A_438 = arith.addf %mul3A_437, %gather3A_54 : vector<16xf32>
      %mul3A_439 = arith.mulf %add3A_438, %exp3A_428 : vector<16xf32>
      %add3A_440 = arith.addf %mul3A_439, %gather3A_51 : vector<16xf32>
      %mul3A_441 = arith.mulf %add3A_440, %exp3A_428 : vector<16xf32>
      %add3A_442 = arith.addf %mul3A_441, %gather3A_48 : vector<16xf32>
      %mul3A_443 = arith.mulf %add3A_442, %exp3A_428 : vector<16xf32>
      %add3A_444 = arith.addf %mul3A_443, %gather3A_45 : vector<16xf32>
      %mul3A_445 = arith.mulf %add3A_444, %exp3A_428 : vector<16xf32>
      %add3A_446 = arith.addf %mul3A_445, %gather3A : vector<16xf32>
      %mul3A_447 = arith.mulf %exp3A_428, %add3A_446 : vector<16xf32>
      %mul3A_448 = arith.constant 5.000000e-01 : f32
      %mul3A_449 = vector.broadcast %mul3A_448 : f32 to vector<16xf32>
      %mul3A_450 = arith.mulf %mul3A_449, %mul3A_447 : vector<16xf32>
      %add3A_451 = arith.addf %gather3A_72, %mul3A_450 : vector<16xf32>
      %mul3A_452 = arith.constant 16 : i32
      %mul3A_453 = arith.muli %scan3A_416, %mul3A_452 : i32
      %swap3A_454 = arith.index_cast %mul3A_453 : i32 to index
      %swap3A_455 = tpu.vector_load %arg18[%swap3A_454] {strides = array<i32>} : memref<2000xf32, #tpu.memory_space<vmem>>, vector<16xf32>,
      tpu.vector_store %arg18[%swap3A_454], %add3A_451 {strides = array<i32>} : memref<2000xf32, #tpu.memory_space<vmem>>, vector<16xf32>,
      tpu.vector_store_idx %arg23[%get3A_424], %add3A_451 {add = true} : memref<10000xf32, #tpu.memory_space<vmem>>[vector<16xi32>], vector<16xf32>,
      %scan3A_456 = arith.constant 0 : i32
      scf.yield %scan3A_456 : i32
    }
    %scan3A_106 = arith.constant 124 : i32
    %scan3A_107 = arith.addi %scan3A_101, %scan3A_106 : i32
    %mul3A_108 = arith.constant 16 : i32
    %mul3A_109 = arith.muli %scan3A_107, %mul3A_108 : i32
    %get3A = arith.index_cast %mul3A_109 : i32 to index
    %get3A_110 = tpu.vector_load %arg8[%get3A] {strides = array<i32>} : memref<2000xf32, #tpu.memory_space<vmem>>, vector<16xf32>,
    %mul3A_111 = arith.constant 16 : i32
    %mul3A_112 = arith.muli %scan3A_107, %mul3A_111 : i32
    %get3A_113 = arith.index_cast %mul3A_112 : i32 to index
    %get3A_114 = tpu.vector_load %arg13[%get3A_113] {strides = array<i32>} : memref<2000xi32, #tpu.memory_space<vmem>>, vector<16xi32>,
    %neg3A = arith.constant 0.000000e+00 : f32
    %neg3A_115 = vector.broadcast %neg3A : f32 to vector<16xf32>
    %neg3A_116 = arith.subf %neg3A_115, %get3A_110 : vector<16xf32>
    %exp3A = math.exp %neg3A_116 : vector<16xf32>
    %mul3A_117 = arith.mulf %gather3A_69, %exp3A : vector<16xf32>
    %add3A_118 = arith.addf %mul3A_117, %gather3A_66 : vector<16xf32>
    %mul3A_119 = arith.mulf %add3A_118, %exp3A : vector<16xf32>
    %add3A_120 = arith.addf %mul3A_119, %gather3A_63 : vector<16xf32>
    %mul3A_121 = arith.mulf %add3A_120, %exp3A : vector<16xf32>
    %add3A_122 = arith.addf %mul3A_121, %gather3A_60 : vector<16xf32>
    %mul3A_123 = arith.mulf %add3A_122, %exp3A : vector<16xf32>
    %add3A_124 = arith.addf %mul3A_123, %gather3A_57 : vector<16xf32>
    %mul3A_125 = arith.mulf %add3A_124, %exp3A : vector<16xf32>
    %add3A_126 = arith.addf %mul3A_125, %gather3A_54 : vector<16xf32>
    %mul3A_127 = arith.mulf %add3A_126, %exp3A : vector<16xf32>
    %add3A_128 = arith.addf %mul3A_127, %gather3A_51 : vector<16xf32>
    %mul3A_129 = arith.mulf %add3A_128, %exp3A : vector<16xf32>
    %add3A_130 = arith.addf %mul3A_129, %gather3A_48 : vector<16xf32>
    %mul3A_131 = arith.mulf %add3A_130, %exp3A : vector<16xf32>
    %add3A_132 = arith.addf %mul3A_131, %gather3A_45 : vector<16xf32>
    %mul3A_133 = arith.mulf %add3A_132, %exp3A : vector<16xf32>
    %add3A_134 = arith.addf %mul3A_133, %gather3A : vector<16xf32>
    %mul3A_135 = arith.mulf %exp3A, %add3A_134 : vector<16xf32>
    %mul3A_136 = arith.constant 5.000000e-01 : f32
    %mul3A_137 = vector.broadcast %mul3A_136 : f32 to vector<16xf32>
    %mul3A_138 = arith.mulf %mul3A_137, %mul3A_135 : vector<16xf32>
    %add3A_139 = arith.addf %gather3A_72, %mul3A_138 : vector<16xf32>
    %mul3A_140 = arith.constant 16 : i32
    %mul3A_141 = arith.muli %scan3A_107, %mul3A_140 : i32
    %swap3A = arith.index_cast %mul3A_141 : i32 to index
    %swap3A_142 = tpu.vector_load %arg18[%swap3A] {strides = array<i32>} : memref<2000xf32, #tpu.memory_space<vmem>>, vector<16xf32>,
    tpu.vector_store %arg18[%swap3A], %add3A_139 {strides = array<i32>} : memref<2000xf32, #tpu.memory_space<vmem>>, vector<16xf32>,
    tpu.vector_store_idx %arg23[%get3A_114], %add3A_139 {add = true} : memref<10000xf32, #tpu.memory_space<vmem>>[vector<16xi32>], vector<16xf32>,
    %scan3A_143 = arith.constant 0 : i32
    %scan3A_144 = arith.constant 125 : i32
    %add3A_145 = arith.constant 0 : i32
    %add3A_146 = arith.addi %mul3A_2, %add3A_145 : i32
    %dma_start3A_147 = tpu.memref_slice %arg5[%add3A_146] : memref<320000xf32, #tpu.memory_space<hbm>> -> memref<2000xf32, #tpu.memory_space<hbm>>
    %dma_start3A_148 = tpu.memref_slice %arg5[%add3A_146] : memref<320000xf32, #tpu.memory_space<hbm>> -> memref<2000xf32, #tpu.memory_space<hbm>>
    tpu.enqueue_dma source(%arg18 : memref<2000xf32, #tpu.memory_space<vmem>>) target(%dma_start3A_148 : memref<2000xf32, #tpu.memory_space<hbm>>) target_semaphore(%arg25 : memref<!tpu.dma_semaphore, #tpu.memory_space<semaphore_mem>>)
    %scan3A_149 = arith.constant 0 : i32
    %scan3A_150 = arith.constant 0 : i32
    %scan3A_151 = arith.constant 124 : i32
    %scan3A_152 = arith.addi %scan3A_150, %scan3A_151 : i32
    %scan3A_153 = arith.constant 2 : i32
    %scan3A_154 = scf.for %scan3A_373 = %scan3A_150 to %scan3A_152 step %scan3A_153 iter_args(%scan3A_374 = %scan3A_149) -> (i32)  : i32 {
      %mul3A_375 = arith.constant 16 : i32
      %mul3A_376 = arith.muli %scan3A_373, %mul3A_375 : i32
      %get3A_377 = arith.index_cast %mul3A_376 : i32 to index
      %get3A_378 = tpu.vector_load %arg9[%get3A_377] {strides = array<i32>} : memref<2000xf32, #tpu.memory_space<vmem>>, vector<16xf32>,
      %mul3A_379 = arith.constant 16 : i32
      %mul3A_380 = arith.muli %scan3A_373, %mul3A_379 : i32
      %get3A_381 = arith.index_cast %mul3A_380 : i32 to index
      %get3A_382 = tpu.vector_load %arg14[%get3A_381] {strides = array<i32>} : memref<2000xi32, #tpu.memory_space<vmem>>, vector<16xi32>,
      %neg3A_383 = arith.constant 0.000000e+00 : f32
      %neg3A_384 = vector.broadcast %neg3A_383 : f32 to vector<16xf32>
      %neg3A_385 = arith.subf %neg3A_384, %get3A_378 : vector<16xf32>
      %exp3A_386 = math.exp %neg3A_385 : vector<16xf32>
      %mul3A_387 = arith.mulf %gather3A_69, %exp3A_386 : vector<16xf32>
      %add3A_388 = arith.addf %mul3A_387, %gather3A_66 : vector<16xf32>
      %mul3A_389 = arith.mulf %add3A_388, %exp3A_386 : vector<16xf32>
      %add3A_390 = arith.addf %mul3A_389, %gather3A_63 : vector<16xf32>
      %mul3A_391 = arith.mulf %add3A_390, %exp3A_386 : vector<16xf32>
      %add3A_392 = arith.addf %mul3A_391, %gather3A_60 : vector<16xf32>
      %mul3A_393 = arith.mulf %add3A_392, %exp3A_386 : vector<16xf32>
      %add3A_394 = arith.addf %mul3A_393, %gather3A_57 : vector<16xf32>
      %mul3A_395 = arith.mulf %add3A_394, %exp3A_386 : vector<16xf32>
      %add3A_396 = arith.addf %mul3A_395, %gather3A_54 : vector<16xf32>
      %mul3A_397 = arith.mulf %add3A_396, %exp3A_386 : vector<16xf32>
      %add3A_398 = arith.addf %mul3A_397, %gather3A_51 : vector<16xf32>
      %mul3A_399 = arith.mulf %add3A_398, %exp3A_386 : vector<16xf32>
      %add3A_400 = arith.addf %mul3A_399, %gather3A_48 : vector<16xf32>
      %mul3A_401 = arith.mulf %add3A_400, %exp3A_386 : vector<16xf32>
      %add3A_402 = arith.addf %mul3A_401, %gather3A_45 : vector<16xf32>
      %mul3A_403 = arith.mulf %add3A_402, %exp3A_386 : vector<16xf32>
      %add3A_404 = arith.addf %mul3A_403, %gather3A : vector<16xf32>
      %mul3A_405 = arith.mulf %exp3A_386, %add3A_404 : vector<16xf32>
      %mul3A_406 = arith.constant 5.000000e-01 : f32
      %mul3A_407 = vector.broadcast %mul3A_406 : f32 to vector<16xf32>
      %mul3A_408 = arith.mulf %mul3A_407, %mul3A_405 : vector<16xf32>
      %add3A_409 = arith.addf %gather3A_72, %mul3A_408 : vector<16xf32>
      %mul3A_410 = arith.constant 16 : i32
      %mul3A_411 = arith.muli %scan3A_373, %mul3A_410 : i32
      %swap3A_412 = arith.index_cast %mul3A_411 : i32 to index
      %swap3A_413 = tpu.vector_load %arg19[%swap3A_412] {strides = array<i32>} : memref<2000xf32, #tpu.memory_space<vmem>>, vector<16xf32>,
      tpu.vector_store %arg19[%swap3A_412], %add3A_409 {strides = array<i32>} : memref<2000xf32, #tpu.memory_space<vmem>>, vector<16xf32>,
      tpu.vector_store_idx %arg23[%get3A_382], %add3A_409 {add = true} : memref<10000xf32, #tpu.memory_space<vmem>>[vector<16xi32>], vector<16xf32>,
      %scan3A_414 = arith.constant 0 : i32
      %scan3A_415 = arith.constant 1 : i32
      %scan3A_416 = arith.addi %scan3A_373, %scan3A_415 : i32
      %mul3A_417 = arith.constant 16 : i32
      %mul3A_418 = arith.muli %scan3A_416, %mul3A_417 : i32
      %get3A_419 = arith.index_cast %mul3A_418 : i32 to index
      %get3A_420 = tpu.vector_load %arg9[%get3A_419] {strides = array<i32>} : memref<2000xf32, #tpu.memory_space<vmem>>, vector<16xf32>,
      %mul3A_421 = arith.constant 16 : i32
      %mul3A_422 = arith.muli %scan3A_416, %mul3A_421 : i32
      %get3A_423 = arith.index_cast %mul3A_422 : i32 to index
      %get3A_424 = tpu.vector_load %arg14[%get3A_423] {strides = array<i32>} : memref<2000xi32, #tpu.memory_space<vmem>>, vector<16xi32>,
      %neg3A_425 = arith.constant 0.000000e+00 : f32
      %neg3A_426 = vector.broadcast %neg3A_425 : f32 to vector<16xf32>
      %neg3A_427 = arith.subf %neg3A_426, %get3A_420 : vector<16xf32>
      %exp3A_428 = math.exp %neg3A_427 : vector<16xf32>
      %mul3A_429 = arith.mulf %gather3A_69, %exp3A_428 : vector<16xf32>
      %add3A_430 = arith.addf %mul3A_429, %gather3A_66 : vector<16xf32>
      %mul3A_431 = arith.mulf %add3A_430, %exp3A_428 : vector<16xf32>
      %add3A_432 = arith.addf %mul3A_431, %gather3A_63 : vector<16xf32>
      %mul3A_433 = arith.mulf %add3A_432, %exp3A_428 : vector<16xf32>
      %add3A_434 = arith.addf %mul3A_433, %gather3A_60 : vector<16xf32>
      %mul3A_435 = arith.mulf %add3A_434, %exp3A_428 : vector<16xf32>
      %add3A_436 = arith.addf %mul3A_435, %gather3A_57 : vector<16xf32>
      %mul3A_437 = arith.mulf %add3A_436, %exp3A_428 : vector<16xf32>
      %add3A_438 = arith.addf %mul3A_437, %gather3A_54 : vector<16xf32>
      %mul3A_439 = arith.mulf %add3A_438, %exp3A_428 : vector<16xf32>
      %add3A_440 = arith.addf %mul3A_439, %gather3A_51 : vector<16xf32>
      %mul3A_441 = arith.mulf %add3A_440, %exp3A_428 : vector<16xf32>
      %add3A_442 = arith.addf %mul3A_441, %gather3A_48 : vector<16xf32>
      %mul3A_443 = arith.mulf %add3A_442, %exp3A_428 : vector<16xf32>
      %add3A_444 = arith.addf %mul3A_443, %gather3A_45 : vector<16xf32>
      %mul3A_445 = arith.mulf %add3A_444, %exp3A_428 : vector<16xf32>
      %add3A_446 = arith.addf %mul3A_445, %gather3A : vector<16xf32>
      %mul3A_447 = arith.mulf %exp3A_428, %add3A_446 : vector<16xf32>
      %mul3A_448 = arith.constant 5.000000e-01 : f32
      %mul3A_449 = vector.broadcast %mul3A_448 : f32 to vector<16xf32>
      %mul3A_450 = arith.mulf %mul3A_449, %mul3A_447 : vector<16xf32>
      %add3A_451 = arith.addf %gather3A_72, %mul3A_450 : vector<16xf32>
      %mul3A_452 = arith.constant 16 : i32
      %mul3A_453 = arith.muli %scan3A_416, %mul3A_452 : i32
      %swap3A_454 = arith.index_cast %mul3A_453 : i32 to index
      %swap3A_455 = tpu.vector_load %arg19[%swap3A_454] {strides = array<i32>} : memref<2000xf32, #tpu.memory_space<vmem>>, vector<16xf32>,
      tpu.vector_store %arg19[%swap3A_454], %add3A_451 {strides = array<i32>} : memref<2000xf32, #tpu.memory_space<vmem>>, vector<16xf32>,
      tpu.vector_store_idx %arg23[%get3A_424], %add3A_451 {add = true} : memref<10000xf32, #tpu.memory_space<vmem>>[vector<16xi32>], vector<16xf32>,
      %scan3A_456 = arith.constant 0 : i32
      scf.yield %scan3A_456 : i32
    }
    %scan3A_155 = arith.constant 124 : i32
    %scan3A_156 = arith.addi %scan3A_150, %scan3A_155 : i32
    %mul3A_157 = arith.constant 16 : i32
    %mul3A_158 = arith.muli %scan3A_156, %mul3A_157 : i32
    %get3A_159 = arith.index_cast %mul3A_158 : i32 to index
    %get3A_160 = tpu.vector_load %arg9[%get3A_159] {strides = array<i32>} : memref<2000xf32, #tpu.memory_space<vmem>>, vector<16xf32>,
    %mul3A_161 = arith.constant 16 : i32
    %mul3A_162 = arith.muli %scan3A_156, %mul3A_161 : i32
    %get3A_163 = arith.index_cast %mul3A_162 : i32 to index
    %get3A_164 = tpu.vector_load %arg14[%get3A_163] {strides = array<i32>} : memref<2000xi32, #tpu.memory_space<vmem>>, vector<16xi32>,
    %neg3A_165 = arith.constant 0.000000e+00 : f32
    %neg3A_166 = vector.broadcast %neg3A_165 : f32 to vector<16xf32>
    %neg3A_167 = arith.subf %neg3A_166, %get3A_160 : vector<16xf32>
    %exp3A_168 = math.exp %neg3A_167 : vector<16xf32>
    %mul3A_169 = arith.mulf %gather3A_69, %exp3A_168 : vector<16xf32>
    %add3A_170 = arith.addf %mul3A_169, %gather3A_66 : vector<16xf32>
    %mul3A_171 = arith.mulf %add3A_170, %exp3A_168 : vector<16xf32>
    %add3A_172 = arith.addf %mul3A_171, %gather3A_63 : vector<16xf32>
    %mul3A_173 = arith.mulf %add3A_172, %exp3A_168 : vector<16xf32>
    %add3A_174 = arith.addf %mul3A_173, %gather3A_60 : vector<16xf32>
    %mul3A_175 = arith.mulf %add3A_174, %exp3A_168 : vector<16xf32>
    %add3A_176 = arith.addf %mul3A_175, %gather3A_57 : vector<16xf32>
    %mul3A_177 = arith.mulf %add3A_176, %exp3A_168 : vector<16xf32>
    %add3A_178 = arith.addf %mul3A_177, %gather3A_54 : vector<16xf32>
    %mul3A_179 = arith.mulf %add3A_178, %exp3A_168 : vector<16xf32>
    %add3A_180 = arith.addf %mul3A_179, %gather3A_51 : vector<16xf32>
    %mul3A_181 = arith.mulf %add3A_180, %exp3A_168 : vector<16xf32>
    %add3A_182 = arith.addf %mul3A_181, %gather3A_48 : vector<16xf32>
    %mul3A_183 = arith.mulf %add3A_182, %exp3A_168 : vector<16xf32>
    %add3A_184 = arith.addf %mul3A_183, %gather3A_45 : vector<16xf32>
    %mul3A_185 = arith.mulf %add3A_184, %exp3A_168 : vector<16xf32>
    %add3A_186 = arith.addf %mul3A_185, %gather3A : vector<16xf32>
    %mul3A_187 = arith.mulf %exp3A_168, %add3A_186 : vector<16xf32>
    %mul3A_188 = arith.constant 5.000000e-01 : f32
    %mul3A_189 = vector.broadcast %mul3A_188 : f32 to vector<16xf32>
    %mul3A_190 = arith.mulf %mul3A_189, %mul3A_187 : vector<16xf32>
    %add3A_191 = arith.addf %gather3A_72, %mul3A_190 : vector<16xf32>
    %mul3A_192 = arith.constant 16 : i32
    %mul3A_193 = arith.muli %scan3A_156, %mul3A_192 : i32
    %swap3A_194 = arith.index_cast %mul3A_193 : i32 to index
    %swap3A_195 = tpu.vector_load %arg19[%swap3A_194] {strides = array<i32>} : memref<2000xf32, #tpu.memory_space<vmem>>, vector<16xf32>,
    tpu.vector_store %arg19[%swap3A_194], %add3A_191 {strides = array<i32>} : memref<2000xf32, #tpu.memory_space<vmem>>, vector<16xf32>,
    tpu.vector_store_idx %arg23[%get3A_164], %add3A_191 {add = true} : memref<10000xf32, #tpu.memory_space<vmem>>[vector<16xi32>], vector<16xf32>,
    %scan3A_196 = arith.constant 0 : i32
    %scan3A_197 = arith.constant 125 : i32
    %add3A_198 = arith.constant 2000 : i32
    %add3A_199 = arith.addi %mul3A_2, %add3A_198 : i32
    %dma_start3A_200 = tpu.memref_slice %arg5[%add3A_199] : memref<320000xf32, #tpu.memory_space<hbm>> -> memref<2000xf32, #tpu.memory_space<hbm>>
    %dma_start3A_201 = tpu.memref_slice %arg5[%add3A_199] : memref<320000xf32, #tpu.memory_space<hbm>> -> memref<2000xf32, #tpu.memory_space<hbm>>
    tpu.enqueue_dma source(%arg19 : memref<2000xf32, #tpu.memory_space<vmem>>) target(%dma_start3A_201 : memref<2000xf32, #tpu.memory_space<hbm>>) target_semaphore(%arg25 : memref<!tpu.dma_semaphore, #tpu.memory_space<semaphore_mem>>)
    %scan3A_202 = arith.constant 0 : i32
    %scan3A_203 = arith.constant 0 : i32
    %scan3A_204 = arith.constant 124 : i32
    %scan3A_205 = arith.addi %scan3A_203, %scan3A_204 : i32
    %scan3A_206 = arith.constant 2 : i32
    %scan3A_207 = scf.for %scan3A_373 = %scan3A_203 to %scan3A_205 step %scan3A_206 iter_args(%scan3A_374 = %scan3A_202) -> (i32)  : i32 {
      %mul3A_375 = arith.constant 16 : i32
      %mul3A_376 = arith.muli %scan3A_373, %mul3A_375 : i32
      %get3A_377 = arith.index_cast %mul3A_376 : i32 to index
      %get3A_378 = tpu.vector_load %arg10[%get3A_377] {strides = array<i32>} : memref<2000xf32, #tpu.memory_space<vmem>>, vector<16xf32>,
      %mul3A_379 = arith.constant 16 : i32
      %mul3A_380 = arith.muli %scan3A_373, %mul3A_379 : i32
      %get3A_381 = arith.index_cast %mul3A_380 : i32 to index
      %get3A_382 = tpu.vector_load %arg15[%get3A_381] {strides = array<i32>} : memref<2000xi32, #tpu.memory_space<vmem>>, vector<16xi32>,
      %neg3A_383 = arith.constant 0.000000e+00 : f32
      %neg3A_384 = vector.broadcast %neg3A_383 : f32 to vector<16xf32>
      %neg3A_385 = arith.subf %neg3A_384, %get3A_378 : vector<16xf32>
      %exp3A_386 = math.exp %neg3A_385 : vector<16xf32>
      %mul3A_387 = arith.mulf %gather3A_69, %exp3A_386 : vector<16xf32>
      %add3A_388 = arith.addf %mul3A_387, %gather3A_66 : vector<16xf32>
      %mul3A_389 = arith.mulf %add3A_388, %exp3A_386 : vector<16xf32>
      %add3A_390 = arith.addf %mul3A_389, %gather3A_63 : vector<16xf32>
      %mul3A_391 = arith.mulf %add3A_390, %exp3A_386 : vector<16xf32>
      %add3A_392 = arith.addf %mul3A_391, %gather3A_60 : vector<16xf32>
      %mul3A_393 = arith.mulf %add3A_392, %exp3A_386 : vector<16xf32>
      %add3A_394 = arith.addf %mul3A_393, %gather3A_57 : vector<16xf32>
      %mul3A_395 = arith.mulf %add3A_394, %exp3A_386 : vector<16xf32>
      %add3A_396 = arith.addf %mul3A_395, %gather3A_54 : vector<16xf32>
      %mul3A_397 = arith.mulf %add3A_396, %exp3A_386 : vector<16xf32>
      %add3A_398 = arith.addf %mul3A_397, %gather3A_51 : vector<16xf32>
      %mul3A_399 = arith.mulf %add3A_398, %exp3A_386 : vector<16xf32>
      %add3A_400 = arith.addf %mul3A_399, %gather3A_48 : vector<16xf32>
      %mul3A_401 = arith.mulf %add3A_400, %exp3A_386 : vector<16xf32>
      %add3A_402 = arith.addf %mul3A_401, %gather3A_45 : vector<16xf32>
      %mul3A_403 = arith.mulf %add3A_402, %exp3A_386 : vector<16xf32>
      %add3A_404 = arith.addf %mul3A_403, %gather3A : vector<16xf32>
      %mul3A_405 = arith.mulf %exp3A_386, %add3A_404 : vector<16xf32>
      %mul3A_406 = arith.constant 5.000000e-01 : f32
      %mul3A_407 = vector.broadcast %mul3A_406 : f32 to vector<16xf32>
      %mul3A_408 = arith.mulf %mul3A_407, %mul3A_405 : vector<16xf32>
      %add3A_409 = arith.addf %gather3A_72, %mul3A_408 : vector<16xf32>
      %mul3A_410 = arith.constant 16 : i32
      %mul3A_411 = arith.muli %scan3A_373, %mul3A_410 : i32
      %swap3A_412 = arith.index_cast %mul3A_411 : i32 to index
      %swap3A_413 = tpu.vector_load %arg20[%swap3A_412] {strides = array<i32>} : memref<2000xf32, #tpu.memory_space<vmem>>, vector<16xf32>,
      tpu.vector_store %arg20[%swap3A_412], %add3A_409 {strides = array<i32>} : memref<2000xf32, #tpu.memory_space<vmem>>, vector<16xf32>,
      tpu.vector_store_idx %arg23[%get3A_382], %add3A_409 {add = true} : memref<10000xf32, #tpu.memory_space<vmem>>[vector<16xi32>], vector<16xf32>,
      %scan3A_414 = arith.constant 0 : i32
      %scan3A_415 = arith.constant 1 : i32
      %scan3A_416 = arith.addi %scan3A_373, %scan3A_415 : i32
      %mul3A_417 = arith.constant 16 : i32
      %mul3A_418 = arith.muli %scan3A_416, %mul3A_417 : i32
      %get3A_419 = arith.index_cast %mul3A_418 : i32 to index
      %get3A_420 = tpu.vector_load %arg10[%get3A_419] {strides = array<i32>} : memref<2000xf32, #tpu.memory_space<vmem>>, vector<16xf32>,
      %mul3A_421 = arith.constant 16 : i32
      %mul3A_422 = arith.muli %scan3A_416, %mul3A_421 : i32
      %get3A_423 = arith.index_cast %mul3A_422 : i32 to index
      %get3A_424 = tpu.vector_load %arg15[%get3A_423] {strides = array<i32>} : memref<2000xi32, #tpu.memory_space<vmem>>, vector<16xi32>,
      %neg3A_425 = arith.constant 0.000000e+00 : f32
      %neg3A_426 = vector.broadcast %neg3A_425 : f32 to vector<16xf32>
      %neg3A_427 = arith.subf %neg3A_426, %get3A_420 : vector<16xf32>
      %exp3A_428 = math.exp %neg3A_427 : vector<16xf32>
      %mul3A_429 = arith.mulf %gather3A_69, %exp3A_428 : vector<16xf32>
      %add3A_430 = arith.addf %mul3A_429, %gather3A_66 : vector<16xf32>
      %mul3A_431 = arith.mulf %add3A_430, %exp3A_428 : vector<16xf32>
      %add3A_432 = arith.addf %mul3A_431, %gather3A_63 : vector<16xf32>
      %mul3A_433 = arith.mulf %add3A_432, %exp3A_428 : vector<16xf32>
      %add3A_434 = arith.addf %mul3A_433, %gather3A_60 : vector<16xf32>
      %mul3A_435 = arith.mulf %add3A_434, %exp3A_428 : vector<16xf32>
      %add3A_436 = arith.addf %mul3A_435, %gather3A_57 : vector<16xf32>
      %mul3A_437 = arith.mulf %add3A_436, %exp3A_428 : vector<16xf32>
      %add3A_438 = arith.addf %mul3A_437, %gather3A_54 : vector<16xf32>
      %mul3A_439 = arith.mulf %add3A_438, %exp3A_428 : vector<16xf32>
      %add3A_440 = arith.addf %mul3A_439, %gather3A_51 : vector<16xf32>
      %mul3A_441 = arith.mulf %add3A_440, %exp3A_428 : vector<16xf32>
      %add3A_442 = arith.addf %mul3A_441, %gather3A_48 : vector<16xf32>
      %mul3A_443 = arith.mulf %add3A_442, %exp3A_428 : vector<16xf32>
      %add3A_444 = arith.addf %mul3A_443, %gather3A_45 : vector<16xf32>
      %mul3A_445 = arith.mulf %add3A_444, %exp3A_428 : vector<16xf32>
      %add3A_446 = arith.addf %mul3A_445, %gather3A : vector<16xf32>
      %mul3A_447 = arith.mulf %exp3A_428, %add3A_446 : vector<16xf32>
      %mul3A_448 = arith.constant 5.000000e-01 : f32
      %mul3A_449 = vector.broadcast %mul3A_448 : f32 to vector<16xf32>
      %mul3A_450 = arith.mulf %mul3A_449, %mul3A_447 : vector<16xf32>
      %add3A_451 = arith.addf %gather3A_72, %mul3A_450 : vector<16xf32>
      %mul3A_452 = arith.constant 16 : i32
      %mul3A_453 = arith.muli %scan3A_416, %mul3A_452 : i32
      %swap3A_454 = arith.index_cast %mul3A_453 : i32 to index
      %swap3A_455 = tpu.vector_load %arg20[%swap3A_454] {strides = array<i32>} : memref<2000xf32, #tpu.memory_space<vmem>>, vector<16xf32>,
      tpu.vector_store %arg20[%swap3A_454], %add3A_451 {strides = array<i32>} : memref<2000xf32, #tpu.memory_space<vmem>>, vector<16xf32>,
      tpu.vector_store_idx %arg23[%get3A_424], %add3A_451 {add = true} : memref<10000xf32, #tpu.memory_space<vmem>>[vector<16xi32>], vector<16xf32>,
      %scan3A_456 = arith.constant 0 : i32
      scf.yield %scan3A_456 : i32
    }
    %scan3A_208 = arith.constant 124 : i32
    %scan3A_209 = arith.addi %scan3A_203, %scan3A_208 : i32
    %mul3A_210 = arith.constant 16 : i32
    %mul3A_211 = arith.muli %scan3A_209, %mul3A_210 : i32
    %get3A_212 = arith.index_cast %mul3A_211 : i32 to index
    %get3A_213 = tpu.vector_load %arg10[%get3A_212] {strides = array<i32>} : memref<2000xf32, #tpu.memory_space<vmem>>, vector<16xf32>,
    %mul3A_214 = arith.constant 16 : i32
    %mul3A_215 = arith.muli %scan3A_209, %mul3A_214 : i32
    %get3A_216 = arith.index_cast %mul3A_215 : i32 to index
    %get3A_217 = tpu.vector_load %arg15[%get3A_216] {strides = array<i32>} : memref<2000xi32, #tpu.memory_space<vmem>>, vector<16xi32>,
    %neg3A_218 = arith.constant 0.000000e+00 : f32
    %neg3A_219 = vector.broadcast %neg3A_218 : f32 to vector<16xf32>
    %neg3A_220 = arith.subf %neg3A_219, %get3A_213 : vector<16xf32>
    %exp3A_221 = math.exp %neg3A_220 : vector<16xf32>
    %mul3A_222 = arith.mulf %gather3A_69, %exp3A_221 : vector<16xf32>
    %add3A_223 = arith.addf %mul3A_222, %gather3A_66 : vector<16xf32>
    %mul3A_224 = arith.mulf %add3A_223, %exp3A_221 : vector<16xf32>
    %add3A_225 = arith.addf %mul3A_224, %gather3A_63 : vector<16xf32>
    %mul3A_226 = arith.mulf %add3A_225, %exp3A_221 : vector<16xf32>
    %add3A_227 = arith.addf %mul3A_226, %gather3A_60 : vector<16xf32>
    %mul3A_228 = arith.mulf %add3A_227, %exp3A_221 : vector<16xf32>
    %add3A_229 = arith.addf %mul3A_228, %gather3A_57 : vector<16xf32>
    %mul3A_230 = arith.mulf %add3A_229, %exp3A_221 : vector<16xf32>
    %add3A_231 = arith.addf %mul3A_230, %gather3A_54 : vector<16xf32>
    %mul3A_232 = arith.mulf %add3A_231, %exp3A_221 : vector<16xf32>
    %add3A_233 = arith.addf %mul3A_232, %gather3A_51 : vector<16xf32>
    %mul3A_234 = arith.mulf %add3A_233, %exp3A_221 : vector<16xf32>
    %add3A_235 = arith.addf %mul3A_234, %gather3A_48 : vector<16xf32>
    %mul3A_236 = arith.mulf %add3A_235, %exp3A_221 : vector<16xf32>
    %add3A_237 = arith.addf %mul3A_236, %gather3A_45 : vector<16xf32>
    %mul3A_238 = arith.mulf %add3A_237, %exp3A_221 : vector<16xf32>
    %add3A_239 = arith.addf %mul3A_238, %gather3A : vector<16xf32>
    %mul3A_240 = arith.mulf %exp3A_221, %add3A_239 : vector<16xf32>
    %mul3A_241 = arith.constant 5.000000e-01 : f32
    %mul3A_242 = vector.broadcast %mul3A_241 : f32 to vector<16xf32>
    %mul3A_243 = arith.mulf %mul3A_242, %mul3A_240 : vector<16xf32>
    %add3A_244 = arith.addf %gather3A_72, %mul3A_243 : vector<16xf32>
    %mul3A_245 = arith.constant 16 : i32
    %mul3A_246 = arith.muli %scan3A_209, %mul3A_245 : i32
    %swap3A_247 = arith.index_cast %mul3A_246 : i32 to index
    %swap3A_248 = tpu.vector_load %arg20[%swap3A_247] {strides = array<i32>} : memref<2000xf32, #tpu.memory_space<vmem>>, vector<16xf32>,
    tpu.vector_store %arg20[%swap3A_247], %add3A_244 {strides = array<i32>} : memref<2000xf32, #tpu.memory_space<vmem>>, vector<16xf32>,
    tpu.vector_store_idx %arg23[%get3A_217], %add3A_244 {add = true} : memref<10000xf32, #tpu.memory_space<vmem>>[vector<16xi32>], vector<16xf32>,
    %scan3A_249 = arith.constant 0 : i32
    %scan3A_250 = arith.constant 125 : i32
    %add3A_251 = arith.constant 4000 : i32
    %add3A_252 = arith.addi %mul3A_2, %add3A_251 : i32
    %dma_start3A_253 = tpu.memref_slice %arg5[%add3A_252] : memref<320000xf32, #tpu.memory_space<hbm>> -> memref<2000xf32, #tpu.memory_space<hbm>>
    %dma_start3A_254 = tpu.memref_slice %arg5[%add3A_252] : memref<320000xf32, #tpu.memory_space<hbm>> -> memref<2000xf32, #tpu.memory_space<hbm>>
    tpu.enqueue_dma source(%arg20 : memref<2000xf32, #tpu.memory_space<vmem>>) target(%dma_start3A_254 : memref<2000xf32, #tpu.memory_space<hbm>>) target_semaphore(%arg25 : memref<!tpu.dma_semaphore, #tpu.memory_space<semaphore_mem>>)
    %scan3A_255 = arith.constant 0 : i32
    %scan3A_256 = arith.constant 0 : i32
    %scan3A_257 = arith.constant 124 : i32
    %scan3A_258 = arith.addi %scan3A_256, %scan3A_257 : i32
    %scan3A_259 = arith.constant 2 : i32
    %scan3A_260 = scf.for %scan3A_373 = %scan3A_256 to %scan3A_258 step %scan3A_259 iter_args(%scan3A_374 = %scan3A_255) -> (i32)  : i32 {
      %mul3A_375 = arith.constant 16 : i32
      %mul3A_376 = arith.muli %scan3A_373, %mul3A_375 : i32
      %get3A_377 = arith.index_cast %mul3A_376 : i32 to index
      %get3A_378 = tpu.vector_load %arg11[%get3A_377] {strides = array<i32>} : memref<2000xf32, #tpu.memory_space<vmem>>, vector<16xf32>,
      %mul3A_379 = arith.constant 16 : i32
      %mul3A_380 = arith.muli %scan3A_373, %mul3A_379 : i32
      %get3A_381 = arith.index_cast %mul3A_380 : i32 to index
      %get3A_382 = tpu.vector_load %arg16[%get3A_381] {strides = array<i32>} : memref<2000xi32, #tpu.memory_space<vmem>>, vector<16xi32>,
      %neg3A_383 = arith.constant 0.000000e+00 : f32
      %neg3A_384 = vector.broadcast %neg3A_383 : f32 to vector<16xf32>
      %neg3A_385 = arith.subf %neg3A_384, %get3A_378 : vector<16xf32>
      %exp3A_386 = math.exp %neg3A_385 : vector<16xf32>
      %mul3A_387 = arith.mulf %gather3A_69, %exp3A_386 : vector<16xf32>
      %add3A_388 = arith.addf %mul3A_387, %gather3A_66 : vector<16xf32>
      %mul3A_389 = arith.mulf %add3A_388, %exp3A_386 : vector<16xf32>
      %add3A_390 = arith.addf %mul3A_389, %gather3A_63 : vector<16xf32>
      %mul3A_391 = arith.mulf %add3A_390, %exp3A_386 : vector<16xf32>
      %add3A_392 = arith.addf %mul3A_391, %gather3A_60 : vector<16xf32>
      %mul3A_393 = arith.mulf %add3A_392, %exp3A_386 : vector<16xf32>
      %add3A_394 = arith.addf %mul3A_393, %gather3A_57 : vector<16xf32>
      %mul3A_395 = arith.mulf %add3A_394, %exp3A_386 : vector<16xf32>
      %add3A_396 = arith.addf %mul3A_395, %gather3A_54 : vector<16xf32>
      %mul3A_397 = arith.mulf %add3A_396, %exp3A_386 : vector<16xf32>
      %add3A_398 = arith.addf %mul3A_397, %gather3A_51 : vector<16xf32>
      %mul3A_399 = arith.mulf %add3A_398, %exp3A_386 : vector<16xf32>
      %add3A_400 = arith.addf %mul3A_399, %gather3A_48 : vector<16xf32>
      %mul3A_401 = arith.mulf %add3A_400, %exp3A_386 : vector<16xf32>
      %add3A_402 = arith.addf %mul3A_401, %gather3A_45 : vector<16xf32>
      %mul3A_403 = arith.mulf %add3A_402, %exp3A_386 : vector<16xf32>
      %add3A_404 = arith.addf %mul3A_403, %gather3A : vector<16xf32>
      %mul3A_405 = arith.mulf %exp3A_386, %add3A_404 : vector<16xf32>
      %mul3A_406 = arith.constant 5.000000e-01 : f32
      %mul3A_407 = vector.broadcast %mul3A_406 : f32 to vector<16xf32>
      %mul3A_408 = arith.mulf %mul3A_407, %mul3A_405 : vector<16xf32>
      %add3A_409 = arith.addf %gather3A_72, %mul3A_408 : vector<16xf32>
      %mul3A_410 = arith.constant 16 : i32
      %mul3A_411 = arith.muli %scan3A_373, %mul3A_410 : i32
      %swap3A_412 = arith.index_cast %mul3A_411 : i32 to index
      %swap3A_413 = tpu.vector_load %arg21[%swap3A_412] {strides = array<i32>} : memref<2000xf32, #tpu.memory_space<vmem>>, vector<16xf32>,
      tpu.vector_store %arg21[%swap3A_412], %add3A_409 {strides = array<i32>} : memref<2000xf32, #tpu.memory_space<vmem>>, vector<16xf32>,
      tpu.vector_store_idx %arg23[%get3A_382], %add3A_409 {add = true} : memref<10000xf32, #tpu.memory_space<vmem>>[vector<16xi32>], vector<16xf32>,
      %scan3A_414 = arith.constant 0 : i32
      %scan3A_415 = arith.constant 1 : i32
      %scan3A_416 = arith.addi %scan3A_373, %scan3A_415 : i32
      %mul3A_417 = arith.constant 16 : i32
      %mul3A_418 = arith.muli %scan3A_416, %mul3A_417 : i32
      %get3A_419 = arith.index_cast %mul3A_418 : i32 to index
      %get3A_420 = tpu.vector_load %arg11[%get3A_419] {strides = array<i32>} : memref<2000xf32, #tpu.memory_space<vmem>>, vector<16xf32>,
      %mul3A_421 = arith.constant 16 : i32
      %mul3A_422 = arith.muli %scan3A_416, %mul3A_421 : i32
      %get3A_423 = arith.index_cast %mul3A_422 : i32 to index
      %get3A_424 = tpu.vector_load %arg16[%get3A_423] {strides = array<i32>} : memref<2000xi32, #tpu.memory_space<vmem>>, vector<16xi32>,
      %neg3A_425 = arith.constant 0.000000e+00 : f32
      %neg3A_426 = vector.broadcast %neg3A_425 : f32 to vector<16xf32>
      %neg3A_427 = arith.subf %neg3A_426, %get3A_420 : vector<16xf32>
      %exp3A_428 = math.exp %neg3A_427 : vector<16xf32>
      %mul3A_429 = arith.mulf %gather3A_69, %exp3A_428 : vector<16xf32>
      %add3A_430 = arith.addf %mul3A_429, %gather3A_66 : vector<16xf32>
      %mul3A_431 = arith.mulf %add3A_430, %exp3A_428 : vector<16xf32>
      %add3A_432 = arith.addf %mul3A_431, %gather3A_63 : vector<16xf32>
      %mul3A_433 = arith.mulf %add3A_432, %exp3A_428 : vector<16xf32>
      %add3A_434 = arith.addf %mul3A_433, %gather3A_60 : vector<16xf32>
      %mul3A_435 = arith.mulf %add3A_434, %exp3A_428 : vector<16xf32>
      %add3A_436 = arith.addf %mul3A_435, %gather3A_57 : vector<16xf32>
      %mul3A_437 = arith.mulf %add3A_436, %exp3A_428 : vector<16xf32>
      %add3A_438 = arith.addf %mul3A_437, %gather3A_54 : vector<16xf32>
      %mul3A_439 = arith.mulf %add3A_438, %exp3A_428 : vector<16xf32>
      %add3A_440 = arith.addf %mul3A_439, %gather3A_51 : vector<16xf32>
      %mul3A_441 = arith.mulf %add3A_440, %exp3A_428 : vector<16xf32>
      %add3A_442 = arith.addf %mul3A_441, %gather3A_48 : vector<16xf32>
      %mul3A_443 = arith.mulf %add3A_442, %exp3A_428 : vector<16xf32>
      %add3A_444 = arith.addf %mul3A_443, %gather3A_45 : vector<16xf32>
      %mul3A_445 = arith.mulf %add3A_444, %exp3A_428 : vector<16xf32>
      %add3A_446 = arith.addf %mul3A_445, %gather3A : vector<16xf32>
      %mul3A_447 = arith.mulf %exp3A_428, %add3A_446 : vector<16xf32>
      %mul3A_448 = arith.constant 5.000000e-01 : f32
      %mul3A_449 = vector.broadcast %mul3A_448 : f32 to vector<16xf32>
      %mul3A_450 = arith.mulf %mul3A_449, %mul3A_447 : vector<16xf32>
      %add3A_451 = arith.addf %gather3A_72, %mul3A_450 : vector<16xf32>
      %mul3A_452 = arith.constant 16 : i32
      %mul3A_453 = arith.muli %scan3A_416, %mul3A_452 : i32
      %swap3A_454 = arith.index_cast %mul3A_453 : i32 to index
      %swap3A_455 = tpu.vector_load %arg21[%swap3A_454] {strides = array<i32>} : memref<2000xf32, #tpu.memory_space<vmem>>, vector<16xf32>,
      tpu.vector_store %arg21[%swap3A_454], %add3A_451 {strides = array<i32>} : memref<2000xf32, #tpu.memory_space<vmem>>, vector<16xf32>,
      tpu.vector_store_idx %arg23[%get3A_424], %add3A_451 {add = true} : memref<10000xf32, #tpu.memory_space<vmem>>[vector<16xi32>], vector<16xf32>,
      %scan3A_456 = arith.constant 0 : i32
      scf.yield %scan3A_456 : i32
    }
    %scan3A_261 = arith.constant 124 : i32
    %scan3A_262 = arith.addi %scan3A_256, %scan3A_261 : i32
    %mul3A_263 = arith.constant 16 : i32
    %mul3A_264 = arith.muli %scan3A_262, %mul3A_263 : i32
    %get3A_265 = arith.index_cast %mul3A_264 : i32 to index
    %get3A_266 = tpu.vector_load %arg11[%get3A_265] {strides = array<i32>} : memref<2000xf32, #tpu.memory_space<vmem>>, vector<16xf32>,
    %mul3A_267 = arith.constant 16 : i32
    %mul3A_268 = arith.muli %scan3A_262, %mul3A_267 : i32
    %get3A_269 = arith.index_cast %mul3A_268 : i32 to index
    %get3A_270 = tpu.vector_load %arg16[%get3A_269] {strides = array<i32>} : memref<2000xi32, #tpu.memory_space<vmem>>, vector<16xi32>,
    %neg3A_271 = arith.constant 0.000000e+00 : f32
    %neg3A_272 = vector.broadcast %neg3A_271 : f32 to vector<16xf32>
    %neg3A_273 = arith.subf %neg3A_272, %get3A_266 : vector<16xf32>
    %exp3A_274 = math.exp %neg3A_273 : vector<16xf32>
    %mul3A_275 = arith.mulf %gather3A_69, %exp3A_274 : vector<16xf32>
    %add3A_276 = arith.addf %mul3A_275, %gather3A_66 : vector<16xf32>
    %mul3A_277 = arith.mulf %add3A_276, %exp3A_274 : vector<16xf32>
    %add3A_278 = arith.addf %mul3A_277, %gather3A_63 : vector<16xf32>
    %mul3A_279 = arith.mulf %add3A_278, %exp3A_274 : vector<16xf32>
    %add3A_280 = arith.addf %mul3A_279, %gather3A_60 : vector<16xf32>
    %mul3A_281 = arith.mulf %add3A_280, %exp3A_274 : vector<16xf32>
    %add3A_282 = arith.addf %mul3A_281, %gather3A_57 : vector<16xf32>
    %mul3A_283 = arith.mulf %add3A_282, %exp3A_274 : vector<16xf32>
    %add3A_284 = arith.addf %mul3A_283, %gather3A_54 : vector<16xf32>
    %mul3A_285 = arith.mulf %add3A_284, %exp3A_274 : vector<16xf32>
    %add3A_286 = arith.addf %mul3A_285, %gather3A_51 : vector<16xf32>
    %mul3A_287 = arith.mulf %add3A_286, %exp3A_274 : vector<16xf32>
    %add3A_288 = arith.addf %mul3A_287, %gather3A_48 : vector<16xf32>
    %mul3A_289 = arith.mulf %add3A_288, %exp3A_274 : vector<16xf32>
    %add3A_290 = arith.addf %mul3A_289, %gather3A_45 : vector<16xf32>
    %mul3A_291 = arith.mulf %add3A_290, %exp3A_274 : vector<16xf32>
    %add3A_292 = arith.addf %mul3A_291, %gather3A : vector<16xf32>
    %mul3A_293 = arith.mulf %exp3A_274, %add3A_292 : vector<16xf32>
    %mul3A_294 = arith.constant 5.000000e-01 : f32
    %mul3A_295 = vector.broadcast %mul3A_294 : f32 to vector<16xf32>
    %mul3A_296 = arith.mulf %mul3A_295, %mul3A_293 : vector<16xf32>
    %add3A_297 = arith.addf %gather3A_72, %mul3A_296 : vector<16xf32>
    %mul3A_298 = arith.constant 16 : i32
    %mul3A_299 = arith.muli %scan3A_262, %mul3A_298 : i32
    %swap3A_300 = arith.index_cast %mul3A_299 : i32 to index
    %swap3A_301 = tpu.vector_load %arg21[%swap3A_300] {strides = array<i32>} : memref<2000xf32, #tpu.memory_space<vmem>>, vector<16xf32>,
    tpu.vector_store %arg21[%swap3A_300], %add3A_297 {strides = array<i32>} : memref<2000xf32, #tpu.memory_space<vmem>>, vector<16xf32>,
    tpu.vector_store_idx %arg23[%get3A_270], %add3A_297 {add = true} : memref<10000xf32, #tpu.memory_space<vmem>>[vector<16xi32>], vector<16xf32>,
    %scan3A_302 = arith.constant 0 : i32
    %scan3A_303 = arith.constant 125 : i32
    %add3A_304 = arith.constant 6000 : i32
    %add3A_305 = arith.addi %mul3A_2, %add3A_304 : i32
    %dma_start3A_306 = tpu.memref_slice %arg5[%add3A_305] : memref<320000xf32, #tpu.memory_space<hbm>> -> memref<2000xf32, #tpu.memory_space<hbm>>
    %dma_start3A_307 = tpu.memref_slice %arg5[%add3A_305] : memref<320000xf32, #tpu.memory_space<hbm>> -> memref<2000xf32, #tpu.memory_space<hbm>>
    tpu.enqueue_dma source(%arg21 : memref<2000xf32, #tpu.memory_space<vmem>>) target(%dma_start3A_307 : memref<2000xf32, #tpu.memory_space<hbm>>) target_semaphore(%arg25 : memref<!tpu.dma_semaphore, #tpu.memory_space<semaphore_mem>>)
    %scan3A_308 = arith.constant 0 : i32
    %scan3A_309 = arith.constant 0 : i32
    %scan3A_310 = arith.constant 124 : i32
    %scan3A_311 = arith.addi %scan3A_309, %scan3A_310 : i32
    %scan3A_312 = arith.constant 2 : i32
    %scan3A_313 = scf.for %scan3A_373 = %scan3A_309 to %scan3A_311 step %scan3A_312 iter_args(%scan3A_374 = %scan3A_308) -> (i32)  : i32 {
      %mul3A_375 = arith.constant 16 : i32
      %mul3A_376 = arith.muli %scan3A_373, %mul3A_375 : i32
      %get3A_377 = arith.index_cast %mul3A_376 : i32 to index
      %get3A_378 = tpu.vector_load %arg12[%get3A_377] {strides = array<i32>} : memref<2000xf32, #tpu.memory_space<vmem>>, vector<16xf32>,
      %mul3A_379 = arith.constant 16 : i32
      %mul3A_380 = arith.muli %scan3A_373, %mul3A_379 : i32
      %get3A_381 = arith.index_cast %mul3A_380 : i32 to index
      %get3A_382 = tpu.vector_load %arg17[%get3A_381] {strides = array<i32>} : memref<2000xi32, #tpu.memory_space<vmem>>, vector<16xi32>,
      %neg3A_383 = arith.constant 0.000000e+00 : f32
      %neg3A_384 = vector.broadcast %neg3A_383 : f32 to vector<16xf32>
      %neg3A_385 = arith.subf %neg3A_384, %get3A_378 : vector<16xf32>
      %exp3A_386 = math.exp %neg3A_385 : vector<16xf32>
      %mul3A_387 = arith.mulf %gather3A_69, %exp3A_386 : vector<16xf32>
      %add3A_388 = arith.addf %mul3A_387, %gather3A_66 : vector<16xf32>
      %mul3A_389 = arith.mulf %add3A_388, %exp3A_386 : vector<16xf32>
      %add3A_390 = arith.addf %mul3A_389, %gather3A_63 : vector<16xf32>
      %mul3A_391 = arith.mulf %add3A_390, %exp3A_386 : vector<16xf32>
      %add3A_392 = arith.addf %mul3A_391, %gather3A_60 : vector<16xf32>
      %mul3A_393 = arith.mulf %add3A_392, %exp3A_386 : vector<16xf32>
      %add3A_394 = arith.addf %mul3A_393, %gather3A_57 : vector<16xf32>
      %mul3A_395 = arith.mulf %add3A_394, %exp3A_386 : vector<16xf32>
      %add3A_396 = arith.addf %mul3A_395, %gather3A_54 : vector<16xf32>
      %mul3A_397 = arith.mulf %add3A_396, %exp3A_386 : vector<16xf32>
      %add3A_398 = arith.addf %mul3A_397, %gather3A_51 : vector<16xf32>
      %mul3A_399 = arith.mulf %add3A_398, %exp3A_386 : vector<16xf32>
      %add3A_400 = arith.addf %mul3A_399, %gather3A_48 : vector<16xf32>
      %mul3A_401 = arith.mulf %add3A_400, %exp3A_386 : vector<16xf32>
      %add3A_402 = arith.addf %mul3A_401, %gather3A_45 : vector<16xf32>
      %mul3A_403 = arith.mulf %add3A_402, %exp3A_386 : vector<16xf32>
      %add3A_404 = arith.addf %mul3A_403, %gather3A : vector<16xf32>
      %mul3A_405 = arith.mulf %exp3A_386, %add3A_404 : vector<16xf32>
      %mul3A_406 = arith.constant 5.000000e-01 : f32
      %mul3A_407 = vector.broadcast %mul3A_406 : f32 to vector<16xf32>
      %mul3A_408 = arith.mulf %mul3A_407, %mul3A_405 : vector<16xf32>
      %add3A_409 = arith.addf %gather3A_72, %mul3A_408 : vector<16xf32>
      %mul3A_410 = arith.constant 16 : i32
      %mul3A_411 = arith.muli %scan3A_373, %mul3A_410 : i32
      %swap3A_412 = arith.index_cast %mul3A_411 : i32 to index
      %swap3A_413 = tpu.vector_load %arg22[%swap3A_412] {strides = array<i32>} : memref<2000xf32, #tpu.memory_space<vmem>>, vector<16xf32>,
      tpu.vector_store %arg22[%swap3A_412], %add3A_409 {strides = array<i32>} : memref<2000xf32, #tpu.memory_space<vmem>>, vector<16xf32>,
      tpu.vector_store_idx %arg23[%get3A_382], %add3A_409 {add = true} : memref<10000xf32, #tpu.memory_space<vmem>>[vector<16xi32>], vector<16xf32>,
      %scan3A_414 = arith.constant 0 : i32
      %scan3A_415 = arith.constant 1 : i32
      %scan3A_416 = arith.addi %scan3A_373, %scan3A_415 : i32
      %mul3A_417 = arith.constant 16 : i32
      %mul3A_418 = arith.muli %scan3A_416, %mul3A_417 : i32
      %get3A_419 = arith.index_cast %mul3A_418 : i32 to index
      %get3A_420 = tpu.vector_load %arg12[%get3A_419] {strides = array<i32>} : memref<2000xf32, #tpu.memory_space<vmem>>, vector<16xf32>,
      %mul3A_421 = arith.constant 16 : i32
      %mul3A_422 = arith.muli %scan3A_416, %mul3A_421 : i32
      %get3A_423 = arith.index_cast %mul3A_422 : i32 to index
      %get3A_424 = tpu.vector_load %arg17[%get3A_423] {strides = array<i32>} : memref<2000xi32, #tpu.memory_space<vmem>>, vector<16xi32>,
      %neg3A_425 = arith.constant 0.000000e+00 : f32
      %neg3A_426 = vector.broadcast %neg3A_425 : f32 to vector<16xf32>
      %neg3A_427 = arith.subf %neg3A_426, %get3A_420 : vector<16xf32>
      %exp3A_428 = math.exp %neg3A_427 : vector<16xf32>
      %mul3A_429 = arith.mulf %gather3A_69, %exp3A_428 : vector<16xf32>
      %add3A_430 = arith.addf %mul3A_429, %gather3A_66 : vector<16xf32>
      %mul3A_431 = arith.mulf %add3A_430, %exp3A_428 : vector<16xf32>
      %add3A_432 = arith.addf %mul3A_431, %gather3A_63 : vector<16xf32>
      %mul3A_433 = arith.mulf %add3A_432, %exp3A_428 : vector<16xf32>
      %add3A_434 = arith.addf %mul3A_433, %gather3A_60 : vector<16xf32>
      %mul3A_435 = arith.mulf %add3A_434, %exp3A_428 : vector<16xf32>
      %add3A_436 = arith.addf %mul3A_435, %gather3A_57 : vector<16xf32>
      %mul3A_437 = arith.mulf %add3A_436, %exp3A_428 : vector<16xf32>
      %add3A_438 = arith.addf %mul3A_437, %gather3A_54 : vector<16xf32>
      %mul3A_439 = arith.mulf %add3A_438, %exp3A_428 : vector<16xf32>
      %add3A_440 = arith.addf %mul3A_439, %gather3A_51 : vector<16xf32>
      %mul3A_441 = arith.mulf %add3A_440, %exp3A_428 : vector<16xf32>
      %add3A_442 = arith.addf %mul3A_441, %gather3A_48 : vector<16xf32>
      %mul3A_443 = arith.mulf %add3A_442, %exp3A_428 : vector<16xf32>
      %add3A_444 = arith.addf %mul3A_443, %gather3A_45 : vector<16xf32>
      %mul3A_445 = arith.mulf %add3A_444, %exp3A_428 : vector<16xf32>
      %add3A_446 = arith.addf %mul3A_445, %gather3A : vector<16xf32>
      %mul3A_447 = arith.mulf %exp3A_428, %add3A_446 : vector<16xf32>
      %mul3A_448 = arith.constant 5.000000e-01 : f32
      %mul3A_449 = vector.broadcast %mul3A_448 : f32 to vector<16xf32>
      %mul3A_450 = arith.mulf %mul3A_449, %mul3A_447 : vector<16xf32>
      %add3A_451 = arith.addf %gather3A_72, %mul3A_450 : vector<16xf32>
      %mul3A_452 = arith.constant 16 : i32
      %mul3A_453 = arith.muli %scan3A_416, %mul3A_452 : i32
      %swap3A_454 = arith.index_cast %mul3A_453 : i32 to index
      %swap3A_455 = tpu.vector_load %arg22[%swap3A_454] {strides = array<i32>} : memref<2000xf32, #tpu.memory_space<vmem>>, vector<16xf32>,
      tpu.vector_store %arg22[%swap3A_454], %add3A_451 {strides = array<i32>} : memref<2000xf32, #tpu.memory_space<vmem>>, vector<16xf32>,
      tpu.vector_store_idx %arg23[%get3A_424], %add3A_451 {add = true} : memref<10000xf32, #tpu.memory_space<vmem>>[vector<16xi32>], vector<16xf32>,
      %scan3A_456 = arith.constant 0 : i32
      scf.yield %scan3A_456 : i32
    }
    %scan3A_314 = arith.constant 124 : i32
    %scan3A_315 = arith.addi %scan3A_309, %scan3A_314 : i32
    %mul3A_316 = arith.constant 16 : i32
    %mul3A_317 = arith.muli %scan3A_315, %mul3A_316 : i32
    %get3A_318 = arith.index_cast %mul3A_317 : i32 to index
    %get3A_319 = tpu.vector_load %arg12[%get3A_318] {strides = array<i32>} : memref<2000xf32, #tpu.memory_space<vmem>>, vector<16xf32>,
    %mul3A_320 = arith.constant 16 : i32
    %mul3A_321 = arith.muli %scan3A_315, %mul3A_320 : i32
    %get3A_322 = arith.index_cast %mul3A_321 : i32 to index
    %get3A_323 = tpu.vector_load %arg17[%get3A_322] {strides = array<i32>} : memref<2000xi32, #tpu.memory_space<vmem>>, vector<16xi32>,
    %neg3A_324 = arith.constant 0.000000e+00 : f32
    %neg3A_325 = vector.broadcast %neg3A_324 : f32 to vector<16xf32>
    %neg3A_326 = arith.subf %neg3A_325, %get3A_319 : vector<16xf32>
    %exp3A_327 = math.exp %neg3A_326 : vector<16xf32>
    %mul3A_328 = arith.mulf %gather3A_69, %exp3A_327 : vector<16xf32>
    %add3A_329 = arith.addf %mul3A_328, %gather3A_66 : vector<16xf32>
    %mul3A_330 = arith.mulf %add3A_329, %exp3A_327 : vector<16xf32>
    %add3A_331 = arith.addf %mul3A_330, %gather3A_63 : vector<16xf32>
    %mul3A_332 = arith.mulf %add3A_331, %exp3A_327 : vector<16xf32>
    %add3A_333 = arith.addf %mul3A_332, %gather3A_60 : vector<16xf32>
    %mul3A_334 = arith.mulf %add3A_333, %exp3A_327 : vector<16xf32>
    %add3A_335 = arith.addf %mul3A_334, %gather3A_57 : vector<16xf32>
    %mul3A_336 = arith.mulf %add3A_335, %exp3A_327 : vector<16xf32>
    %add3A_337 = arith.addf %mul3A_336, %gather3A_54 : vector<16xf32>
    %mul3A_338 = arith.mulf %add3A_337, %exp3A_327 : vector<16xf32>
    %add3A_339 = arith.addf %mul3A_338, %gather3A_51 : vector<16xf32>
    %mul3A_340 = arith.mulf %add3A_339, %exp3A_327 : vector<16xf32>
    %add3A_341 = arith.addf %mul3A_340, %gather3A_48 : vector<16xf32>
    %mul3A_342 = arith.mulf %add3A_341, %exp3A_327 : vector<16xf32>
    %add3A_343 = arith.addf %mul3A_342, %gather3A_45 : vector<16xf32>
    %mul3A_344 = arith.mulf %add3A_343, %exp3A_327 : vector<16xf32>
    %add3A_345 = arith.addf %mul3A_344, %gather3A : vector<16xf32>
    %mul3A_346 = arith.mulf %exp3A_327, %add3A_345 : vector<16xf32>
    %mul3A_347 = arith.constant 5.000000e-01 : f32
    %mul3A_348 = vector.broadcast %mul3A_347 : f32 to vector<16xf32>
    %mul3A_349 = arith.mulf %mul3A_348, %mul3A_346 : vector<16xf32>
    %add3A_350 = arith.addf %gather3A_72, %mul3A_349 : vector<16xf32>
    %mul3A_351 = arith.constant 16 : i32
    %mul3A_352 = arith.muli %scan3A_315, %mul3A_351 : i32
    %swap3A_353 = arith.index_cast %mul3A_352 : i32 to index
    %swap3A_354 = tpu.vector_load %arg22[%swap3A_353] {strides = array<i32>} : memref<2000xf32, #tpu.memory_space<vmem>>, vector<16xf32>,
    tpu.vector_store %arg22[%swap3A_353], %add3A_350 {strides = array<i32>} : memref<2000xf32, #tpu.memory_space<vmem>>, vector<16xf32>,
    tpu.vector_store_idx %arg23[%get3A_323], %add3A_350 {add = true} : memref<10000xf32, #tpu.memory_space<vmem>>[vector<16xi32>], vector<16xf32>,
    %scan3A_355 = arith.constant 0 : i32
    %scan3A_356 = arith.constant 125 : i32
    %add3A_357 = arith.constant 8000 : i32
    %add3A_358 = arith.addi %mul3A_2, %add3A_357 : i32
    %dma_start3A_359 = tpu.memref_slice %arg5[%add3A_358] : memref<320000xf32, #tpu.memory_space<hbm>> -> memref<2000xf32, #tpu.memory_space<hbm>>
    %dma_start3A_360 = tpu.memref_slice %arg5[%add3A_358] : memref<320000xf32, #tpu.memory_space<hbm>> -> memref<2000xf32, #tpu.memory_space<hbm>>
    tpu.enqueue_dma source(%arg22 : memref<2000xf32, #tpu.memory_space<vmem>>) target(%dma_start3A_360 : memref<2000xf32, #tpu.memory_space<hbm>>) target_semaphore(%arg25 : memref<!tpu.dma_semaphore, #tpu.memory_space<semaphore_mem>>)
    %mul3A_361 = arith.constant 10000 : i32
    %mul3A_362 = arith.muli %add3A, %mul3A_361 : i32
    "tpu.region"() ({
      %run_scoped3A = tpu.sem_alloc : memref<!tpu.dma_semaphore, #tpu.memory_space<semaphore_mem>>
      %dma_start3A_373 = tpu.memref_slice %arg6[%mul3A_362] : memref<320000xf32, #tpu.memory_space<hbm>> -> memref<10000xf32, #tpu.memory_space<hbm>>
      %dma_start3A_374 = tpu.memref_slice %arg6[%mul3A_362] : memref<320000xf32, #tpu.memory_space<hbm>> -> memref<10000xf32, #tpu.memory_space<hbm>>
      tpu.enqueue_dma source(%arg23 : memref<10000xf32, #tpu.memory_space<vmem>>) target(%dma_start3A_374 : memref<10000xf32, #tpu.memory_space<hbm>>) target_semaphore(%run_scoped3A : memref<!tpu.dma_semaphore, #tpu.memory_space<semaphore_mem>>)
      %dma_wait3A_375 = tpu.memref_slice %arg6[%mul3A_362] : memref<320000xf32, #tpu.memory_space<hbm>> -> memref<10000xf32, #tpu.memory_space<hbm>>
      %dma_wait3A_376 = tpu.memref_slice %arg6[%mul3A_362] : memref<320000xf32, #tpu.memory_space<hbm>> -> memref<10000xf32, #tpu.memory_space<hbm>>
      tpu.wait_dma2 semaphore(%run_scoped3A : memref<!tpu.dma_semaphore, #tpu.memory_space<semaphore_mem>>) src(%arg23 : memref<10000xf32, #tpu.memory_space<vmem>>) dst(%dma_wait3A_376 : memref<10000xf32, #tpu.memory_space<hbm>>)
      tpu.yield
    }) : () -> ()
    %dma_wait3A_363 = tpu.memref_slice %arg5[%mul3A_2] : memref<320000xf32, #tpu.memory_space<hbm>> -> memref<2000xf32, #tpu.memory_space<hbm>>
    %dma_wait3A_364 = tpu.memref_slice %arg5[%mul3A_2] : memref<320000xf32, #tpu.memory_space<hbm>> -> memref<2000xf32, #tpu.memory_space<hbm>>
    tpu.wait_dma2 semaphore(%arg25 : memref<!tpu.dma_semaphore, #tpu.memory_space<semaphore_mem>>) src(%arg18 : memref<2000xf32, #tpu.memory_space<vmem>>) dst(%dma_wait3A_364 : memref<2000xf32, #tpu.memory_space<hbm>>)
    %dma_wait3A_365 = tpu.memref_slice %arg5[%mul3A_2] : memref<320000xf32, #tpu.memory_space<hbm>> -> memref<2000xf32, #tpu.memory_space<hbm>>
    %dma_wait3A_366 = tpu.memref_slice %arg5[%mul3A_2] : memref<320000xf32, #tpu.memory_space<hbm>> -> memref<2000xf32, #tpu.memory_space<hbm>>
    tpu.wait_dma2 semaphore(%arg25 : memref<!tpu.dma_semaphore, #tpu.memory_space<semaphore_mem>>) src(%arg19 : memref<2000xf32, #tpu.memory_space<vmem>>) dst(%dma_wait3A_366 : memref<2000xf32, #tpu.memory_space<hbm>>)
    %dma_wait3A_367 = tpu.memref_slice %arg5[%mul3A_2] : memref<320000xf32, #tpu.memory_space<hbm>> -> memref<2000xf32, #tpu.memory_space<hbm>>
    %dma_wait3A_368 = tpu.memref_slice %arg5[%mul3A_2] : memref<320000xf32, #tpu.memory_space<hbm>> -> memref<2000xf32, #tpu.memory_space<hbm>>
    tpu.wait_dma2 semaphore(%arg25 : memref<!tpu.dma_semaphore, #tpu.memory_space<semaphore_mem>>) src(%arg20 : memref<2000xf32, #tpu.memory_space<vmem>>) dst(%dma_wait3A_368 : memref<2000xf32, #tpu.memory_space<hbm>>)
    %dma_wait3A_369 = tpu.memref_slice %arg5[%mul3A_2] : memref<320000xf32, #tpu.memory_space<hbm>> -> memref<2000xf32, #tpu.memory_space<hbm>>
    %dma_wait3A_370 = tpu.memref_slice %arg5[%mul3A_2] : memref<320000xf32, #tpu.memory_space<hbm>> -> memref<2000xf32, #tpu.memory_space<hbm>>
    tpu.wait_dma2 semaphore(%arg25 : memref<!tpu.dma_semaphore, #tpu.memory_space<semaphore_mem>>) src(%arg21 : memref<2000xf32, #tpu.memory_space<vmem>>) dst(%dma_wait3A_370 : memref<2000xf32, #tpu.memory_space<hbm>>)
    %dma_wait3A_371 = tpu.memref_slice %arg5[%mul3A_2] : memref<320000xf32, #tpu.memory_space<hbm>> -> memref<2000xf32, #tpu.memory_space<hbm>>
    %dma_wait3A_372 = tpu.memref_slice %arg5[%mul3A_2] : memref<320000xf32, #tpu.memory_space<hbm>> -> memref<2000xf32, #tpu.memory_space<hbm>>
    tpu.wait_dma2 semaphore(%arg25 : memref<!tpu.dma_semaphore, #tpu.memory_space<semaphore_mem>>) src(%arg22 : memref<2000xf32, #tpu.memory_space<vmem>>) dst(%dma_wait3A_372 : memref<2000xf32, #tpu.memory_space<hbm>>)
    return
  }
}

#map = affine_map<(d0, d1) -> (0, 0)>
#map1 = affine_map<(d0, d1) -> (0)>
module attributes {stable_mosaic.version = 14 : i64} {
  func.func @sc3(%arg0: i32, %arg1: i32, %arg2: memref<10240x128xf32, #tpu.memory_space<hbm>>, %arg3: memref<32768xi32, #tpu.memory_space<hbm>>, %arg4: memref<32768x128xf32, #tpu.memory_space<hbm>>, %arg5: memref<128xi32, #tpu.memory_space<vmem>>, %arg6: memref<128xi32, #tpu.memory_space<vmem>>, %arg7: memref<128xi32, #tpu.memory_space<vmem>>, %arg8: memref<128xi32, #tpu.memory_space<vmem>>, %arg9: memref<128xi32, #tpu.memory_space<vmem>>, %arg10: memref<128xi32, #tpu.memory_space<vmem>>, %arg11: memref<128xi32, #tpu.memory_space<vmem>>, %arg12: memref<128xi32, #tpu.memory_space<vmem>>, %arg13: memref<128x128xf32, #tpu.memory_space<vmem>>, %arg14: memref<128x128xf32, #tpu.memory_space<vmem>>, %arg15: memref<128x128xf32, #tpu.memory_space<vmem>>, %arg16: memref<128x128xf32, #tpu.memory_space<vmem>>, %arg17: memref<!tpu.dma_semaphore, #tpu.memory_space<semaphore_mem>>, %arg18: memref<!tpu.dma_semaphore, #tpu.memory_space<semaphore_mem>>, %arg19: memref<!tpu.dma_semaphore, #tpu.memory_space<semaphore_mem>>, %arg20: memref<!tpu.dma_semaphore, #tpu.memory_space<semaphore_mem>>, %arg21: memref<!tpu.dma_semaphore, #tpu.memory_space<semaphore_mem>>, %arg22: memref<!tpu.dma_semaphore, #tpu.memory_space<semaphore_mem>>, %arg23: memref<!tpu.dma_semaphore, #tpu.memory_space<semaphore_mem>>, %arg24: memref<!tpu.dma_semaphore, #tpu.memory_space<semaphore_mem>>, %arg25: memref<!tpu.dma_semaphore, #tpu.memory_space<semaphore_mem>>) attributes {dimension_semantics = [#tpu.dimension_semantics<core_parallel>, #tpu.dimension_semantics<subcore_parallel>], iteration_bounds = array<i64: 2, 16>, scalar_prefetch = 0 : i64, scratch_operands = 21 : i64, tpu.core_type = #tpu.core_type<sc_vector_subcore>, window_params = [{transform_indices = #map}, {transform_indices = #map1}, {transform_indices = #map}]} {
    %mul3A = arith.constant 2 : i32
    %mul3A_0 = arith.muli %arg1, %mul3A : i32
    %add3A = arith.addi %mul3A_0, %arg0 : i32
    %mul3A_1 = arith.constant 1024 : i32
    %mul3A_2 = arith.muli %add3A, %mul3A_1 : i32
    %add3A_3 = arith.constant 0 : i32
    %add3A_4 = arith.addi %mul3A_2, %add3A_3 : i32
    %dma_start3A = tpu.memref_slice %arg3[%add3A_4] : memref<32768xi32, #tpu.memory_space<hbm>> -> memref<128xi32, #tpu.memory_space<hbm>>
    %dma_start3A_5 = tpu.memref_slice %arg3[%add3A_4] : memref<32768xi32, #tpu.memory_space<hbm>> -> memref<128xi32, #tpu.memory_space<hbm>>
    tpu.enqueue_dma source(%dma_start3A_5 : memref<128xi32, #tpu.memory_space<hbm>>) target(%arg5 : memref<128xi32, #tpu.memory_space<vmem>>) target_semaphore(%arg17 : memref<!tpu.dma_semaphore, #tpu.memory_space<semaphore_mem>>)
    %add3A_6 = arith.constant 128 : i32
    %add3A_7 = arith.addi %mul3A_2, %add3A_6 : i32
    %dma_start3A_8 = tpu.memref_slice %arg3[%add3A_7] : memref<32768xi32, #tpu.memory_space<hbm>> -> memref<128xi32, #tpu.memory_space<hbm>>
    %dma_start3A_9 = tpu.memref_slice %arg3[%add3A_7] : memref<32768xi32, #tpu.memory_space<hbm>> -> memref<128xi32, #tpu.memory_space<hbm>>
    tpu.enqueue_dma source(%dma_start3A_9 : memref<128xi32, #tpu.memory_space<hbm>>) target(%arg6 : memref<128xi32, #tpu.memory_space<vmem>>) target_semaphore(%arg17 : memref<!tpu.dma_semaphore, #tpu.memory_space<semaphore_mem>>)
    %add3A_10 = arith.constant 256 : i32
    %add3A_11 = arith.addi %mul3A_2, %add3A_10 : i32
    %dma_start3A_12 = tpu.memref_slice %arg3[%add3A_11] : memref<32768xi32, #tpu.memory_space<hbm>> -> memref<128xi32, #tpu.memory_space<hbm>>
    %dma_start3A_13 = tpu.memref_slice %arg3[%add3A_11] : memref<32768xi32, #tpu.memory_space<hbm>> -> memref<128xi32, #tpu.memory_space<hbm>>
    tpu.enqueue_dma source(%dma_start3A_13 : memref<128xi32, #tpu.memory_space<hbm>>) target(%arg7 : memref<128xi32, #tpu.memory_space<vmem>>) target_semaphore(%arg17 : memref<!tpu.dma_semaphore, #tpu.memory_space<semaphore_mem>>)
    %add3A_14 = arith.constant 384 : i32
    %add3A_15 = arith.addi %mul3A_2, %add3A_14 : i32
    %dma_start3A_16 = tpu.memref_slice %arg3[%add3A_15] : memref<32768xi32, #tpu.memory_space<hbm>> -> memref<128xi32, #tpu.memory_space<hbm>>
    %dma_start3A_17 = tpu.memref_slice %arg3[%add3A_15] : memref<32768xi32, #tpu.memory_space<hbm>> -> memref<128xi32, #tpu.memory_space<hbm>>
    tpu.enqueue_dma source(%dma_start3A_17 : memref<128xi32, #tpu.memory_space<hbm>>) target(%arg8 : memref<128xi32, #tpu.memory_space<vmem>>) target_semaphore(%arg17 : memref<!tpu.dma_semaphore, #tpu.memory_space<semaphore_mem>>)
    %add3A_18 = arith.constant 512 : i32
    %add3A_19 = arith.addi %mul3A_2, %add3A_18 : i32
    %dma_start3A_20 = tpu.memref_slice %arg3[%add3A_19] : memref<32768xi32, #tpu.memory_space<hbm>> -> memref<128xi32, #tpu.memory_space<hbm>>
    %dma_start3A_21 = tpu.memref_slice %arg3[%add3A_19] : memref<32768xi32, #tpu.memory_space<hbm>> -> memref<128xi32, #tpu.memory_space<hbm>>
    tpu.enqueue_dma source(%dma_start3A_21 : memref<128xi32, #tpu.memory_space<hbm>>) target(%arg9 : memref<128xi32, #tpu.memory_space<vmem>>) target_semaphore(%arg17 : memref<!tpu.dma_semaphore, #tpu.memory_space<semaphore_mem>>)
    %add3A_22 = arith.constant 640 : i32
    %add3A_23 = arith.addi %mul3A_2, %add3A_22 : i32
    %dma_start3A_24 = tpu.memref_slice %arg3[%add3A_23] : memref<32768xi32, #tpu.memory_space<hbm>> -> memref<128xi32, #tpu.memory_space<hbm>>
    %dma_start3A_25 = tpu.memref_slice %arg3[%add3A_23] : memref<32768xi32, #tpu.memory_space<hbm>> -> memref<128xi32, #tpu.memory_space<hbm>>
    tpu.enqueue_dma source(%dma_start3A_25 : memref<128xi32, #tpu.memory_space<hbm>>) target(%arg10 : memref<128xi32, #tpu.memory_space<vmem>>) target_semaphore(%arg17 : memref<!tpu.dma_semaphore, #tpu.memory_space<semaphore_mem>>)
    %add3A_26 = arith.constant 768 : i32
    %add3A_27 = arith.addi %mul3A_2, %add3A_26 : i32
    %dma_start3A_28 = tpu.memref_slice %arg3[%add3A_27] : memref<32768xi32, #tpu.memory_space<hbm>> -> memref<128xi32, #tpu.memory_space<hbm>>
    %dma_start3A_29 = tpu.memref_slice %arg3[%add3A_27] : memref<32768xi32, #tpu.memory_space<hbm>> -> memref<128xi32, #tpu.memory_space<hbm>>
    tpu.enqueue_dma source(%dma_start3A_29 : memref<128xi32, #tpu.memory_space<hbm>>) target(%arg11 : memref<128xi32, #tpu.memory_space<vmem>>) target_semaphore(%arg17 : memref<!tpu.dma_semaphore, #tpu.memory_space<semaphore_mem>>)
    %add3A_30 = arith.constant 896 : i32
    %add3A_31 = arith.addi %mul3A_2, %add3A_30 : i32
    %dma_start3A_32 = tpu.memref_slice %arg3[%add3A_31] : memref<32768xi32, #tpu.memory_space<hbm>> -> memref<128xi32, #tpu.memory_space<hbm>>
    %dma_start3A_33 = tpu.memref_slice %arg3[%add3A_31] : memref<32768xi32, #tpu.memory_space<hbm>> -> memref<128xi32, #tpu.memory_space<hbm>>
    tpu.enqueue_dma source(%dma_start3A_33 : memref<128xi32, #tpu.memory_space<hbm>>) target(%arg12 : memref<128xi32, #tpu.memory_space<vmem>>) target_semaphore(%arg17 : memref<!tpu.dma_semaphore, #tpu.memory_space<semaphore_mem>>)
    %dma_wait3A = tpu.memref_slice %arg3[%mul3A_2] : memref<32768xi32, #tpu.memory_space<hbm>> -> memref<128xi32, #tpu.memory_space<hbm>>
    %dma_wait3A_34 = tpu.memref_slice %arg3[%mul3A_2] : memref<32768xi32, #tpu.memory_space<hbm>> -> memref<128xi32, #tpu.memory_space<hbm>>
    tpu.wait_dma2 semaphore(%arg17 : memref<!tpu.dma_semaphore, #tpu.memory_space<semaphore_mem>>) src(%dma_wait3A_34 : memref<128xi32, #tpu.memory_space<hbm>>) dst(%arg5 : memref<128xi32, #tpu.memory_space<vmem>>)
    %dma_wait3A_35 = tpu.memref_slice %arg3[%mul3A_2] : memref<32768xi32, #tpu.memory_space<hbm>> -> memref<128xi32, #tpu.memory_space<hbm>>
    %dma_wait3A_36 = tpu.memref_slice %arg3[%mul3A_2] : memref<32768xi32, #tpu.memory_space<hbm>> -> memref<128xi32, #tpu.memory_space<hbm>>
    tpu.wait_dma2 semaphore(%arg17 : memref<!tpu.dma_semaphore, #tpu.memory_space<semaphore_mem>>) src(%dma_wait3A_36 : memref<128xi32, #tpu.memory_space<hbm>>) dst(%arg6 : memref<128xi32, #tpu.memory_space<vmem>>)
    %dma_wait3A_37 = tpu.memref_slice %arg3[%mul3A_2] : memref<32768xi32, #tpu.memory_space<hbm>> -> memref<128xi32, #tpu.memory_space<hbm>>
    %dma_wait3A_38 = tpu.memref_slice %arg3[%mul3A_2] : memref<32768xi32, #tpu.memory_space<hbm>> -> memref<128xi32, #tpu.memory_space<hbm>>
    tpu.wait_dma2 semaphore(%arg17 : memref<!tpu.dma_semaphore, #tpu.memory_space<semaphore_mem>>) src(%dma_wait3A_38 : memref<128xi32, #tpu.memory_space<hbm>>) dst(%arg7 : memref<128xi32, #tpu.memory_space<vmem>>)
    %dma_wait3A_39 = tpu.memref_slice %arg3[%mul3A_2] : memref<32768xi32, #tpu.memory_space<hbm>> -> memref<128xi32, #tpu.memory_space<hbm>>
    %dma_wait3A_40 = tpu.memref_slice %arg3[%mul3A_2] : memref<32768xi32, #tpu.memory_space<hbm>> -> memref<128xi32, #tpu.memory_space<hbm>>
    tpu.wait_dma2 semaphore(%arg17 : memref<!tpu.dma_semaphore, #tpu.memory_space<semaphore_mem>>) src(%dma_wait3A_40 : memref<128xi32, #tpu.memory_space<hbm>>) dst(%arg8 : memref<128xi32, #tpu.memory_space<vmem>>)
    %dma_wait3A_41 = tpu.memref_slice %arg3[%mul3A_2] : memref<32768xi32, #tpu.memory_space<hbm>> -> memref<128xi32, #tpu.memory_space<hbm>>
    %dma_wait3A_42 = tpu.memref_slice %arg3[%mul3A_2] : memref<32768xi32, #tpu.memory_space<hbm>> -> memref<128xi32, #tpu.memory_space<hbm>>
    tpu.wait_dma2 semaphore(%arg17 : memref<!tpu.dma_semaphore, #tpu.memory_space<semaphore_mem>>) src(%dma_wait3A_42 : memref<128xi32, #tpu.memory_space<hbm>>) dst(%arg9 : memref<128xi32, #tpu.memory_space<vmem>>)
    %dma_wait3A_43 = tpu.memref_slice %arg3[%mul3A_2] : memref<32768xi32, #tpu.memory_space<hbm>> -> memref<128xi32, #tpu.memory_space<hbm>>
    %dma_wait3A_44 = tpu.memref_slice %arg3[%mul3A_2] : memref<32768xi32, #tpu.memory_space<hbm>> -> memref<128xi32, #tpu.memory_space<hbm>>
    tpu.wait_dma2 semaphore(%arg17 : memref<!tpu.dma_semaphore, #tpu.memory_space<semaphore_mem>>) src(%dma_wait3A_44 : memref<128xi32, #tpu.memory_space<hbm>>) dst(%arg10 : memref<128xi32, #tpu.memory_space<vmem>>)
    %dma_wait3A_45 = tpu.memref_slice %arg3[%mul3A_2] : memref<32768xi32, #tpu.memory_space<hbm>> -> memref<128xi32, #tpu.memory_space<hbm>>
    %dma_wait3A_46 = tpu.memref_slice %arg3[%mul3A_2] : memref<32768xi32, #tpu.memory_space<hbm>> -> memref<128xi32, #tpu.memory_space<hbm>>
    tpu.wait_dma2 semaphore(%arg17 : memref<!tpu.dma_semaphore, #tpu.memory_space<semaphore_mem>>) src(%dma_wait3A_46 : memref<128xi32, #tpu.memory_space<hbm>>) dst(%arg11 : memref<128xi32, #tpu.memory_space<vmem>>)
    %dma_wait3A_47 = tpu.memref_slice %arg3[%mul3A_2] : memref<32768xi32, #tpu.memory_space<hbm>> -> memref<128xi32, #tpu.memory_space<hbm>>
    %dma_wait3A_48 = tpu.memref_slice %arg3[%mul3A_2] : memref<32768xi32, #tpu.memory_space<hbm>> -> memref<128xi32, #tpu.memory_space<hbm>>
    tpu.wait_dma2 semaphore(%arg17 : memref<!tpu.dma_semaphore, #tpu.memory_space<semaphore_mem>>) src(%dma_wait3A_48 : memref<128xi32, #tpu.memory_space<hbm>>) dst(%arg12 : memref<128xi32, #tpu.memory_space<vmem>>)
    %dma_start3A_49 = arith.constant 0 : i32
    %dma_start3A_50 = arith.constant 0 : i32
    %dma_start3A_51 = tpu.memref_slice %arg2[%dma_start3A_49, %dma_start3A_50] : memref<10240x128xf32, #tpu.memory_space<hbm>> -> memref<10240x128xf32, #tpu.memory_space<hbm>>
    tpu.enqueue_indirect_dma source(%dma_start3A_51 : memref<10240x128xf32, #tpu.memory_space<hbm>>) target(%arg13 : memref<128x128xf32, #tpu.memory_space<vmem>>) offsets(%arg5 : memref<128xi32, #tpu.memory_space<vmem>>) semaphore(%arg18 : memref<!tpu.dma_semaphore, #tpu.memory_space<semaphore_mem>>)
    %dma_start3A_52 = arith.constant 0 : i32
    %dma_start3A_53 = arith.constant 0 : i32
    %dma_start3A_54 = tpu.memref_slice %arg2[%dma_start3A_52, %dma_start3A_53] : memref<10240x128xf32, #tpu.memory_space<hbm>> -> memref<10240x128xf32, #tpu.memory_space<hbm>>
    tpu.enqueue_indirect_dma source(%dma_start3A_54 : memref<10240x128xf32, #tpu.memory_space<hbm>>) target(%arg14 : memref<128x128xf32, #tpu.memory_space<vmem>>) offsets(%arg6 : memref<128xi32, #tpu.memory_space<vmem>>) semaphore(%arg19 : memref<!tpu.dma_semaphore, #tpu.memory_space<semaphore_mem>>)
    %dma_start3A_55 = arith.constant 0 : i32
    %dma_start3A_56 = arith.constant 0 : i32
    %dma_start3A_57 = tpu.memref_slice %arg2[%dma_start3A_55, %dma_start3A_56] : memref<10240x128xf32, #tpu.memory_space<hbm>> -> memref<10240x128xf32, #tpu.memory_space<hbm>>
    tpu.enqueue_indirect_dma source(%dma_start3A_57 : memref<10240x128xf32, #tpu.memory_space<hbm>>) target(%arg15 : memref<128x128xf32, #tpu.memory_space<vmem>>) offsets(%arg7 : memref<128xi32, #tpu.memory_space<vmem>>) semaphore(%arg20 : memref<!tpu.dma_semaphore, #tpu.memory_space<semaphore_mem>>)
    %dma_start3A_58 = arith.constant 0 : i32
    %dma_start3A_59 = arith.constant 0 : i32
    %dma_start3A_60 = tpu.memref_slice %arg2[%dma_start3A_58, %dma_start3A_59] : memref<10240x128xf32, #tpu.memory_space<hbm>> -> memref<10240x128xf32, #tpu.memory_space<hbm>>
    tpu.enqueue_indirect_dma source(%dma_start3A_60 : memref<10240x128xf32, #tpu.memory_space<hbm>>) target(%arg16 : memref<128x128xf32, #tpu.memory_space<vmem>>) offsets(%arg8 : memref<128xi32, #tpu.memory_space<vmem>>) semaphore(%arg21 : memref<!tpu.dma_semaphore, #tpu.memory_space<semaphore_mem>>)
    %dma_wait3A_61 = arith.constant 0 : i32
    %dma_wait3A_62 = arith.constant 0 : i32
    %dma_wait3A_63 = tpu.memref_slice %arg2[%dma_wait3A_61, %dma_wait3A_62] : memref<10240x128xf32, #tpu.memory_space<hbm>> -> memref<10240x128xf32, #tpu.memory_space<hbm>>
    tpu.wait_indirect_dma semaphore(%arg18 : memref<!tpu.dma_semaphore, #tpu.memory_space<semaphore_mem>>) src(%dma_wait3A_63 : memref<10240x128xf32, #tpu.memory_space<hbm>>) dst(%arg13 : memref<128x128xf32, #tpu.memory_space<vmem>>)
    %add3A_64 = arith.constant 0 : i32
    %add3A_65 = arith.addi %mul3A_2, %add3A_64 : i32
    %dma_start3A_66 = arith.constant 0 : i32
    %dma_start3A_67 = tpu.memref_slice %arg4[%add3A_65, %dma_start3A_66] : memref<32768x128xf32, #tpu.memory_space<hbm>> -> memref<128x128xf32, #tpu.memory_space<hbm>>
    %dma_start3A_68 = arith.constant 0 : i32
    %dma_start3A_69 = tpu.memref_slice %arg4[%add3A_65, %dma_start3A_68] : memref<32768x128xf32, #tpu.memory_space<hbm>> -> memref<128x128xf32, #tpu.memory_space<hbm>>
    tpu.enqueue_dma source(%arg13 : memref<128x128xf32, #tpu.memory_space<vmem>>) target(%dma_start3A_69 : memref<128x128xf32, #tpu.memory_space<hbm>>) target_semaphore(%arg22 : memref<!tpu.dma_semaphore, #tpu.memory_space<semaphore_mem>>)
    %dma_wait3A_70 = arith.constant 0 : i32
    %dma_wait3A_71 = tpu.memref_slice %arg4[%mul3A_2, %dma_wait3A_70] : memref<32768x128xf32, #tpu.memory_space<hbm>> -> memref<128x128xf32, #tpu.memory_space<hbm>>
    %dma_wait3A_72 = arith.constant 0 : i32
    %dma_wait3A_73 = tpu.memref_slice %arg4[%mul3A_2, %dma_wait3A_72] : memref<32768x128xf32, #tpu.memory_space<hbm>> -> memref<128x128xf32, #tpu.memory_space<hbm>>
    tpu.wait_dma2 semaphore(%arg22 : memref<!tpu.dma_semaphore, #tpu.memory_space<semaphore_mem>>) src(%arg13 : memref<128x128xf32, #tpu.memory_space<vmem>>) dst(%dma_wait3A_73 : memref<128x128xf32, #tpu.memory_space<hbm>>)
    %dma_start3A_74 = arith.constant 0 : i32
    %dma_start3A_75 = arith.constant 0 : i32
    %dma_start3A_76 = tpu.memref_slice %arg2[%dma_start3A_74, %dma_start3A_75] : memref<10240x128xf32, #tpu.memory_space<hbm>> -> memref<10240x128xf32, #tpu.memory_space<hbm>>
    tpu.enqueue_indirect_dma source(%dma_start3A_76 : memref<10240x128xf32, #tpu.memory_space<hbm>>) target(%arg13 : memref<128x128xf32, #tpu.memory_space<vmem>>) offsets(%arg9 : memref<128xi32, #tpu.memory_space<vmem>>) semaphore(%arg18 : memref<!tpu.dma_semaphore, #tpu.memory_space<semaphore_mem>>)
    %dma_wait3A_77 = arith.constant 0 : i32
    %dma_wait3A_78 = arith.constant 0 : i32
    %dma_wait3A_79 = tpu.memref_slice %arg2[%dma_wait3A_77, %dma_wait3A_78] : memref<10240x128xf32, #tpu.memory_space<hbm>> -> memref<10240x128xf32, #tpu.memory_space<hbm>>
    tpu.wait_indirect_dma semaphore(%arg19 : memref<!tpu.dma_semaphore, #tpu.memory_space<semaphore_mem>>) src(%dma_wait3A_79 : memref<10240x128xf32, #tpu.memory_space<hbm>>) dst(%arg14 : memref<128x128xf32, #tpu.memory_space<vmem>>)
    %add3A_80 = arith.constant 128 : i32
    %add3A_81 = arith.addi %mul3A_2, %add3A_80 : i32
    %dma_start3A_82 = arith.constant 0 : i32
    %dma_start3A_83 = tpu.memref_slice %arg4[%add3A_81, %dma_start3A_82] : memref<32768x128xf32, #tpu.memory_space<hbm>> -> memref<128x128xf32, #tpu.memory_space<hbm>>
    %dma_start3A_84 = arith.constant 0 : i32
    %dma_start3A_85 = tpu.memref_slice %arg4[%add3A_81, %dma_start3A_84] : memref<32768x128xf32, #tpu.memory_space<hbm>> -> memref<128x128xf32, #tpu.memory_space<hbm>>
    tpu.enqueue_dma source(%arg14 : memref<128x128xf32, #tpu.memory_space<vmem>>) target(%dma_start3A_85 : memref<128x128xf32, #tpu.memory_space<hbm>>) target_semaphore(%arg23 : memref<!tpu.dma_semaphore, #tpu.memory_space<semaphore_mem>>)
    %dma_wait3A_86 = arith.constant 0 : i32
    %dma_wait3A_87 = tpu.memref_slice %arg4[%mul3A_2, %dma_wait3A_86] : memref<32768x128xf32, #tpu.memory_space<hbm>> -> memref<128x128xf32, #tpu.memory_space<hbm>>
    %dma_wait3A_88 = arith.constant 0 : i32
    %dma_wait3A_89 = tpu.memref_slice %arg4[%mul3A_2, %dma_wait3A_88] : memref<32768x128xf32, #tpu.memory_space<hbm>> -> memref<128x128xf32, #tpu.memory_space<hbm>>
    tpu.wait_dma2 semaphore(%arg23 : memref<!tpu.dma_semaphore, #tpu.memory_space<semaphore_mem>>) src(%arg14 : memref<128x128xf32, #tpu.memory_space<vmem>>) dst(%dma_wait3A_89 : memref<128x128xf32, #tpu.memory_space<hbm>>)
    %dma_start3A_90 = arith.constant 0 : i32
    %dma_start3A_91 = arith.constant 0 : i32
    %dma_start3A_92 = tpu.memref_slice %arg2[%dma_start3A_90, %dma_start3A_91] : memref<10240x128xf32, #tpu.memory_space<hbm>> -> memref<10240x128xf32, #tpu.memory_space<hbm>>
    tpu.enqueue_indirect_dma source(%dma_start3A_92 : memref<10240x128xf32, #tpu.memory_space<hbm>>) target(%arg14 : memref<128x128xf32, #tpu.memory_space<vmem>>) offsets(%arg10 : memref<128xi32, #tpu.memory_space<vmem>>) semaphore(%arg19 : memref<!tpu.dma_semaphore, #tpu.memory_space<semaphore_mem>>)
    %dma_wait3A_93 = arith.constant 0 : i32
    %dma_wait3A_94 = arith.constant 0 : i32
    %dma_wait3A_95 = tpu.memref_slice %arg2[%dma_wait3A_93, %dma_wait3A_94] : memref<10240x128xf32, #tpu.memory_space<hbm>> -> memref<10240x128xf32, #tpu.memory_space<hbm>>
    tpu.wait_indirect_dma semaphore(%arg20 : memref<!tpu.dma_semaphore, #tpu.memory_space<semaphore_mem>>) src(%dma_wait3A_95 : memref<10240x128xf32, #tpu.memory_space<hbm>>) dst(%arg15 : memref<128x128xf32, #tpu.memory_space<vmem>>)
    %add3A_96 = arith.constant 256 : i32
    %add3A_97 = arith.addi %mul3A_2, %add3A_96 : i32
    %dma_start3A_98 = arith.constant 0 : i32
    %dma_start3A_99 = tpu.memref_slice %arg4[%add3A_97, %dma_start3A_98] : memref<32768x128xf32, #tpu.memory_space<hbm>> -> memref<128x128xf32, #tpu.memory_space<hbm>>
    %dma_start3A_100 = arith.constant 0 : i32
    %dma_start3A_101 = tpu.memref_slice %arg4[%add3A_97, %dma_start3A_100] : memref<32768x128xf32, #tpu.memory_space<hbm>> -> memref<128x128xf32, #tpu.memory_space<hbm>>
    tpu.enqueue_dma source(%arg15 : memref<128x128xf32, #tpu.memory_space<vmem>>) target(%dma_start3A_101 : memref<128x128xf32, #tpu.memory_space<hbm>>) target_semaphore(%arg24 : memref<!tpu.dma_semaphore, #tpu.memory_space<semaphore_mem>>)
    %dma_wait3A_102 = arith.constant 0 : i32
    %dma_wait3A_103 = tpu.memref_slice %arg4[%mul3A_2, %dma_wait3A_102] : memref<32768x128xf32, #tpu.memory_space<hbm>> -> memref<128x128xf32, #tpu.memory_space<hbm>>
    %dma_wait3A_104 = arith.constant 0 : i32
    %dma_wait3A_105 = tpu.memref_slice %arg4[%mul3A_2, %dma_wait3A_104] : memref<32768x128xf32, #tpu.memory_space<hbm>> -> memref<128x128xf32, #tpu.memory_space<hbm>>
    tpu.wait_dma2 semaphore(%arg24 : memref<!tpu.dma_semaphore, #tpu.memory_space<semaphore_mem>>) src(%arg15 : memref<128x128xf32, #tpu.memory_space<vmem>>) dst(%dma_wait3A_105 : memref<128x128xf32, #tpu.memory_space<hbm>>)
    %dma_start3A_106 = arith.constant 0 : i32
    %dma_start3A_107 = arith.constant 0 : i32
    %dma_start3A_108 = tpu.memref_slice %arg2[%dma_start3A_106, %dma_start3A_107] : memref<10240x128xf32, #tpu.memory_space<hbm>> -> memref<10240x128xf32, #tpu.memory_space<hbm>>
    tpu.enqueue_indirect_dma source(%dma_start3A_108 : memref<10240x128xf32, #tpu.memory_space<hbm>>) target(%arg15 : memref<128x128xf32, #tpu.memory_space<vmem>>) offsets(%arg11 : memref<128xi32, #tpu.memory_space<vmem>>) semaphore(%arg20 : memref<!tpu.dma_semaphore, #tpu.memory_space<semaphore_mem>>)
    %dma_wait3A_109 = arith.constant 0 : i32
    %dma_wait3A_110 = arith.constant 0 : i32
    %dma_wait3A_111 = tpu.memref_slice %arg2[%dma_wait3A_109, %dma_wait3A_110] : memref<10240x128xf32, #tpu.memory_space<hbm>> -> memref<10240x128xf32, #tpu.memory_space<hbm>>
    tpu.wait_indirect_dma semaphore(%arg21 : memref<!tpu.dma_semaphore, #tpu.memory_space<semaphore_mem>>) src(%dma_wait3A_111 : memref<10240x128xf32, #tpu.memory_space<hbm>>) dst(%arg16 : memref<128x128xf32, #tpu.memory_space<vmem>>)
    %add3A_112 = arith.constant 384 : i32
    %add3A_113 = arith.addi %mul3A_2, %add3A_112 : i32
    %dma_start3A_114 = arith.constant 0 : i32
    %dma_start3A_115 = tpu.memref_slice %arg4[%add3A_113, %dma_start3A_114] : memref<32768x128xf32, #tpu.memory_space<hbm>> -> memref<128x128xf32, #tpu.memory_space<hbm>>
    %dma_start3A_116 = arith.constant 0 : i32
    %dma_start3A_117 = tpu.memref_slice %arg4[%add3A_113, %dma_start3A_116] : memref<32768x128xf32, #tpu.memory_space<hbm>> -> memref<128x128xf32, #tpu.memory_space<hbm>>
    tpu.enqueue_dma source(%arg16 : memref<128x128xf32, #tpu.memory_space<vmem>>) target(%dma_start3A_117 : memref<128x128xf32, #tpu.memory_space<hbm>>) target_semaphore(%arg25 : memref<!tpu.dma_semaphore, #tpu.memory_space<semaphore_mem>>)
    %dma_wait3A_118 = arith.constant 0 : i32
    %dma_wait3A_119 = tpu.memref_slice %arg4[%mul3A_2, %dma_wait3A_118] : memref<32768x128xf32, #tpu.memory_space<hbm>> -> memref<128x128xf32, #tpu.memory_space<hbm>>
    %dma_wait3A_120 = arith.constant 0 : i32
    %dma_wait3A_121 = tpu.memref_slice %arg4[%mul3A_2, %dma_wait3A_120] : memref<32768x128xf32, #tpu.memory_space<hbm>> -> memref<128x128xf32, #tpu.memory_space<hbm>>
    tpu.wait_dma2 semaphore(%arg25 : memref<!tpu.dma_semaphore, #tpu.memory_space<semaphore_mem>>) src(%arg16 : memref<128x128xf32, #tpu.memory_space<vmem>>) dst(%dma_wait3A_121 : memref<128x128xf32, #tpu.memory_space<hbm>>)
    %dma_start3A_122 = arith.constant 0 : i32
    %dma_start3A_123 = arith.constant 0 : i32
    %dma_start3A_124 = tpu.memref_slice %arg2[%dma_start3A_122, %dma_start3A_123] : memref<10240x128xf32, #tpu.memory_space<hbm>> -> memref<10240x128xf32, #tpu.memory_space<hbm>>
    tpu.enqueue_indirect_dma source(%dma_start3A_124 : memref<10240x128xf32, #tpu.memory_space<hbm>>) target(%arg16 : memref<128x128xf32, #tpu.memory_space<vmem>>) offsets(%arg12 : memref<128xi32, #tpu.memory_space<vmem>>) semaphore(%arg21 : memref<!tpu.dma_semaphore, #tpu.memory_space<semaphore_mem>>)
    %dma_wait3A_125 = arith.constant 0 : i32
    %dma_wait3A_126 = arith.constant 0 : i32
    %dma_wait3A_127 = tpu.memref_slice %arg2[%dma_wait3A_125, %dma_wait3A_126] : memref<10240x128xf32, #tpu.memory_space<hbm>> -> memref<10240x128xf32, #tpu.memory_space<hbm>>
    tpu.wait_indirect_dma semaphore(%arg18 : memref<!tpu.dma_semaphore, #tpu.memory_space<semaphore_mem>>) src(%dma_wait3A_127 : memref<10240x128xf32, #tpu.memory_space<hbm>>) dst(%arg13 : memref<128x128xf32, #tpu.memory_space<vmem>>)
    %add3A_128 = arith.constant 512 : i32
    %add3A_129 = arith.addi %mul3A_2, %add3A_128 : i32
    %dma_start3A_130 = arith.constant 0 : i32
    %dma_start3A_131 = tpu.memref_slice %arg4[%add3A_129, %dma_start3A_130] : memref<32768x128xf32, #tpu.memory_space<hbm>> -> memref<128x128xf32, #tpu.memory_space<hbm>>
    %dma_start3A_132 = arith.constant 0 : i32
    %dma_start3A_133 = tpu.memref_slice %arg4[%add3A_129, %dma_start3A_132] : memref<32768x128xf32, #tpu.memory_space<hbm>> -> memref<128x128xf32, #tpu.memory_space<hbm>>
    tpu.enqueue_dma source(%arg13 : memref<128x128xf32, #tpu.memory_space<vmem>>) target(%dma_start3A_133 : memref<128x128xf32, #tpu.memory_space<hbm>>) target_semaphore(%arg22 : memref<!tpu.dma_semaphore, #tpu.memory_space<semaphore_mem>>)
    %dma_wait3A_134 = arith.constant 0 : i32
    %dma_wait3A_135 = arith.constant 0 : i32
    %dma_wait3A_136 = tpu.memref_slice %arg2[%dma_wait3A_134, %dma_wait3A_135] : memref<10240x128xf32, #tpu.memory_space<hbm>> -> memref<10240x128xf32, #tpu.memory_space<hbm>>
    tpu.wait_indirect_dma semaphore(%arg19 : memref<!tpu.dma_semaphore, #tpu.memory_space<semaphore_mem>>) src(%dma_wait3A_136 : memref<10240x128xf32, #tpu.memory_space<hbm>>) dst(%arg14 : memref<128x128xf32, #tpu.memory_space<vmem>>)
    %add3A_137 = arith.constant 640 : i32
    %add3A_138 = arith.addi %mul3A_2, %add3A_137 : i32
    %dma_start3A_139 = arith.constant 0 : i32
    %dma_start3A_140 = tpu.memref_slice %arg4[%add3A_138, %dma_start3A_139] : memref<32768x128xf32, #tpu.memory_space<hbm>> -> memref<128x128xf32, #tpu.memory_space<hbm>>
    %dma_start3A_141 = arith.constant 0 : i32
    %dma_start3A_142 = tpu.memref_slice %arg4[%add3A_138, %dma_start3A_141] : memref<32768x128xf32, #tpu.memory_space<hbm>> -> memref<128x128xf32, #tpu.memory_space<hbm>>
    tpu.enqueue_dma source(%arg14 : memref<128x128xf32, #tpu.memory_space<vmem>>) target(%dma_start3A_142 : memref<128x128xf32, #tpu.memory_space<hbm>>) target_semaphore(%arg23 : memref<!tpu.dma_semaphore, #tpu.memory_space<semaphore_mem>>)
    %dma_wait3A_143 = arith.constant 0 : i32
    %dma_wait3A_144 = arith.constant 0 : i32
    %dma_wait3A_145 = tpu.memref_slice %arg2[%dma_wait3A_143, %dma_wait3A_144] : memref<10240x128xf32, #tpu.memory_space<hbm>> -> memref<10240x128xf32, #tpu.memory_space<hbm>>
    tpu.wait_indirect_dma semaphore(%arg20 : memref<!tpu.dma_semaphore, #tpu.memory_space<semaphore_mem>>) src(%dma_wait3A_145 : memref<10240x128xf32, #tpu.memory_space<hbm>>) dst(%arg15 : memref<128x128xf32, #tpu.memory_space<vmem>>)
    %add3A_146 = arith.constant 768 : i32
    %add3A_147 = arith.addi %mul3A_2, %add3A_146 : i32
    %dma_start3A_148 = arith.constant 0 : i32
    %dma_start3A_149 = tpu.memref_slice %arg4[%add3A_147, %dma_start3A_148] : memref<32768x128xf32, #tpu.memory_space<hbm>> -> memref<128x128xf32, #tpu.memory_space<hbm>>
    %dma_start3A_150 = arith.constant 0 : i32
    %dma_start3A_151 = tpu.memref_slice %arg4[%add3A_147, %dma_start3A_150] : memref<32768x128xf32, #tpu.memory_space<hbm>> -> memref<128x128xf32, #tpu.memory_space<hbm>>
    tpu.enqueue_dma source(%arg15 : memref<128x128xf32, #tpu.memory_space<vmem>>) target(%dma_start3A_151 : memref<128x128xf32, #tpu.memory_space<hbm>>) target_semaphore(%arg24 : memref<!tpu.dma_semaphore, #tpu.memory_space<semaphore_mem>>)
    %dma_wait3A_152 = arith.constant 0 : i32
    %dma_wait3A_153 = arith.constant 0 : i32
    %dma_wait3A_154 = tpu.memref_slice %arg2[%dma_wait3A_152, %dma_wait3A_153] : memref<10240x128xf32, #tpu.memory_space<hbm>> -> memref<10240x128xf32, #tpu.memory_space<hbm>>
    tpu.wait_indirect_dma semaphore(%arg21 : memref<!tpu.dma_semaphore, #tpu.memory_space<semaphore_mem>>) src(%dma_wait3A_154 : memref<10240x128xf32, #tpu.memory_space<hbm>>) dst(%arg16 : memref<128x128xf32, #tpu.memory_space<vmem>>)
    %add3A_155 = arith.constant 896 : i32
    %add3A_156 = arith.addi %mul3A_2, %add3A_155 : i32
    %dma_start3A_157 = arith.constant 0 : i32
    %dma_start3A_158 = tpu.memref_slice %arg4[%add3A_156, %dma_start3A_157] : memref<32768x128xf32, #tpu.memory_space<hbm>> -> memref<128x128xf32, #tpu.memory_space<hbm>>
    %dma_start3A_159 = arith.constant 0 : i32
    %dma_start3A_160 = tpu.memref_slice %arg4[%add3A_156, %dma_start3A_159] : memref<32768x128xf32, #tpu.memory_space<hbm>> -> memref<128x128xf32, #tpu.memory_space<hbm>>
    tpu.enqueue_dma source(%arg16 : memref<128x128xf32, #tpu.memory_space<vmem>>) target(%dma_start3A_160 : memref<128x128xf32, #tpu.memory_space<hbm>>) target_semaphore(%arg25 : memref<!tpu.dma_semaphore, #tpu.memory_space<semaphore_mem>>)
    %dma_wait3A_161 = arith.constant 0 : i32
    %dma_wait3A_162 = tpu.memref_slice %arg4[%mul3A_2, %dma_wait3A_161] : memref<32768x128xf32, #tpu.memory_space<hbm>> -> memref<128x128xf32, #tpu.memory_space<hbm>>
    %dma_wait3A_163 = arith.constant 0 : i32
    %dma_wait3A_164 = tpu.memref_slice %arg4[%mul3A_2, %dma_wait3A_163] : memref<32768x128xf32, #tpu.memory_space<hbm>> -> memref<128x128xf32, #tpu.memory_space<hbm>>
    tpu.wait_dma2 semaphore(%arg22 : memref<!tpu.dma_semaphore, #tpu.memory_space<semaphore_mem>>) src(%arg13 : memref<128x128xf32, #tpu.memory_space<vmem>>) dst(%dma_wait3A_164 : memref<128x128xf32, #tpu.memory_space<hbm>>)
    %dma_wait3A_165 = arith.constant 0 : i32
    %dma_wait3A_166 = tpu.memref_slice %arg4[%mul3A_2, %dma_wait3A_165] : memref<32768x128xf32, #tpu.memory_space<hbm>> -> memref<128x128xf32, #tpu.memory_space<hbm>>
    %dma_wait3A_167 = arith.constant 0 : i32
    %dma_wait3A_168 = tpu.memref_slice %arg4[%mul3A_2, %dma_wait3A_167] : memref<32768x128xf32, #tpu.memory_space<hbm>> -> memref<128x128xf32, #tpu.memory_space<hbm>>
    tpu.wait_dma2 semaphore(%arg23 : memref<!tpu.dma_semaphore, #tpu.memory_space<semaphore_mem>>) src(%arg14 : memref<128x128xf32, #tpu.memory_space<vmem>>) dst(%dma_wait3A_168 : memref<128x128xf32, #tpu.memory_space<hbm>>)
    %dma_wait3A_169 = arith.constant 0 : i32
    %dma_wait3A_170 = tpu.memref_slice %arg4[%mul3A_2, %dma_wait3A_169] : memref<32768x128xf32, #tpu.memory_space<hbm>> -> memref<128x128xf32, #tpu.memory_space<hbm>>
    %dma_wait3A_171 = arith.constant 0 : i32
    %dma_wait3A_172 = tpu.memref_slice %arg4[%mul3A_2, %dma_wait3A_171] : memref<32768x128xf32, #tpu.memory_space<hbm>> -> memref<128x128xf32, #tpu.memory_space<hbm>>
    tpu.wait_dma2 semaphore(%arg24 : memref<!tpu.dma_semaphore, #tpu.memory_space<semaphore_mem>>) src(%arg15 : memref<128x128xf32, #tpu.memory_space<vmem>>) dst(%dma_wait3A_172 : memref<128x128xf32, #tpu.memory_space<hbm>>)
    %dma_wait3A_173 = arith.constant 0 : i32
    %dma_wait3A_174 = tpu.memref_slice %arg4[%mul3A_2, %dma_wait3A_173] : memref<32768x128xf32, #tpu.memory_space<hbm>> -> memref<128x128xf32, #tpu.memory_space<hbm>>
    %dma_wait3A_175 = arith.constant 0 : i32
    %dma_wait3A_176 = tpu.memref_slice %arg4[%mul3A_2, %dma_wait3A_175] : memref<32768x128xf32, #tpu.memory_space<hbm>> -> memref<128x128xf32, #tpu.memory_space<hbm>>
    tpu.wait_dma2 semaphore(%arg25 : memref<!tpu.dma_semaphore, #tpu.memory_space<semaphore_mem>>) src(%arg16 : memref<128x128xf32, #tpu.memory_space<vmem>>) dst(%dma_wait3A_176 : memref<128x128xf32, #tpu.memory_space<hbm>>)
    return
  }
}

module attributes {stable_mosaic.version = 14 : i64} {
  func.func @body(%arg0: memref<32x10000xf32, #tpu.memory_space<vmem>>, %arg1: memref<10000x128xf32, #tpu.memory_space<vmem>>, %arg2: memref<128x128xf32, #tpu.memory_space<vmem>>, %arg3: memref<32x1xf32, #tpu.memory_space<vmem>>, %arg4: memref<10240x1xf32, #tpu.memory_space<vmem>>, %arg5: memref<10240x128xf32, #tpu.memory_space<vmem>>) attributes {dimension_semantics = [], scalar_prefetch = 0 : i64, scratch_operands = 0 : i64, tpu.core_type = #tpu.core_type<tc>} {
    %get3A = arith.constant 0 : index
    %get3A_0 = arith.constant 0 : index
    %get3A_1 = vector.load %arg0[%get3A, %get3A_0] : memref<32x10000xf32, #tpu.memory_space<vmem>>, vector<32x10000xf32>
    %get3A_2 = arith.constant 0 : index
    %get3A_3 = arith.constant 0 : index
    %get3A_4 = vector.load %arg3[%get3A_2, %get3A_3] : memref<32x1xf32, #tpu.memory_space<vmem>>, vector<32x1xf32>
    %dot_general3A = arith.constant dense<0.000000e+00> : vector<10000x1xf32>
    %dot_general3A_5 = tpu.matmul %get3A_1, %get3A_4, %dot_general3A {dimension_numbers = #tpu.dot_dimension_numbers<[0], [0], [1], [1], [0, 1, 1, 1], [], []>, transpose_lhs_hint = false} : vector<32x10000xf32>, vector<32x1xf32>, vector<10000x1xf32> -> vector<10000x1xf32>
    %add3A = arith.constant 1.000000e+00 : f32
    %add3A_6 = vector.broadcast %add3A : f32 to vector<10000x1xf32>
    %add3A_7 = arith.addf %dot_general3A_5, %add3A_6 : vector<10000x1xf32>
    %gt3A = arith.constant 0.000000e+00 : f32
    %gt3A_8 = vector.broadcast %gt3A : f32 to vector<10000x1xf32>
    %gt3A_9 = arith.cmpf ogt, %add3A_7, %gt3A_8 : vector<10000x1xf32>
    %jit3A = arith.constant 1.000000e+00 : f32
    %broadcast_in_dim3A = vector.broadcast %jit3A : f32 to vector<10000x1xf32>
    %select_n3A = arith.select %gt3A_9, %add3A_7, %broadcast_in_dim3A : vector<10000x1xi1>, vector<10000x1xf32>
    %gt3A_10 = arith.constant 0.000000e+00 : f32
    %gt3A_11 = vector.broadcast %gt3A_10 : f32 to vector<10000x1xf32>
    %gt3A_12 = arith.cmpf ogt, %add3A_7, %gt3A_11 : vector<10000x1xf32>
    %rsqrt3A = math.rsqrt %select_n3A : vector<10000x1xf32>
    %jit3A_13 = arith.constant 0.000000e+00 : f32
    %broadcast_in_dim3A_14 = vector.broadcast %jit3A_13 : f32 to vector<10000x1xf32>
    %select_n3A_15 = arith.select %gt3A_12, %rsqrt3A, %broadcast_in_dim3A_14 : vector<10000x1xi1>, vector<10000x1xf32>
    %get3A_16 = arith.constant 0 : index
    %get3A_17 = arith.constant 0 : index
    %get3A_18 = vector.load %arg1[%get3A_16, %get3A_17] : memref<10000x128xf32, #tpu.memory_space<vmem>>, vector<10000x128xf32>
    %get3A_19 = arith.constant 0 : index
    %get3A_20 = arith.constant 0 : index
    %get3A_21 = vector.load %arg2[%get3A_19, %get3A_20] : memref<128x128xf32, #tpu.memory_space<vmem>>, vector<128x128xf32>
    %dot_general3A_22 = arith.constant dense<0.000000e+00> : vector<10000x128xf32>
    %dot_general3A_23 = tpu.matmul %get3A_18, %get3A_21, %dot_general3A_22 {dimension_numbers = #tpu.dot_dimension_numbers<[1], [0], [0], [1], [0, 0, 1, 1], [], []>, transpose_lhs_hint = false} : vector<10000x128xf32>, vector<128x128xf32>, vector<10000x128xf32> -> vector<10000x128xf32>
    %broadcast_in_dim3A_24 = arith.constant 0.000000e+00 : f32
    %broadcast_in_dim3A_25 = vector.broadcast %broadcast_in_dim3A_24 : f32 to vector<240x1xf32>
    %broadcast_in_dim3A_26 = arith.constant 0.000000e+00 : f32
    %broadcast_in_dim3A_27 = vector.broadcast %broadcast_in_dim3A_26 : f32 to vector<240x128xf32>
    %concatenate3A = tpu.concatenate %select_n3A_15, %broadcast_in_dim3A_25 in 0 : vector<10000x1xf32>, vector<240x1xf32> -> vector<10240x1xf32>
    %swap3A = arith.constant 0 : index
    %swap3A_28 = arith.constant 0 : index
    %swap3A_29 = vector.load %arg4[%swap3A, %swap3A_28] : memref<10240x1xf32, #tpu.memory_space<vmem>>, vector<10240x1xf32>
    tpu.vector_store %arg4[%swap3A, %swap3A_28], %concatenate3A {strides = array<i32>} : memref<10240x1xf32, #tpu.memory_space<vmem>>, vector<10240x1xf32>,
    %mul3A = vector.broadcast %select_n3A_15 : vector<10000x1xf32> to vector<10000x128xf32>
    %mul3A_30 = arith.mulf %dot_general3A_23, %mul3A : vector<10000x128xf32>
    %concatenate3A_31 = tpu.concatenate %mul3A_30, %broadcast_in_dim3A_27 in 0 : vector<10000x128xf32>, vector<240x128xf32> -> vector<10240x128xf32>
    %swap3A_32 = arith.constant 0 : index
    %swap3A_33 = arith.constant 0 : index
    %swap3A_34 = vector.load %arg5[%swap3A_32, %swap3A_33] : memref<10240x128xf32, #tpu.memory_space<vmem>>, vector<10240x128xf32>
    tpu.vector_store %arg5[%swap3A_32, %swap3A_33], %concatenate3A_31 {strides = array<i32>} : memref<10240x128xf32, #tpu.memory_space<vmem>>, vector<10240x128xf32>,
    return
  }
}

module attributes {stable_mosaic.version = 14 : i64} {
  func.func @body(%arg0: memref<2x10240x128xf32, #tpu.memory_space<vmem>>, %arg1: memref<10240x1xf32, #tpu.memory_space<vmem>>, %arg2: memref<1x128xf32, #tpu.memory_space<vmem>>, %arg3: memref<10240x128xf32, #tpu.memory_space<vmem>>) attributes {dimension_semantics = [], scalar_prefetch = 0 : i64, scratch_operands = 0 : i64, tpu.core_type = #tpu.core_type<tc>} {
    %get3A = arith.constant 0 : index
    %get3A_0 = arith.constant 0 : index
    %get3A_1 = arith.constant 0 : index
    %get3A_2 = vector.load %arg0[%get3A, %get3A_0, %get3A_1] : memref<2x10240x128xf32, #tpu.memory_space<vmem>>, vector<1x10240x128xf32>
    %get3A_3 = vector.shape_cast %get3A_2 : vector<1x10240x128xf32> to vector<10240x128xf32>
    %get3A_4 = arith.constant 1 : index
    %get3A_5 = arith.constant 0 : index
    %get3A_6 = arith.constant 0 : index
    %get3A_7 = vector.load %arg0[%get3A_4, %get3A_5, %get3A_6] : memref<2x10240x128xf32, #tpu.memory_space<vmem>>, vector<1x10240x128xf32>
    %get3A_8 = vector.shape_cast %get3A_7 : vector<1x10240x128xf32> to vector<10240x128xf32>
    %add3A = arith.addf %get3A_3, %get3A_8 : vector<10240x128xf32>
    %get3A_9 = arith.constant 0 : index
    %get3A_10 = arith.constant 0 : index
    %get3A_11 = vector.load %arg1[%get3A_9, %get3A_10] : memref<10240x1xf32, #tpu.memory_space<vmem>>, vector<10240x1xf32>
    %mul3A = vector.broadcast %get3A_11 : vector<10240x1xf32> to vector<10240x128xf32>
    %mul3A_12 = arith.mulf %add3A, %mul3A : vector<10240x128xf32>
    %get3A_13 = arith.constant 0 : index
    %get3A_14 = arith.constant 0 : index
    %get3A_15 = vector.load %arg2[%get3A_13, %get3A_14] : memref<1x128xf32, #tpu.memory_space<vmem>>, vector<1x128xf32>
    %add3A_16 = vector.broadcast %get3A_15 : vector<1x128xf32> to vector<10240x128xf32>
    %add3A_17 = arith.addf %mul3A_12, %add3A_16 : vector<10240x128xf32>
    %max3A = arith.constant 0.000000e+00 : f32
    %max3A_18 = vector.broadcast %max3A : f32 to vector<10240x128xf32>
    %max3A_19 = arith.maximumf %add3A_17, %max3A_18 : vector<10240x128xf32>
    %swap3A = arith.constant 0 : index
    %swap3A_20 = arith.constant 0 : index
    %swap3A_21 = vector.load %arg3[%swap3A, %swap3A_20] : memref<10240x128xf32, #tpu.memory_space<vmem>>, vector<10240x128xf32>
    tpu.vector_store %arg3[%swap3A, %swap3A_20], %max3A_19 {strides = array<i32>} : memref<10240x128xf32, #tpu.memory_space<vmem>>, vector<10240x128xf32>,
    return
  }
}

module attributes {stable_mosaic.version = 14 : i64} {
  func.func @body(%arg0: i32, %arg1: memref<2048x128xf32, #tpu.memory_space<vmem>>, %arg2: memref<2048x128xf32, #tpu.memory_space<vmem>>, %arg3: memref<512x128xf32, #tpu.memory_space<vmem>>, %arg4: memref<1x128xf32, #tpu.memory_space<vmem>>, %arg5: memref<128x1xf32, #tpu.memory_space<vmem>>, %arg6: memref<1x1xf32, #tpu.memory_space<vmem>>, %arg7: memref<2048x1xf32, #tpu.memory_space<vmem>>) attributes {dimension_semantics = [#tpu.dimension_semantics<arbitrary>], iteration_bounds = array<i64: 8>, scalar_prefetch = 0 : i64, scratch_operands = 0 : i64, tpu.core_type = #tpu.core_type<tc>, window_params = [{transform_indices = @transform_0, window_bounds = array<i64: 2048, 128>}, {transform_indices = @transform_1, window_bounds = array<i64: 2048, 128>}, {pipeline_mode = #tpu.pipeline_mode<synchronous>, transform_indices = @transform_2, window_bounds = array<i64: 512, 128>}, {pipeline_mode = #tpu.pipeline_mode<synchronous>, transform_indices = @transform_3, window_bounds = array<i64: 1, 128>}, {pipeline_mode = #tpu.pipeline_mode<synchronous>, transform_indices = @transform_4, window_bounds = array<i64: 128, 1>}, {pipeline_mode = #tpu.pipeline_mode<synchronous>, transform_indices = @transform_5, window_bounds = array<i64: 1, 1>}, {transform_indices = @transform_6, window_bounds = array<i64: 2048, 1>}]} {
    %get3A = arith.constant 0 : index
    %get3A_0 = arith.constant 0 : index
    %get3A_1 = vector.load %arg1[%get3A, %get3A_0] : memref<2048x128xf32, #tpu.memory_space<vmem>>, vector<2048x128xf32>
    %get3A_2 = arith.constant 0 : index
    %get3A_3 = arith.constant 0 : index
    %get3A_4 = vector.load %arg2[%get3A_2, %get3A_3] : memref<2048x128xf32, #tpu.memory_space<vmem>>, vector<2048x128xf32>
    %add3A = arith.addf %get3A_1, %get3A_4 : vector<2048x128xf32>
    %mul3A = arith.mulf %get3A_1, %get3A_4 : vector<2048x128xf32>
    %concatenate3A = tpu.concatenate %add3A, %mul3A, %get3A_1, %get3A_4 in 1 : vector<2048x128xf32>, vector<2048x128xf32>, vector<2048x128xf32>, vector<2048x128xf32> -> vector<2048x512xf32>
    %get3A_5 = arith.constant 0 : index
    %get3A_6 = arith.constant 0 : index
    %get3A_7 = vector.load %arg3[%get3A_5, %get3A_6] : memref<512x128xf32, #tpu.memory_space<vmem>>, vector<512x128xf32>
    %dot_general3A = arith.constant dense<0.000000e+00> : vector<2048x128xf32>
    %dot_general3A_8 = tpu.matmul %concatenate3A, %get3A_7, %dot_general3A {dimension_numbers = #tpu.dot_dimension_numbers<[1], [0], [0], [1], [0, 0, 1, 1], [], []>, transpose_lhs_hint = false} : vector<2048x512xf32>, vector<512x128xf32>, vector<2048x128xf32> -> vector<2048x128xf32>
    %get3A_9 = arith.constant 0 : index
    %get3A_10 = arith.constant 0 : index
    %get3A_11 = vector.load %arg4[%get3A_9, %get3A_10] : memref<1x128xf32, #tpu.memory_space<vmem>>, vector<1x128xf32>
    %add3A_12 = vector.broadcast %get3A_11 : vector<1x128xf32> to vector<2048x128xf32>
    %add3A_13 = arith.addf %dot_general3A_8, %add3A_12 : vector<2048x128xf32>
    %max3A = arith.constant 0.000000e+00 : f32
    %max3A_14 = vector.broadcast %max3A : f32 to vector<2048x128xf32>
    %max3A_15 = arith.maximumf %add3A_13, %max3A_14 : vector<2048x128xf32>
    %get3A_16 = arith.constant 0 : index
    %get3A_17 = arith.constant 0 : index
    %get3A_18 = vector.load %arg5[%get3A_16, %get3A_17] : memref<128x1xf32, #tpu.memory_space<vmem>>, vector<128x1xf32>
    %dot_general3A_19 = arith.constant dense<0.000000e+00> : vector<2048x1xf32>
    %dot_general3A_20 = tpu.matmul %max3A_15, %get3A_18, %dot_general3A_19 {dimension_numbers = #tpu.dot_dimension_numbers<[1], [0], [0], [1], [0, 0, 1, 1], [], []>, transpose_lhs_hint = false} : vector<2048x128xf32>, vector<128x1xf32>, vector<2048x1xf32> -> vector<2048x1xf32>
    %get3A_21 = arith.constant 0 : index
    %get3A_22 = arith.constant 0 : index
    %get3A_23 = vector.load %arg6[%get3A_21, %get3A_22] : memref<1x1xf32, #tpu.memory_space<vmem>>, vector<1x1xf32>
    %add3A_24 = vector.broadcast %get3A_23 : vector<1x1xf32> to vector<2048x1xf32>
    %add3A_25 = arith.addf %dot_general3A_20, %add3A_24 : vector<2048x1xf32>
    %swap3A = arith.constant 0 : index
    %swap3A_26 = arith.constant 0 : index
    %swap3A_27 = vector.load %arg7[%swap3A, %swap3A_26] : memref<2048x1xf32, #tpu.memory_space<vmem>>, vector<2048x1xf32>
    tpu.vector_store %arg7[%swap3A, %swap3A_26], %add3A_25 {strides = array<i32>} : memref<2048x1xf32, #tpu.memory_space<vmem>>, vector<2048x1xf32>,
    return
  }
  func.func @transform_0(%arg0: i32) -> (i32, i32) {
    %c0_i32 = arith.constant 0 : i32
    %c0_i32_0 = arith.constant 0 : i32
    return %arg0, %c0_i32 : i32, i32
  }
  func.func @transform_1(%arg0: i32) -> (i32, i32) {
    %add3A = arith.constant 8 : i32
    %add3A_0 = arith.addi %arg0, %add3A : i32
    %c0_i32 = arith.constant 0 : i32
    %c0_i32_1 = arith.constant 0 : i32
    return %add3A_0, %c0_i32 : i32, i32
  }
  func.func @transform_2(%arg0: i32) -> (i32, i32) {
    %c0_i32 = arith.constant 0 : i32
    %c0_i32_0 = arith.constant 0 : i32
    %c0_i32_1 = arith.constant 0 : i32
    return %c0_i32, %c0_i32_0 : i32, i32
  }
  func.func @transform_3(%arg0: i32) -> (i32, i32) {
    %c0_i32 = arith.constant 0 : i32
    %c0_i32_0 = arith.constant 0 : i32
    %c0_i32_1 = arith.constant 0 : i32
    return %c0_i32, %c0_i32_0 : i32, i32
  }
  func.func @transform_4(%arg0: i32) -> (i32, i32) {
    %c0_i32 = arith.constant 0 : i32
    %c0_i32_0 = arith.constant 0 : i32
    %c0_i32_1 = arith.constant 0 : i32
    return %c0_i32, %c0_i32_0 : i32, i32
  }
  func.func @transform_5(%arg0: i32) -> (i32, i32) {
    %c0_i32 = arith.constant 0 : i32
    %c0_i32_0 = arith.constant 0 : i32
    %c0_i32_1 = arith.constant 0 : i32
    return %c0_i32, %c0_i32_0 : i32, i32
  }
  func.func @transform_6(%arg0: i32) -> (i32, i32) {
    %c0_i32 = arith.constant 0 : i32
    %c0_i32_0 = arith.constant 0 : i32
    return %arg0, %c0_i32 : i32, i32
  }
}

</mosaic_0001>

<sc_bundles>
// kernel: kernel.11.cloned.1.call-start
scs
__scs_entry_jumppad:
0x0: {  	(pc) =	sbr.rel $0x88, $3  }
0x1: {  	(tag) =	ssettag $0x0;
	lr =	simm.s32 $0x1  }
0x2: {  	[smem:$0x3F95] =	sst lr;
	_ =	strace $0xD0000000  }
0x3: {  	_ = 	snop  }
0x4: {  	_ = 	snop  }
0x5: {  	_ = 	snop  }
0x6: {  	_ = 	snop  }
0x7: {  	_ = 	snop  }
__scs_overlays_trampoline_lowered:
0x8: {  	[smem:$0x3FA4] =	sst s0  }
0x9: {  	[smem:$0x3FA5] =	sst s1  }
0xa: {  	[smem:$0x3FA6] =	sst s2  }
0xb: {  	[smem:$0x3FA7] =	sst s3  }
0xc: {  	[smem:$0x3FA8] =	sst s4  }
0xd: {  	[smem:$0x3FA9] =	sst s5  }
0xe: {  	[smem:$0x3FAA] =	sst s6  }
0xf: {  	[smem:$0x3FAB] =	sst s7  }
0x10: {  	[smem:$0x3FAC] =	sst s8  }
0x11: {  	[smem:$0x3FAD] =	sst s9;
	s0 =	simm.s32 @!p0 $0x0  }
0x12: {  	s1 =	sld [smem:$0x3F93];
	s0 =	simm.s32 @p0 $0x1  }
0x13: {  	[smem:$0x3FAE] =	sst s0;
	s0 =	simm.s32 @!p1 $0x0  }
0x14: {  	s2 =	sld [smem:$0x3F92];
	s0 =	simm.s32 @p1 $0x1  }
0x15: {  	[smem:$0x3FAF] =	sst s0;
	s0 =	simm.s32 @!p2 $0x0  }
0x16: {  	s3 =	sld [smem:$0x3FDB];
	s0 =	simm.s32 @p2 $0x1  }
0x17: {  	s4 =	simm.s32 $0x1BF5;
	[smem:$0x3FB1] =	sst s0  }
0x18: {  	s0 =	sld [smem:$0x3F94];
	_ =	swait.ge [sflag:s4], $0x0  }
0x19: {  	s7 =	sld [smem:$0x3F95]  }
0x1a: {  	s8 =	sadd.s32 $0xFFFFE003, lr  }
0x1b: {  	s9 =	sadd.s32 $0xFFFFFEF7, lr;
	s5 =	simm.s32 $0xFFFFFFFF;
	p2 =	slt.u32 s8, $0xFFFFF086  }
0x1c: {  	p1 =	slt.u32 s9, $0xF7A;
	s5 =	simm.s32 @!p2 $0x0  }
0x1d: {  	s5 =	simm.s32 @p1 $0x1;
	p0 =	seq.s32 s7, s2  }
0x1e: {  	s7 =	smul.u32 @!p0 $0xF7A, s2;
	p2 =	seq.s32 @!p0 s5, $0x0  }
0x1f: {  	s9 =	smul.u32 $0xF7A, s1;
	s8 =	simm.s32 @!p0 $0x1BF5;
	p2 =	por !p2, p0  }
0x20: {  	[sflag:s8] =	ssyncset.s32 @!p0 $0xFFFFF086;
	s6 =	sadd.s32 @!p0 s3, s7;
	s7 =	simm.s32 @!p0 $0x108  }
0x21: {  	s3 =	sadd.s32 s3, s9;
	s6 =	sadd.s32 @!p0 $0x88, s6;
	s7 =	simm.s32 @p2 $0x1082  }
0x22: {  	[simem:s7], [sflag:s8] =	dma.local @!p0 [hbm:s6], $0xF7A  }
0x23: {  	s9 =	sor.u32 $0xD0000000, s2;
	s6 =	simm.s32 $0x108;
	_ =	swait.ge @!p0 [sflag:s8], $0x0  }
0x24: {  	s3 =	sadd.s32 $0x88, s3;
	s6 =	simm.s32 @!p1 $0x1082;
	[sflag:s4] =	ssyncset.s32 $0xFFFFF086  }
0x25: {  	[simem:s6], [sflag:s4] =	dma.local [hbm:s3], $0xF7A  }
0x26: {  	[smem:$0x3F95] =	sst s1;
	(tag) =	ssettag s2;
	_ =	strace s9  }
0x27: {  	s1 =	sld [smem:$0x3FA5]  }
0x28: {  	s2 =	sld [smem:$0x3FA6]  }
0x29: {  	s4 =	sld [smem:$0x3FA8]  }
0x2a: {  	p0 =	seq.s32 s5, $0x0;
	s5 =	sld [smem:$0x3FA9]  }
0x2b: {  	s6 =	sld [smem:$0x3FAA]  }
0x2c: {  	s7 =	sld [smem:$0x3FAB]  }
0x2d: {  	s3 =	simm.s32 $0x108;
	s8 =	sld [smem:$0x3FAC]  }
0x2e: {  	s3 =	simm.s32 @!p0 $0x1082;
	s9 =	sld [smem:$0x3FAD]  }
0x2f: {  	lr =	sadd.s32 s0, s3;
	s0 =	sld [smem:$0x3FA4]  }
0x30: {  	s3 =	sld [smem:$0x3FA7]  }
0x31: {  	[smem:$0x3FB0] =	sst s10  }
0x32: {  	s10 =	sld [smem:$0x3FAE];
	_ =	sdelay $0x3  }
0x33: {  	p0 =	seq.s32 s10, $0x1;
	s10 =	sld [smem:$0x3FB0];
	_ =	sdelay $0x3  }
0x34: {  	[smem:$0x3FB0] =	sst s10  }
0x35: {  	s10 =	sld [smem:$0x3FAF];
	_ =	sdelay $0x3  }
0x36: {  	p1 =	seq.s32 s10, $0x1;
	s10 =	sld [smem:$0x3FB0];
	_ =	sdelay $0x3  }
0x37: {  	[smem:$0x3FB0] =	sst s10  }
0x38: {  	s10 =	sld [smem:$0x3FB1]  }
0x39: {  	_ = 	snop;
	(pc) =	sbr.ind lr, $3  }
0x3a: {  	_ = 	snop  }
0x3b: {  	_ = 	snop  }
0x3c: {  	p2 =	seq.s32 s10, $0x1;
	s10 =	sld [smem:$0x3FB0]  }
0x3d: {  	_ =	shalt  }
0x3e: {  	_ =	shalt  }
0x3f: {  	_ =	shalt  }
0x40: {  	_ =	shalt  }
0x41: {  	_ =	shalt  }
0x42: {  	_ =	shalt  }
0x43: {  	_ =	shalt  }
0x44: {  	_ =	shalt  }
0x45: {  	_ =	shalt  }
0x46: {  	_ =	shalt  }
0x47: {  	_ =	shalt  }
0x48: {  	_ =	shalt  }
0x49: {  	_ =	shalt  }
0x4a: {  	_ =	shalt  }
0x4b: {  	_ =	shalt  }
0x4c: {  	_ =	shalt  }
0x4d: {  	_ =	shalt  }
0x4e: {  	_ =	shalt  }
0x4f: {  	_ =	shalt  }
0x50: {  	_ =	shalt  }
0x51: {  	_ =	shalt  }
0x52: {  	_ =	shalt  }
0x53: {  	_ =	shalt  }
0x54: {  	_ =	shalt  }
0x55: {  	_ =	shalt  }
0x56: {  	_ =	shalt  }
0x57: {  	_ =	shalt  }
0x58: {  	_ =	shalt  }
0x59: {  	_ =	shalt  }
0x5a: {  	_ =	shalt  }
0x5b: {  	_ =	shalt  }
0x5c: {  	_ =	shalt  }
0x5d: {  	_ =	shalt  }
0x5e: {  	_ =	shalt  }
0x5f: {  	_ =	shalt  }
0x60: {  	_ =	shalt  }
0x61: {  	_ =	shalt  }
0x62: {  	_ =	shalt  }
0x63: {  	_ =	shalt  }
0x64: {  	_ =	shalt  }
0x65: {  	_ =	shalt  }
0x66: {  	_ =	shalt  }
0x67: {  	_ =	shalt  }
0x68: {  	_ =	shalt  }
0x69: {  	_ =	shalt  }
0x6a: {  	_ =	shalt  }
0x6b: {  	_ =	shalt  }
0x6c: {  	_ =	shalt  }
0x6d: {  	_ =	shalt  }
0x6e: {  	_ =	shalt  }
0x6f: {  	_ =	shalt  }
0x70: {  	_ =	shalt  }
0x71: {  	_ =	shalt  }
0x72: {  	_ =	shalt  }
0x73: {  	_ =	shalt  }
0x74: {  	_ =	shalt  }
0x75: {  	_ =	shalt  }
0x76: {  	_ =	shalt  }
0x77: {  	_ =	shalt  }
0x78: {  	_ =	shalt  }
0x79: {  	_ =	shalt  }
0x7a: {  	_ =	shalt  }
0x7b: {  	_ =	shalt  }
0x7c: {  	_ =	shalt  }
0x7d: {  	_ =	shalt  }
0x7e: {  	_ =	shalt  }
0x7f: {  	_ =	shalt  }
0x80: {  	_ =	shalt  }
0x81: {  	_ =	shalt  }
0x82: {  	_ =	shalt  }
0x83: {  	_ =	shalt  }
0x84: {  	_ =	shalt  }
0x85: {  	_ =	shalt  }
0x86: {  	_ =	shalt  }
0x87: {  	_ =	shalt  }
.Lfunc_end0:
.L_simem_size_0:
called_computation.1_lowered:
.L_overlay_start_0:
0x88: {  	s2 =	sld [smem:$0x3FD9]  }
0x89: {  	s3 =	sld [smem:$0x3FFE];
	_ =	sdelay $0x1  }
0x8a: {  	s1 =	srdreg.scid  }
0x8b: {  	s0 =	sand.u32 $0x1, s1  }
0x8c: {  	s16 =	sshll.u32 s0, $0xA;
	s2 =	sadd.s32 s3, s2  }
0x8d: {  	s2 =	sadd.s32 s2, s16  }
0x8e: {  	[smem:$0x3FBC] =	sst s2  }
0x8f: {  	_ = 	snop  }
0x90: {  	(tm) =	ssettm $0x1  }
0x91: {  	s17 =	sld [smem:$0x3FFB];
	_ =	sdelay $0x3  }
0x92: {  	_ =	strace s17  }
0x93: {  	s2 =	sld [smem:$0x3FFC];
	_ =	sdelay $0x3  }
0x94: {  	_ =	strace s2  }
0x95: {  	s2 =	sld [smem:$0x3FFD];
	_ =	sdelay $0x3  }
0x96: {  	_ =	strace s2  }
0x97: {  	_ =	strace $0x8FFFFFFF  }
0x98: {  	s18 =	sld [smem:$0x3FDB];
	_ =	sdelay $0x1  }
0x99: {  	s19 =	simm.s32 $_scs_section_size  }
0x9a: {  	s4 =	simm.s32 $_size__tile_overlayer_lowered;
	s5 =	simm.s32 $_tile_overlayer_lowered  }
0x9b: {  	s22 =	simm.s32 $0x1BFF;
	s21 =	sshll.u32 s5, $0x1;
	s2 =	sadd.s32 s19, s18  }
0x9c: {  	s6 =	simm.s32 $0x0;
	s20 =	sshll.u32 s4, $0x1;
	s4 =	sadd.s32 s21, s2  }
0x9d: {  	[timem:s6], [sflag:s22] =	dma.local [hbm:s4], s20  }
0x9e: {  	_ =	swait.ge [sflag:s22], s20  }
0x9f: {  	s3 =	ssub.s32 $0x0, s20;
	[sflag:s22] =	ssyncset.done $0x0  }
0xa0: {  	[sflag:s22] =	ssyncadd.s32 s3;
	_ =	sdelay $0x1  }
0xa1: {  	s23 =	simm.s32 $0x1B8B  }
0xa2: {  	_ =	swait.ge [sflag:s23], $0x1  }
0xa3: {  	[sflag:s23] =	ssyncset.done $0x0  }
0xa4: {  	s25 =	simm.s32 $0x1B8E;
	s24 =	sld [smem:$0x3FFE];
	[sflag:s23] =	ssyncadd.s32 $0xFFFFFFFF  }
0xa5: {  	s26 =	simm.s32 $execute0_lowered;
	[smem:$0x3FD2] =	sst s25  }
0xa6: {  	s4 =	sshll.u32 s26, $0x1;
	_ =	strace $0x80000049;
	[dreg:$0x1] =	wrdreg $0xFFFFFFFF  }
0xa7: {  	s28 =	simm.s32 $_size_execute0_lowered;
	s2 =	sadd.s32 s2, s4;
	[dreg:$0x0] =	wrdreg $0x0  }
0xa8: {  	s4 =	sshll.u32 s28, $0x1;
	[dreg:$0x2] =	wrdreg s2  }
0xa9: {  	[dreg:$0x3] =	wrdreg s4  }
0xaa: {  	[dreg:$0x4] =	wrdreg $0xC0  }
0xab: {  	_ =	task [dreg:s6], $0x5FFFF  }
0xac: {  	[dreg:$0x1] =	wrdreg $0xFFFFFFFF  }
0xad: {  	[dreg:$0x0] =	wrdreg $0x60  }
0xae: {  	[dreg:$0x2] =	wrdreg s24  }
0xaf: {  	[dreg:$0x3] =	wrdreg $0x0  }
0xb0: {  	[dreg:$0x4] =	wrdreg $0x9  }
0xb1: {  	_ =	task.clear_ibuf [dreg:s6], $0x5FFFF;
	_ =	strace $0x90000049  }
0xb2: {  	s29 =	simm.s32 $0x9;
	_ =	strace $0x8000004B  }
0xb3: {  	_ =	swait.ge [sflag:s29], $0x1  }
0xb4: {  	[sflag:s29] =	ssyncadd.s32 $0xFFFFFFFF  }
0xb5: {  	_ =	strace $0x9000004B  }
0xb6: {  	_ =	sfence  }
0xb7: {  	s30 =	sld [smem:$0x0];
	_ =	sdelay $0x2  }
0xb8: {  	s31 =	sshll.u32 s1, $0xD;
	s1 =	sshrl.u32 s1, $0x2  }
0xb9: {  	s3 =	sand.u32 $0x4000, s31;
	s1 =	sadd.s32 s1, s30  }
0xba: {  	s0 =	sor.u32 s3, s0;
	s1 =	sshll.u32 s1, $0x11  }
0xbb: {  	s0 =	sor.u32 s1, s0  }
0xbc: {  	s0 =	sadd.s32 $0x8F2B, s0  }
0xbd: {  	[sflag:s0] =	ssyncadd.remote.s32 $0x1  }
0xbe: {  	_ =	sfence.sel $0xFFFF  }
0xbf: {  	[dreg:$0x0] =	wrdreg $0xFFFFFFFF;
	(pc) =	sbr.abs _section_cstart, $3  }
0xc0: {  	[dreg:$0x1] =	wrdreg $0xFFFFFFFF  }
0xc1: {  	_ =	task.clear_ibuf [dreg:s6], $0x2FFFF;
	_ =	strace $0x9FFFFFFF  }
0xc2: {  	(tm) =	ssettm $0x7FFFFFFF  }
0xc3: {  	_ =	shalt  }
tec
execute0_lowered:
.L_overlay_start_1:
0x0: {  	(tag) =	ssettag $0x1  }
0x1: {  	s0 =	srdreg.scid  }
0x2: {  	s14 =	stileid.u32;
	s8 =	rddreg [dreg:$0x0]  }
0x3: {  	s2 =	rddreg [dreg:$0x1];
	s4 =	simm.s32 $0x0;
	s28 =	simm.s32 $0x1E180  }
0x4: {  	s30 =	simm.s32 $0x18F80;
	s31 =	simm.s32 $0x1E080;
	s29 =	simm.s32 $0x1B780  }
0x5: {  	s0 =	sand.u32 $0x1, s0;
	s1 =	sshll.u32 s14, $0x1;
	s10 =	smul.u32 $0x14000, s14  }
0x6: {  	[smem:$0x7FF] =	sst s4;
	s5 =	sadd.s32 $0x29A00, s8;
	s12 =	smul.u32 $0x50000, s14  }
0x7: {  	s6 =	sadd.s32 $0xBE00, s8;
	s7 =	sadd.s32 $0x1FC00, s8;
	s18 =	smul.u32 $0x2800, s14  }
0x8: {  	s25 =	sshll.u32 s14, $0x6;
	s1 =	sor.u32 s0, s1;
	s13 =	smul.u32 $0x140000, s0  }
0x9: {  	_ =	strace $0x8000004A;
	s15 =	ssub.s32 $0x2, s0;
	p0 =	seq.s32 s0, $0x0  }
0xa: {  	s3 =	smul.u32 $0x2710, s1;
	s16 =	sshrl.u32 s15, $0x1;
	s17 =	sshrl.u32 s12, $0x2  }
0xb: {  	s12 =	simm.s32 $0x0;
	s1 =	sadd.s32 s10, s13;
	s13 =	sadd.s32 $0x51A00, s8  }
0xc: {  	s0 =	sadd.s32 s17, s2;
	s10 =	simm.s32 $0x5;
	s9 =	sshrl.u32 s3, $0x3  }
0xd: {  	s1 =	sshrl.u32 s1, $0x3;
	s13 =	smov.u32 @p0 s5;
	s14 =	sshrl.u32 s0, $0x3  }
0xe: {  	s0 =	simm.s32 $0x1;
	s19 =	sadd.s32 s6, s9;
	[dreg:$0xe] =	wrdreg s14  }
0xf: {  	s11 =	sadd.s32 s9, s8;
	s20 =	sadd.s32 s7, s9;
	[dreg:$0x4] =	wrdreg s19  }
0x10: {  	s1 =	sadd.s32 s1, s8;
	s26 =	sadd.s32 s13, s18;
	[dreg:$0x5] =	wrdreg s20  }
0x11: {  	s8 =	ssub.s32 s15, s16;
	s13 =	sor.u32 $0x1C07, s25;
	[dreg:$0xc] =	wrdreg s26  }
0x12: {  	s21 =	sadd.s32 $0xA, s9;
	s11 =	sadd.s32 $0x2000, s11;
	[dreg:$0xd] =	wrdreg s13  }
0x13: {  	s9 =	sadd.s32 $0x14, s9;
	s22 =	sadd.s32 s6, s21;
	[dreg:$0x3] =	wrdreg s11  }
0x14: {  	s15 =	simm.s32 $0x7;
	s23 =	sadd.s32 s6, s9;
	[dreg:$0x6] =	wrdreg s22  }
0x15: {  	s25 =	simm.s32 $0x16780;
	s9 =	sadd.s32 s7, s9;
	[dreg:$0x8] =	wrdreg s23  }
0x16: {  	s1 =	sadd.s32 $0x79A00, s1;
	s24 =	smax.u32 s8, $0x1;
	[dreg:$0x9] =	wrdreg s9  }
0x17: {  	s26 =	simm.s32 $0x1E000;
	s8 =	simm.s32 $0x4;
	[dreg:$0xa] =	wrdreg s1  }
0x18: {  	s11 =	sadd.s32 s7, s21;
	[dreg:$0xb] =	wrdreg s24;
	s22 =	simm.s32 $0x1DF80  }
0x19: {  	s23 =	simm.s32 $0x1E100;
	s24 =	simm.s32 $0x50;
	s1 =	simm.s32 $0x1E200  }
0x1a: {  	s21 =	simm.s32 $0x2;
	s9 =	simm.s32 $0x3;
	[dreg:$0x7] =	wrdreg s11  }
.LBB2_1:
0x1b: {  	s11 =	rddreg [dreg:$0xc]  }
0x1c: {  	[spmem:s14], [sflag:s13] =	dma.local [hbm:s11], $0x2800  }
0x1d: {  	_ =	swait.ge [sflag:s15], $0x2800  }
0x1e: {  	[sflag:s15] =	ssyncset.done $0x0  }
0x1f: {  	s19 =	simm.s32 $0x14000;
	s18 =	rddreg [dreg:$0x3];
	[sflag:s15] =	ssyncadd.s32 $0xFFFFD800  }
0x20: {  	[tilespmem:s19], [sflag:$0x7] =	stream.linear.gather [hbm4b:s18+s4], $0x2710, $0x38;
	[tilespmem:$0x1E280] =	vst v63  }
0x21: {  	_ =	swait.ge [sflag:s15], $0x2710  }
0x22: {  	[sflag:s15] =	ssyncset.done $0x0  }
0x23: {  	[sflag:s15] =	ssyncadd.s32 $0xFFFFD8F0  }
0x24: {  	[bflag:$0x0] =	sbarrier.arrive $0xFFFF  }
0x25: {  	s20 =	rddreg [dreg:$0x4]  }
0x26: {  	[tilespmem:s22], [sflag:$0x1] =	stream.linear.gather [hbm4b:s20+s4], $0x50, $0x38;
	[tilespmem:$0x1E280] =	vst v63  }
0x27: {  	s14 =	rddreg [dreg:$0x5]  }
0x28: {  	[tilespmem:s23], [sflag:$0x1] =	stream.linear.gather [hbm4b:s14+s4], $0x50, $0x38;
	[tilespmem:$0x1E280] =	vst v63  }
0x29: {  	_ = 	snop  }
0x2a: {  	[tilespmem:s25], [sflag:$0x1] =	stream.indirect.gather [hbm4b:s5+s24], $0x80, s19, s24, $0xb8;
	[tilespmem:$0x1E280] =	vst v63  }
0x2b: {  	s15 =	rddreg [dreg:$0x6]  }
0x2c: {  	[tilespmem:s26], [sflag:$0x2] =	stream.linear.gather [hbm4b:s15+s4], $0x50, $0x38;
	[tilespmem:$0x1E280] =	vst v63  }
0x2d: {  	s16 =	rddreg [dreg:$0x7]  }
0x2e: {  	[tilespmem:s28], [sflag:$0x2] =	stream.linear.gather [hbm4b:s16+s4], $0x50, $0x38;
	[tilespmem:$0x1E280] =	vst v63  }
0x2f: {  	s17 =	simm.s32 $0x14050  }
0x30: {  	[tilespmem:s30], [sflag:$0x2] =	stream.indirect.gather [hbm4b:s5+s24], $0x80, s17, s24, $0xb8;
	[tilespmem:$0x1E280] =	vst v63  }
0x31: {  	s18 =	rddreg [dreg:$0x8]  }
0x32: {  	[tilespmem:s31], [sflag:$0x3] =	stream.linear.gather [hbm4b:s18+s4], $0x50, $0x38;
	[tilespmem:$0x1E280] =	vst v63  }
0x33: {  	s19 =	rddreg [dreg:$0x9]  }
0x34: {  	[tilespmem:s1], [sflag:$0x3] =	stream.linear.gather [hbm4b:s19+s4], $0x50, $0x38;
	[tilespmem:$0x1E280] =	vst v63  }
0x35: {  	s13 =	simm.s32 $0x0;
	s20 =	simm.s32 $0x140A0  }
0x36: {  	[tilespmem:s29], [sflag:$0x3] =	stream.indirect.gather [hbm4b:s5+s24], $0x80, s20, s24, $0xb8;
	[tilespmem:$0x1E280] =	vst v63  }
.LBB2_2:
0x37: {  	_ =	swait.ge [sflag:s0], $0x50  }
0x38: {  	s15 =	simm.s32 $0x0;
	[sflag:s0] =	ssyncset.done $0x0  }
0x39: {  	v0 =	vmov s15;
	[sflag:s0] =	ssyncadd.s32 $0xFFFFFFB0  }
0x3a: {  	v0 =	vand.u32 $0xFFFFFFFC, v0;
	_ =	swait.ge [sflag:s0], $0x50  }
0x3b: {  	v0 =	vbroadcast v0, $0x0;
	[sflag:s0] =	ssyncset.done $0x0  }
0x3c: {  	[sflag:s0] =	ssyncadd.s32 $0xFFFFFFB0  }
0x3d: {  	_ =	swait.ge [sflag:s0], $0x2800  }
0x3e: {  	[sflag:s0] =	ssyncset.done $0x0  }
0x3f: {  	s14 =	simm.s32 $0x16880;
	[sflag:s0] =	ssyncadd.s32 $0xFFFFD800  }
0x40: {  	v1 =	vld [tilespmem:s14+$0xFFFFFF70]  }
0x41: {  	v0 =	vld.idx.msk [tilespmem:v0+s23+$0x0], $0xffff  }
0x42: {  	v2 =	vld [tilespmem:s14+$0xFFFFFF00]  }
0x43: {  	v3 =	vld [tilespmem:s14+$0xFFFFFF20]  }
0x44: {  	v4 =	vld [tilespmem:s14+$0xFFFFFF50]  }
0x45: {  	v5 =	vld [tilespmem:s14+$0xFFFFFF40]  }
0x46: {  	v6 =	vld [tilespmem:s14+$0xFFFFFF60];
	v1 =	vmul.f32 v1, v0  }
0x47: {  	s11 =	simm.s32 $0x1;
	v7 =	vld [tilespmem:s14+$0xFFFFFF30];
	v2 =	vmul.f32 v2, v0  }
0x48: {  	v8 =	vld [tilespmem:s14+$0xFFFFFF10];
	v3 =	vmul.f32 v3, v0;
	[tilespmem:s14+$0xFFFFFF70] =	vst v1;
	v1 =	vmov s11  }
0x49: {  	v4 =	vmul.f32 v4, v0;
	[tilespmem:s14+$0xFFFFFF00] =	vst v2;
	v1 =	vand.u32 $0xFFFFFFFD, v1  }
0x4a: {  	v2 =	vmul.f32 v5, v0;
	[tilespmem:s14+$0xFFFFFF20] =	vst v3;
	v1 =	vbroadcast v1, $0x0  }
0x4b: {  	v3 =	vmul.f32 v6, v0;
	[tilespmem:s14+$0xFFFFFF50] =	vst v4  }
0x4c: {  	v4 =	vmul.f32 v7, v0;
	[tilespmem:s14+$0xFFFFFF40] =	vst v2  }
0x4d: {  	v0 =	vmul.f32 v8, v0;
	[tilespmem:s14+$0xFFFFFF60] =	vst v3  }
0x4e: {  	[tilespmem:s14+$0xFFFFFF30] =	vst v4  }
0x4f: {  	[tilespmem:s14+$0xFFFFFF10] =	vst v0;
	v0 =	vld [tilespmem:s14+$0xFFFFFF90]  }
0x50: {  	v2 =	vld.idx.msk [tilespmem:v1+s23+$0x0], $0xffff  }
0x51: {  	v1 =	vld [tilespmem:s14+$0xFFFFFFA0]  }
0x52: {  	v3 =	vld [tilespmem:s14+$0xFFFFFF80]  }
0x53: {  	v4 =	vld [tilespmem:s14+$0xFFFFFFB0]  }
0x54: {  	v5 =	vld [tilespmem:s14+$0xFFFFFFC0]  }
0x55: {  	v6 =	vld [tilespmem:s14+$0xFFFFFFD0];
	v0 =	vmul.f32 v0, v2  }
0x56: {  	s20 =	simm.s32 $0x2;
	v7 =	vld [tilespmem:s14+$0xFFFFFFF0];
	v1 =	vmul.f32 v1, v2  }
0x57: {  	v8 =	vld [tilespmem:s14+$0xFFFFFFE0];
	v3 =	vmul.f32 v3, v2;
	[tilespmem:s14+$0xFFFFFF90] =	vst v0;
	v0 =	vmov s20  }
0x58: {  	v4 =	vmul.f32 v4, v2;
	[tilespmem:s14+$0xFFFFFFA0] =	vst v1;
	v0 =	vand.u32 $0xFFFFFFFE, v0  }
0x59: {  	v1 =	vmul.f32 v5, v2;
	[tilespmem:s14+$0xFFFFFF80] =	vst v3;
	v5 =	vld [tilespmem:s14+$0x60];
	v9 =	vbroadcast v0, $0x0  }
0x5a: {  	v3 =	vmul.f32 v6, v2;
	[tilespmem:s14+$0xFFFFFFB0] =	vst v4;
	v6 =	vld [tilespmem:s14+$0x0]  }
0x5b: {  	v4 =	vmul.f32 v7, v2;
	v0 =	vld [tilespmem:s14+$0x20];
	[tilespmem:s14+$0xFFFFFFC0] =	vst v1  }
0x5c: {  	v2 =	vmul.f32 v8, v2;
	v1 =	vld [tilespmem:s14+$0x30];
	[tilespmem:s14+$0xFFFFFFD0] =	vst v3  }
0x5d: {  	[tilespmem:s14+$0xFFFFFFF0] =	vst v4;
	v3 =	vld [tilespmem:s14+$0x40]  }
0x5e: {  	[tilespmem:s14+$0xFFFFFFE0] =	vst v2;
	v4 =	vld [tilespmem:s14+$0x10]  }
0x5f: {  	s16 =	simm.s32 $0x4;
	s11 =	simm.s32 $0x16880;
	v2 =	vld.idx.msk [tilespmem:v9+s23+$0x0], $0xffff  }
.LBB2_3:
0x60: {  	p0 =	slt.u32 s16, $0x4C  }
0x61: {  	v7 =	vld [tilespmem:s14+$0x50];
	s11 =	sadd.s32 $0x200, s11;
	s17 =	smov.u32 s16;
	s16 =	sadd.s32 $0x4, s16  }
0x62: {  	v8 =	vld [tilespmem:s14+$0x70];
	_ =	sdelay $0x1  }
0x63: {  	v5 =	vmul.f32 v5, v2;
	v6 =	vmul.f32 v6, v2  }
0x64: {  	v3 =	vmul.f32 v3, v2;
	v4 =	vmul.f32 v4, v2  }
0x65: {  	v0 =	vmul.f32 v0, v2;
	v1 =	vmul.f32 v1, v2;
	[tilespmem:s14+$0x60] =	vst v5  }
0x66: {  	[tilespmem:s14+$0x40] =	vst v3;
	v3 =	vmul.f32 v7, v2;
	v2 =	vmul.f32 v8, v2  }
0x67: {  	s18 =	sadd.s32 $0x3, s15;
	s15 =	smov.u32 s17;
	[tilespmem:s14+$0x20] =	vst v0;
	v5 =	vld [tilespmem:s14+$0x80]  }
0x68: {  	v0 =	vld [tilespmem:s11+$0x20];
	[tilespmem:s14+$0x0] =	vst v6;
	v6 =	vmov s18  }
0x69: {  	[tilespmem:s14+$0x50] =	vst v3;
	v3 =	vld [tilespmem:s14+$0xE0]  }
0x6a: {  	[tilespmem:s14+$0x30] =	vst v1;
	v7 =	vld [tilespmem:s14+$0xC0]  }
0x6b: {  	v1 =	vld [tilespmem:s11+$0x30];
	[tilespmem:s14+$0x10] =	vst v4  }
0x6c: {  	[tilespmem:s14+$0x70] =	vst v2;
	v2 =	vld [tilespmem:s14+$0xA0]  }
0x6d: {  	v4 =	vld.idx.msk [tilespmem:v6+s23+$0x0], $0xffff  }
0x6e: {  	v6 =	vld [tilespmem:s14+$0x90]  }
0x6f: {  	v8 =	vld [tilespmem:s14+$0xB0]  }
0x70: {  	v9 =	vld [tilespmem:s14+$0xD0]  }
0x71: {  	v10 =	vld [tilespmem:s14+$0xF0];
	_ =	sdelay $0x1  }
0x72: {  	v5 =	vmul.f32 v5, v4;
	v6 =	vmul.f32 v6, v4  }
0x73: {  	v2 =	vmul.f32 v2, v4;
	v8 =	vmul.f32 v8, v4  }
0x74: {  	v11 =	vmov s15;
	[tilespmem:s14+$0x80] =	vst v5;
	v5 =	vmul.f32 v7, v4;
	v7 =	vmul.f32 v9, v4  }
0x75: {  	v9 =	vand.u32 $0xFFFFFFFC, v11;
	[tilespmem:s14+$0xA0] =	vst v2;
	v2 =	vmul.f32 v3, v4;
	v3 =	vmul.f32 v10, v4  }
0x76: {  	v4 =	vbroadcast v9, $0x0;
	[tilespmem:s14+$0xC0] =	vst v5  }
0x77: {  	[tilespmem:s14+$0xF0] =	vst v3  }
0x78: {  	v3 =	vld [tilespmem:s11+$0xFFFFFF40];
	[tilespmem:s14+$0xE0] =	vst v2  }
0x79: {  	v2 =	vld [tilespmem:s11+$0xFFFFFF50];
	[tilespmem:s14+$0x90] =	vst v6  }
0x7a: {  	v5 =	vld [tilespmem:s11+$0xFFFFFF60];
	[tilespmem:s14+$0xB0] =	vst v8  }
0x7b: {  	v6 =	vld [tilespmem:s11+$0xFFFFFF70];
	[tilespmem:s14+$0xD0] =	vst v7;
	s14 =	smov.u32 s11  }
0x7c: {  	v4 =	vld.idx.msk [tilespmem:v4+s23+$0x0], $0xffff  }
0x7d: {  	v7 =	vld [tilespmem:s11+$0xFFFFFF00]  }
0x7e: {  	v8 =	vld [tilespmem:s11+$0xFFFFFF20]  }
0x7f: {  	v9 =	vld [tilespmem:s11+$0xFFFFFF10]  }
0x80: {  	v10 =	vld [tilespmem:s11+$0xFFFFFF30];
	_ =	sdelay $0x1  }
0x81: {  	v6 =	vmul.f32 v6, v4;
	v7 =	vmul.f32 v7, v4  }
0x82: {  	s17 =	sadd.s32 $0x1, s15;
	v5 =	vmul.f32 v5, v4;
	v8 =	vmul.f32 v8, v4  }
0x83: {  	v2 =	vmul.f32 v2, v4;
	v9 =	vmul.f32 v9, v4;
	[tilespmem:s11+$0xFFFFFF70] =	vst v6;
	v6 =	vmov s17  }
0x84: {  	v3 =	vmul.f32 v3, v4;
	[tilespmem:s11+$0xFFFFFF00] =	vst v7;
	v7 =	vmul.f32 v10, v4;
	v4 =	vand.u32 $0xFFFFFFFD, v6  }
0x85: {  	[tilespmem:s11+$0xFFFFFF20] =	vst v8;
	v4 =	vbroadcast v4, $0x0  }
0x86: {  	[tilespmem:s11+$0xFFFFFF50] =	vst v2  }
0x87: {  	[tilespmem:s11+$0xFFFFFF40] =	vst v3;
	v2 =	vld [tilespmem:s11+$0xFFFFFFF0]  }
0x88: {  	[tilespmem:s11+$0xFFFFFF60] =	vst v5;
	v3 =	vld [tilespmem:s11+$0xFFFFFFC0]  }
0x89: {  	[tilespmem:s11+$0xFFFFFF30] =	vst v7;
	v5 =	vld [tilespmem:s11+$0xFFFFFFD0]  }
0x8a: {  	[tilespmem:s11+$0xFFFFFF10] =	vst v9;
	v6 =	vld [tilespmem:s11+$0xFFFFFF90]  }
0x8b: {  	v4 =	vld.idx.msk [tilespmem:v4+s23+$0x0], $0xffff  }
0x8c: {  	v7 =	vld [tilespmem:s11+$0xFFFFFF80]  }
0x8d: {  	v8 =	vld [tilespmem:s11+$0xFFFFFFA0]  }
0x8e: {  	v9 =	vld [tilespmem:s11+$0xFFFFFFB0]  }
0x8f: {  	v10 =	vld [tilespmem:s11+$0xFFFFFFE0];
	_ =	sdelay $0x1  }
0x90: {  	v6 =	vmul.f32 v6, v4;
	v7 =	vmul.f32 v7, v4  }
0x91: {  	s17 =	sadd.s32 $0x2, s15;
	v5 =	vmul.f32 v5, v4;
	v8 =	vmul.f32 v8, v4  }
0x92: {  	v3 =	vmul.f32 v3, v4;
	[tilespmem:s11+$0xFFFFFF90] =	vst v6;
	v6 =	vmul.f32 v9, v4;
	v9 =	vmov s17  }
0x93: {  	v2 =	vmul.f32 v2, v4;
	[tilespmem:s11+$0xFFFFFFA0] =	vst v8;
	v8 =	vmul.f32 v10, v4;
	v4 =	vand.u32 $0xFFFFFFFE, v9  }
0x94: {  	[tilespmem:s11+$0xFFFFFF80] =	vst v7;
	v4 =	vbroadcast v4, $0x0  }
0x95: {  	[tilespmem:s11+$0xFFFFFFB0] =	vst v6  }
0x96: {  	[tilespmem:s11+$0xFFFFFFC0] =	vst v3  }
0x97: {  	[tilespmem:s11+$0xFFFFFFD0] =	vst v5  }
.Ltmp0:
0x98: {  	[tilespmem:s11+$0xFFFFFFF0] =	vst v2;
	v3 =	vld [tilespmem:s11+$0x40];
	(pc) =	sbr.rel @p0 .LBB2_3-.Ltmp0, $4  }
0x99: {  	[tilespmem:s11+$0xFFFFFFE0] =	vst v8;
	v5 =	vld [tilespmem:s11+$0x60]  }
0x9a: {  	v2 =	vld.idx.msk [tilespmem:v4+s23+$0x0], $0xffff  }
0x9b: {  	v6 =	vld [tilespmem:s11+$0x0]  }
0x9c: {  	v4 =	vld [tilespmem:s11+$0x10]  }
0x9d: {  	_ =	sdelay $0x1  }
0x9e: {  	v5 =	vmul.f32 v5, v2  }
0x9f: {  	v7 =	vld [tilespmem:s14+$0x50];
	v3 =	vmul.f32 v3, v2  }
0xa0: {  	v8 =	vld [tilespmem:s14+$0x70];
	v0 =	vmul.f32 v0, v2;
	[tilespmem:s14+$0x60] =	vst v5  }
0xa1: {  	v5 =	vmul.f32 v6, v2;
	[tilespmem:s14+$0x40] =	vst v3  }
0xa2: {  	s11 =	sadd.s32 $0x3, s15;
	[tilespmem:s14+$0x20] =	vst v0;
	v0 =	vmul.f32 v1, v2  }
0xa3: {  	v4 =	vmul.f32 v4, v2;
	[tilespmem:s14+$0x0] =	vst v5;
	v5 =	vmov s11  }
0xa4: {  	v3 =	vmul.f32 v7, v2;
	[tilespmem:s14+$0x30] =	vst v0  }
0xa5: {  	v2 =	vmul.f32 v8, v2;
	[tilespmem:s14+$0x10] =	vst v4  }
0xa6: {  	[tilespmem:s14+$0x50] =	vst v3  }
0xa7: {  	v1 =	vld [tilespmem:s14+$0x80];
	[tilespmem:s14+$0x70] =	vst v2  }
0xa8: {  	v0 =	vld.idx.msk [tilespmem:v5+s23+$0x0], $0xffff  }
0xa9: {  	v2 =	vld [tilespmem:s14+$0xA0]  }
0xaa: {  	v3 =	vld [tilespmem:s14+$0xC0]  }
0xab: {  	v4 =	vld [tilespmem:s14+$0xF0]  }
0xac: {  	v5 =	vld [tilespmem:s14+$0xE0]  }
0xad: {  	v6 =	vld [tilespmem:s14+$0x90];
	v1 =	vmul.f32 v1, v0  }
0xae: {  	v7 =	vld [tilespmem:s14+$0xB0];
	v2 =	vmul.f32 v2, v0  }
0xaf: {  	v8 =	vld [tilespmem:s14+$0xD0];
	[tilespmem:s14+$0x80] =	vst v1;
	v1 =	vmul.f32 v3, v0  }
0xb0: {  	[tilespmem:s14+$0xA0] =	vst v2;
	v2 =	vmul.f32 v4, v0  }
0xb1: {  	v3 =	vmul.f32 v5, v0;
	[tilespmem:s14+$0xC0] =	vst v1  }
0xb2: {  	v1 =	vmul.f32 v6, v0;
	[tilespmem:s14+$0xF0] =	vst v2  }
0xb3: {  	v2 =	vmul.f32 v7, v0;
	[tilespmem:s14+$0xE0] =	vst v3  }
0xb4: {  	v0 =	vmul.f32 v8, v0;
	[tilespmem:s14+$0x90] =	vst v1  }
0xb5: {  	p0 =	seq.s32 s13, $0x0;
	[tilespmem:s14+$0xB0] =	vst v2  }
0xb6: {  	s11 =	smul.u32 @!p0 $0xF0, s13;
	[tilespmem:s14+$0xD0] =	vst v0;
	s14 =	simm.s32 @!p0 $0x6  }
0xb7: {  	[spmem:s2] =	stream.indirect.scatter.add.f32 [tilespmem:s25], [sflag:$0x4], $0x80, s22, s24, $0xb8;
	[tilespmem:$0x1E280] =	vst v63  }
0xb8: {  	s15 =	sadd.s32 @!p0 s3, s11;
	_ =	swait.ge @!p0 [sflag:s14], $0x2800  }
0xb9: {  	s15 =	sshrl.u32 @!p0 s15, $0x3;
	[sflag:s14] =	ssyncset.done @!p0 $0x0  }
0xba: {  	[sflag:s14] =	ssyncadd.s32 @!p0 $0xFFFFD800;
	s14 =	sadd.s32 @!p0 $0x14, s15  }
0xbb: {  	s16 =	simm.s32 @!p0 $0x0;
	s17 =	simm.s32 @!p0 $0x1E080;
	s15 =	sadd.s32 @!p0 s6, s14  }
0xbc: {  	[tilespmem:s17], [sflag:$0x3] =	stream.linear.gather @!p0 [hbm4b:s15+s16], $0x50, $0x38;
	[tilespmem:$0x1E280] =	vst v63  }
0xbd: {  	s14 =	sadd.s32 @!p0 s7, s14;
	s15 =	simm.s32 @!p0 $0x1E200  }
0xbe: {  	[tilespmem:s15], [sflag:$0x3] =	stream.linear.gather @!p0 [hbm4b:s14+s16], $0x50, $0x38;
	[tilespmem:$0x1E280] =	vst v63  }
0xbf: {  	s11 =	sadd.s32 @!p0 $0x140A0, s11;
	s14 =	simm.s32 @!p0 $0x50;
	s15 =	simm.s32 @!p0 $0x1B780  }
0xc0: {  	[tilespmem:s15], [sflag:$0x3] =	stream.indirect.gather @!p0 [hbm4b:s5+s14], $0x80, s11, s14, $0xb8;
	[tilespmem:$0x1E280] =	vst v63  }
0xc1: {  	_ =	swait.ge [sflag:s21], $0x50  }
0xc2: {  	s15 =	simm.s32 $0x0;
	[sflag:s21] =	ssyncset.done $0x0  }
0xc3: {  	v0 =	vmov s15;
	[sflag:s21] =	ssyncadd.s32 $0xFFFFFFB0  }
0xc4: {  	v0 =	vand.u32 $0xFFFFFFFC, v0;
	_ =	swait.ge [sflag:s21], $0x50  }
0xc5: {  	v0 =	vbroadcast v0, $0x0;
	[sflag:s21] =	ssyncset.done $0x0  }
0xc6: {  	[sflag:s21] =	ssyncadd.s32 $0xFFFFFFB0  }
0xc7: {  	_ =	swait.ge [sflag:s21], $0x2800  }
0xc8: {  	[sflag:s21] =	ssyncset.done $0x0  }
0xc9: {  	s14 =	simm.s32 $0x19080;
	[sflag:s21] =	ssyncadd.s32 $0xFFFFD800  }
0xca: {  	v1 =	vld [tilespmem:s14+$0xFFFFFF70]  }
0xcb: {  	v0 =	vld.idx.msk [tilespmem:v0+s28+$0x0], $0xffff  }
0xcc: {  	v2 =	vld [tilespmem:s14+$0xFFFFFF00]  }
0xcd: {  	v3 =	vld [tilespmem:s14+$0xFFFFFF20]  }
0xce: {  	v4 =	vld [tilespmem:s14+$0xFFFFFF50]  }
0xcf: {  	v5 =	vld [tilespmem:s14+$0xFFFFFF40]  }
0xd0: {  	v6 =	vld [tilespmem:s14+$0xFFFFFF60];
	v1 =	vmul.f32 v1, v0  }
0xd1: {  	s19 =	simm.s32 $0x1;
	v7 =	vld [tilespmem:s14+$0xFFFFFF30];
	v2 =	vmul.f32 v2, v0  }
0xd2: {  	v8 =	vld [tilespmem:s14+$0xFFFFFF10];
	v3 =	vmul.f32 v3, v0;
	[tilespmem:s14+$0xFFFFFF70] =	vst v1;
	v1 =	vmov s19  }
0xd3: {  	v4 =	vmul.f32 v4, v0;
	[tilespmem:s14+$0xFFFFFF00] =	vst v2;
	v1 =	vand.u32 $0xFFFFFFFD, v1  }
0xd4: {  	v2 =	vmul.f32 v5, v0;
	[tilespmem:s14+$0xFFFFFF20] =	vst v3;
	v1 =	vbroadcast v1, $0x0  }
0xd5: {  	v3 =	vmul.f32 v6, v0;
	[tilespmem:s14+$0xFFFFFF50] =	vst v4  }
0xd6: {  	v4 =	vmul.f32 v7, v0;
	[tilespmem:s14+$0xFFFFFF40] =	vst v2  }
0xd7: {  	v0 =	vmul.f32 v8, v0;
	[tilespmem:s14+$0xFFFFFF60] =	vst v3  }
0xd8: {  	[tilespmem:s14+$0xFFFFFF30] =	vst v4  }
0xd9: {  	[tilespmem:s14+$0xFFFFFF10] =	vst v0;
	v0 =	vld [tilespmem:s14+$0xFFFFFF90]  }
0xda: {  	v2 =	vld.idx.msk [tilespmem:v1+s28+$0x0], $0xffff  }
0xdb: {  	v1 =	vld [tilespmem:s14+$0xFFFFFFA0]  }
0xdc: {  	v3 =	vld [tilespmem:s14+$0xFFFFFF80]  }
0xdd: {  	v4 =	vld [tilespmem:s14+$0xFFFFFFB0]  }
0xde: {  	v5 =	vld [tilespmem:s14+$0xFFFFFFC0]  }
0xdf: {  	v6 =	vld [tilespmem:s14+$0xFFFFFFD0];
	v0 =	vmul.f32 v0, v2  }
0xe0: {  	s20 =	simm.s32 $0x2;
	v7 =	vld [tilespmem:s14+$0xFFFFFFF0];
	v1 =	vmul.f32 v1, v2  }
0xe1: {  	v8 =	vld [tilespmem:s14+$0xFFFFFFE0];
	v3 =	vmul.f32 v3, v2;
	[tilespmem:s14+$0xFFFFFF90] =	vst v0;
	v0 =	vmov s20  }
0xe2: {  	v4 =	vmul.f32 v4, v2;
	[tilespmem:s14+$0xFFFFFFA0] =	vst v1;
	v0 =	vand.u32 $0xFFFFFFFE, v0  }
0xe3: {  	v1 =	vmul.f32 v5, v2;
	[tilespmem:s14+$0xFFFFFF80] =	vst v3;
	v5 =	vld [tilespmem:s14+$0x60];
	v9 =	vbroadcast v0, $0x0  }
0xe4: {  	v3 =	vmul.f32 v6, v2;
	[tilespmem:s14+$0xFFFFFFB0] =	vst v4;
	v6 =	vld [tilespmem:s14+$0x0]  }
0xe5: {  	v4 =	vmul.f32 v7, v2;
	v0 =	vld [tilespmem:s14+$0x20];
	[tilespmem:s14+$0xFFFFFFC0] =	vst v1  }
0xe6: {  	v2 =	vmul.f32 v8, v2;
	v1 =	vld [tilespmem:s14+$0x30];
	[tilespmem:s14+$0xFFFFFFD0] =	vst v3  }
0xe7: {  	[tilespmem:s14+$0xFFFFFFF0] =	vst v4;
	v3 =	vld [tilespmem:s14+$0x40]  }
0xe8: {  	[tilespmem:s14+$0xFFFFFFE0] =	vst v2;
	v4 =	vld [tilespmem:s14+$0x10]  }
0xe9: {  	s16 =	simm.s32 $0x4;
	s11 =	simm.s32 $0x19080;
	v2 =	vld.idx.msk [tilespmem:v9+s28+$0x0], $0xffff  }
.LBB2_5:
0xea: {  	p0 =	slt.u32 s16, $0x4C  }
0xeb: {  	v7 =	vld [tilespmem:s14+$0x50];
	s11 =	sadd.s32 $0x200, s11;
	s17 =	smov.u32 s16;
	s16 =	sadd.s32 $0x4, s16  }
0xec: {  	v8 =	vld [tilespmem:s14+$0x70];
	_ =	sdelay $0x1  }
0xed: {  	v5 =	vmul.f32 v5, v2;
	v6 =	vmul.f32 v6, v2  }
0xee: {  	v3 =	vmul.f32 v3, v2;
	v4 =	vmul.f32 v4, v2  }
0xef: {  	v0 =	vmul.f32 v0, v2;
	v1 =	vmul.f32 v1, v2;
	[tilespmem:s14+$0x60] =	vst v5  }
0xf0: {  	[tilespmem:s14+$0x40] =	vst v3;
	v3 =	vmul.f32 v7, v2;
	v2 =	vmul.f32 v8, v2  }
0xf1: {  	s18 =	sadd.s32 $0x3, s15;
	s15 =	smov.u32 s17;
	[tilespmem:s14+$0x20] =	vst v0;
	v5 =	vld [tilespmem:s14+$0x80]  }
0xf2: {  	v0 =	vld [tilespmem:s11+$0x20];
	[tilespmem:s14+$0x0] =	vst v6;
	v6 =	vmov s18  }
0xf3: {  	[tilespmem:s14+$0x50] =	vst v3;
	v3 =	vld [tilespmem:s14+$0xE0]  }
0xf4: {  	[tilespmem:s14+$0x30] =	vst v1;
	v7 =	vld [tilespmem:s14+$0xC0]  }
0xf5: {  	v1 =	vld [tilespmem:s11+$0x30];
	[tilespmem:s14+$0x10] =	vst v4  }
0xf6: {  	[tilespmem:s14+$0x70] =	vst v2;
	v2 =	vld [tilespmem:s14+$0xA0]  }
0xf7: {  	v4 =	vld.idx.msk [tilespmem:v6+s28+$0x0], $0xffff  }
0xf8: {  	v6 =	vld [tilespmem:s14+$0x90]  }
0xf9: {  	v8 =	vld [tilespmem:s14+$0xB0]  }
0xfa: {  	v9 =	vld [tilespmem:s14+$0xD0]  }
0xfb: {  	v10 =	vld [tilespmem:s14+$0xF0];
	_ =	sdelay $0x1  }
0xfc: {  	v5 =	vmul.f32 v5, v4;
	v6 =	vmul.f32 v6, v4  }
0xfd: {  	v2 =	vmul.f32 v2, v4;
	v8 =	vmul.f32 v8, v4  }
0xfe: {  	v11 =	vmov s15;
	[tilespmem:s14+$0x80] =	vst v5;
	v5 =	vmul.f32 v7, v4;
	v7 =	vmul.f32 v9, v4  }
0xff: {  	v9 =	vand.u32 $0xFFFFFFFC, v11;
	[tilespmem:s14+$0xA0] =	vst v2;
	v2 =	vmul.f32 v3, v4;
	v3 =	vmul.f32 v10, v4  }
0x100: {  	v4 =	vbroadcast v9, $0x0;
	[tilespmem:s14+$0xC0] =	vst v5  }
0x101: {  	[tilespmem:s14+$0xF0] =	vst v3  }
0x102: {  	v3 =	vld [tilespmem:s11+$0xFFFFFF40];
	[tilespmem:s14+$0xE0] =	vst v2  }
0x103: {  	v2 =	vld [tilespmem:s11+$0xFFFFFF50];
	[tilespmem:s14+$0x90] =	vst v6  }
0x104: {  	v5 =	vld [tilespmem:s11+$0xFFFFFF60];
	[tilespmem:s14+$0xB0] =	vst v8  }
0x105: {  	v6 =	vld [tilespmem:s11+$0xFFFFFF70];
	[tilespmem:s14+$0xD0] =	vst v7;
	s14 =	smov.u32 s11  }
0x106: {  	v4 =	vld.idx.msk [tilespmem:v4+s28+$0x0], $0xffff  }
0x107: {  	v7 =	vld [tilespmem:s11+$0xFFFFFF00]  }
0x108: {  	v8 =	vld [tilespmem:s11+$0xFFFFFF20]  }
0x109: {  	v9 =	vld [tilespmem:s11+$0xFFFFFF10]  }
0x10a: {  	v10 =	vld [tilespmem:s11+$0xFFFFFF30];
	_ =	sdelay $0x1  }
0x10b: {  	v6 =	vmul.f32 v6, v4;
	v7 =	vmul.f32 v7, v4  }
0x10c: {  	s17 =	sadd.s32 $0x1, s15;
	v5 =	vmul.f32 v5, v4;
	v8 =	vmul.f32 v8, v4  }
0x10d: {  	v2 =	vmul.f32 v2, v4;
	v9 =	vmul.f32 v9, v4;
	[tilespmem:s11+$0xFFFFFF70] =	vst v6;
	v6 =	vmov s17  }
0x10e: {  	v3 =	vmul.f32 v3, v4;
	[tilespmem:s11+$0xFFFFFF00] =	vst v7;
	v7 =	vmul.f32 v10, v4;
	v4 =	vand.u32 $0xFFFFFFFD, v6  }
0x10f: {  	[tilespmem:s11+$0xFFFFFF20] =	vst v8;
	v4 =	vbroadcast v4, $0x0  }
0x110: {  	[tilespmem:s11+$0xFFFFFF50] =	vst v2  }
0x111: {  	[tilespmem:s11+$0xFFFFFF40] =	vst v3;
	v2 =	vld [tilespmem:s11+$0xFFFFFFF0]  }
0x112: {  	[tilespmem:s11+$0xFFFFFF60] =	vst v5;
	v3 =	vld [tilespmem:s11+$0xFFFFFFC0]  }
0x113: {  	[tilespmem:s11+$0xFFFFFF30] =	vst v7;
	v5 =	vld [tilespmem:s11+$0xFFFFFFD0]  }
0x114: {  	[tilespmem:s11+$0xFFFFFF10] =	vst v9;
	v6 =	vld [tilespmem:s11+$0xFFFFFF90]  }
0x115: {  	v4 =	vld.idx.msk [tilespmem:v4+s28+$0x0], $0xffff  }
0x116: {  	v7 =	vld [tilespmem:s11+$0xFFFFFF80]  }
0x117: {  	v8 =	vld [tilespmem:s11+$0xFFFFFFA0]  }
0x118: {  	v9 =	vld [tilespmem:s11+$0xFFFFFFB0]  }
0x119: {  	v10 =	vld [tilespmem:s11+$0xFFFFFFE0];
	_ =	sdelay $0x1  }
0x11a: {  	v6 =	vmul.f32 v6, v4;
	v7 =	vmul.f32 v7, v4  }
0x11b: {  	s17 =	sadd.s32 $0x2, s15;
	v5 =	vmul.f32 v5, v4;
	v8 =	vmul.f32 v8, v4  }
0x11c: {  	v3 =	vmul.f32 v3, v4;
	[tilespmem:s11+$0xFFFFFF90] =	vst v6;
	v6 =	vmul.f32 v9, v4;
	v9 =	vmov s17  }
0x11d: {  	v2 =	vmul.f32 v2, v4;
	[tilespmem:s11+$0xFFFFFFA0] =	vst v8;
	v8 =	vmul.f32 v10, v4;
	v4 =	vand.u32 $0xFFFFFFFE, v9  }
0x11e: {  	[tilespmem:s11+$0xFFFFFF80] =	vst v7;
	v4 =	vbroadcast v4, $0x0  }
0x11f: {  	[tilespmem:s11+$0xFFFFFFB0] =	vst v6  }
0x120: {  	[tilespmem:s11+$0xFFFFFFC0] =	vst v3  }
0x121: {  	[tilespmem:s11+$0xFFFFFFD0] =	vst v5  }
.Ltmp1:
0x122: {  	[tilespmem:s11+$0xFFFFFFF0] =	vst v2;
	v3 =	vld [tilespmem:s11+$0x40];
	(pc) =	sbr.rel @p0 .LBB2_5-.Ltmp1, $4  }
0x123: {  	[tilespmem:s11+$0xFFFFFFE0] =	vst v8;
	v5 =	vld [tilespmem:s11+$0x60]  }
0x124: {  	v2 =	vld.idx.msk [tilespmem:v4+s28+$0x0], $0xffff  }
0x125: {  	v6 =	vld [tilespmem:s11+$0x0]  }
0x126: {  	v4 =	vld [tilespmem:s11+$0x10]  }
0x127: {  	_ =	sdelay $0x1  }
0x128: {  	v5 =	vmul.f32 v5, v2  }
0x129: {  	v7 =	vld [tilespmem:s14+$0x50];
	v3 =	vmul.f32 v3, v2  }
0x12a: {  	v8 =	vld [tilespmem:s14+$0x70];
	v0 =	vmul.f32 v0, v2;
	[tilespmem:s14+$0x60] =	vst v5  }
0x12b: {  	v5 =	vmul.f32 v6, v2;
	[tilespmem:s14+$0x40] =	vst v3  }
0x12c: {  	s11 =	sadd.s32 $0x3, s15;
	[tilespmem:s14+$0x20] =	vst v0;
	v0 =	vmul.f32 v1, v2  }
0x12d: {  	v4 =	vmul.f32 v4, v2;
	[tilespmem:s14+$0x0] =	vst v5;
	v5 =	vmov s11  }
0x12e: {  	v3 =	vmul.f32 v7, v2;
	[tilespmem:s14+$0x30] =	vst v0  }
0x12f: {  	v2 =	vmul.f32 v8, v2;
	[tilespmem:s14+$0x10] =	vst v4  }
0x130: {  	[tilespmem:s14+$0x50] =	vst v3  }
0x131: {  	v1 =	vld [tilespmem:s14+$0x80];
	[tilespmem:s14+$0x70] =	vst v2  }
0x132: {  	v0 =	vld.idx.msk [tilespmem:v5+s28+$0x0], $0xffff  }
0x133: {  	v2 =	vld [tilespmem:s14+$0xA0]  }
0x134: {  	v3 =	vld [tilespmem:s14+$0xC0]  }
0x135: {  	v4 =	vld [tilespmem:s14+$0xF0]  }
0x136: {  	v5 =	vld [tilespmem:s14+$0xE0]  }
0x137: {  	v6 =	vld [tilespmem:s14+$0x90];
	v1 =	vmul.f32 v1, v0  }
0x138: {  	v7 =	vld [tilespmem:s14+$0xB0];
	v2 =	vmul.f32 v2, v0  }
0x139: {  	v8 =	vld [tilespmem:s14+$0xD0];
	[tilespmem:s14+$0x80] =	vst v1;
	v1 =	vmul.f32 v3, v0  }
0x13a: {  	[tilespmem:s14+$0xA0] =	vst v2;
	v2 =	vmul.f32 v4, v0  }
0x13b: {  	v3 =	vmul.f32 v5, v0;
	[tilespmem:s14+$0xC0] =	vst v1  }
0x13c: {  	v1 =	vmul.f32 v6, v0;
	[tilespmem:s14+$0xF0] =	vst v2  }
0x13d: {  	v2 =	vmul.f32 v7, v0;
	[tilespmem:s14+$0xE0] =	vst v3  }
0x13e: {  	v0 =	vmul.f32 v8, v0;
	[tilespmem:s14+$0x90] =	vst v1  }
0x13f: {  	[tilespmem:s14+$0xB0] =	vst v2  }
0x140: {  	[tilespmem:s14+$0xD0] =	vst v0;
	s14 =	smul.u32 $0xF0, s13  }
0x141: {  	[spmem:s2] =	stream.indirect.scatter.add.f32 [tilespmem:s30], [sflag:$0x5], $0x80, s26, s24, $0xb8;
	[tilespmem:$0x1E280] =	vst v63  }
0x142: {  	s17 =	sadd.s32 s3, s14  }
0x143: {  	_ =	swait.ge [sflag:s8], $0x2800;
	s15 =	sshrl.u32 s17, $0x3  }
0x144: {  	[sflag:s8] =	ssyncset.done $0x0;
	s11 =	sadd.s32 $0x1E, s15  }
0x145: {  	s17 =	simm.s32 $0x0;
	[sflag:s8] =	ssyncadd.s32 $0xFFFFD800;
	s16 =	sadd.s32 s6, s11  }
0x146: {  	[tilespmem:s22], [sflag:$0x1] =	stream.linear.gather [hbm4b:s16+s17], $0x50, $0x38;
	[tilespmem:$0x1E280] =	vst v63  }
0x147: {  	s11 =	sadd.s32 s7, s11  }
0x148: {  	[tilespmem:s23], [sflag:$0x1] =	stream.linear.gather [hbm4b:s11+s17], $0x50, $0x38;
	[tilespmem:$0x1E280] =	vst v63  }
0x149: {  	s18 =	sadd.s32 $0x140F0, s14  }
0x14a: {  	[tilespmem:s25], [sflag:$0x1] =	stream.indirect.gather [hbm4b:s5+s24], $0x80, s18, s24, $0xb8;
	[tilespmem:$0x1E280] =	vst v63  }
0x14b: {  	_ =	swait.ge [sflag:s9], $0x50  }
0x14c: {  	[sflag:s9] =	ssyncset.done $0x0  }
0x14d: {  	v0 =	vmov s17;
	[sflag:s9] =	ssyncadd.s32 $0xFFFFFFB0  }
0x14e: {  	v0 =	vand.u32 $0xFFFFFFFC, v0;
	_ =	swait.ge [sflag:s9], $0x50  }
0x14f: {  	v0 =	vbroadcast v0, $0x0;
	[sflag:s9] =	ssyncset.done $0x0  }
0x150: {  	[sflag:s9] =	ssyncadd.s32 $0xFFFFFFB0  }
0x151: {  	_ =	swait.ge [sflag:s9], $0x2800  }
0x152: {  	[sflag:s9] =	ssyncset.done $0x0  }
0x153: {  	s16 =	simm.s32 $0x1B880;
	[sflag:s9] =	ssyncadd.s32 $0xFFFFD800  }
0x154: {  	v1 =	vld [tilespmem:s16+$0xFFFFFF70]  }
0x155: {  	v0 =	vld.idx.msk [tilespmem:v0+s1+$0x0], $0xffff  }
0x156: {  	v2 =	vld [tilespmem:s16+$0xFFFFFF00]  }
0x157: {  	v3 =	vld [tilespmem:s16+$0xFFFFFF20]  }
0x158: {  	v4 =	vld [tilespmem:s16+$0xFFFFFF50]  }
0x159: {  	v5 =	vld [tilespmem:s16+$0xFFFFFF40]  }
0x15a: {  	v6 =	vld [tilespmem:s16+$0xFFFFFF60];
	v1 =	vmul.f32 v1, v0  }
0x15b: {  	s19 =	simm.s32 $0x1;
	v7 =	vld [tilespmem:s16+$0xFFFFFF30];
	v2 =	vmul.f32 v2, v0  }
0x15c: {  	v8 =	vld [tilespmem:s16+$0xFFFFFF10];
	v3 =	vmul.f32 v3, v0;
	[tilespmem:s16+$0xFFFFFF70] =	vst v1;
	v1 =	vmov s19  }
0x15d: {  	v4 =	vmul.f32 v4, v0;
	[tilespmem:s16+$0xFFFFFF00] =	vst v2;
	v1 =	vand.u32 $0xFFFFFFFD, v1  }
0x15e: {  	v2 =	vmul.f32 v5, v0;
	[tilespmem:s16+$0xFFFFFF20] =	vst v3;
	v1 =	vbroadcast v1, $0x0  }
0x15f: {  	v3 =	vmul.f32 v6, v0;
	[tilespmem:s16+$0xFFFFFF50] =	vst v4  }
0x160: {  	v4 =	vmul.f32 v7, v0;
	[tilespmem:s16+$0xFFFFFF40] =	vst v2  }
0x161: {  	v0 =	vmul.f32 v8, v0;
	[tilespmem:s16+$0xFFFFFF60] =	vst v3  }
0x162: {  	[tilespmem:s16+$0xFFFFFF30] =	vst v4  }
0x163: {  	[tilespmem:s16+$0xFFFFFF10] =	vst v0;
	v0 =	vld [tilespmem:s16+$0xFFFFFF90]  }
0x164: {  	v2 =	vld.idx.msk [tilespmem:v1+s1+$0x0], $0xffff  }
0x165: {  	v1 =	vld [tilespmem:s16+$0xFFFFFFA0]  }
0x166: {  	v3 =	vld [tilespmem:s16+$0xFFFFFF80]  }
0x167: {  	v4 =	vld [tilespmem:s16+$0xFFFFFFB0]  }
0x168: {  	v5 =	vld [tilespmem:s16+$0xFFFFFFC0]  }
0x169: {  	v6 =	vld [tilespmem:s16+$0xFFFFFFD0];
	v0 =	vmul.f32 v0, v2  }
0x16a: {  	s20 =	simm.s32 $0x2;
	v7 =	vld [tilespmem:s16+$0xFFFFFFF0];
	v1 =	vmul.f32 v1, v2  }
0x16b: {  	v8 =	vld [tilespmem:s16+$0xFFFFFFE0];
	v3 =	vmul.f32 v3, v2;
	[tilespmem:s16+$0xFFFFFF90] =	vst v0;
	v0 =	vmov s20  }
0x16c: {  	v4 =	vmul.f32 v4, v2;
	[tilespmem:s16+$0xFFFFFFA0] =	vst v1;
	v0 =	vand.u32 $0xFFFFFFFE, v0  }
0x16d: {  	v1 =	vmul.f32 v5, v2;
	[tilespmem:s16+$0xFFFFFF80] =	vst v3;
	v5 =	vld [tilespmem:s16+$0x60];
	v9 =	vbroadcast v0, $0x0  }
0x16e: {  	v3 =	vmul.f32 v6, v2;
	[tilespmem:s16+$0xFFFFFFB0] =	vst v4;
	v6 =	vld [tilespmem:s16+$0x0]  }
0x16f: {  	v4 =	vmul.f32 v7, v2;
	v0 =	vld [tilespmem:s16+$0x20];
	[tilespmem:s16+$0xFFFFFFC0] =	vst v1  }
0x170: {  	v2 =	vmul.f32 v8, v2;
	v1 =	vld [tilespmem:s16+$0x30];
	[tilespmem:s16+$0xFFFFFFD0] =	vst v3  }
0x171: {  	[tilespmem:s16+$0xFFFFFFF0] =	vst v4;
	v3 =	vld [tilespmem:s16+$0x40]  }
0x172: {  	[tilespmem:s16+$0xFFFFFFE0] =	vst v2;
	v4 =	vld [tilespmem:s16+$0x10]  }
0x173: {  	s11 =	simm.s32 $0x4;
	s18 =	simm.s32 $0x1B880;
	v2 =	vld.idx.msk [tilespmem:v9+s1+$0x0], $0xffff  }
.LBB2_7:
0x174: {  	p0 =	slt.u32 s11, $0x4C  }
0x175: {  	v7 =	vld [tilespmem:s16+$0x50];
	s18 =	sadd.s32 $0x200, s18;
	s19 =	smov.u32 s11;
	s11 =	sadd.s32 $0x4, s11  }
0x176: {  	v8 =	vld [tilespmem:s16+$0x70];
	_ =	sdelay $0x1  }
0x177: {  	v5 =	vmul.f32 v5, v2;
	v6 =	vmul.f32 v6, v2  }
0x178: {  	v3 =	vmul.f32 v3, v2;
	v4 =	vmul.f32 v4, v2  }
0x179: {  	v0 =	vmul.f32 v0, v2;
	v1 =	vmul.f32 v1, v2;
	[tilespmem:s16+$0x60] =	vst v5  }
0x17a: {  	[tilespmem:s16+$0x40] =	vst v3;
	v3 =	vmul.f32 v7, v2;
	v2 =	vmul.f32 v8, v2  }
0x17b: {  	s20 =	sadd.s32 $0x3, s17;
	s17 =	smov.u32 s19;
	[tilespmem:s16+$0x20] =	vst v0;
	v5 =	vld [tilespmem:s16+$0x80]  }
0x17c: {  	v0 =	vld [tilespmem:s18+$0x20];
	[tilespmem:s16+$0x0] =	vst v6;
	v6 =	vmov s20  }
0x17d: {  	[tilespmem:s16+$0x50] =	vst v3;
	v3 =	vld [tilespmem:s16+$0xE0]  }
0x17e: {  	[tilespmem:s16+$0x30] =	vst v1;
	v7 =	vld [tilespmem:s16+$0xC0]  }
0x17f: {  	v1 =	vld [tilespmem:s18+$0x30];
	[tilespmem:s16+$0x10] =	vst v4  }
0x180: {  	[tilespmem:s16+$0x70] =	vst v2;
	v2 =	vld [tilespmem:s16+$0xA0]  }
0x181: {  	v4 =	vld.idx.msk [tilespmem:v6+s1+$0x0], $0xffff  }
0x182: {  	v6 =	vld [tilespmem:s16+$0x90]  }
0x183: {  	v8 =	vld [tilespmem:s16+$0xB0]  }
0x184: {  	v9 =	vld [tilespmem:s16+$0xD0]  }
0x185: {  	v10 =	vld [tilespmem:s16+$0xF0];
	_ =	sdelay $0x1  }
0x186: {  	v5 =	vmul.f32 v5, v4;
	v6 =	vmul.f32 v6, v4  }
0x187: {  	v2 =	vmul.f32 v2, v4;
	v8 =	vmul.f32 v8, v4  }
0x188: {  	v11 =	vmov s17;
	[tilespmem:s16+$0x80] =	vst v5;
	v5 =	vmul.f32 v7, v4;
	v7 =	vmul.f32 v9, v4  }
0x189: {  	v9 =	vand.u32 $0xFFFFFFFC, v11;
	[tilespmem:s16+$0xA0] =	vst v2;
	v2 =	vmul.f32 v3, v4;
	v3 =	vmul.f32 v10, v4  }
0x18a: {  	v4 =	vbroadcast v9, $0x0;
	[tilespmem:s16+$0xC0] =	vst v5  }
0x18b: {  	[tilespmem:s16+$0xF0] =	vst v3  }
0x18c: {  	v3 =	vld [tilespmem:s18+$0xFFFFFF40];
	[tilespmem:s16+$0xE0] =	vst v2  }
0x18d: {  	v2 =	vld [tilespmem:s18+$0xFFFFFF50];
	[tilespmem:s16+$0x90] =	vst v6  }
0x18e: {  	v5 =	vld [tilespmem:s18+$0xFFFFFF60];
	[tilespmem:s16+$0xB0] =	vst v8  }
0x18f: {  	v6 =	vld [tilespmem:s18+$0xFFFFFF70];
	[tilespmem:s16+$0xD0] =	vst v7;
	s16 =	smov.u32 s18  }
0x190: {  	v4 =	vld.idx.msk [tilespmem:v4+s1+$0x0], $0xffff  }
0x191: {  	v7 =	vld [tilespmem:s18+$0xFFFFFF00]  }
0x192: {  	v8 =	vld [tilespmem:s18+$0xFFFFFF20]  }
0x193: {  	v9 =	vld [tilespmem:s18+$0xFFFFFF10]  }
0x194: {  	v10 =	vld [tilespmem:s18+$0xFFFFFF30];
	_ =	sdelay $0x1  }
0x195: {  	v6 =	vmul.f32 v6, v4;
	v7 =	vmul.f32 v7, v4  }
0x196: {  	s19 =	sadd.s32 $0x1, s17;
	v5 =	vmul.f32 v5, v4;
	v8 =	vmul.f32 v8, v4  }
0x197: {  	v2 =	vmul.f32 v2, v4;
	v9 =	vmul.f32 v9, v4;
	[tilespmem:s18+$0xFFFFFF70] =	vst v6;
	v6 =	vmov s19  }
0x198: {  	v3 =	vmul.f32 v3, v4;
	[tilespmem:s18+$0xFFFFFF00] =	vst v7;
	v7 =	vmul.f32 v10, v4;
	v4 =	vand.u32 $0xFFFFFFFD, v6  }
0x199: {  	[tilespmem:s18+$0xFFFFFF20] =	vst v8;
	v4 =	vbroadcast v4, $0x0  }
0x19a: {  	[tilespmem:s18+$0xFFFFFF50] =	vst v2  }
0x19b: {  	[tilespmem:s18+$0xFFFFFF40] =	vst v3;
	v2 =	vld [tilespmem:s18+$0xFFFFFFF0]  }
0x19c: {  	[tilespmem:s18+$0xFFFFFF60] =	vst v5;
	v3 =	vld [tilespmem:s18+$0xFFFFFFC0]  }
0x19d: {  	[tilespmem:s18+$0xFFFFFF30] =	vst v7;
	v5 =	vld [tilespmem:s18+$0xFFFFFFD0]  }
0x19e: {  	[tilespmem:s18+$0xFFFFFF10] =	vst v9;
	v6 =	vld [tilespmem:s18+$0xFFFFFF90]  }
0x19f: {  	v4 =	vld.idx.msk [tilespmem:v4+s1+$0x0], $0xffff  }
0x1a0: {  	v7 =	vld [tilespmem:s18+$0xFFFFFF80]  }
0x1a1: {  	v8 =	vld [tilespmem:s18+$0xFFFFFFA0]  }
0x1a2: {  	v9 =	vld [tilespmem:s18+$0xFFFFFFB0]  }
0x1a3: {  	v10 =	vld [tilespmem:s18+$0xFFFFFFE0];
	_ =	sdelay $0x1  }
0x1a4: {  	v6 =	vmul.f32 v6, v4;
	v7 =	vmul.f32 v7, v4  }
0x1a5: {  	s19 =	sadd.s32 $0x2, s17;
	v5 =	vmul.f32 v5, v4;
	v8 =	vmul.f32 v8, v4  }
0x1a6: {  	v3 =	vmul.f32 v3, v4;
	[tilespmem:s18+$0xFFFFFF90] =	vst v6;
	v6 =	vmul.f32 v9, v4;
	v9 =	vmov s19  }
0x1a7: {  	v2 =	vmul.f32 v2, v4;
	[tilespmem:s18+$0xFFFFFFA0] =	vst v8;
	v8 =	vmul.f32 v10, v4;
	v4 =	vand.u32 $0xFFFFFFFE, v9  }
0x1a8: {  	[tilespmem:s18+$0xFFFFFF80] =	vst v7;
	v4 =	vbroadcast v4, $0x0  }
0x1a9: {  	[tilespmem:s18+$0xFFFFFFB0] =	vst v6  }
0x1aa: {  	[tilespmem:s18+$0xFFFFFFC0] =	vst v3  }
0x1ab: {  	[tilespmem:s18+$0xFFFFFFD0] =	vst v5  }
.Ltmp2:
0x1ac: {  	[tilespmem:s18+$0xFFFFFFF0] =	vst v2;
	v3 =	vld [tilespmem:s18+$0x40];
	(pc) =	sbr.rel @p0 .LBB2_7-.Ltmp2, $4  }
0x1ad: {  	[tilespmem:s18+$0xFFFFFFE0] =	vst v8;
	v5 =	vld [tilespmem:s18+$0x60]  }
0x1ae: {  	v2 =	vld.idx.msk [tilespmem:v4+s1+$0x0], $0xffff  }
0x1af: {  	v6 =	vld [tilespmem:s18+$0x0]  }
0x1b0: {  	v4 =	vld [tilespmem:s18+$0x10]  }
0x1b1: {  	_ =	sdelay $0x1  }
0x1b2: {  	v5 =	vmul.f32 v5, v2  }
0x1b3: {  	v7 =	vld [tilespmem:s16+$0x50];
	v3 =	vmul.f32 v3, v2  }
0x1b4: {  	v8 =	vld [tilespmem:s16+$0x70];
	v0 =	vmul.f32 v0, v2;
	[tilespmem:s16+$0x60] =	vst v5  }
0x1b5: {  	v48 =	vmul.f32 v1, v2;
	[tilespmem:s16+$0x40] =	vst v3  }
0x1b6: {  	s11 =	sadd.s32 $0x3, s17;
	v46 =	vmul.f32 v6, v2;
	[tilespmem:s16+$0x20] =	vst v0  }
0x1b7: {  	v50 =	vmov s11;
	v4 =	vmul.f32 v4, v2;
	[tilespmem:s16+$0x30] =	vst v48  }
0x1b8: {  	v47 =	vmul.f32 v7, v2;
	[tilespmem:s16+$0x0] =	vst v46  }
0x1b9: {  	v51 =	vmul.f32 v8, v2;
	[tilespmem:s16+$0x10] =	vst v4  }
0x1ba: {  	[tilespmem:s16+$0x50] =	vst v47  }
0x1bb: {  	v49 =	vld [tilespmem:s16+$0x80];
	[tilespmem:s16+$0x70] =	vst v51  }
0x1bc: {  	v0 =	vld.idx.msk [tilespmem:v50+s1+$0x0], $0xffff  }
0x1bd: {  	v52 =	vld [tilespmem:s16+$0xA0]  }
0x1be: {  	v53 =	vld [tilespmem:s16+$0xC0]  }
0x1bf: {  	v54 =	vld [tilespmem:s16+$0xF0]  }
0x1c0: {  	v55 =	vld [tilespmem:s16+$0xE0]  }
0x1c1: {  	v56 =	vld [tilespmem:s16+$0x90];
	v1 =	vmul.f32 v49, v0  }
0x1c2: {  	v57 =	vld [tilespmem:s16+$0xB0];
	v2 =	vmul.f32 v52, v0  }
0x1c3: {  	v58 =	vld [tilespmem:s16+$0xD0];
	v59 =	vmul.f32 v53, v0;
	[tilespmem:s16+$0x80] =	vst v1  }
0x1c4: {  	v60 =	vmul.f32 v54, v0;
	[tilespmem:s16+$0xA0] =	vst v2  }
0x1c5: {  	v61 =	vmul.f32 v55, v0;
	[tilespmem:s16+$0xC0] =	vst v59  }
0x1c6: {  	v62 =	vmul.f32 v56, v0;
	[tilespmem:s16+$0xF0] =	vst v60  }
0x1c7: {  	v63 =	vmul.f32 v57, v0;
	[tilespmem:s16+$0xE0] =	vst v61  }
0x1c8: {  	v0 =	vmul.f32 v58, v0;
	[tilespmem:s16+$0x90] =	vst v62  }
0x1c9: {  	[tilespmem:s16+$0xB0] =	vst v63  }
0x1ca: {  	[tilespmem:s16+$0xD0] =	vst v0  }
0x1cb: {  	[spmem:s2] =	stream.indirect.scatter.add.f32 [tilespmem:s29], [sflag:$0x6], $0x80, s31, s24, $0xb8;
	[tilespmem:$0x1E280] =	vst v63  }
0x1cc: {  	_ =	swait.ge [sflag:s10], $0x2800  }
0x1cd: {  	s19 =	sadd.s32 $0x28, s15;
	s13 =	sadd.s32 $0x1, s13;
	[sflag:s10] =	ssyncset.done $0x0  }
0x1ce: {  	s15 =	sadd.s32 s6, s19;
	p0 =	sne.s32 s13, $0x29;
	[sflag:s10] =	ssyncadd.s32 $0xFFFFD800  }
0x1cf: {  	[tilespmem:s26], [sflag:$0x2] =	stream.linear.gather [hbm4b:s15+s4], $0x50, $0x38;
	[tilespmem:$0x1E280] =	vst v63  }
.Ltmp3:
0x1d0: {  	_ = 	snop;
	(pc) =	sbr.rel @p0 .LBB2_2-.Ltmp3, $4  }
0x1d1: {  	s11 =	sadd.s32 s7, s19  }
0x1d2: {  	[tilespmem:s28], [sflag:$0x2] =	stream.linear.gather [hbm4b:s11+s4], $0x50, $0x38;
	[tilespmem:$0x1E280] =	vst v63  }
0x1d3: {  	s20 =	sadd.s32 $0x14140, s14  }
0x1d4: {  	[tilespmem:s30], [sflag:$0x2] =	stream.indirect.gather [hbm4b:s5+s24], $0x80, s20, s24, $0xb8;
	[tilespmem:$0x1E280] =	vst v63  }
0x1d5: {  	_ =	swait.ge [sflag:s0], $0x50  }
0x1d6: {  	s14 =	simm.s32 $0x0;
	[sflag:s0] =	ssyncset.done $0x0  }
0x1d7: {  	v0 =	vmov s14;
	[sflag:s0] =	ssyncadd.s32 $0xFFFFFFB0  }
0x1d8: {  	v0 =	vand.u32 $0xFFFFFFFC, v0;
	_ =	swait.ge [sflag:s0], $0x50  }
0x1d9: {  	v0 =	vbroadcast v0, $0x0;
	[sflag:s0] =	ssyncset.done $0x0  }
0x1da: {  	[sflag:s0] =	ssyncadd.s32 $0xFFFFFFB0  }
0x1db: {  	_ =	swait.ge [sflag:s0], $0x2800  }
0x1dc: {  	[sflag:s0] =	ssyncset.done $0x0  }
0x1dd: {  	s13 =	simm.s32 $0x16880;
	[sflag:s0] =	ssyncadd.s32 $0xFFFFD800  }
0x1de: {  	v1 =	vld [tilespmem:s13+$0xFFFFFF70]  }
0x1df: {  	v0 =	vld.idx.msk [tilespmem:v0+s23+$0x0], $0xffff  }
0x1e0: {  	v2 =	vld [tilespmem:s13+$0xFFFFFF00]  }
0x1e1: {  	v3 =	vld [tilespmem:s13+$0xFFFFFF20]  }
0x1e2: {  	v4 =	vld [tilespmem:s13+$0xFFFFFF50]  }
0x1e3: {  	v5 =	vld [tilespmem:s13+$0xFFFFFF40]  }
0x1e4: {  	v6 =	vld [tilespmem:s13+$0xFFFFFF60];
	v1 =	vmul.f32 v1, v0  }
0x1e5: {  	s11 =	simm.s32 $0x1;
	v7 =	vld [tilespmem:s13+$0xFFFFFF30];
	v2 =	vmul.f32 v2, v0  }
0x1e6: {  	v8 =	vld [tilespmem:s13+$0xFFFFFF10];
	v3 =	vmul.f32 v3, v0;
	[tilespmem:s13+$0xFFFFFF70] =	vst v1;
	v1 =	vmov s11  }
0x1e7: {  	v4 =	vmul.f32 v4, v0;
	[tilespmem:s13+$0xFFFFFF00] =	vst v2;
	v1 =	vand.u32 $0xFFFFFFFD, v1  }
0x1e8: {  	v2 =	vmul.f32 v5, v0;
	[tilespmem:s13+$0xFFFFFF20] =	vst v3;
	v1 =	vbroadcast v1, $0x0  }
0x1e9: {  	v3 =	vmul.f32 v6, v0;
	[tilespmem:s13+$0xFFFFFF50] =	vst v4  }
0x1ea: {  	v4 =	vmul.f32 v7, v0;
	[tilespmem:s13+$0xFFFFFF40] =	vst v2  }
0x1eb: {  	v0 =	vmul.f32 v8, v0;
	[tilespmem:s13+$0xFFFFFF60] =	vst v3  }
0x1ec: {  	[tilespmem:s13+$0xFFFFFF30] =	vst v4  }
0x1ed: {  	[tilespmem:s13+$0xFFFFFF10] =	vst v0;
	v0 =	vld [tilespmem:s13+$0xFFFFFF90]  }
0x1ee: {  	v2 =	vld.idx.msk [tilespmem:v1+s23+$0x0], $0xffff  }
0x1ef: {  	v1 =	vld [tilespmem:s13+$0xFFFFFFA0]  }
0x1f0: {  	v3 =	vld [tilespmem:s13+$0xFFFFFF80]  }
0x1f1: {  	v4 =	vld [tilespmem:s13+$0xFFFFFFB0]  }
0x1f2: {  	v5 =	vld [tilespmem:s13+$0xFFFFFFC0]  }
0x1f3: {  	v6 =	vld [tilespmem:s13+$0xFFFFFFD0];
	v0 =	vmul.f32 v0, v2  }
0x1f4: {  	s20 =	simm.s32 $0x2;
	v7 =	vld [tilespmem:s13+$0xFFFFFFF0];
	v1 =	vmul.f32 v1, v2  }
0x1f5: {  	v8 =	vld [tilespmem:s13+$0xFFFFFFE0];
	v3 =	vmul.f32 v3, v2;
	[tilespmem:s13+$0xFFFFFF90] =	vst v0;
	v0 =	vmov s20  }
0x1f6: {  	v4 =	vmul.f32 v4, v2;
	[tilespmem:s13+$0xFFFFFFA0] =	vst v1;
	v0 =	vand.u32 $0xFFFFFFFE, v0  }
0x1f7: {  	v1 =	vmul.f32 v5, v2;
	[tilespmem:s13+$0xFFFFFF80] =	vst v3;
	v5 =	vld [tilespmem:s13+$0x60];
	v9 =	vbroadcast v0, $0x0  }
0x1f8: {  	v3 =	vmul.f32 v6, v2;
	[tilespmem:s13+$0xFFFFFFB0] =	vst v4;
	v6 =	vld [tilespmem:s13+$0x0]  }
0x1f9: {  	v4 =	vmul.f32 v7, v2;
	v0 =	vld [tilespmem:s13+$0x20];
	[tilespmem:s13+$0xFFFFFFC0] =	vst v1  }
0x1fa: {  	v2 =	vmul.f32 v8, v2;
	v1 =	vld [tilespmem:s13+$0x30];
	[tilespmem:s13+$0xFFFFFFD0] =	vst v3  }
0x1fb: {  	[tilespmem:s13+$0xFFFFFFF0] =	vst v4;
	v3 =	vld [tilespmem:s13+$0x40]  }
0x1fc: {  	[tilespmem:s13+$0xFFFFFFE0] =	vst v2;
	v4 =	vld [tilespmem:s13+$0x10]  }
0x1fd: {  	s15 =	simm.s32 $0x16880;
	s11 =	simm.s32 $0x4;
	v2 =	vld.idx.msk [tilespmem:v9+s23+$0x0], $0xffff  }
.LBB2_10:
0x1fe: {  	p0 =	slt.u32 s11, $0x4C  }
0x1ff: {  	v7 =	vld [tilespmem:s13+$0x50];
	s15 =	sadd.s32 $0x200, s15;
	s16 =	smov.u32 s11;
	s11 =	sadd.s32 $0x4, s11  }
0x200: {  	v8 =	vld [tilespmem:s13+$0x70];
	_ =	sdelay $0x1  }
0x201: {  	v5 =	vmul.f32 v5, v2;
	v6 =	vmul.f32 v6, v2  }
0x202: {  	v3 =	vmul.f32 v3, v2;
	v4 =	vmul.f32 v4, v2  }
0x203: {  	v0 =	vmul.f32 v0, v2;
	v1 =	vmul.f32 v1, v2;
	[tilespmem:s13+$0x60] =	vst v5  }
0x204: {  	[tilespmem:s13+$0x40] =	vst v3;
	v3 =	vmul.f32 v7, v2;
	v2 =	vmul.f32 v8, v2  }
0x205: {  	s17 =	sadd.s32 $0x3, s14;
	s14 =	smov.u32 s16;
	[tilespmem:s13+$0x20] =	vst v0;
	v5 =	vld [tilespmem:s13+$0x80]  }
0x206: {  	v0 =	vld [tilespmem:s15+$0x20];
	[tilespmem:s13+$0x0] =	vst v6;
	v6 =	vmov s17  }
0x207: {  	[tilespmem:s13+$0x50] =	vst v3;
	v3 =	vld [tilespmem:s13+$0xE0]  }
0x208: {  	[tilespmem:s13+$0x30] =	vst v1;
	v7 =	vld [tilespmem:s13+$0xC0]  }
0x209: {  	v1 =	vld [tilespmem:s15+$0x30];
	[tilespmem:s13+$0x10] =	vst v4  }
0x20a: {  	[tilespmem:s13+$0x70] =	vst v2;
	v2 =	vld [tilespmem:s13+$0xA0]  }
0x20b: {  	v4 =	vld.idx.msk [tilespmem:v6+s23+$0x0], $0xffff  }
0x20c: {  	v6 =	vld [tilespmem:s13+$0x90]  }
0x20d: {  	v8 =	vld [tilespmem:s13+$0xB0]  }
0x20e: {  	v9 =	vld [tilespmem:s13+$0xD0]  }
0x20f: {  	v10 =	vld [tilespmem:s13+$0xF0];
	_ =	sdelay $0x1  }
0x210: {  	v5 =	vmul.f32 v5, v4;
	v6 =	vmul.f32 v6, v4  }
0x211: {  	v2 =	vmul.f32 v2, v4;
	v8 =	vmul.f32 v8, v4  }
0x212: {  	v11 =	vmov s14;
	[tilespmem:s13+$0x80] =	vst v5;
	v5 =	vmul.f32 v7, v4;
	v7 =	vmul.f32 v9, v4  }
0x213: {  	v9 =	vand.u32 $0xFFFFFFFC, v11;
	[tilespmem:s13+$0xA0] =	vst v2;
	v2 =	vmul.f32 v3, v4;
	v3 =	vmul.f32 v10, v4  }
0x214: {  	v4 =	vbroadcast v9, $0x0;
	[tilespmem:s13+$0xC0] =	vst v5  }
0x215: {  	[tilespmem:s13+$0xF0] =	vst v3  }
0x216: {  	v3 =	vld [tilespmem:s15+$0xFFFFFF40];
	[tilespmem:s13+$0xE0] =	vst v2  }
0x217: {  	v2 =	vld [tilespmem:s15+$0xFFFFFF50];
	[tilespmem:s13+$0x90] =	vst v6  }
0x218: {  	v5 =	vld [tilespmem:s15+$0xFFFFFF60];
	[tilespmem:s13+$0xB0] =	vst v8  }
0x219: {  	v6 =	vld [tilespmem:s15+$0xFFFFFF70];
	[tilespmem:s13+$0xD0] =	vst v7;
	s13 =	smov.u32 s15  }
0x21a: {  	v4 =	vld.idx.msk [tilespmem:v4+s23+$0x0], $0xffff  }
0x21b: {  	v7 =	vld [tilespmem:s15+$0xFFFFFF00]  }
0x21c: {  	v8 =	vld [tilespmem:s15+$0xFFFFFF20]  }
0x21d: {  	v9 =	vld [tilespmem:s15+$0xFFFFFF10]  }
0x21e: {  	v10 =	vld [tilespmem:s15+$0xFFFFFF30];
	_ =	sdelay $0x1  }
0x21f: {  	v6 =	vmul.f32 v6, v4;
	v7 =	vmul.f32 v7, v4  }
0x220: {  	s16 =	sadd.s32 $0x1, s14;
	v5 =	vmul.f32 v5, v4;
	v8 =	vmul.f32 v8, v4  }
0x221: {  	v2 =	vmul.f32 v2, v4;
	v9 =	vmul.f32 v9, v4;
	[tilespmem:s15+$0xFFFFFF70] =	vst v6;
	v6 =	vmov s16  }
0x222: {  	v3 =	vmul.f32 v3, v4;
	[tilespmem:s15+$0xFFFFFF00] =	vst v7;
	v7 =	vmul.f32 v10, v4;
	v4 =	vand.u32 $0xFFFFFFFD, v6  }
0x223: {  	[tilespmem:s15+$0xFFFFFF20] =	vst v8;
	v4 =	vbroadcast v4, $0x0  }
0x224: {  	[tilespmem:s15+$0xFFFFFF50] =	vst v2  }
0x225: {  	[tilespmem:s15+$0xFFFFFF40] =	vst v3;
	v2 =	vld [tilespmem:s15+$0xFFFFFFF0]  }
0x226: {  	[tilespmem:s15+$0xFFFFFF60] =	vst v5;
	v3 =	vld [tilespmem:s15+$0xFFFFFFC0]  }
0x227: {  	[tilespmem:s15+$0xFFFFFF30] =	vst v7;
	v5 =	vld [tilespmem:s15+$0xFFFFFFD0]  }
0x228: {  	[tilespmem:s15+$0xFFFFFF10] =	vst v9;
	v6 =	vld [tilespmem:s15+$0xFFFFFF90]  }
0x229: {  	v4 =	vld.idx.msk [tilespmem:v4+s23+$0x0], $0xffff  }
0x22a: {  	v7 =	vld [tilespmem:s15+$0xFFFFFF80]  }
0x22b: {  	v8 =	vld [tilespmem:s15+$0xFFFFFFA0]  }
0x22c: {  	v9 =	vld [tilespmem:s15+$0xFFFFFFB0]  }
0x22d: {  	v10 =	vld [tilespmem:s15+$0xFFFFFFE0];
	_ =	sdelay $0x1  }
0x22e: {  	v6 =	vmul.f32 v6, v4;
	v7 =	vmul.f32 v7, v4  }
0x22f: {  	s16 =	sadd.s32 $0x2, s14;
	v5 =	vmul.f32 v5, v4;
	v8 =	vmul.f32 v8, v4  }
0x230: {  	v3 =	vmul.f32 v3, v4;
	[tilespmem:s15+$0xFFFFFF90] =	vst v6;
	v6 =	vmul.f32 v9, v4;
	v9 =	vmov s16  }
0x231: {  	v2 =	vmul.f32 v2, v4;
	[tilespmem:s15+$0xFFFFFFA0] =	vst v8;
	v8 =	vmul.f32 v10, v4;
	v4 =	vand.u32 $0xFFFFFFFE, v9  }
0x232: {  	[tilespmem:s15+$0xFFFFFF80] =	vst v7;
	v4 =	vbroadcast v4, $0x0  }
0x233: {  	[tilespmem:s15+$0xFFFFFFB0] =	vst v6  }
0x234: {  	[tilespmem:s15+$0xFFFFFFC0] =	vst v3  }
0x235: {  	[tilespmem:s15+$0xFFFFFFD0] =	vst v5  }
.Ltmp4:
0x236: {  	[tilespmem:s15+$0xFFFFFFF0] =	vst v2;
	v3 =	vld [tilespmem:s15+$0x40];
	(pc) =	sbr.rel @p0 .LBB2_10-.Ltmp4, $4  }
0x237: {  	[tilespmem:s15+$0xFFFFFFE0] =	vst v8;
	v5 =	vld [tilespmem:s15+$0x60]  }
0x238: {  	v2 =	vld.idx.msk [tilespmem:v4+s23+$0x0], $0xffff  }
0x239: {  	v6 =	vld [tilespmem:s15+$0x0]  }
0x23a: {  	v4 =	vld [tilespmem:s15+$0x10]  }
0x23b: {  	_ =	sdelay $0x1  }
0x23c: {  	v5 =	vmul.f32 v5, v2  }
0x23d: {  	v7 =	vld [tilespmem:s13+$0x50];
	v3 =	vmul.f32 v3, v2  }
0x23e: {  	v8 =	vld [tilespmem:s13+$0x70];
	v0 =	vmul.f32 v0, v2;
	[tilespmem:s13+$0x60] =	vst v5  }
0x23f: {  	v5 =	vmul.f32 v6, v2;
	[tilespmem:s13+$0x40] =	vst v3  }
0x240: {  	s11 =	sadd.s32 $0x3, s14;
	[tilespmem:s13+$0x20] =	vst v0;
	v0 =	vmul.f32 v1, v2  }
0x241: {  	v4 =	vmul.f32 v4, v2;
	[tilespmem:s13+$0x0] =	vst v5;
	v5 =	vmov s11  }
0x242: {  	v3 =	vmul.f32 v7, v2;
	[tilespmem:s13+$0x30] =	vst v0  }
0x243: {  	v2 =	vmul.f32 v8, v2;
	[tilespmem:s13+$0x10] =	vst v4  }
0x244: {  	[tilespmem:s13+$0x50] =	vst v3  }
0x245: {  	v1 =	vld [tilespmem:s13+$0x80];
	[tilespmem:s13+$0x70] =	vst v2  }
0x246: {  	v0 =	vld.idx.msk [tilespmem:v5+s23+$0x0], $0xffff  }
0x247: {  	v2 =	vld [tilespmem:s13+$0xA0]  }
0x248: {  	v3 =	vld [tilespmem:s13+$0xC0]  }
0x249: {  	v4 =	vld [tilespmem:s13+$0xF0]  }
0x24a: {  	v5 =	vld [tilespmem:s13+$0xE0]  }
0x24b: {  	v6 =	vld [tilespmem:s13+$0x90];
	v1 =	vmul.f32 v1, v0  }
0x24c: {  	v7 =	vld [tilespmem:s13+$0xB0];
	v2 =	vmul.f32 v2, v0  }
0x24d: {  	v8 =	vld [tilespmem:s13+$0xD0];
	[tilespmem:s13+$0x80] =	vst v1;
	v1 =	vmul.f32 v3, v0  }
0x24e: {  	[tilespmem:s13+$0xA0] =	vst v2;
	v2 =	vmul.f32 v4, v0  }
0x24f: {  	v3 =	vmul.f32 v5, v0;
	[tilespmem:s13+$0xC0] =	vst v1  }
0x250: {  	v1 =	vmul.f32 v6, v0;
	[tilespmem:s13+$0xF0] =	vst v2  }
0x251: {  	v2 =	vmul.f32 v7, v0;
	[tilespmem:s13+$0xE0] =	vst v3  }
0x252: {  	v0 =	vmul.f32 v8, v0;
	[tilespmem:s13+$0x90] =	vst v1  }
0x253: {  	[tilespmem:s13+$0xB0] =	vst v2  }
0x254: {  	[tilespmem:s13+$0xD0] =	vst v0  }
0x255: {  	[spmem:s2] =	stream.indirect.scatter.add.f32 [tilespmem:s25], [sflag:$0x4], $0x80, s22, s24, $0xb8;
	[tilespmem:$0x1E280] =	vst v63  }
0x256: {  	_ =	swait.ge [sflag:s21], $0x50  }
0x257: {  	s14 =	simm.s32 $0x0;
	[sflag:s21] =	ssyncset.done $0x0  }
0x258: {  	v0 =	vmov s14;
	[sflag:s21] =	ssyncadd.s32 $0xFFFFFFB0  }
0x259: {  	v0 =	vand.u32 $0xFFFFFFFC, v0;
	_ =	swait.ge [sflag:s21], $0x50  }
0x25a: {  	v0 =	vbroadcast v0, $0x0;
	[sflag:s21] =	ssyncset.done $0x0  }
0x25b: {  	[sflag:s21] =	ssyncadd.s32 $0xFFFFFFB0  }
0x25c: {  	_ =	swait.ge [sflag:s21], $0x2800  }
0x25d: {  	[sflag:s21] =	ssyncset.done $0x0  }
0x25e: {  	s13 =	simm.s32 $0x19080;
	[sflag:s21] =	ssyncadd.s32 $0xFFFFD800  }
0x25f: {  	v1 =	vld [tilespmem:s13+$0xFFFFFF70]  }
0x260: {  	v0 =	vld.idx.msk [tilespmem:v0+s28+$0x0], $0xffff  }
0x261: {  	v2 =	vld [tilespmem:s13+$0xFFFFFF00]  }
0x262: {  	v3 =	vld [tilespmem:s13+$0xFFFFFF20]  }
0x263: {  	v4 =	vld [tilespmem:s13+$0xFFFFFF50]  }
0x264: {  	v5 =	vld [tilespmem:s13+$0xFFFFFF40]  }
0x265: {  	v6 =	vld [tilespmem:s13+$0xFFFFFF60];
	v1 =	vmul.f32 v1, v0  }
0x266: {  	s19 =	simm.s32 $0x1;
	v7 =	vld [tilespmem:s13+$0xFFFFFF30];
	v2 =	vmul.f32 v2, v0  }
0x267: {  	v8 =	vld [tilespmem:s13+$0xFFFFFF10];
	v3 =	vmul.f32 v3, v0;
	[tilespmem:s13+$0xFFFFFF70] =	vst v1;
	v1 =	vmov s19  }
0x268: {  	v4 =	vmul.f32 v4, v0;
	[tilespmem:s13+$0xFFFFFF00] =	vst v2;
	v1 =	vand.u32 $0xFFFFFFFD, v1  }
0x269: {  	v2 =	vmul.f32 v5, v0;
	[tilespmem:s13+$0xFFFFFF20] =	vst v3;
	v1 =	vbroadcast v1, $0x0  }
0x26a: {  	v3 =	vmul.f32 v6, v0;
	[tilespmem:s13+$0xFFFFFF50] =	vst v4  }
0x26b: {  	v4 =	vmul.f32 v7, v0;
	[tilespmem:s13+$0xFFFFFF40] =	vst v2  }
0x26c: {  	v0 =	vmul.f32 v8, v0;
	[tilespmem:s13+$0xFFFFFF60] =	vst v3  }
0x26d: {  	[tilespmem:s13+$0xFFFFFF30] =	vst v4  }
0x26e: {  	[tilespmem:s13+$0xFFFFFF10] =	vst v0;
	v0 =	vld [tilespmem:s13+$0xFFFFFF90]  }
0x26f: {  	v2 =	vld.idx.msk [tilespmem:v1+s28+$0x0], $0xffff  }
0x270: {  	v1 =	vld [tilespmem:s13+$0xFFFFFFA0]  }
0x271: {  	v3 =	vld [tilespmem:s13+$0xFFFFFF80]  }
0x272: {  	v4 =	vld [tilespmem:s13+$0xFFFFFFB0]  }
0x273: {  	v5 =	vld [tilespmem:s13+$0xFFFFFFC0]  }
0x274: {  	v6 =	vld [tilespmem:s13+$0xFFFFFFD0];
	v0 =	vmul.f32 v0, v2  }
0x275: {  	s20 =	simm.s32 $0x2;
	v7 =	vld [tilespmem:s13+$0xFFFFFFF0];
	v1 =	vmul.f32 v1, v2  }
0x276: {  	v8 =	vld [tilespmem:s13+$0xFFFFFFE0];
	v3 =	vmul.f32 v3, v2;
	[tilespmem:s13+$0xFFFFFF90] =	vst v0;
	v0 =	vmov s20  }
0x277: {  	v4 =	vmul.f32 v4, v2;
	[tilespmem:s13+$0xFFFFFFA0] =	vst v1;
	v0 =	vand.u32 $0xFFFFFFFE, v0  }
0x278: {  	v1 =	vmul.f32 v5, v2;
	[tilespmem:s13+$0xFFFFFF80] =	vst v3;
	v5 =	vld [tilespmem:s13+$0x60];
	v9 =	vbroadcast v0, $0x0  }
0x279: {  	v3 =	vmul.f32 v6, v2;
	[tilespmem:s13+$0xFFFFFFB0] =	vst v4;
	v6 =	vld [tilespmem:s13+$0x0]  }
0x27a: {  	v4 =	vmul.f32 v7, v2;
	v0 =	vld [tilespmem:s13+$0x20];
	[tilespmem:s13+$0xFFFFFFC0] =	vst v1  }
0x27b: {  	v2 =	vmul.f32 v8, v2;
	v1 =	vld [tilespmem:s13+$0x30];
	[tilespmem:s13+$0xFFFFFFD0] =	vst v3  }
0x27c: {  	[tilespmem:s13+$0xFFFFFFF0] =	vst v4;
	v3 =	vld [tilespmem:s13+$0x40]  }
0x27d: {  	[tilespmem:s13+$0xFFFFFFE0] =	vst v2;
	v4 =	vld [tilespmem:s13+$0x10]  }
0x27e: {  	s15 =	simm.s32 $0x19080;
	s11 =	simm.s32 $0x4;
	v2 =	vld.idx.msk [tilespmem:v9+s28+$0x0], $0xffff  }
.LBB2_12:
0x27f: {  	p0 =	slt.u32 s11, $0x4C  }
0x280: {  	v7 =	vld [tilespmem:s13+$0x50];
	s15 =	sadd.s32 $0x200, s15;
	s16 =	smov.u32 s11;
	s11 =	sadd.s32 $0x4, s11  }
0x281: {  	v8 =	vld [tilespmem:s13+$0x70];
	_ =	sdelay $0x1  }
0x282: {  	v5 =	vmul.f32 v5, v2;
	v6 =	vmul.f32 v6, v2  }
0x283: {  	v3 =	vmul.f32 v3, v2;
	v4 =	vmul.f32 v4, v2  }
0x284: {  	v0 =	vmul.f32 v0, v2;
	v1 =	vmul.f32 v1, v2;
	[tilespmem:s13+$0x60] =	vst v5  }
0x285: {  	[tilespmem:s13+$0x40] =	vst v3;
	v3 =	vmul.f32 v7, v2;
	v2 =	vmul.f32 v8, v2  }
0x286: {  	s17 =	sadd.s32 $0x3, s14;
	s14 =	smov.u32 s16;
	[tilespmem:s13+$0x20] =	vst v0;
	v5 =	vld [tilespmem:s13+$0x80]  }
0x287: {  	v0 =	vld [tilespmem:s15+$0x20];
	[tilespmem:s13+$0x0] =	vst v6;
	v6 =	vmov s17  }
0x288: {  	[tilespmem:s13+$0x50] =	vst v3;
	v3 =	vld [tilespmem:s13+$0xE0]  }
0x289: {  	[tilespmem:s13+$0x30] =	vst v1;
	v7 =	vld [tilespmem:s13+$0xC0]  }
0x28a: {  	v1 =	vld [tilespmem:s15+$0x30];
	[tilespmem:s13+$0x10] =	vst v4  }
0x28b: {  	[tilespmem:s13+$0x70] =	vst v2;
	v2 =	vld [tilespmem:s13+$0xA0]  }
0x28c: {  	v4 =	vld.idx.msk [tilespmem:v6+s28+$0x0], $0xffff  }
0x28d: {  	v6 =	vld [tilespmem:s13+$0x90]  }
0x28e: {  	v8 =	vld [tilespmem:s13+$0xB0]  }
0x28f: {  	v9 =	vld [tilespmem:s13+$0xD0]  }
0x290: {  	v10 =	vld [tilespmem:s13+$0xF0];
	_ =	sdelay $0x1  }
0x291: {  	v5 =	vmul.f32 v5, v4;
	v6 =	vmul.f32 v6, v4  }
0x292: {  	v2 =	vmul.f32 v2, v4;
	v8 =	vmul.f32 v8, v4  }
0x293: {  	v11 =	vmov s14;
	[tilespmem:s13+$0x80] =	vst v5;
	v5 =	vmul.f32 v7, v4;
	v7 =	vmul.f32 v9, v4  }
0x294: {  	v9 =	vand.u32 $0xFFFFFFFC, v11;
	[tilespmem:s13+$0xA0] =	vst v2;
	v2 =	vmul.f32 v3, v4;
	v3 =	vmul.f32 v10, v4  }
0x295: {  	v4 =	vbroadcast v9, $0x0;
	[tilespmem:s13+$0xC0] =	vst v5  }
0x296: {  	[tilespmem:s13+$0xF0] =	vst v3  }
0x297: {  	v3 =	vld [tilespmem:s15+$0xFFFFFF40];
	[tilespmem:s13+$0xE0] =	vst v2  }
0x298: {  	v2 =	vld [tilespmem:s15+$0xFFFFFF50];
	[tilespmem:s13+$0x90] =	vst v6  }
0x299: {  	v5 =	vld [tilespmem:s15+$0xFFFFFF60];
	[tilespmem:s13+$0xB0] =	vst v8  }
0x29a: {  	v6 =	vld [tilespmem:s15+$0xFFFFFF70];
	[tilespmem:s13+$0xD0] =	vst v7;
	s13 =	smov.u32 s15  }
0x29b: {  	v4 =	vld.idx.msk [tilespmem:v4+s28+$0x0], $0xffff  }
0x29c: {  	v7 =	vld [tilespmem:s15+$0xFFFFFF00]  }
0x29d: {  	v8 =	vld [tilespmem:s15+$0xFFFFFF20]  }
0x29e: {  	v9 =	vld [tilespmem:s15+$0xFFFFFF10]  }
0x29f: {  	v10 =	vld [tilespmem:s15+$0xFFFFFF30];
	_ =	sdelay $0x1  }
0x2a0: {  	v6 =	vmul.f32 v6, v4;
	v7 =	vmul.f32 v7, v4  }
0x2a1: {  	s16 =	sadd.s32 $0x1, s14;
	v5 =	vmul.f32 v5, v4;
	v8 =	vmul.f32 v8, v4  }
0x2a2: {  	v2 =	vmul.f32 v2, v4;
	v9 =	vmul.f32 v9, v4;
	[tilespmem:s15+$0xFFFFFF70] =	vst v6;
	v6 =	vmov s16  }
0x2a3: {  	v3 =	vmul.f32 v3, v4;
	[tilespmem:s15+$0xFFFFFF00] =	vst v7;
	v7 =	vmul.f32 v10, v4;
	v4 =	vand.u32 $0xFFFFFFFD, v6  }
0x2a4: {  	[tilespmem:s15+$0xFFFFFF20] =	vst v8;
	v4 =	vbroadcast v4, $0x0  }
0x2a5: {  	[tilespmem:s15+$0xFFFFFF50] =	vst v2  }
0x2a6: {  	[tilespmem:s15+$0xFFFFFF40] =	vst v3;
	v2 =	vld [tilespmem:s15+$0xFFFFFFF0]  }
0x2a7: {  	[tilespmem:s15+$0xFFFFFF60] =	vst v5;
	v3 =	vld [tilespmem:s15+$0xFFFFFFC0]  }
0x2a8: {  	[tilespmem:s15+$0xFFFFFF30] =	vst v7;
	v5 =	vld [tilespmem:s15+$0xFFFFFFD0]  }
0x2a9: {  	[tilespmem:s15+$0xFFFFFF10] =	vst v9;
	v6 =	vld [tilespmem:s15+$0xFFFFFF90]  }
0x2aa: {  	v4 =	vld.idx.msk [tilespmem:v4+s28+$0x0], $0xffff  }
0x2ab: {  	v7 =	vld [tilespmem:s15+$0xFFFFFF80]  }
0x2ac: {  	v8 =	vld [tilespmem:s15+$0xFFFFFFA0]  }
0x2ad: {  	v9 =	vld [tilespmem:s15+$0xFFFFFFB0]  }
0x2ae: {  	v10 =	vld [tilespmem:s15+$0xFFFFFFE0];
	_ =	sdelay $0x1  }
0x2af: {  	v6 =	vmul.f32 v6, v4;
	v7 =	vmul.f32 v7, v4  }
0x2b0: {  	s16 =	sadd.s32 $0x2, s14;
	v5 =	vmul.f32 v5, v4;
	v8 =	vmul.f32 v8, v4  }
0x2b1: {  	v3 =	vmul.f32 v3, v4;
	[tilespmem:s15+$0xFFFFFF90] =	vst v6;
	v6 =	vmul.f32 v9, v4;
	v9 =	vmov s16  }
0x2b2: {  	v2 =	vmul.f32 v2, v4;
	[tilespmem:s15+$0xFFFFFFA0] =	vst v8;
	v8 =	vmul.f32 v10, v4;
	v4 =	vand.u32 $0xFFFFFFFE, v9  }
0x2b3: {  	[tilespmem:s15+$0xFFFFFF80] =	vst v7;
	v4 =	vbroadcast v4, $0x0  }
0x2b4: {  	[tilespmem:s15+$0xFFFFFFB0] =	vst v6  }
0x2b5: {  	[tilespmem:s15+$0xFFFFFFC0] =	vst v3  }
0x2b6: {  	[tilespmem:s15+$0xFFFFFFD0] =	vst v5  }
.Ltmp5:
0x2b7: {  	[tilespmem:s15+$0xFFFFFFF0] =	vst v2;
	v3 =	vld [tilespmem:s15+$0x40];
	(pc) =	sbr.rel @p0 .LBB2_12-.Ltmp5, $4  }
0x2b8: {  	[tilespmem:s15+$0xFFFFFFE0] =	vst v8;
	v5 =	vld [tilespmem:s15+$0x60]  }
0x2b9: {  	v2 =	vld.idx.msk [tilespmem:v4+s28+$0x0], $0xffff  }
0x2ba: {  	v6 =	vld [tilespmem:s15+$0x0]  }
0x2bb: {  	v4 =	vld [tilespmem:s15+$0x10]  }
0x2bc: {  	_ =	sdelay $0x1  }
0x2bd: {  	v5 =	vmul.f32 v5, v2  }
0x2be: {  	v7 =	vld [tilespmem:s13+$0x50];
	v3 =	vmul.f32 v3, v2  }
0x2bf: {  	v8 =	vld [tilespmem:s13+$0x70];
	v0 =	vmul.f32 v0, v2;
	[tilespmem:s13+$0x60] =	vst v5  }
0x2c0: {  	v48 =	vmul.f32 v1, v2;
	[tilespmem:s13+$0x40] =	vst v3  }
0x2c1: {  	s11 =	sadd.s32 $0x3, s14;
	v46 =	vmul.f32 v6, v2;
	[tilespmem:s13+$0x20] =	vst v0  }
0x2c2: {  	v50 =	vmov s11;
	v4 =	vmul.f32 v4, v2;
	[tilespmem:s13+$0x30] =	vst v48  }
0x2c3: {  	v47 =	vmul.f32 v7, v2;
	[tilespmem:s13+$0x0] =	vst v46  }
0x2c4: {  	v51 =	vmul.f32 v8, v2;
	[tilespmem:s13+$0x10] =	vst v4  }
0x2c5: {  	[tilespmem:s13+$0x50] =	vst v47  }
0x2c6: {  	v49 =	vld [tilespmem:s13+$0x80];
	[tilespmem:s13+$0x70] =	vst v51  }
0x2c7: {  	v0 =	vld.idx.msk [tilespmem:v50+s28+$0x0], $0xffff  }
0x2c8: {  	v52 =	vld [tilespmem:s13+$0xA0]  }
0x2c9: {  	v53 =	vld [tilespmem:s13+$0xC0]  }
0x2ca: {  	v54 =	vld [tilespmem:s13+$0xF0]  }
0x2cb: {  	v55 =	vld [tilespmem:s13+$0xE0]  }
0x2cc: {  	v56 =	vld [tilespmem:s13+$0x90];
	v1 =	vmul.f32 v49, v0  }
0x2cd: {  	v57 =	vld [tilespmem:s13+$0xB0];
	v2 =	vmul.f32 v52, v0  }
0x2ce: {  	v58 =	vld [tilespmem:s13+$0xD0];
	v59 =	vmul.f32 v53, v0;
	[tilespmem:s13+$0x80] =	vst v1  }
0x2cf: {  	v60 =	vmul.f32 v54, v0;
	[tilespmem:s13+$0xA0] =	vst v2  }
0x2d0: {  	v61 =	vmul.f32 v55, v0;
	[tilespmem:s13+$0xC0] =	vst v59  }
0x2d1: {  	v62 =	vmul.f32 v56, v0;
	[tilespmem:s13+$0xF0] =	vst v60  }
0x2d2: {  	v63 =	vmul.f32 v57, v0;
	[tilespmem:s13+$0xE0] =	vst v61  }
0x2d3: {  	v0 =	vmul.f32 v58, v0;
	[tilespmem:s13+$0x90] =	vst v62  }
0x2d4: {  	[tilespmem:s13+$0xB0] =	vst v63  }
0x2d5: {  	s18 =	simm.s32 $0x6;
	[tilespmem:s13+$0xD0] =	vst v0  }
0x2d6: {  	[spmem:s2] =	stream.indirect.scatter.add.f32 [tilespmem:s30], [sflag:$0x5], $0x80, s26, s24, $0xb8;
	[tilespmem:$0x1E280] =	vst v63  }
0x2d7: {  	_ =	swait.ge [sflag:s18], $0x2800  }
0x2d8: {  	[sflag:s18] =	ssyncset.done $0x0  }
0x2d9: {  	[sflag:s18] =	ssyncadd.s32 $0xFFFFD800  }
0x2da: {  	_ =	swait.ge [sflag:s8], $0x2800  }
0x2db: {  	[sflag:s8] =	ssyncset.done $0x0  }
0x2dc: {  	[sflag:s8] =	ssyncadd.s32 $0xFFFFD800  }
0x2dd: {  	_ =	swait.ge [sflag:s10], $0x2800  }
0x2de: {  	[sflag:s10] =	ssyncset.done $0x0  }
0x2df: {  	[sflag:s10] =	ssyncadd.s32 $0xFFFFD800  }
0x2e0: {  	[bflag:$0x0] =	sbarrier.arrive $0xFFFF  }
0x2e1: {  	s19 =	rddreg [dreg:$0xa]  }
0x2e2: {  	s13 =	rddreg [dreg:$0xd]  }
0x2e3: {  	s15 =	simm.s32 $0x7;
	s14 =	rddreg [dreg:$0xe]  }
0x2e4: {  	[hbm:s19], [sflag:s13] =	dma.local [spmem:s14], $0x2800  }
0x2e5: {  	_ =	swait.ge [sflag:s15], $0x2800  }
0x2e6: {  	s12 =	sadd.s32 $0x1, s12;
	s20 =	rddreg [dreg:$0xb]  }
0x2e7: {  	p0 =	sne.s32 s12, s20  }
.Ltmp6:
0x2e8: {  	_ = 	snop;
	(pc) =	sbr.rel @p0 .LBB2_1-.Ltmp6, $3  }
0x2e9: {  	_ =	sdelay $0x1  }
0x2ea: {  	[sflag:s15] =	ssyncset.done $0x0  }
0x2eb: {  	[sflag:s15] =	ssyncadd.s32 $0xFFFFD800  }
0x2ec: {  	_ =	sfence.sel $0x180000  }
0x2ed: {  	[bflag:$0x0] =	sbarrier.arrive $0xFFFF  }
0x2ee: {  	_ =	strace $0x9000004A  }
0x2ef: {  	s0 =	stileid.u32;
	[bflag:$0x2] =	sbarrier.arrive $0xFFFF  }
0x2f0: {  	p0 =	sne.s32 s0, $0x0;
	s0 =	rddreg [dreg:$0x2]  }
0x2f1: {  	s0 =	sadd.s32 @!p0 $0x100000, s0  }
0x2f2: {  	[sflag:s0] =	ssyncadd.tile.s32 @!p0 $0x1;
	_ =	shalt  }
.Lfunc_end2:
_tile_overlayer_lowered:
.L_overlay_start_2:
0x2f3: {  	(tag) =	ssettag $0x2  }
0x2f4: {  	s0 =	rddreg [dreg:$0x0];
	s2 =	stileid.u32  }
0x2f5: {  	s1 =	rddreg [dreg:$0x1];
	p0 =	sne.s32 s2, $0x0  }
0x2f6: {  	s3 =	rddreg [dreg:$0x2];
	[bflag:$0x3] =	sbarrier.arrive $0xFFFF;
	s2 =	simm.s32 @!p0 $0x1C07  }
0x2f7: {  	[timem:s3], [sflag:s2] =	dma.local @!p0 [hbm:s0], s1  }
0x2f8: {  	s0 =	simm.s32 @!p0 $0x7  }
0x2f9: {  	_ =	swait.ge @!p0 [sflag:s0], s1  }
0x2fa: {  	s1 =	ssub.s32 @!p0 $0x0, s1;
	[sflag:s0] =	ssyncset.done @!p0 $0x0  }
0x2fb: {  	[sflag:s0] =	ssyncadd.s32 @!p0 s1  }
0x2fc: {  	[bflag:$0x3] =	sbarrier.arrive $0xFFFF  }
0x2fd: {  	_ =	shalt  }

// kernel: kernel.14.cloned.1.call-start
scs
__scs_entry_jumppad:
0x0: {  	(pc) =	sbr.rel $0x88, $3  }
0x1: {  	(tag) =	ssettag $0x0;
	lr =	simm.s32 $0x1  }
0x2: {  	[smem:$0x3F95] =	sst lr;
	_ =	strace $0xD0000000  }
0x3: {  	_ = 	snop  }
0x4: {  	_ = 	snop  }
0x5: {  	_ = 	snop  }
0x6: {  	_ = 	snop  }
0x7: {  	_ = 	snop  }
__scs_overlays_trampoline_lowered:
0x8: {  	[smem:$0x3FA4] =	sst s0  }
0x9: {  	[smem:$0x3FA5] =	sst s1  }
0xa: {  	[smem:$0x3FA6] =	sst s2  }
0xb: {  	[smem:$0x3FA7] =	sst s3  }
0xc: {  	[smem:$0x3FA8] =	sst s4  }
0xd: {  	[smem:$0x3FA9] =	sst s5  }
0xe: {  	[smem:$0x3FAA] =	sst s6  }
0xf: {  	[smem:$0x3FAB] =	sst s7  }
0x10: {  	[smem:$0x3FAC] =	sst s8  }
0x11: {  	[smem:$0x3FAD] =	sst s9;
	s0 =	simm.s32 @!p0 $0x0  }
0x12: {  	s1 =	sld [smem:$0x3F93];
	s0 =	simm.s32 @p0 $0x1  }
0x13: {  	[smem:$0x3FAE] =	sst s0;
	s0 =	simm.s32 @!p1 $0x0  }
0x14: {  	s2 =	sld [smem:$0x3F92];
	s0 =	simm.s32 @p1 $0x1  }
0x15: {  	[smem:$0x3FAF] =	sst s0;
	s0 =	simm.s32 @!p2 $0x0  }
0x16: {  	s3 =	sld [smem:$0x3FDB];
	s0 =	simm.s32 @p2 $0x1  }
0x17: {  	s4 =	simm.s32 $0x1BF5;
	[smem:$0x3FB1] =	sst s0  }
0x18: {  	s0 =	sld [smem:$0x3F94];
	_ =	swait.ge [sflag:s4], $0x0  }
0x19: {  	s7 =	sld [smem:$0x3F95]  }
0x1a: {  	s8 =	sadd.s32 $0xFFFFE003, lr  }
0x1b: {  	s9 =	sadd.s32 $0xFFFFFEF7, lr;
	s5 =	simm.s32 $0xFFFFFFFF;
	p2 =	slt.u32 s8, $0xFFFFF086  }
0x1c: {  	p1 =	slt.u32 s9, $0xF7A;
	s5 =	simm.s32 @!p2 $0x0  }
0x1d: {  	s5 =	simm.s32 @p1 $0x1;
	p0 =	seq.s32 s7, s2  }
0x1e: {  	s7 =	smul.u32 @!p0 $0xF7A, s2;
	p2 =	seq.s32 @!p0 s5, $0x0  }
0x1f: {  	s9 =	smul.u32 $0xF7A, s1;
	s8 =	simm.s32 @!p0 $0x1BF5;
	p2 =	por !p2, p0  }
0x20: {  	[sflag:s8] =	ssyncset.s32 @!p0 $0xFFFFF086;
	s6 =	sadd.s32 @!p0 s3, s7;
	s7 =	simm.s32 @!p0 $0x108  }
0x21: {  	s3 =	sadd.s32 s3, s9;
	s6 =	sadd.s32 @!p0 $0x88, s6;
	s7 =	simm.s32 @p2 $0x1082  }
0x22: {  	[simem:s7], [sflag:s8] =	dma.local @!p0 [hbm:s6], $0xF7A  }
0x23: {  	s9 =	sor.u32 $0xD0000000, s2;
	s6 =	simm.s32 $0x108;
	_ =	swait.ge @!p0 [sflag:s8], $0x0  }
0x24: {  	s3 =	sadd.s32 $0x88, s3;
	s6 =	simm.s32 @!p1 $0x1082;
	[sflag:s4] =	ssyncset.s32 $0xFFFFF086  }
0x25: {  	[simem:s6], [sflag:s4] =	dma.local [hbm:s3], $0xF7A  }
0x26: {  	[smem:$0x3F95] =	sst s1;
	(tag) =	ssettag s2;
	_ =	strace s9  }
0x27: {  	s1 =	sld [smem:$0x3FA5]  }
0x28: {  	s2 =	sld [smem:$0x3FA6]  }
0x29: {  	s4 =	sld [smem:$0x3FA8]  }
0x2a: {  	p0 =	seq.s32 s5, $0x0;
	s5 =	sld [smem:$0x3FA9]  }
0x2b: {  	s6 =	sld [smem:$0x3FAA]  }
0x2c: {  	s7 =	sld [smem:$0x3FAB]  }
0x2d: {  	s3 =	simm.s32 $0x108;
	s8 =	sld [smem:$0x3FAC]  }
0x2e: {  	s3 =	simm.s32 @!p0 $0x1082;
	s9 =	sld [smem:$0x3FAD]  }
0x2f: {  	lr =	sadd.s32 s0, s3;
	s0 =	sld [smem:$0x3FA4]  }
0x30: {  	s3 =	sld [smem:$0x3FA7]  }
0x31: {  	[smem:$0x3FB0] =	sst s10  }
0x32: {  	s10 =	sld [smem:$0x3FAE];
	_ =	sdelay $0x3  }
0x33: {  	p0 =	seq.s32 s10, $0x1;
	s10 =	sld [smem:$0x3FB0];
	_ =	sdelay $0x3  }
0x34: {  	[smem:$0x3FB0] =	sst s10  }
0x35: {  	s10 =	sld [smem:$0x3FAF];
	_ =	sdelay $0x3  }
0x36: {  	p1 =	seq.s32 s10, $0x1;
	s10 =	sld [smem:$0x3FB0];
	_ =	sdelay $0x3  }
0x37: {  	[smem:$0x3FB0] =	sst s10  }
0x38: {  	s10 =	sld [smem:$0x3FB1]  }
0x39: {  	_ = 	snop;
	(pc) =	sbr.ind lr, $3  }
0x3a: {  	_ = 	snop  }
0x3b: {  	_ = 	snop  }
0x3c: {  	p2 =	seq.s32 s10, $0x1;
	s10 =	sld [smem:$0x3FB0]  }
0x3d: {  	_ =	shalt  }
0x3e: {  	_ =	shalt  }
0x3f: {  	_ =	shalt  }
0x40: {  	_ =	shalt  }
0x41: {  	_ =	shalt  }
0x42: {  	_ =	shalt  }
0x43: {  	_ =	shalt  }
0x44: {  	_ =	shalt  }
0x45: {  	_ =	shalt  }
0x46: {  	_ =	shalt  }
0x47: {  	_ =	shalt  }
0x48: {  	_ =	shalt  }
0x49: {  	_ =	shalt  }
0x4a: {  	_ =	shalt  }
0x4b: {  	_ =	shalt  }
0x4c: {  	_ =	shalt  }
0x4d: {  	_ =	shalt  }
0x4e: {  	_ =	shalt  }
0x4f: {  	_ =	shalt  }
0x50: {  	_ =	shalt  }
0x51: {  	_ =	shalt  }
0x52: {  	_ =	shalt  }
0x53: {  	_ =	shalt  }
0x54: {  	_ =	shalt  }
0x55: {  	_ =	shalt  }
0x56: {  	_ =	shalt  }
0x57: {  	_ =	shalt  }
0x58: {  	_ =	shalt  }
0x59: {  	_ =	shalt  }
0x5a: {  	_ =	shalt  }
0x5b: {  	_ =	shalt  }
0x5c: {  	_ =	shalt  }
0x5d: {  	_ =	shalt  }
0x5e: {  	_ =	shalt  }
0x5f: {  	_ =	shalt  }
0x60: {  	_ =	shalt  }
0x61: {  	_ =	shalt  }
0x62: {  	_ =	shalt  }
0x63: {  	_ =	shalt  }
0x64: {  	_ =	shalt  }
0x65: {  	_ =	shalt  }
0x66: {  	_ =	shalt  }
0x67: {  	_ =	shalt  }
0x68: {  	_ =	shalt  }
0x69: {  	_ =	shalt  }
0x6a: {  	_ =	shalt  }
0x6b: {  	_ =	shalt  }
0x6c: {  	_ =	shalt  }
0x6d: {  	_ =	shalt  }
0x6e: {  	_ =	shalt  }
0x6f: {  	_ =	shalt  }
0x70: {  	_ =	shalt  }
0x71: {  	_ =	shalt  }
0x72: {  	_ =	shalt  }
0x73: {  	_ =	shalt  }
0x74: {  	_ =	shalt  }
0x75: {  	_ =	shalt  }
0x76: {  	_ =	shalt  }
0x77: {  	_ =	shalt  }
0x78: {  	_ =	shalt  }
0x79: {  	_ =	shalt  }
0x7a: {  	_ =	shalt  }
0x7b: {  	_ =	shalt  }
0x7c: {  	_ =	shalt  }
0x7d: {  	_ =	shalt  }
0x7e: {  	_ =	shalt  }
0x7f: {  	_ =	shalt  }
0x80: {  	_ =	shalt  }
0x81: {  	_ =	shalt  }
0x82: {  	_ =	shalt  }
0x83: {  	_ =	shalt  }
0x84: {  	_ =	shalt  }
0x85: {  	_ =	shalt  }
0x86: {  	_ =	shalt  }
0x87: {  	_ =	shalt  }
.Lfunc_end0:
.L_simem_size_0:
called_computation.2_lowered:
.L_overlay_start_0:
0x88: {  	s2 =	sld [smem:$0x3FD9]  }
0x89: {  	s3 =	sld [smem:$0x3FFE];
	_ =	sdelay $0x1  }
0x8a: {  	s1 =	srdreg.scid  }
0x8b: {  	s0 =	sand.u32 $0x1, s1  }
0x8c: {  	s16 =	sshll.u32 s0, $0xA;
	s2 =	sadd.s32 s3, s2  }
0x8d: {  	s2 =	sadd.s32 s2, s16  }
0x8e: {  	[smem:$0x3FBC] =	sst s2  }
0x8f: {  	_ = 	snop  }
0x90: {  	(tm) =	ssettm $0x1  }
0x91: {  	s17 =	sld [smem:$0x3FFB];
	_ =	sdelay $0x3  }
0x92: {  	_ =	strace s17  }
0x93: {  	s2 =	sld [smem:$0x3FFC];
	_ =	sdelay $0x3  }
0x94: {  	_ =	strace s2  }
0x95: {  	s2 =	sld [smem:$0x3FFD];
	_ =	sdelay $0x3  }
0x96: {  	_ =	strace s2  }
0x97: {  	_ =	strace $0x8FFFFFFF  }
0x98: {  	s18 =	sld [smem:$0x3FDB];
	_ =	sdelay $0x1  }
0x99: {  	s19 =	simm.s32 $_scs_section_size  }
0x9a: {  	s4 =	simm.s32 $_size__tile_overlayer_lowered;
	s5 =	simm.s32 $_tile_overlayer_lowered  }
0x9b: {  	s22 =	simm.s32 $0x1BFF;
	s21 =	sshll.u32 s5, $0x1;
	s2 =	sadd.s32 s19, s18  }
0x9c: {  	s6 =	simm.s32 $0x0;
	s20 =	sshll.u32 s4, $0x1;
	s4 =	sadd.s32 s21, s2  }
0x9d: {  	[timem:s6], [sflag:s22] =	dma.local [hbm:s4], s20  }
0x9e: {  	_ =	swait.ge [sflag:s22], s20  }
0x9f: {  	s3 =	ssub.s32 $0x0, s20;
	[sflag:s22] =	ssyncset.done $0x0  }
0xa0: {  	[sflag:s22] =	ssyncadd.s32 s3;
	_ =	sdelay $0x1  }
0xa1: {  	s23 =	simm.s32 $0x1B8B  }
0xa2: {  	_ =	swait.ge [sflag:s23], $0x1  }
0xa3: {  	[sflag:s23] =	ssyncset.done $0x0  }
0xa4: {  	s25 =	simm.s32 $0x1B8E;
	s24 =	sld [smem:$0x3FFE];
	[sflag:s23] =	ssyncadd.s32 $0xFFFFFFFF  }
0xa5: {  	s26 =	simm.s32 $execute0_lowered;
	[smem:$0x3FD2] =	sst s25  }
0xa6: {  	s4 =	sshll.u32 s26, $0x1;
	_ =	strace $0x8000004C;
	[dreg:$0x1] =	wrdreg $0xFFFFFFFF  }
0xa7: {  	s28 =	simm.s32 $_size_execute0_lowered;
	s2 =	sadd.s32 s2, s4;
	[dreg:$0x0] =	wrdreg $0x0  }
0xa8: {  	s4 =	sshll.u32 s28, $0x1;
	[dreg:$0x2] =	wrdreg s2  }
0xa9: {  	[dreg:$0x3] =	wrdreg s4  }
0xaa: {  	[dreg:$0x4] =	wrdreg $0xC0  }
0xab: {  	_ =	task [dreg:s6], $0x5FFFF  }
0xac: {  	[dreg:$0x1] =	wrdreg $0xFFFFFFFF  }
0xad: {  	[dreg:$0x0] =	wrdreg $0x60  }
0xae: {  	[dreg:$0x2] =	wrdreg s24  }
0xaf: {  	[dreg:$0x3] =	wrdreg $0x9  }
0xb0: {  	_ =	task.clear_ibuf [dreg:s6], $0x4FFFF;
	_ =	strace $0x9000004C  }
0xb1: {  	s29 =	simm.s32 $0x9;
	_ =	strace $0x8000004E  }
0xb2: {  	_ =	swait.ge [sflag:s29], $0x1  }
0xb3: {  	[sflag:s29] =	ssyncadd.s32 $0xFFFFFFFF  }
0xb4: {  	_ =	strace $0x9000004E  }
0xb5: {  	_ =	sfence  }
0xb6: {  	s30 =	sld [smem:$0x0];
	_ =	sdelay $0x2  }
0xb7: {  	s31 =	sshll.u32 s1, $0xD;
	s1 =	sshrl.u32 s1, $0x2  }
0xb8: {  	s3 =	sand.u32 $0x4000, s31;
	s1 =	sadd.s32 s1, s30  }
0xb9: {  	s0 =	sor.u32 s3, s0;
	s1 =	sshll.u32 s1, $0x11  }
0xba: {  	s0 =	sor.u32 s1, s0  }
0xbb: {  	s0 =	sadd.s32 $0x8F2B, s0  }
0xbc: {  	[sflag:s0] =	ssyncadd.remote.s32 $0x1  }
0xbd: {  	_ =	sfence.sel $0xFFFF  }
0xbe: {  	[dreg:$0x0] =	wrdreg $0xFFFFFFFF;
	(pc) =	sbr.abs _section_cstart, $3  }
0xbf: {  	[dreg:$0x1] =	wrdreg $0xFFFFFFFF  }
0xc0: {  	_ =	task.clear_ibuf [dreg:s6], $0x2FFFF;
	_ =	strace $0x9FFFFFFF  }
0xc1: {  	(tm) =	ssettm $0x7FFFFFFF  }
tec
execute0_lowered:
.L_overlay_start_1:
0x0: {  	(tag) =	ssettag $0x1  }
0x1: {  	s0 =	rddreg [dreg:$0x0];
	s2 =	simm.s32 $0x0;
	s1 =	srdreg.scid  }
0x2: {  	s5 =	stileid.u32;
	s29 =	simm.s32 $0x100;
	s30 =	simm.s32 $0x180  }
0x3: {  	s28 =	simm.s32 $0x200;
	s31 =	simm.s32 $0x1;
	p0 =	por $0x0, $0x0  }
0x4: {  	[smem:$0x7FF] =	sst s2;
	s3 =	sadd.s32 $0x16C00, s0;
	s1 =	sand.u32 $0x1, s1  }
0x5: {  	s4 =	sadd.s32 $0x15C00, s0;
	s5 =	sshll.u32 s5, $0xB;
	s6 =	sshll.u32 s1, $0xA  }
0x6: {  	s0 =	sadd.s32 $0x3EC00, s0;
	s1 =	ssub.s32 $0x2, s1;
	s5 =	sor.u32 s6, s5  }
0x7: {  	_ =	strace $0x8000004D;
	s14 =	sshrl.u32 s1, $0x1;
	s7 =	sshrl.u32 s5, $0x3  }
0x8: {  	s8 =	sor.u32 $0x80, s5;
	s1 =	ssub.s32 s1, s14;
	s18 =	sor.u32 $0x100, s5  }
0x9: {  	s9 =	sor.u32 $0x180, s5;
	s11 =	sor.u32 $0x200, s5;
	s12 =	sor.u32 $0x280, s5  }
0xa: {  	s13 =	sor.u32 $0x300, s5;
	s14 =	sor.u32 $0x380, s5;
	s5 =	sshll.u32 s5, $0x4  }
0xb: {  	s15 =	sadd.s32 s4, s7;
	s16 =	sshrl.u32 s8, $0x3;
	s19 =	sshrl.u32 s18, $0x3  }
0xc: {  	s10 =	sshrl.u32 s9, $0x3;
	s21 =	sshrl.u32 s11, $0x3;
	s23 =	sshrl.u32 s12, $0x3  }
0xd: {  	s24 =	sshrl.u32 s13, $0x3;
	s26 =	sshrl.u32 s14, $0x3;
	[dreg:$0x2] =	wrdreg s15  }
0xe: {  	s17 =	sadd.s32 s4, s16;
	s6 =	sadd.s32 s4, s19;
	s20 =	sadd.s32 s4, s10  }
0xf: {  	s22 =	sadd.s32 s4, s21;
	s25 =	sadd.s32 s4, s24;
	[dreg:$0x3] =	wrdreg s17  }
0x10: {  	s15 =	sadd.s32 s0, s5;
	s16 =	sshll.u32 s8, $0x4;
	[dreg:$0x4] =	wrdreg s6  }
0x11: {  	s21 =	sshll.u32 s12, $0x4;
	s24 =	smax.u32 s1, $0x1;
	[dreg:$0x5] =	wrdreg s20  }
0x12: {  	s8 =	simm.s32 $0x6;
	s12 =	simm.s32 $0x8;
	[dreg:$0x6] =	wrdreg s22  }
0x13: {  	s6 =	sadd.s32 s4, s23;
	[dreg:$0x8] =	wrdreg s25;
	s4 =	sadd.s32 s4, s26  }
0x14: {  	[dreg:$0xa] =	wrdreg s15;
	s19 =	sadd.s32 s0, s16;
	s17 =	sshll.u32 s18, $0x4  }
0x15: {  	s18 =	sshll.u32 s9, $0x4;
	s20 =	sshll.u32 s11, $0x4;
	s22 =	sshll.u32 s13, $0x4  }
0x16: {  	s23 =	sshll.u32 s14, $0x4;
	s16 =	simm.s32 $0x80;
	s26 =	simm.s32 $0x280  }
0x17: {  	s25 =	simm.s32 $0x300;
	s14 =	simm.s32 $0x8400;
	s1 =	rddreg [dreg:$0x2]  }
0x18: {  	s11 =	simm.s32 $0xC400;
	p1 =	sne.s32 s24, $0x1;
	[dreg:$0x7] =	wrdreg s6  }
0x19: {  	s13 =	simm.s32 $0x7;
	s9 =	simm.s32 $0x9;
	[dreg:$0x9] =	wrdreg s4  }
.Ltmp0:
0x1a: {  	s15 =	sadd.s32 s0, s17;
	s10 =	sadd.s32 s0, s18;
	(pc) =	sbr.rel @!p1 .LBB2_3-.Ltmp0, $4  }
0x1b: {  	s7 =	sadd.s32 s0, s20;
	s6 =	sadd.s32 s0, s21;
	s5 =	sadd.s32 s0, s22  }
0x1c: {  	s4 =	sadd.s32 s0, s23;
	s20 =	simm.s32 $0x380;
	s18 =	simm.s32 $0x400  }
0x1d: {  	s17 =	simm.s32 $0x4400;
	s23 =	simm.s32 $0x2;
	s0 =	sadd.s32 $0xFFFFFFFF, s24  }
0x1e: {  	s24 =	simm.s32 $0x3;
	s22 =	simm.s32 $0x4;
	s21 =	simm.s32 $0x5  }
0x1f: {  	[dreg:$0xb] =	wrdreg s0  }
0x20: {  	[tilespmem:s2], [sflag:$0x1] =	stream.linear.gather [hbm4b:s1+s2], $0x80, $0x38;
	[tilespmem:$0x10400] =	vst v63  }
0x21: {  	s0 =	rddreg [dreg:$0x3]  }
0x22: {  	[tilespmem:s16], [sflag:$0x1] =	stream.linear.gather [hbm4b:s0+s2], $0x80, $0x38;
	[tilespmem:$0x10400] =	vst v63  }
0x23: {  	s1 =	rddreg [dreg:$0x4]  }
0x24: {  	[tilespmem:s29], [sflag:$0x1] =	stream.linear.gather [hbm4b:s1+s2], $0x80, $0x38;
	[tilespmem:$0x10400] =	vst v63  }
0x25: {  	s0 =	rddreg [dreg:$0x5]  }
0x26: {  	[tilespmem:s30], [sflag:$0x1] =	stream.linear.gather [hbm4b:s0+s2], $0x80, $0x38;
	[tilespmem:$0x10400] =	vst v63  }
0x27: {  	s1 =	rddreg [dreg:$0x6]  }
0x28: {  	[tilespmem:s28], [sflag:$0x1] =	stream.linear.gather [hbm4b:s1+s2], $0x80, $0x38;
	[tilespmem:$0x10400] =	vst v63  }
0x29: {  	s0 =	rddreg [dreg:$0x7]  }
0x2a: {  	[tilespmem:s26], [sflag:$0x1] =	stream.linear.gather [hbm4b:s0+s2], $0x80, $0x38;
	[tilespmem:$0x10400] =	vst v63  }
0x2b: {  	s1 =	rddreg [dreg:$0x8]  }
0x2c: {  	[tilespmem:s25], [sflag:$0x1] =	stream.linear.gather [hbm4b:s1+s2], $0x80, $0x38;
	[tilespmem:$0x10400] =	vst v63  }
0x2d: {  	s0 =	rddreg [dreg:$0x9]  }
0x2e: {  	[tilespmem:s20], [sflag:$0x1] =	stream.linear.gather [hbm4b:s0+s2], $0x80, $0x38;
	[tilespmem:$0x10400] =	vst v63  }
0x2f: {  	_ =	swait.ge [sflag:s31], $0x80  }
0x30: {  	[sflag:s31] =	ssyncset.done $0x0  }
0x31: {  	[sflag:s31] =	ssyncadd.s32 $0xFFFFFF80  }
0x32: {  	_ =	swait.ge [sflag:s31], $0x80  }
0x33: {  	[sflag:s31] =	ssyncset.done $0x0  }
0x34: {  	[sflag:s31] =	ssyncadd.s32 $0xFFFFFF80  }
0x35: {  	_ =	swait.ge [sflag:s31], $0x80  }
0x36: {  	[sflag:s31] =	ssyncset.done $0x0  }
0x37: {  	[sflag:s31] =	ssyncadd.s32 $0xFFFFFF80  }
0x38: {  	_ =	swait.ge [sflag:s31], $0x80  }
0x39: {  	[sflag:s31] =	ssyncset.done $0x0  }
0x3a: {  	[sflag:s31] =	ssyncadd.s32 $0xFFFFFF80  }
0x3b: {  	_ =	swait.ge [sflag:s31], $0x80  }
0x3c: {  	[sflag:s31] =	ssyncset.done $0x0  }
0x3d: {  	[sflag:s31] =	ssyncadd.s32 $0xFFFFFF80  }
0x3e: {  	_ =	swait.ge [sflag:s31], $0x80  }
0x3f: {  	[sflag:s31] =	ssyncset.done $0x0  }
0x40: {  	[sflag:s31] =	ssyncadd.s32 $0xFFFFFF80  }
0x41: {  	_ =	swait.ge [sflag:s31], $0x80  }
0x42: {  	[sflag:s31] =	ssyncset.done $0x0  }
0x43: {  	[sflag:s31] =	ssyncadd.s32 $0xFFFFFF80  }
0x44: {  	_ =	swait.ge [sflag:s31], $0x80  }
0x45: {  	[sflag:s31] =	ssyncset.done $0x0  }
0x46: {  	[sflag:s31] =	ssyncadd.s32 $0xFFFFFF80  }
0x47: {  	[tilespmem:s18], [sflag:$0x2] =	stream.indirect.gather [hbm4b:s3+s16], $0x80, s2, s16, $0xb8;
	[tilespmem:$0x10400] =	vst v63  }
0x48: {  	_ = 	snop  }
0x49: {  	[tilespmem:s17], [sflag:$0x3] =	stream.indirect.gather [hbm4b:s3+s16], $0x80, s16, s16, $0xb8;
	[tilespmem:$0x10400] =	vst v63  }
0x4a: {  	_ = 	snop  }
0x4b: {  	[tilespmem:s14], [sflag:$0x4] =	stream.indirect.gather [hbm4b:s3+s16], $0x80, s29, s16, $0xb8;
	[tilespmem:$0x10400] =	vst v63  }
0x4c: {  	_ = 	snop  }
0x4d: {  	[tilespmem:s11], [sflag:$0x5] =	stream.indirect.gather [hbm4b:s3+s16], $0x80, s30, s16, $0xb8;
	[tilespmem:$0x10400] =	vst v63  }
0x4e: {  	_ =	swait.ge [sflag:s23], $0x4000  }
0x4f: {  	[sflag:s23] =	ssyncset.done $0x0  }
0x50: {  	s1 =	rddreg [dreg:$0xa];
	[sflag:s23] =	ssyncadd.s32 $0xFFFFC000  }
0x51: {  	[hbm4b:s1+s2] =	stream.linear.scatter [tilespmem:s18], [sflag:$0x6], $0x4000, $0x38;
	[tilespmem:$0x10400] =	vst v63  }
0x52: {  	_ =	swait.ge [sflag:s8], $0x4000  }
0x53: {  	[sflag:s8] =	ssyncset.done $0x0  }
0x54: {  	[sflag:s8] =	ssyncadd.s32 $0xFFFFC000  }
0x55: {  	[tilespmem:s18], [sflag:$0x2] =	stream.indirect.gather [hbm4b:s3+s16], $0x80, s28, s16, $0xb8;
	[tilespmem:$0x10400] =	vst v63  }
0x56: {  	_ =	swait.ge [sflag:s24], $0x4000  }
0x57: {  	[sflag:s24] =	ssyncset.done $0x0  }
0x58: {  	[sflag:s24] =	ssyncadd.s32 $0xFFFFC000  }
0x59: {  	[hbm4b:s19+s2] =	stream.linear.scatter [tilespmem:s17], [sflag:$0x7], $0x4000, $0x38;
	[tilespmem:$0x10400] =	vst v63  }
0x5a: {  	_ =	swait.ge [sflag:s13], $0x4000  }
0x5b: {  	[sflag:s13] =	ssyncset.done $0x0  }
0x5c: {  	[sflag:s13] =	ssyncadd.s32 $0xFFFFC000  }
0x5d: {  	[tilespmem:s17], [sflag:$0x3] =	stream.indirect.gather [hbm4b:s3+s16], $0x80, s26, s16, $0xb8;
	[tilespmem:$0x10400] =	vst v63  }
0x5e: {  	_ =	swait.ge [sflag:s22], $0x4000  }
0x5f: {  	[sflag:s22] =	ssyncset.done $0x0  }
0x60: {  	[sflag:s22] =	ssyncadd.s32 $0xFFFFC000  }
0x61: {  	[hbm4b:s15+s2] =	stream.linear.scatter [tilespmem:s14], [sflag:$0x8], $0x4000, $0x38;
	[tilespmem:$0x10400] =	vst v63  }
0x62: {  	_ =	swait.ge [sflag:s12], $0x4000  }
0x63: {  	[sflag:s12] =	ssyncset.done $0x0  }
0x64: {  	[sflag:s12] =	ssyncadd.s32 $0xFFFFC000  }
0x65: {  	[tilespmem:s14], [sflag:$0x4] =	stream.indirect.gather [hbm4b:s3+s16], $0x80, s25, s16, $0xb8;
	[tilespmem:$0x10400] =	vst v63  }
0x66: {  	_ =	swait.ge [sflag:s21], $0x4000  }
0x67: {  	[sflag:s21] =	ssyncset.done $0x0  }
0x68: {  	[sflag:s21] =	ssyncadd.s32 $0xFFFFC000  }
0x69: {  	[hbm4b:s10+s2] =	stream.linear.scatter [tilespmem:s11], [sflag:$0x9], $0x4000, $0x38;
	[tilespmem:$0x10400] =	vst v63  }
0x6a: {  	_ =	swait.ge [sflag:s9], $0x4000  }
0x6b: {  	[sflag:s9] =	ssyncset.done $0x0  }
0x6c: {  	[sflag:s9] =	ssyncadd.s32 $0xFFFFC000  }
0x6d: {  	[tilespmem:s11], [sflag:$0x5] =	stream.indirect.gather [hbm4b:s3+s16], $0x80, s20, s16, $0xb8;
	[tilespmem:$0x10400] =	vst v63  }
0x6e: {  	_ =	swait.ge [sflag:s23], $0x4000  }
0x6f: {  	[sflag:s23] =	ssyncset.done $0x0  }
0x70: {  	[sflag:s23] =	ssyncadd.s32 $0xFFFFC000  }
0x71: {  	[hbm4b:s7+s2] =	stream.linear.scatter [tilespmem:s18], [sflag:$0x6], $0x4000, $0x38;
	[tilespmem:$0x10400] =	vst v63  }
0x72: {  	_ =	swait.ge [sflag:s24], $0x4000  }
0x73: {  	[sflag:s24] =	ssyncset.done $0x0  }
0x74: {  	[sflag:s24] =	ssyncadd.s32 $0xFFFFC000  }
0x75: {  	[hbm4b:s6+s2] =	stream.linear.scatter [tilespmem:s17], [sflag:$0x7], $0x4000, $0x38;
	[tilespmem:$0x10400] =	vst v63  }
0x76: {  	_ =	swait.ge [sflag:s22], $0x4000  }
0x77: {  	[sflag:s22] =	ssyncset.done $0x0  }
0x78: {  	[sflag:s22] =	ssyncadd.s32 $0xFFFFC000  }
0x79: {  	[hbm4b:s5+s2] =	stream.linear.scatter [tilespmem:s14], [sflag:$0x8], $0x4000, $0x38;
	[tilespmem:$0x10400] =	vst v63  }
0x7a: {  	_ =	swait.ge [sflag:s21], $0x4000  }
0x7b: {  	[sflag:s21] =	ssyncset.done $0x0  }
0x7c: {  	[sflag:s21] =	ssyncadd.s32 $0xFFFFC000  }
0x7d: {  	[hbm4b:s4+s2] =	stream.linear.scatter [tilespmem:s11], [sflag:$0x9], $0x4000, $0x38;
	[tilespmem:$0x10400] =	vst v63  }
0x7e: {  	_ =	swait.ge [sflag:s8], $0x4000  }
0x7f: {  	[sflag:s8] =	ssyncset.done $0x0  }
0x80: {  	[sflag:s8] =	ssyncadd.s32 $0xFFFFC000  }
0x81: {  	_ =	swait.ge [sflag:s13], $0x4000  }
0x82: {  	[sflag:s13] =	ssyncset.done $0x0  }
0x83: {  	[sflag:s13] =	ssyncadd.s32 $0xFFFFC000  }
0x84: {  	_ =	swait.ge [sflag:s12], $0x4000  }
0x85: {  	s1 =	rddreg [dreg:$0xb]  }
0x86: {  	p1 =	sne.s32 s1, $0x1  }
.Ltmp1:
0x87: {  	_ = 	snop;
	(pc) =	sbr.rel @!p1 .LBB2_3-.Ltmp1, $4  }
0x88: {  	[sflag:s12] =	ssyncset.done $0x0  }
0x89: {  	[sflag:s12] =	ssyncadd.s32 $0xFFFFC000  }
0x8a: {  	p0 =	por $0x1, $0x1;
	_ =	swait.ge [sflag:s9], $0x4000  }
0x8b: {  	s0 =	sadd.s32 $0xFFFFFFFF, s1;
	s1 =	rddreg [dreg:$0x2];
	[sflag:s9] =	ssyncset.done $0x0  }
.LBB2_2:
0x8c: {  	[sflag:s9] =	ssyncadd.s32 $0xFFFFC000;
	s20 =	smov.u32 s15  }
0x8d: {  	s15 =	smov.u32 s10;
	s10 =	smov.u32 s7;
	s7 =	smov.u32 s6  }
0x8e: {  	[tilespmem:s2], [sflag:$0x1] =	stream.linear.gather [hbm4b:s1+s2], $0x80, $0x38;
	[tilespmem:$0x10400] =	vst v63  }
0x8f: {  	s6 =	smov.u32 s5;
	s5 =	smov.u32 s4;
	s4 =	rddreg [dreg:$0x3]  }
0x90: {  	[tilespmem:s16], [sflag:$0x1] =	stream.linear.gather [hbm4b:s4+s2], $0x80, $0x38;
	[tilespmem:$0x10400] =	vst v63  }
0x91: {  	s30 =	simm.s32 $0x100;
	s1 =	rddreg [dreg:$0x4]  }
0x92: {  	[tilespmem:s30], [sflag:$0x1] =	stream.linear.gather [hbm4b:s1+s2], $0x80, $0x38;
	[tilespmem:$0x10400] =	vst v63  }
0x93: {  	s4 =	rddreg [dreg:$0x5];
	s30 =	simm.s32 $0x180  }
0x94: {  	[tilespmem:s30], [sflag:$0x1] =	stream.linear.gather [hbm4b:s4+s2], $0x80, $0x38;
	[tilespmem:$0x10400] =	vst v63  }
0x95: {  	s29 =	simm.s32 $0x200;
	s1 =	rddreg [dreg:$0x6]  }
0x96: {  	[tilespmem:s29], [sflag:$0x1] =	stream.linear.gather [hbm4b:s1+s2], $0x80, $0x38;
	[tilespmem:$0x10400] =	vst v63  }
0x97: {  	s28 =	simm.s32 $0x280;
	s4 =	rddreg [dreg:$0x7]  }
0x98: {  	[tilespmem:s28], [sflag:$0x1] =	stream.linear.gather [hbm4b:s4+s2], $0x80, $0x38;
	[tilespmem:$0x10400] =	vst v63  }
0x99: {  	s26 =	simm.s32 $0x300;
	s1 =	rddreg [dreg:$0x8]  }
0x9a: {  	[tilespmem:s26], [sflag:$0x1] =	stream.linear.gather [hbm4b:s1+s2], $0x80, $0x38;
	[tilespmem:$0x10400] =	vst v63  }
0x9b: {  	s25 =	simm.s32 $0x380;
	s4 =	rddreg [dreg:$0x9]  }
0x9c: {  	[tilespmem:s25], [sflag:$0x1] =	stream.linear.gather [hbm4b:s4+s2], $0x80, $0x38;
	[tilespmem:$0x10400] =	vst v63  }
0x9d: {  	_ =	swait.ge [sflag:s31], $0x80  }
0x9e: {  	[sflag:s31] =	ssyncset.done $0x0  }
0x9f: {  	[sflag:s31] =	ssyncadd.s32 $0xFFFFFF80  }
0xa0: {  	_ =	swait.ge [sflag:s31], $0x80  }
0xa1: {  	[sflag:s31] =	ssyncset.done $0x0  }
0xa2: {  	[sflag:s31] =	ssyncadd.s32 $0xFFFFFF80  }
0xa3: {  	_ =	swait.ge [sflag:s31], $0x80  }
0xa4: {  	[sflag:s31] =	ssyncset.done $0x0  }
0xa5: {  	[sflag:s31] =	ssyncadd.s32 $0xFFFFFF80  }
0xa6: {  	_ =	swait.ge [sflag:s31], $0x80  }
0xa7: {  	[sflag:s31] =	ssyncset.done $0x0  }
0xa8: {  	[sflag:s31] =	ssyncadd.s32 $0xFFFFFF80  }
0xa9: {  	_ =	swait.ge [sflag:s31], $0x80  }
0xaa: {  	[sflag:s31] =	ssyncset.done $0x0  }
0xab: {  	[sflag:s31] =	ssyncadd.s32 $0xFFFFFF80  }
0xac: {  	_ =	swait.ge [sflag:s31], $0x80  }
0xad: {  	[sflag:s31] =	ssyncset.done $0x0  }
0xae: {  	[sflag:s31] =	ssyncadd.s32 $0xFFFFFF80  }
0xaf: {  	_ =	swait.ge [sflag:s31], $0x80  }
0xb0: {  	[sflag:s31] =	ssyncset.done $0x0  }
0xb1: {  	[sflag:s31] =	ssyncadd.s32 $0xFFFFFF80  }
0xb2: {  	_ =	swait.ge [sflag:s31], $0x80  }
0xb3: {  	[sflag:s31] =	ssyncset.done $0x0  }
0xb4: {  	[sflag:s31] =	ssyncadd.s32 $0xFFFFFF80  }
0xb5: {  	[tilespmem:s18], [sflag:$0x2] =	stream.indirect.gather [hbm4b:s3+s16], $0x80, s2, s16, $0xb8;
	[tilespmem:$0x10400] =	vst v63  }
0xb6: {  	_ = 	snop  }
0xb7: {  	[tilespmem:s17], [sflag:$0x3] =	stream.indirect.gather [hbm4b:s3+s16], $0x80, s16, s16, $0xb8;
	[tilespmem:$0x10400] =	vst v63  }
0xb8: {  	s29 =	simm.s32 $0x100  }
0xb9: {  	[tilespmem:s14], [sflag:$0x4] =	stream.indirect.gather [hbm4b:s3+s16], $0x80, s29, s16, $0xb8;
	[tilespmem:$0x10400] =	vst v63  }
0xba: {  	_ = 	snop  }
0xbb: {  	[tilespmem:s11], [sflag:$0x5] =	stream.indirect.gather [hbm4b:s3+s16], $0x80, s30, s16, $0xb8;
	[tilespmem:$0x10400] =	vst v63  }
0xbc: {  	_ =	swait.ge [sflag:s23], $0x4000  }
0xbd: {  	[sflag:s23] =	ssyncset.done $0x0  }
0xbe: {  	s1 =	rddreg [dreg:$0xa];
	[sflag:s23] =	ssyncadd.s32 $0xFFFFC000  }
0xbf: {  	[hbm4b:s1+s2] =	stream.linear.scatter [tilespmem:s18], [sflag:$0x6], $0x4000, $0x38;
	[tilespmem:$0x10400] =	vst v63  }
0xc0: {  	_ =	swait.ge [sflag:s8], $0x4000  }
0xc1: {  	[sflag:s8] =	ssyncset.done $0x0  }
0xc2: {  	s28 =	simm.s32 $0x200;
	[sflag:s8] =	ssyncadd.s32 $0xFFFFC000  }
0xc3: {  	[tilespmem:s18], [sflag:$0x2] =	stream.indirect.gather [hbm4b:s3+s16], $0x80, s28, s16, $0xb8;
	[tilespmem:$0x10400] =	vst v63  }
0xc4: {  	_ =	swait.ge [sflag:s24], $0x4000  }
0xc5: {  	[sflag:s24] =	ssyncset.done $0x0  }
0xc6: {  	[sflag:s24] =	ssyncadd.s32 $0xFFFFC000  }
0xc7: {  	[hbm4b:s19+s2] =	stream.linear.scatter [tilespmem:s17], [sflag:$0x7], $0x4000, $0x38;
	[tilespmem:$0x10400] =	vst v63  }
0xc8: {  	_ =	swait.ge [sflag:s13], $0x4000  }
0xc9: {  	[sflag:s13] =	ssyncset.done $0x0  }
0xca: {  	s26 =	simm.s32 $0x280;
	[sflag:s13] =	ssyncadd.s32 $0xFFFFC000  }
0xcb: {  	[tilespmem:s17], [sflag:$0x3] =	stream.indirect.gather [hbm4b:s3+s16], $0x80, s26, s16, $0xb8;
	[tilespmem:$0x10400] =	vst v63  }
0xcc: {  	s4 =	smov.u32 s5;
	s5 =	smov.u32 s6;
	_ =	swait.ge [sflag:s22], $0x4000  }
0xcd: {  	s6 =	smov.u32 s7;
	s7 =	smov.u32 s10;
	[sflag:s22] =	ssyncset.done $0x0  }
0xce: {  	s10 =	smov.u32 s15;
	s15 =	smov.u32 s20;
	[sflag:s22] =	ssyncadd.s32 $0xFFFFC000  }
0xcf: {  	[hbm4b:s15+s2] =	stream.linear.scatter [tilespmem:s14], [sflag:$0x8], $0x4000, $0x38;
	[tilespmem:$0x10400] =	vst v63  }
0xd0: {  	_ =	swait.ge [sflag:s12], $0x4000  }
0xd1: {  	[sflag:s12] =	ssyncset.done $0x0  }
0xd2: {  	s25 =	simm.s32 $0x300;
	[sflag:s12] =	ssyncadd.s32 $0xFFFFC000  }
0xd3: {  	[tilespmem:s14], [sflag:$0x4] =	stream.indirect.gather [hbm4b:s3+s16], $0x80, s25, s16, $0xb8;
	[tilespmem:$0x10400] =	vst v63  }
0xd4: {  	_ =	swait.ge [sflag:s21], $0x4000  }
0xd5: {  	[sflag:s21] =	ssyncset.done $0x0  }
0xd6: {  	[sflag:s21] =	ssyncadd.s32 $0xFFFFC000  }
0xd7: {  	[hbm4b:s10+s2] =	stream.linear.scatter [tilespmem:s11], [sflag:$0x9], $0x4000, $0x38;
	[tilespmem:$0x10400] =	vst v63  }
0xd8: {  	_ =	swait.ge [sflag:s9], $0x4000  }
0xd9: {  	[sflag:s9] =	ssyncset.done $0x0  }
0xda: {  	s20 =	simm.s32 $0x380;
	[sflag:s9] =	ssyncadd.s32 $0xFFFFC000  }
0xdb: {  	[tilespmem:s11], [sflag:$0x5] =	stream.indirect.gather [hbm4b:s3+s16], $0x80, s20, s16, $0xb8;
	[tilespmem:$0x10400] =	vst v63  }
0xdc: {  	_ =	swait.ge [sflag:s23], $0x4000  }
0xdd: {  	[sflag:s23] =	ssyncset.done $0x0  }
0xde: {  	[sflag:s23] =	ssyncadd.s32 $0xFFFFC000  }
0xdf: {  	[hbm4b:s7+s2] =	stream.linear.scatter [tilespmem:s18], [sflag:$0x6], $0x4000, $0x38;
	[tilespmem:$0x10400] =	vst v63  }
0xe0: {  	_ =	swait.ge [sflag:s24], $0x4000  }
0xe1: {  	[sflag:s24] =	ssyncset.done $0x0  }
0xe2: {  	[sflag:s24] =	ssyncadd.s32 $0xFFFFC000  }
0xe3: {  	[hbm4b:s6+s2] =	stream.linear.scatter [tilespmem:s17], [sflag:$0x7], $0x4000, $0x38;
	[tilespmem:$0x10400] =	vst v63  }
0xe4: {  	_ =	swait.ge [sflag:s22], $0x4000  }
0xe5: {  	[sflag:s22] =	ssyncset.done $0x0  }
0xe6: {  	[sflag:s22] =	ssyncadd.s32 $0xFFFFC000  }
0xe7: {  	[hbm4b:s5+s2] =	stream.linear.scatter [tilespmem:s14], [sflag:$0x8], $0x4000, $0x38;
	[tilespmem:$0x10400] =	vst v63  }
0xe8: {  	_ =	swait.ge [sflag:s21], $0x4000  }
0xe9: {  	[sflag:s21] =	ssyncset.done $0x0  }
0xea: {  	[sflag:s21] =	ssyncadd.s32 $0xFFFFC000  }
0xeb: {  	[hbm4b:s4+s2] =	stream.linear.scatter [tilespmem:s11], [sflag:$0x9], $0x4000, $0x38;
	[tilespmem:$0x10400] =	vst v63  }
0xec: {  	_ =	swait.ge [sflag:s8], $0x4000  }
0xed: {  	[sflag:s8] =	ssyncset.done $0x0  }
0xee: {  	[sflag:s8] =	ssyncadd.s32 $0xFFFFC000  }
0xef: {  	_ =	swait.ge [sflag:s13], $0x4000  }
0xf0: {  	[sflag:s13] =	ssyncset.done $0x0  }
0xf1: {  	p1 =	sne.s32 s0, $0x1;
	[sflag:s13] =	ssyncadd.s32 $0xFFFFC000  }
.Ltmp2:
0xf2: {  	_ =	swait.ge [sflag:s12], $0x4000;
	(pc) =	sbr.rel @p1 .LBB2_2-.Ltmp2, $4  }
0xf3: {  	[sflag:s12] =	ssyncset.done $0x0  }
0xf4: {  	[sflag:s12] =	ssyncadd.s32 $0xFFFFC000  }
0xf5: {  	_ =	swait.ge [sflag:s9], $0x4000  }
0xf6: {  	s0 =	sadd.s32 $0xFFFFFFFF, s0;
	s1 =	rddreg [dreg:$0x2];
	[sflag:s9] =	ssyncset.done $0x0  }
.LBB2_3:
0xf7: {  	[sflag:s9] =	ssyncadd.s32 @p0 $0xFFFFC000  }
0xf8: {  	[tilespmem:s2], [sflag:$0x1] =	stream.linear.gather [hbm4b:s1+s2], $0x80, $0x38;
	[tilespmem:$0x10400] =	vst v63  }
0xf9: {  	s0 =	rddreg [dreg:$0x3]  }
0xfa: {  	[tilespmem:s16], [sflag:$0x1] =	stream.linear.gather [hbm4b:s0+s2], $0x80, $0x38;
	[tilespmem:$0x10400] =	vst v63  }
0xfb: {  	s1 =	rddreg [dreg:$0x4]  }
0xfc: {  	[tilespmem:s29], [sflag:$0x1] =	stream.linear.gather [hbm4b:s1+s2], $0x80, $0x38;
	[tilespmem:$0x10400] =	vst v63  }
0xfd: {  	s0 =	rddreg [dreg:$0x5]  }
0xfe: {  	[tilespmem:s30], [sflag:$0x1] =	stream.linear.gather [hbm4b:s0+s2], $0x80, $0x38;
	[tilespmem:$0x10400] =	vst v63  }
0xff: {  	s1 =	rddreg [dreg:$0x6]  }
0x100: {  	[tilespmem:s28], [sflag:$0x1] =	stream.linear.gather [hbm4b:s1+s2], $0x80, $0x38;
	[tilespmem:$0x10400] =	vst v63  }
0x101: {  	s0 =	rddreg [dreg:$0x7]  }
0x102: {  	[tilespmem:s26], [sflag:$0x1] =	stream.linear.gather [hbm4b:s0+s2], $0x80, $0x38;
	[tilespmem:$0x10400] =	vst v63  }
0x103: {  	s1 =	rddreg [dreg:$0x8]  }
0x104: {  	[tilespmem:s25], [sflag:$0x1] =	stream.linear.gather [hbm4b:s1+s2], $0x80, $0x38;
	[tilespmem:$0x10400] =	vst v63  }
0x105: {  	s0 =	rddreg [dreg:$0x9]  }
0x106: {  	[tilespmem:s20], [sflag:$0x1] =	stream.linear.gather [hbm4b:s0+s2], $0x80, $0x38;
	[tilespmem:$0x10400] =	vst v63  }
0x107: {  	_ =	swait.ge [sflag:s31], $0x80  }
0x108: {  	[sflag:s31] =	ssyncset.done $0x0  }
0x109: {  	[sflag:s31] =	ssyncadd.s32 $0xFFFFFF80  }
0x10a: {  	_ =	swait.ge [sflag:s31], $0x80  }
0x10b: {  	[sflag:s31] =	ssyncset.done $0x0  }
0x10c: {  	[sflag:s31] =	ssyncadd.s32 $0xFFFFFF80  }
0x10d: {  	_ =	swait.ge [sflag:s31], $0x80  }
0x10e: {  	[sflag:s31] =	ssyncset.done $0x0  }
0x10f: {  	[sflag:s31] =	ssyncadd.s32 $0xFFFFFF80  }
0x110: {  	_ =	swait.ge [sflag:s31], $0x80  }
0x111: {  	[sflag:s31] =	ssyncset.done $0x0  }
0x112: {  	[sflag:s31] =	ssyncadd.s32 $0xFFFFFF80  }
0x113: {  	_ =	swait.ge [sflag:s31], $0x80  }
0x114: {  	[sflag:s31] =	ssyncset.done $0x0  }
0x115: {  	[sflag:s31] =	ssyncadd.s32 $0xFFFFFF80  }
0x116: {  	_ =	swait.ge [sflag:s31], $0x80  }
0x117: {  	[sflag:s31] =	ssyncset.done $0x0  }
0x118: {  	[sflag:s31] =	ssyncadd.s32 $0xFFFFFF80  }
0x119: {  	_ =	swait.ge [sflag:s31], $0x80  }
0x11a: {  	[sflag:s31] =	ssyncset.done $0x0  }
0x11b: {  	[sflag:s31] =	ssyncadd.s32 $0xFFFFFF80  }
0x11c: {  	_ =	swait.ge [sflag:s31], $0x80  }
0x11d: {  	[sflag:s31] =	ssyncset.done $0x0  }
0x11e: {  	[sflag:s31] =	ssyncadd.s32 $0xFFFFFF80  }
0x11f: {  	[tilespmem:s18], [sflag:$0x2] =	stream.indirect.gather [hbm4b:s3+s16], $0x80, s2, s16, $0xb8;
	[tilespmem:$0x10400] =	vst v63  }
0x120: {  	_ = 	snop  }
0x121: {  	[tilespmem:s17], [sflag:$0x3] =	stream.indirect.gather [hbm4b:s3+s16], $0x80, s16, s16, $0xb8;
	[tilespmem:$0x10400] =	vst v63  }
0x122: {  	_ = 	snop  }
0x123: {  	[tilespmem:s14], [sflag:$0x4] =	stream.indirect.gather [hbm4b:s3+s16], $0x80, s29, s16, $0xb8;
	[tilespmem:$0x10400] =	vst v63  }
0x124: {  	_ = 	snop  }
0x125: {  	[tilespmem:s11], [sflag:$0x5] =	stream.indirect.gather [hbm4b:s3+s16], $0x80, s30, s16, $0xb8;
	[tilespmem:$0x10400] =	vst v63  }
0x126: {  	_ =	swait.ge [sflag:s23], $0x4000  }
0x127: {  	[sflag:s23] =	ssyncset.done $0x0  }
0x128: {  	s30 =	rddreg [dreg:$0xa];
	[sflag:s23] =	ssyncadd.s32 $0xFFFFC000  }
0x129: {  	[hbm4b:s30+s2] =	stream.linear.scatter [tilespmem:s18], [sflag:$0x6], $0x4000, $0x38;
	[tilespmem:$0x10400] =	vst v63  }
0x12a: {  	_ =	swait.ge [sflag:s8], $0x4000  }
0x12b: {  	[sflag:s8] =	ssyncset.done $0x0  }
0x12c: {  	[sflag:s8] =	ssyncadd.s32 $0xFFFFC000  }
0x12d: {  	[tilespmem:s18], [sflag:$0x2] =	stream.indirect.gather [hbm4b:s3+s16], $0x80, s28, s16, $0xb8;
	[tilespmem:$0x10400] =	vst v63  }
0x12e: {  	_ =	swait.ge [sflag:s24], $0x4000  }
0x12f: {  	[sflag:s24] =	ssyncset.done $0x0  }
0x130: {  	[sflag:s24] =	ssyncadd.s32 $0xFFFFC000  }
0x131: {  	[hbm4b:s19+s2] =	stream.linear.scatter [tilespmem:s17], [sflag:$0x7], $0x4000, $0x38;
	[tilespmem:$0x10400] =	vst v63  }
0x132: {  	_ =	swait.ge [sflag:s13], $0x4000  }
0x133: {  	[sflag:s13] =	ssyncset.done $0x0  }
0x134: {  	[sflag:s13] =	ssyncadd.s32 $0xFFFFC000  }
0x135: {  	[tilespmem:s17], [sflag:$0x3] =	stream.indirect.gather [hbm4b:s3+s16], $0x80, s26, s16, $0xb8;
	[tilespmem:$0x10400] =	vst v63  }
0x136: {  	_ =	swait.ge [sflag:s22], $0x4000  }
0x137: {  	[sflag:s22] =	ssyncset.done $0x0  }
0x138: {  	[sflag:s22] =	ssyncadd.s32 $0xFFFFC000  }
0x139: {  	[hbm4b:s15+s2] =	stream.linear.scatter [tilespmem:s14], [sflag:$0x8], $0x4000, $0x38;
	[tilespmem:$0x10400] =	vst v63  }
0x13a: {  	_ =	swait.ge [sflag:s12], $0x4000  }
0x13b: {  	[sflag:s12] =	ssyncset.done $0x0  }
0x13c: {  	[sflag:s12] =	ssyncadd.s32 $0xFFFFC000  }
0x13d: {  	[tilespmem:s14], [sflag:$0x4] =	stream.indirect.gather [hbm4b:s3+s16], $0x80, s25, s16, $0xb8;
	[tilespmem:$0x10400] =	vst v63  }
0x13e: {  	_ =	swait.ge [sflag:s21], $0x4000  }
0x13f: {  	[sflag:s21] =	ssyncset.done $0x0  }
0x140: {  	[sflag:s21] =	ssyncadd.s32 $0xFFFFC000  }
0x141: {  	[hbm4b:s10+s2] =	stream.linear.scatter [tilespmem:s11], [sflag:$0x9], $0x4000, $0x38;
	[tilespmem:$0x10400] =	vst v63  }
0x142: {  	_ =	swait.ge [sflag:s9], $0x4000  }
0x143: {  	[sflag:s9] =	ssyncset.done $0x0  }
0x144: {  	[sflag:s9] =	ssyncadd.s32 $0xFFFFC000  }
0x145: {  	[tilespmem:s11], [sflag:$0x5] =	stream.indirect.gather [hbm4b:s3+s16], $0x80, s20, s16, $0xb8;
	[tilespmem:$0x10400] =	vst v63  }
0x146: {  	_ =	swait.ge [sflag:s23], $0x4000  }
0x147: {  	[sflag:s23] =	ssyncset.done $0x0  }
0x148: {  	[sflag:s23] =	ssyncadd.s32 $0xFFFFC000  }
0x149: {  	[hbm4b:s7+s2] =	stream.linear.scatter [tilespmem:s18], [sflag:$0x6], $0x4000, $0x38;
	[tilespmem:$0x10400] =	vst v63  }
0x14a: {  	_ =	swait.ge [sflag:s24], $0x4000  }
0x14b: {  	[sflag:s24] =	ssyncset.done $0x0  }
0x14c: {  	[sflag:s24] =	ssyncadd.s32 $0xFFFFC000  }
0x14d: {  	[hbm4b:s6+s2] =	stream.linear.scatter [tilespmem:s17], [sflag:$0x7], $0x4000, $0x38;
	[tilespmem:$0x10400] =	vst v63  }
0x14e: {  	_ =	swait.ge [sflag:s22], $0x4000  }
0x14f: {  	[sflag:s22] =	ssyncset.done $0x0  }
0x150: {  	[sflag:s22] =	ssyncadd.s32 $0xFFFFC000  }
0x151: {  	[hbm4b:s5+s2] =	stream.linear.scatter [tilespmem:s14], [sflag:$0x8], $0x4000, $0x38;
	[tilespmem:$0x10400] =	vst v63  }
0x152: {  	_ =	swait.ge [sflag:s21], $0x4000  }
0x153: {  	[sflag:s21] =	ssyncset.done $0x0  }
0x154: {  	[sflag:s21] =	ssyncadd.s32 $0xFFFFC000  }
0x155: {  	[hbm4b:s4+s2] =	stream.linear.scatter [tilespmem:s11], [sflag:$0x9], $0x4000, $0x38;
	[tilespmem:$0x10400] =	vst v63  }
0x156: {  	_ =	swait.ge [sflag:s8], $0x4000  }
0x157: {  	[sflag:s8] =	ssyncset.done $0x0  }
0x158: {  	[sflag:s8] =	ssyncadd.s32 $0xFFFFC000  }
0x159: {  	_ =	swait.ge [sflag:s13], $0x4000  }
0x15a: {  	[sflag:s13] =	ssyncset.done $0x0  }
0x15b: {  	[sflag:s13] =	ssyncadd.s32 $0xFFFFC000  }
0x15c: {  	_ =	swait.ge [sflag:s12], $0x4000  }
0x15d: {  	[sflag:s12] =	ssyncset.done $0x0  }
0x15e: {  	[sflag:s12] =	ssyncadd.s32 $0xFFFFC000  }
0x15f: {  	_ =	swait.ge [sflag:s9], $0x4000  }
0x160: {  	[sflag:s9] =	ssyncset.done $0x0  }
0x161: {  	[sflag:s9] =	ssyncadd.s32 $0xFFFFC000  }
0x162: {  	_ =	sfence.sel $0x180000  }
0x163: {  	[bflag:$0x0] =	sbarrier.arrive $0xFFFF  }
0x164: {  	_ =	strace $0x9000004D  }
0x165: {  	s31 =	stileid.u32;
	[bflag:$0x2] =	sbarrier.arrive $0xFFFF  }
0x166: {  	p0 =	sne.s32 s31, $0x0;
	s0 =	rddreg [dreg:$0x1]  }
0x167: {  	s0 =	sadd.s32 @!p0 $0x100000, s0  }
0x168: {  	[sflag:s0] =	ssyncadd.tile.s32 @!p0 $0x1;
	_ =	shalt  }
.Lfunc_end2:
_tile_overlayer_lowered:
.L_overlay_start_2:
0x169: {  	(tag) =	ssettag $0x2  }
0x16a: {  	s0 =	rddreg [dreg:$0x0];
	s2 =	stileid.u32  }
0x16b: {  	s1 =	rddreg [dreg:$0x1];
	p0 =	sne.s32 s2, $0x0  }
0x16c: {  	s3 =	rddreg [dreg:$0x2];
	[bflag:$0x3] =	sbarrier.arrive $0xFFFF;
	s2 =	simm.s32 @!p0 $0x1C0A  }
0x16d: {  	[timem:s3], [sflag:s2] =	dma.local @!p0 [hbm:s0], s1  }
0x16e: {  	s0 =	simm.s32 @!p0 $0xA  }
0x16f: {  	_ =	swait.ge @!p0 [sflag:s0], s1  }
0x170: {  	s1 =	ssub.s32 @!p0 $0x0, s1;
	[sflag:s0] =	ssyncset.done @!p0 $0x0  }
0x171: {  	[sflag:s0] =	ssyncadd.s32 @!p0 s1  }
0x172: {  	[bflag:$0x3] =	sbarrier.arrive $0xFFFF  }
0x173: {  	_ =	shalt  }

// kernel: kernel.8.cloned.1.call-start
scs
__scs_entry_jumppad:
0x0: {  	(pc) =	sbr.rel $0x88, $3  }
0x1: {  	(tag) =	ssettag $0x0;
	lr =	simm.s32 $0x1  }
0x2: {  	[smem:$0x3F95] =	sst lr;
	_ =	strace $0xD0000000  }
0x3: {  	_ = 	snop  }
0x4: {  	_ = 	snop  }
0x5: {  	_ = 	snop  }
0x6: {  	_ = 	snop  }
0x7: {  	_ = 	snop  }
__scs_overlays_trampoline_lowered:
0x8: {  	[smem:$0x3FA4] =	sst s0  }
0x9: {  	[smem:$0x3FA5] =	sst s1  }
0xa: {  	[smem:$0x3FA6] =	sst s2  }
0xb: {  	[smem:$0x3FA7] =	sst s3  }
0xc: {  	[smem:$0x3FA8] =	sst s4  }
0xd: {  	[smem:$0x3FA9] =	sst s5  }
0xe: {  	[smem:$0x3FAA] =	sst s6  }
0xf: {  	[smem:$0x3FAB] =	sst s7  }
0x10: {  	[smem:$0x3FAC] =	sst s8  }
0x11: {  	[smem:$0x3FAD] =	sst s9;
	s0 =	simm.s32 @!p0 $0x0  }
0x12: {  	s1 =	sld [smem:$0x3F93];
	s0 =	simm.s32 @p0 $0x1  }
0x13: {  	[smem:$0x3FAE] =	sst s0;
	s0 =	simm.s32 @!p1 $0x0  }
0x14: {  	s2 =	sld [smem:$0x3F92];
	s0 =	simm.s32 @p1 $0x1  }
0x15: {  	[smem:$0x3FAF] =	sst s0;
	s0 =	simm.s32 @!p2 $0x0  }
0x16: {  	s3 =	sld [smem:$0x3FDB];
	s0 =	simm.s32 @p2 $0x1  }
0x17: {  	s4 =	simm.s32 $0x1BF5;
	[smem:$0x3FB1] =	sst s0  }
0x18: {  	s0 =	sld [smem:$0x3F94];
	_ =	swait.ge [sflag:s4], $0x0  }
0x19: {  	s7 =	sld [smem:$0x3F95]  }
0x1a: {  	s8 =	sadd.s32 $0xFFFFE003, lr  }
0x1b: {  	s9 =	sadd.s32 $0xFFFFFEF7, lr;
	s5 =	simm.s32 $0xFFFFFFFF;
	p2 =	slt.u32 s8, $0xFFFFF086  }
0x1c: {  	p1 =	slt.u32 s9, $0xF7A;
	s5 =	simm.s32 @!p2 $0x0  }
0x1d: {  	s5 =	simm.s32 @p1 $0x1;
	p0 =	seq.s32 s7, s2  }
0x1e: {  	s7 =	smul.u32 @!p0 $0xF7A, s2;
	p2 =	seq.s32 @!p0 s5, $0x0  }
0x1f: {  	s9 =	smul.u32 $0xF7A, s1;
	s8 =	simm.s32 @!p0 $0x1BF5;
	p2 =	por !p2, p0  }
0x20: {  	[sflag:s8] =	ssyncset.s32 @!p0 $0xFFFFF086;
	s6 =	sadd.s32 @!p0 s3, s7;
	s7 =	simm.s32 @!p0 $0x108  }
0x21: {  	s3 =	sadd.s32 s3, s9;
	s6 =	sadd.s32 @!p0 $0x88, s6;
	s7 =	simm.s32 @p2 $0x1082  }
0x22: {  	[simem:s7], [sflag:s8] =	dma.local @!p0 [hbm:s6], $0xF7A  }
0x23: {  	s9 =	sor.u32 $0xD0000000, s2;
	s6 =	simm.s32 $0x108;
	_ =	swait.ge @!p0 [sflag:s8], $0x0  }
0x24: {  	s3 =	sadd.s32 $0x88, s3;
	s6 =	simm.s32 @!p1 $0x1082;
	[sflag:s4] =	ssyncset.s32 $0xFFFFF086  }
0x25: {  	[simem:s6], [sflag:s4] =	dma.local [hbm:s3], $0xF7A  }
0x26: {  	[smem:$0x3F95] =	sst s1;
	(tag) =	ssettag s2;
	_ =	strace s9  }
0x27: {  	s1 =	sld [smem:$0x3FA5]  }
0x28: {  	s2 =	sld [smem:$0x3FA6]  }
0x29: {  	s4 =	sld [smem:$0x3FA8]  }
0x2a: {  	p0 =	seq.s32 s5, $0x0;
	s5 =	sld [smem:$0x3FA9]  }
0x2b: {  	s6 =	sld [smem:$0x3FAA]  }
0x2c: {  	s7 =	sld [smem:$0x3FAB]  }
0x2d: {  	s3 =	simm.s32 $0x108;
	s8 =	sld [smem:$0x3FAC]  }
0x2e: {  	s3 =	simm.s32 @!p0 $0x1082;
	s9 =	sld [smem:$0x3FAD]  }
0x2f: {  	lr =	sadd.s32 s0, s3;
	s0 =	sld [smem:$0x3FA4]  }
0x30: {  	s3 =	sld [smem:$0x3FA7]  }
0x31: {  	[smem:$0x3FB0] =	sst s10  }
0x32: {  	s10 =	sld [smem:$0x3FAE];
	_ =	sdelay $0x3  }
0x33: {  	p0 =	seq.s32 s10, $0x1;
	s10 =	sld [smem:$0x3FB0];
	_ =	sdelay $0x3  }
0x34: {  	[smem:$0x3FB0] =	sst s10  }
0x35: {  	s10 =	sld [smem:$0x3FAF];
	_ =	sdelay $0x3  }
0x36: {  	p1 =	seq.s32 s10, $0x1;
	s10 =	sld [smem:$0x3FB0];
	_ =	sdelay $0x3  }
0x37: {  	[smem:$0x3FB0] =	sst s10  }
0x38: {  	s10 =	sld [smem:$0x3FB1]  }
0x39: {  	_ = 	snop;
	(pc) =	sbr.ind lr, $3  }
0x3a: {  	_ = 	snop  }
0x3b: {  	_ = 	snop  }
0x3c: {  	p2 =	seq.s32 s10, $0x1;
	s10 =	sld [smem:$0x3FB0]  }
0x3d: {  	_ =	shalt  }
0x3e: {  	_ =	shalt  }
0x3f: {  	_ =	shalt  }
0x40: {  	_ =	shalt  }
0x41: {  	_ =	shalt  }
0x42: {  	_ =	shalt  }
0x43: {  	_ =	shalt  }
0x44: {  	_ =	shalt  }
0x45: {  	_ =	shalt  }
0x46: {  	_ =	shalt  }
0x47: {  	_ =	shalt  }
0x48: {  	_ =	shalt  }
0x49: {  	_ =	shalt  }
0x4a: {  	_ =	shalt  }
0x4b: {  	_ =	shalt  }
0x4c: {  	_ =	shalt  }
0x4d: {  	_ =	shalt  }
0x4e: {  	_ =	shalt  }
0x4f: {  	_ =	shalt  }
0x50: {  	_ =	shalt  }
0x51: {  	_ =	shalt  }
0x52: {  	_ =	shalt  }
0x53: {  	_ =	shalt  }
0x54: {  	_ =	shalt  }
0x55: {  	_ =	shalt  }
0x56: {  	_ =	shalt  }
0x57: {  	_ =	shalt  }
0x58: {  	_ =	shalt  }
0x59: {  	_ =	shalt  }
0x5a: {  	_ =	shalt  }
0x5b: {  	_ =	shalt  }
0x5c: {  	_ =	shalt  }
0x5d: {  	_ =	shalt  }
0x5e: {  	_ =	shalt  }
0x5f: {  	_ =	shalt  }
0x60: {  	_ =	shalt  }
0x61: {  	_ =	shalt  }
0x62: {  	_ =	shalt  }
0x63: {  	_ =	shalt  }
0x64: {  	_ =	shalt  }
0x65: {  	_ =	shalt  }
0x66: {  	_ =	shalt  }
0x67: {  	_ =	shalt  }
0x68: {  	_ =	shalt  }
0x69: {  	_ =	shalt  }
0x6a: {  	_ =	shalt  }
0x6b: {  	_ =	shalt  }
0x6c: {  	_ =	shalt  }
0x6d: {  	_ =	shalt  }
0x6e: {  	_ =	shalt  }
0x6f: {  	_ =	shalt  }
0x70: {  	_ =	shalt  }
0x71: {  	_ =	shalt  }
0x72: {  	_ =	shalt  }
0x73: {  	_ =	shalt  }
0x74: {  	_ =	shalt  }
0x75: {  	_ =	shalt  }
0x76: {  	_ =	shalt  }
0x77: {  	_ =	shalt  }
0x78: {  	_ =	shalt  }
0x79: {  	_ =	shalt  }
0x7a: {  	_ =	shalt  }
0x7b: {  	_ =	shalt  }
0x7c: {  	_ =	shalt  }
0x7d: {  	_ =	shalt  }
0x7e: {  	_ =	shalt  }
0x7f: {  	_ =	shalt  }
0x80: {  	_ =	shalt  }
0x81: {  	_ =	shalt  }
0x82: {  	_ =	shalt  }
0x83: {  	_ =	shalt  }
0x84: {  	_ =	shalt  }
0x85: {  	_ =	shalt  }
0x86: {  	_ =	shalt  }
0x87: {  	_ =	shalt  }
.Lfunc_end0:
.L_simem_size_0:
called_computation_lowered:
.L_overlay_start_0:
0x88: {  	s2 =	sld [smem:$0x3FD9]  }
0x89: {  	s3 =	sld [smem:$0x3FFE];
	_ =	sdelay $0x1  }
0x8a: {  	s1 =	srdreg.scid  }
0x8b: {  	s0 =	sand.u32 $0x1, s1  }
0x8c: {  	s17 =	sshll.u32 s0, $0xA;
	s2 =	sadd.s32 s3, s2  }
0x8d: {  	s2 =	sadd.s32 s2, s17  }
0x8e: {  	[smem:$0x3FBC] =	sst s2  }
0x8f: {  	_ = 	snop  }
0x90: {  	s2 =	sld [smem:$0x3FC7];
	(tm) =	ssettm $0x1  }
0x91: {  	s18 =	sld [smem:$0x3FFB];
	_ =	sdelay $0x3  }
0x92: {  	_ =	strace s18  }
0x93: {  	s3 =	sld [smem:$0x3FFC];
	_ =	sdelay $0x3  }
0x94: {  	_ =	strace s3  }
0x95: {  	s3 =	sld [smem:$0x3FFD];
	_ =	sdelay $0x3  }
0x96: {  	_ =	strace s3  }
0x97: {  	_ =	strace $0x8FFFFFFF  }
0x98: {  	s19 =	sld [smem:$0x3FDB];
	_ =	sdelay $0x1  }
0x99: {  	s4 =	simm.s32 $_scs_section_size  }
0x9a: {  	s5 =	simm.s32 $_size__tile_overlayer_lowered;
	s6 =	simm.s32 $_tile_overlayer_lowered  }
0x9b: {  	s22 =	simm.s32 $0x1BFF;
	s21 =	sshll.u32 s6, $0x1;
	s3 =	sadd.s32 s4, s19  }
0x9c: {  	s7 =	simm.s32 $0x0;
	s20 =	sshll.u32 s5, $0x1;
	s5 =	sadd.s32 s21, s3  }
0x9d: {  	[timem:s7], [sflag:s22] =	dma.local [hbm:s5], s20  }
0x9e: {  	_ =	swait.ge [sflag:s22], s20  }
0x9f: {  	s4 =	ssub.s32 $0x0, s20;
	[sflag:s22] =	ssyncset.done $0x0  }
0xa0: {  	[sflag:s22] =	ssyncadd.s32 s4;
	_ =	sdelay $0x1  }
0xa1: {  	s23 =	simm.s32 $0x1B8B  }
0xa2: {  	_ =	swait.ge [sflag:s23], $0x1  }
0xa3: {  	[sflag:s23] =	ssyncset.done $0x0  }
0xa4: {  	s25 =	simm.s32 $0x1B8E;
	s24 =	sld [smem:$0x3FFE];
	[sflag:s23] =	ssyncadd.s32 $0xFFFFFFFF  }
0xa5: {  	s26 =	simm.s32 $execute0_lowered;
	[smem:$0x3FD2] =	sst s25  }
0xa6: {  	s5 =	sshll.u32 s26, $0x1;
	_ =	strace $0x80000046;
	[dreg:$0x1] =	wrdreg $0xFFFFFFFF  }
0xa7: {  	s28 =	simm.s32 $_size_execute0_lowered;
	s3 =	sadd.s32 s3, s5;
	[dreg:$0x0] =	wrdreg $0x0  }
0xa8: {  	s5 =	sshll.u32 s28, $0x1;
	[dreg:$0x2] =	wrdreg s3  }
0xa9: {  	[dreg:$0x3] =	wrdreg s5  }
0xaa: {  	[dreg:$0x4] =	wrdreg $0xC0  }
0xab: {  	_ =	task [dreg:s7], $0x5FFFF  }
0xac: {  	[dreg:$0x1] =	wrdreg $0xFFFFFFFF  }
0xad: {  	[dreg:$0x0] =	wrdreg $0x60  }
0xae: {  	[dreg:$0x2] =	wrdreg s2  }
0xaf: {  	[dreg:$0x3] =	wrdreg s24  }
0xb0: {  	[dreg:$0x4] =	wrdreg $0x9  }
0xb1: {  	_ =	task.clear_ibuf [dreg:s7], $0x5FFFF;
	_ =	strace $0x90000046  }
0xb2: {  	s29 =	simm.s32 $0x9;
	_ =	strace $0x80000048  }
0xb3: {  	_ =	swait.ge [sflag:s29], $0x1  }
0xb4: {  	[sflag:s29] =	ssyncadd.s32 $0xFFFFFFFF  }
0xb5: {  	_ =	strace $0x90000048  }
0xb6: {  	_ =	sfence  }
0xb7: {  	s30 =	sld [smem:$0x0];
	_ =	sdelay $0x2  }
0xb8: {  	s31 =	sshll.u32 s1, $0xD;
	s1 =	sshrl.u32 s1, $0x2  }
0xb9: {  	s3 =	sand.u32 $0x4000, s31;
	s1 =	sadd.s32 s1, s30  }
0xba: {  	s0 =	sor.u32 s3, s0;
	s1 =	sshll.u32 s1, $0x11  }
0xbb: {  	s0 =	sor.u32 s1, s0  }
0xbc: {  	s0 =	sadd.s32 $0x8F2B, s0  }
0xbd: {  	[sflag:s0] =	ssyncadd.remote.s32 $0x1  }
0xbe: {  	_ =	sfence.sel $0xFFFF  }
0xbf: {  	[dreg:$0x0] =	wrdreg $0xFFFFFFFF;
	(pc) =	sbr.abs _section_cstart, $3  }
0xc0: {  	[dreg:$0x1] =	wrdreg $0xFFFFFFFF  }
0xc1: {  	_ =	task.clear_ibuf [dreg:s7], $0x2FFFF;
	_ =	strace $0x9FFFFFFF  }
0xc2: {  	(tm) =	ssettm $0x7FFFFFFF  }
0xc3: {  	_ =	shalt  }
tec
execute0_lowered:
.L_overlay_start_1:
0x0: {  	(tag) =	ssettag $0x1  }
0x1: {  	s0 =	rddreg [dreg:$0x0]  }
0x2: {  	s1 =	srdreg.scid;
	s2 =	stileid.u32  }
0x3: {  	s4 =	rddreg [dreg:$0x1];
	s21 =	simm.s32 $0x7880;
	s24 =	simm.s32 $0x6080  }
0x4: {  	s25 =	simm.s32 $0x6880;
	s26 =	simm.s32 $0x7080;
	s28 =	simm.s32 $0x2  }
0x5: {  	s29 =	simm.s32 $0x0;
	s1 =	sand.u32 $0x1, s1;
	s3 =	sshll.u32 s2, $0x1  }
0x6: {  	s2 =	simm.s32 $0x0;
	s13 =	sadd.s32 $0xBE00, s4;
	s3 =	sor.u32 s1, s3  }
0x7: {  	[smem:$0x7FF] =	sst s2;
	s1 =	ssub.s32 $0x2, s1;
	s5 =	smul.u32 $0x2710, s3  }
0x8: {  	s18 =	sadd.s32 $0x1FC00, s4;
	_ =	strace $0x80000047;
	s31 =	sshrl.u32 s1, $0x1  }
0x9: {  	s3 =	sadd.s32 $0x15C00, s4;
	s1 =	ssub.s32 s1, s31;
	s14 =	sshrl.u32 s5, $0x3  }
0xa: {  	s19 =	sadd.s32 s14, s4;
	s4 =	sadd.s32 s0, s14;
	s15 =	sadd.s32 $0xFA, s14  }
0xb: {  	s5 =	sadd.s32 s13, s14;
	s16 =	sadd.s32 $0x1F4, s14;
	s17 =	sadd.s32 $0x2EE, s14  }
0xc: {  	s20 =	sadd.s32 $0x3E8, s14;
	s14 =	sadd.s32 s18, s14;
	s6 =	sadd.s32 s0, s15  }
0xd: {  	s7 =	sadd.s32 s13, s15;
	s8 =	sadd.s32 s0, s16;
	s9 =	sadd.s32 s13, s16  }
0xe: {  	v0 =	vimm.s32 $0x1;
	v1 =	vimm.s32 $0x2;
	s10 =	sadd.s32 s0, s17;
	s11 =	sadd.s32 s13, s17;
	s12 =	sadd.s32 s0, s20  }
0xf: {  	v2 =	vimm.s32 $0x3;
	v3 =	vimm.s32 $0x4;
	v4 =	vimm.s32 $0x5;
	s13 =	sadd.s32 s13, s20;
	s15 =	sadd.s32 s18, s15;
	s16 =	sadd.s32 s18, s16  }
0x10: {  	v5 =	vimm.s32 $0x6;
	v6 =	vimm.s32 $0x7;
	v7 =	vimm.s32 $0x8;
	s17 =	sadd.s32 s18, s17;
	s18 =	sadd.s32 s18, s20;
	s19 =	sadd.s32 $0x15E00, s19  }
0x11: {  	v8 =	vimm.s32 $0x9;
	v9 =	vimm.s32 $0xA;
	v10 =	vimm.f32 $0.0e+00;
	s20 =	smax.u32 s1, $0x1;
	s1 =	simm.s32 $0x3;
	s0 =	simm.s32 $0x1  }
.LBB2_1:
0x12: {  	s22 =	simm.s32 $0x80  }
0x13: {  	[tilespmem:s22], [sflag:$0x1] =	stream.linear.gather [hbm4b:s4+s2], $0x7D0, $0x38;
	[tilespmem:$0xA000] =	vst v63  }
0x14: {  	s23 =	simm.s32 $0x2880  }
0x15: {  	[tilespmem:s23], [sflag:$0x1] =	stream.linear.gather [hbm4b:s5+s2], $0x7D0, $0x38;
	[tilespmem:$0xA000] =	vst v63  }
0x16: {  	s30 =	simm.s32 $0x880  }
0x17: {  	[tilespmem:s30], [sflag:$0x1] =	stream.linear.gather [hbm4b:s6+s2], $0x7D0, $0x38;
	[tilespmem:$0xA000] =	vst v63  }
0x18: {  	s31 =	simm.s32 $0x3080  }
0x19: {  	[tilespmem:s31], [sflag:$0x1] =	stream.linear.gather [hbm4b:s7+s2], $0x7D0, $0x38;
	[tilespmem:$0xA000] =	vst v63  }
0x1a: {  	s23 =	simm.s32 $0x1080  }
0x1b: {  	[tilespmem:s23], [sflag:$0x1] =	stream.linear.gather [hbm4b:s8+s2], $0x7D0, $0x38;
	[tilespmem:$0xA000] =	vst v63  }
0x1c: {  	s30 =	simm.s32 $0x3880  }
0x1d: {  	[tilespmem:s30], [sflag:$0x1] =	stream.linear.gather [hbm4b:s9+s2], $0x7D0, $0x38;
	[tilespmem:$0xA000] =	vst v63  }
0x1e: {  	s31 =	simm.s32 $0x1880  }
0x1f: {  	[tilespmem:s31], [sflag:$0x1] =	stream.linear.gather [hbm4b:s10+s2], $0x7D0, $0x38;
	[tilespmem:$0xA000] =	vst v63  }
0x20: {  	s23 =	simm.s32 $0x4080  }
0x21: {  	[tilespmem:s23], [sflag:$0x1] =	stream.linear.gather [hbm4b:s11+s2], $0x7D0, $0x38;
	[tilespmem:$0xA000] =	vst v63  }
0x22: {  	s30 =	simm.s32 $0x2080  }
0x23: {  	[tilespmem:s30], [sflag:$0x1] =	stream.linear.gather [hbm4b:s12+s2], $0x7D0, $0x38;
	[tilespmem:$0xA000] =	vst v63  }
0x24: {  	s31 =	simm.s32 $0x4880  }
0x25: {  	[tilespmem:s31], [sflag:$0x1] =	stream.linear.gather [hbm4b:s13+s2], $0x7D0, $0x38;
	[tilespmem:$0xA000] =	vst v63  }
0x26: {  	_ = 	snop  }
0x27: {  	[tilespmem:s2], [sflag:$0x3] =	stream.linear.gather [hbm4b:s3+s2], $0x80, $0x38;
	[tilespmem:$0xA000] =	vst v63  }
0x28: {  	_ =	swait.ge [sflag:s1], $0x80  }
0x29: {  	[sflag:s1] =	ssyncset.done $0x0  }
0x2a: {  	[sflag:s1] =	ssyncadd.s32 $0xFFFFFF80  }
0x2b: {  	v11 =	vld.msk [tilespmem:s2+$0x0], $0xffff  }
0x2c: {  	v12 =	vld.idx.msk [tilespmem:v0+s2+$0x0], $0xffff  }
0x2d: {  	v13 =	vld.idx.msk [tilespmem:v1+s2+$0x0], $0xffff  }
0x2e: {  	v15 =	vld.idx.msk [tilespmem:v2+s2+$0x0], $0xffff  }
0x2f: {  	v16 =	vld.idx.msk [tilespmem:v3+s2+$0x0], $0xffff  }
0x30: {  	v17 =	vld.idx.msk [tilespmem:v4+s2+$0x0], $0xffff  }
0x31: {  	v18 =	vld.idx.msk [tilespmem:v5+s2+$0x0], $0xffff  }
0x32: {  	v19 =	vld.idx.msk [tilespmem:v6+s2+$0x0], $0xffff  }
0x33: {  	v20 =	vld.idx.msk [tilespmem:v7+s2+$0x0], $0xffff  }
0x34: {  	v21 =	vld.idx.msk [tilespmem:v8+s2+$0x0], $0xffff  }
0x35: {  	s22 =	simm.s32 $0x40;
	s23 =	simm.s32 $0x0;
	v14 =	vld.idx.msk [tilespmem:v9+s2+$0x0], $0xffff  }
.LBB2_2:
0x36: {  	p0 =	sne.s32 s22, $0x9C00;
	[tilespmem:s23+$0x7880] =	vst v10;
	s23 =	smov.u32 s22;
	s22 =	sadd.s32 $0x40, s22  }
.Ltmp0:
0x37: {  	(pc) =	sbr.rel @p0 .LBB2_2-.Ltmp0, $2  }
0x38: {  	_ =	sdelay $0x2  }
0x39: {  	s23 =	sshra.s32 s23, $0x2  }
0x3a: {  	[tilespmem:s23+$0x7880] =	vst v10  }
0x3b: {  	_ =	swait.ge [sflag:s0], $0x7D0  }
0x3c: {  	[sflag:s0] =	ssyncset.done $0x0  }
0x3d: {  	[sflag:s0] =	ssyncadd.s32 $0xFFFFF830  }
0x3e: {  	_ =	swait.ge [sflag:s0], $0x7D0  }
0x3f: {  	[sflag:s0] =	ssyncset.done $0x0  }
0x40: {  	[sflag:s0] =	ssyncadd.s32 $0xFFFFF830  }
0x41: {  	_ =	swait.ge [sflag:s0], $0x7D0  }
0x42: {  	[sflag:s0] =	ssyncset.done $0x0  }
0x43: {  	[sflag:s0] =	ssyncadd.s32 $0xFFFFF830  }
0x44: {  	_ =	swait.ge [sflag:s0], $0x7D0  }
0x45: {  	[sflag:s0] =	ssyncset.done $0x0  }
0x46: {  	[sflag:s0] =	ssyncadd.s32 $0xFFFFF830  }
0x47: {  	_ =	swait.ge [sflag:s0], $0x7D0  }
0x48: {  	[sflag:s0] =	ssyncset.done $0x0  }
0x49: {  	[sflag:s0] =	ssyncadd.s32 $0xFFFFF830  }
0x4a: {  	_ =	swait.ge [sflag:s0], $0x7D0  }
0x4b: {  	[sflag:s0] =	ssyncset.done $0x0  }
0x4c: {  	[sflag:s0] =	ssyncadd.s32 $0xFFFFF830  }
0x4d: {  	_ =	swait.ge [sflag:s0], $0x7D0  }
0x4e: {  	[sflag:s0] =	ssyncset.done $0x0  }
0x4f: {  	[sflag:s0] =	ssyncadd.s32 $0xFFFFF830  }
0x50: {  	_ =	swait.ge [sflag:s0], $0x7D0  }
0x51: {  	[sflag:s0] =	ssyncset.done $0x0  }
0x52: {  	[sflag:s0] =	ssyncadd.s32 $0xFFFFF830  }
0x53: {  	_ =	swait.ge [sflag:s0], $0x7D0  }
0x54: {  	[sflag:s0] =	ssyncset.done $0x0  }
0x55: {  	[sflag:s0] =	ssyncadd.s32 $0xFFFFF830  }
0x56: {  	_ =	swait.ge [sflag:s0], $0x7D0  }
0x57: {  	[sflag:s0] =	ssyncset.done $0x0  }
0x58: {  	s22 =	simm.s32 $0x90;
	[sflag:s0] =	ssyncadd.s32 $0xFFFFF830  }
0x59: {  	v22 =	vld [tilespmem:s22+$0xFFFFFFF0];
	_ =	sdelay $0x4  }
0x5a: {  	v22 =	vsub.f32 $0.0e+00, v22;
	_ =	sdelay $0x1  }
0x5b: {  	v22 =	vmul.f32 $1.442695020e+00, v22;
	_ =	sdelay $0x1  }
0x5c: {  	(erf) = vpow2.f32 v22;
	_ =	sdelay $0x8  }
0x5d: {  	v22 =	vpop (erf)  }
0x5e: {  	v23 =	vmul.f32 v22, v21;
	_ =	sdelay $0x1  }
0x5f: {  	v23 =	vadd.f32 v23, v20;
	_ =	sdelay $0x1  }
0x60: {  	v23 =	vmul.f32 v23, v22;
	_ =	sdelay $0x1  }
0x61: {  	v23 =	vadd.f32 v23, v19;
	_ =	sdelay $0x1  }
0x62: {  	v23 =	vmul.f32 v23, v22;
	_ =	sdelay $0x1  }
0x63: {  	v23 =	vadd.f32 v23, v18;
	_ =	sdelay $0x1  }
0x64: {  	v23 =	vmul.f32 v23, v22;
	_ =	sdelay $0x1  }
0x65: {  	v23 =	vadd.f32 v23, v17;
	_ =	sdelay $0x1  }
0x66: {  	v23 =	vmul.f32 v23, v22;
	_ =	sdelay $0x1  }
0x67: {  	v23 =	vadd.f32 v23, v16;
	_ =	sdelay $0x1  }
0x68: {  	v23 =	vmul.f32 v23, v22;
	_ =	sdelay $0x1  }
0x69: {  	v23 =	vadd.f32 v23, v15;
	_ =	sdelay $0x1  }
0x6a: {  	v23 =	vmul.f32 v23, v22;
	_ =	sdelay $0x1  }
0x6b: {  	v23 =	vadd.f32 v23, v13;
	_ =	sdelay $0x1  }
0x6c: {  	v23 =	vmul.f32 v23, v22;
	_ =	sdelay $0x1  }
0x6d: {  	v23 =	vadd.f32 v23, v12;
	_ =	sdelay $0x1  }
0x6e: {  	v23 =	vmul.f32 v23, v22;
	_ =	sdelay $0x1  }
0x6f: {  	s30 =	simm.s32 $0x2890;
	v23 =	vadd.f32 v23, v11  }
0x70: {  	v24 =	vld [tilespmem:s30+$0xFFFFFFF0]  }
0x71: {  	v22 =	vmul.f32 v23, v22;
	_ =	sdelay $0x1  }
0x72: {  	v22 =	vmul.f32 $5.000000000e-01, v22;
	_ =	sdelay $0x1  }
0x73: {  	v22 =	vadd.f32 v22, v14  }
0x74: {  	s31 =	simm.s32 $0x5090  }
0x75: {  	[tilespmem:s31+$0xFFFFFFF0] =	vst v22  }
0x76: {  	[tilespmem:v24+s21+$0x0] =	vst.idx.add.f32.msk $0xffff, v22  }
0x77: {  	v22 =	vld [tilespmem:s22+$0x0];
	_ =	sdelay $0x4  }
0x78: {  	v22 =	vsub.f32 $0.0e+00, v22;
	_ =	sdelay $0x1  }
0x79: {  	v22 =	vmul.f32 $1.442695020e+00, v22;
	_ =	sdelay $0x1  }
0x7a: {  	(erf) = vpow2.f32 v22;
	_ =	sdelay $0x8  }
0x7b: {  	v22 =	vpop (erf)  }
0x7c: {  	v23 =	vmul.f32 v22, v21;
	_ =	sdelay $0x1  }
0x7d: {  	v23 =	vadd.f32 v23, v20;
	_ =	sdelay $0x1  }
0x7e: {  	v23 =	vmul.f32 v23, v22;
	_ =	sdelay $0x1  }
0x7f: {  	v23 =	vadd.f32 v23, v19;
	_ =	sdelay $0x1  }
0x80: {  	v23 =	vmul.f32 v23, v22;
	_ =	sdelay $0x1  }
0x81: {  	v23 =	vadd.f32 v23, v18;
	_ =	sdelay $0x1  }
0x82: {  	v23 =	vmul.f32 v23, v22;
	_ =	sdelay $0x1  }
0x83: {  	v23 =	vadd.f32 v23, v17;
	_ =	sdelay $0x1  }
0x84: {  	v23 =	vmul.f32 v23, v22;
	_ =	sdelay $0x1  }
0x85: {  	v23 =	vadd.f32 v23, v16;
	_ =	sdelay $0x1  }
0x86: {  	v23 =	vmul.f32 v23, v22;
	_ =	sdelay $0x1  }
0x87: {  	v23 =	vadd.f32 v23, v15;
	_ =	sdelay $0x1  }
0x88: {  	v23 =	vmul.f32 v23, v22;
	_ =	sdelay $0x1  }
0x89: {  	v23 =	vadd.f32 v23, v13;
	_ =	sdelay $0x1  }
0x8a: {  	v23 =	vmul.f32 v23, v22;
	_ =	sdelay $0x1  }
0x8b: {  	v23 =	vadd.f32 v23, v12;
	_ =	sdelay $0x1  }
0x8c: {  	v23 =	vmul.f32 v23, v22;
	_ =	sdelay $0x1  }
0x8d: {  	v23 =	vadd.f32 v23, v11  }
0x8e: {  	v24 =	vld [tilespmem:s30+$0x0]  }
0x8f: {  	v22 =	vmul.f32 v23, v22;
	_ =	sdelay $0x1  }
0x90: {  	v22 =	vmul.f32 $5.000000000e-01, v22;
	_ =	sdelay $0x1  }
0x91: {  	v22 =	vadd.f32 v22, v14;
	_ =	sdelay $0x1  }
0x92: {  	[tilespmem:s31+$0x0] =	vst v22  }
0x93: {  	s23 =	simm.s32 $0xB0;
	s22 =	simm.s32 $0x0;
	[tilespmem:v24+s21+$0x0] =	vst.idx.add.f32.msk $0xffff, v22  }
.LBB2_4:
0x94: {  	v22 =	vld [tilespmem:s23+$0xFFFFFFF0];
	s30 =	sadd.s32 $0x20, s30  }
0x95: {  	v23 =	vld [tilespmem:s30+$0xFFFFFFF0]  }
0x96: {  	s22 =	sadd.s32 $0x2, s22  }
0x97: {  	p0 =	slt.u32 s22, $0x7A;
	_ =	sdelay $0x1  }
0x98: {  	v22 =	vsub.f32 $0.0e+00, v22;
	_ =	sdelay $0x1  }
0x99: {  	v22 =	vmul.f32 $1.442695020e+00, v22;
	_ =	sdelay $0x1  }
0x9a: {  	(erf) = vpow2.f32 v22;
	_ =	sdelay $0x8  }
0x9b: {  	v22 =	vpop (erf)  }
0x9c: {  	v24 =	vmul.f32 v22, v21;
	_ =	sdelay $0x1  }
0x9d: {  	v24 =	vadd.f32 v24, v20;
	_ =	sdelay $0x1  }
0x9e: {  	v24 =	vmul.f32 v24, v22;
	_ =	sdelay $0x1  }
0x9f: {  	v24 =	vadd.f32 v24, v19;
	_ =	sdelay $0x1  }
0xa0: {  	v24 =	vmul.f32 v24, v22;
	_ =	sdelay $0x1  }
0xa1: {  	v24 =	vadd.f32 v24, v18;
	_ =	sdelay $0x1  }
0xa2: {  	v24 =	vmul.f32 v24, v22;
	_ =	sdelay $0x1  }
0xa3: {  	v24 =	vadd.f32 v24, v17;
	_ =	sdelay $0x1  }
0xa4: {  	v24 =	vmul.f32 v24, v22;
	_ =	sdelay $0x1  }
0xa5: {  	v24 =	vadd.f32 v24, v16;
	_ =	sdelay $0x1  }
0xa6: {  	v24 =	vmul.f32 v24, v22;
	_ =	sdelay $0x1  }
0xa7: {  	v24 =	vadd.f32 v24, v15;
	_ =	sdelay $0x1  }
0xa8: {  	v24 =	vmul.f32 v24, v22;
	_ =	sdelay $0x1  }
0xa9: {  	v24 =	vadd.f32 v24, v13;
	_ =	sdelay $0x1  }
0xaa: {  	v24 =	vmul.f32 v24, v22;
	_ =	sdelay $0x1  }
0xab: {  	v24 =	vadd.f32 v24, v12;
	_ =	sdelay $0x1  }
0xac: {  	v24 =	vmul.f32 v24, v22;
	_ =	sdelay $0x1  }
0xad: {  	v24 =	vadd.f32 v24, v11;
	_ =	sdelay $0x1  }
0xae: {  	v22 =	vmul.f32 v24, v22;
	_ =	sdelay $0x1  }
0xaf: {  	v22 =	vmul.f32 $5.000000000e-01, v22;
	_ =	sdelay $0x1  }
0xb0: {  	v22 =	vadd.f32 v22, v14  }
0xb1: {  	s31 =	sadd.s32 $0x20, s31  }
0xb2: {  	[tilespmem:s31+$0xFFFFFFF0] =	vst v22  }
0xb3: {  	[tilespmem:v23+s21+$0x0] =	vst.idx.add.f32.msk $0xffff, v22  }
0xb4: {  	v22 =	vld [tilespmem:s23+$0x0]  }
0xb5: {  	v23 =	vld [tilespmem:s30+$0x0];
	_ =	sdelay $0x3  }
0xb6: {  	v22 =	vsub.f32 $0.0e+00, v22;
	_ =	sdelay $0x1  }
0xb7: {  	v22 =	vmul.f32 $1.442695020e+00, v22;
	_ =	sdelay $0x1  }
0xb8: {  	(erf) = vpow2.f32 v22;
	_ =	sdelay $0x8  }
0xb9: {  	v22 =	vpop (erf)  }
0xba: {  	v24 =	vmul.f32 v22, v21;
	_ =	sdelay $0x1  }
0xbb: {  	v24 =	vadd.f32 v24, v20;
	_ =	sdelay $0x1  }
0xbc: {  	v24 =	vmul.f32 v24, v22;
	_ =	sdelay $0x1  }
0xbd: {  	v24 =	vadd.f32 v24, v19;
	_ =	sdelay $0x1  }
0xbe: {  	v24 =	vmul.f32 v24, v22;
	_ =	sdelay $0x1  }
0xbf: {  	v24 =	vadd.f32 v24, v18;
	_ =	sdelay $0x1  }
0xc0: {  	v24 =	vmul.f32 v24, v22;
	_ =	sdelay $0x1  }
0xc1: {  	v24 =	vadd.f32 v24, v17;
	_ =	sdelay $0x1  }
0xc2: {  	v24 =	vmul.f32 v24, v22;
	_ =	sdelay $0x1  }
0xc3: {  	v24 =	vadd.f32 v24, v16;
	_ =	sdelay $0x1  }
0xc4: {  	v24 =	vmul.f32 v24, v22;
	_ =	sdelay $0x1  }
0xc5: {  	v24 =	vadd.f32 v24, v15;
	_ =	sdelay $0x1  }
0xc6: {  	v24 =	vmul.f32 v24, v22;
	_ =	sdelay $0x1  }
0xc7: {  	v24 =	vadd.f32 v24, v13;
	_ =	sdelay $0x1  }
0xc8: {  	v24 =	vmul.f32 v24, v22;
	_ =	sdelay $0x1  }
0xc9: {  	v24 =	vadd.f32 v24, v12;
	_ =	sdelay $0x1  }
0xca: {  	v24 =	vmul.f32 v24, v22;
	_ =	sdelay $0x1  }
0xcb: {  	v24 =	vadd.f32 v24, v11;
	_ =	sdelay $0x1  }
0xcc: {  	v22 =	vmul.f32 v24, v22;
	_ =	sdelay $0x1  }
0xcd: {  	v22 =	vmul.f32 $5.000000000e-01, v22  }
.Ltmp1:
0xce: {  	(pc) =	sbr.rel @p0 .LBB2_4-.Ltmp1, $3  }
0xcf: {  	v22 =	vadd.f32 v22, v14;
	_ =	sdelay $0x1  }
0xd0: {  	[tilespmem:s31+$0x0] =	vst v22  }
0xd1: {  	s23 =	sadd.s32 $0x20, s23;
	[tilespmem:v23+s21+$0x0] =	vst.idx.add.f32.msk $0xffff, v22  }
0xd2: {  	v22 =	vld [tilespmem:$0x840];
	_ =	sdelay $0x4  }
0xd3: {  	v22 =	vsub.f32 $0.0e+00, v22;
	_ =	sdelay $0x1  }
0xd4: {  	v22 =	vmul.f32 $1.442695020e+00, v22;
	_ =	sdelay $0x1  }
0xd5: {  	(erf) = vpow2.f32 v22;
	_ =	sdelay $0x8  }
0xd6: {  	v22 =	vpop (erf)  }
0xd7: {  	v23 =	vmul.f32 v22, v21;
	_ =	sdelay $0x1  }
0xd8: {  	v23 =	vadd.f32 v23, v20;
	_ =	sdelay $0x1  }
0xd9: {  	v23 =	vmul.f32 v23, v22;
	_ =	sdelay $0x1  }
0xda: {  	v23 =	vadd.f32 v23, v19;
	_ =	sdelay $0x1  }
0xdb: {  	v23 =	vmul.f32 v23, v22;
	_ =	sdelay $0x1  }
0xdc: {  	v23 =	vadd.f32 v23, v18;
	_ =	sdelay $0x1  }
0xdd: {  	v23 =	vmul.f32 v23, v22;
	_ =	sdelay $0x1  }
0xde: {  	v23 =	vadd.f32 v23, v17;
	_ =	sdelay $0x1  }
0xdf: {  	v23 =	vmul.f32 v23, v22;
	_ =	sdelay $0x1  }
0xe0: {  	v23 =	vadd.f32 v23, v16;
	_ =	sdelay $0x1  }
0xe1: {  	v23 =	vmul.f32 v23, v22;
	_ =	sdelay $0x1  }
0xe2: {  	v23 =	vadd.f32 v23, v15;
	_ =	sdelay $0x1  }
0xe3: {  	v23 =	vmul.f32 v23, v22;
	_ =	sdelay $0x1  }
0xe4: {  	v23 =	vadd.f32 v23, v13;
	_ =	sdelay $0x1  }
0xe5: {  	v23 =	vmul.f32 v23, v22;
	_ =	sdelay $0x1  }
0xe6: {  	v23 =	vadd.f32 v23, v12;
	_ =	sdelay $0x1  }
0xe7: {  	v23 =	vmul.f32 v23, v22;
	_ =	sdelay $0x1  }
0xe8: {  	v23 =	vadd.f32 v23, v11  }
0xe9: {  	v24 =	vld [tilespmem:$0x3040]  }
0xea: {  	v22 =	vmul.f32 v23, v22;
	_ =	sdelay $0x1  }
0xeb: {  	v22 =	vmul.f32 $5.000000000e-01, v22;
	_ =	sdelay $0x1  }
0xec: {  	v22 =	vadd.f32 v22, v14;
	_ =	sdelay $0x1  }
0xed: {  	[tilespmem:$0x5840] =	vst v22  }
0xee: {  	s22 =	simm.s32 $0x5080;
	s23 =	simm.s32 $0x890;
	[tilespmem:v24+s21+$0x0] =	vst.idx.add.f32.msk $0xffff, v22  }
0xef: {  	[hbm4b:s14+s2] =	stream.linear.scatter [tilespmem:s22], [sflag:$0x2], $0x7D0, $0x38;
	[tilespmem:$0xA000] =	vst v63  }
0xf0: {  	v22 =	vld [tilespmem:s23+$0xFFFFFFF0];
	_ =	sdelay $0x4  }
0xf1: {  	v22 =	vsub.f32 $0.0e+00, v22;
	_ =	sdelay $0x1  }
0xf2: {  	v22 =	vmul.f32 $1.442695020e+00, v22;
	_ =	sdelay $0x1  }
0xf3: {  	(erf) = vpow2.f32 v22;
	_ =	sdelay $0x8  }
0xf4: {  	v22 =	vpop (erf)  }
0xf5: {  	v23 =	vmul.f32 v22, v21;
	_ =	sdelay $0x1  }
0xf6: {  	v23 =	vadd.f32 v23, v20;
	_ =	sdelay $0x1  }
0xf7: {  	v23 =	vmul.f32 v23, v22;
	_ =	sdelay $0x1  }
0xf8: {  	v23 =	vadd.f32 v23, v19;
	_ =	sdelay $0x1  }
0xf9: {  	v23 =	vmul.f32 v23, v22;
	_ =	sdelay $0x1  }
0xfa: {  	v23 =	vadd.f32 v23, v18;
	_ =	sdelay $0x1  }
0xfb: {  	v23 =	vmul.f32 v23, v22;
	_ =	sdelay $0x1  }
0xfc: {  	v23 =	vadd.f32 v23, v17;
	_ =	sdelay $0x1  }
0xfd: {  	v23 =	vmul.f32 v23, v22;
	_ =	sdelay $0x1  }
0xfe: {  	v23 =	vadd.f32 v23, v16;
	_ =	sdelay $0x1  }
0xff: {  	v23 =	vmul.f32 v23, v22;
	_ =	sdelay $0x1  }
0x100: {  	v23 =	vadd.f32 v23, v15;
	_ =	sdelay $0x1  }
0x101: {  	v23 =	vmul.f32 v23, v22;
	_ =	sdelay $0x1  }
0x102: {  	v23 =	vadd.f32 v23, v13;
	_ =	sdelay $0x1  }
0x103: {  	v23 =	vmul.f32 v23, v22;
	_ =	sdelay $0x1  }
0x104: {  	v23 =	vadd.f32 v23, v12;
	_ =	sdelay $0x1  }
0x105: {  	v23 =	vmul.f32 v23, v22;
	_ =	sdelay $0x1  }
0x106: {  	s30 =	simm.s32 $0x3090;
	v23 =	vadd.f32 v23, v11  }
0x107: {  	v24 =	vld [tilespmem:s30+$0xFFFFFFF0]  }
0x108: {  	v22 =	vmul.f32 v23, v22;
	_ =	sdelay $0x1  }
0x109: {  	v22 =	vmul.f32 $5.000000000e-01, v22;
	_ =	sdelay $0x1  }
0x10a: {  	v22 =	vadd.f32 v22, v14  }
0x10b: {  	s31 =	simm.s32 $0x5890  }
0x10c: {  	[tilespmem:s31+$0xFFFFFFF0] =	vst v22  }
0x10d: {  	[tilespmem:v24+s21+$0x0] =	vst.idx.add.f32.msk $0xffff, v22  }
0x10e: {  	v22 =	vld [tilespmem:s23+$0x0];
	_ =	sdelay $0x4  }
0x10f: {  	v22 =	vsub.f32 $0.0e+00, v22;
	_ =	sdelay $0x1  }
0x110: {  	v22 =	vmul.f32 $1.442695020e+00, v22;
	_ =	sdelay $0x1  }
0x111: {  	(erf) = vpow2.f32 v22;
	_ =	sdelay $0x8  }
0x112: {  	v22 =	vpop (erf)  }
0x113: {  	v23 =	vmul.f32 v22, v21;
	_ =	sdelay $0x1  }
0x114: {  	v23 =	vadd.f32 v23, v20;
	_ =	sdelay $0x1  }
0x115: {  	v23 =	vmul.f32 v23, v22;
	_ =	sdelay $0x1  }
0x116: {  	v23 =	vadd.f32 v23, v19;
	_ =	sdelay $0x1  }
0x117: {  	v23 =	vmul.f32 v23, v22;
	_ =	sdelay $0x1  }
0x118: {  	v23 =	vadd.f32 v23, v18;
	_ =	sdelay $0x1  }
0x119: {  	v23 =	vmul.f32 v23, v22;
	_ =	sdelay $0x1  }
0x11a: {  	v23 =	vadd.f32 v23, v17;
	_ =	sdelay $0x1  }
0x11b: {  	v23 =	vmul.f32 v23, v22;
	_ =	sdelay $0x1  }
0x11c: {  	v23 =	vadd.f32 v23, v16;
	_ =	sdelay $0x1  }
0x11d: {  	v23 =	vmul.f32 v23, v22;
	_ =	sdelay $0x1  }
0x11e: {  	v23 =	vadd.f32 v23, v15;
	_ =	sdelay $0x1  }
0x11f: {  	v23 =	vmul.f32 v23, v22;
	_ =	sdelay $0x1  }
0x120: {  	v23 =	vadd.f32 v23, v13;
	_ =	sdelay $0x1  }
0x121: {  	v23 =	vmul.f32 v23, v22;
	_ =	sdelay $0x1  }
0x122: {  	v23 =	vadd.f32 v23, v12;
	_ =	sdelay $0x1  }
0x123: {  	v23 =	vmul.f32 v23, v22;
	_ =	sdelay $0x1  }
0x124: {  	v23 =	vadd.f32 v23, v11  }
0x125: {  	v24 =	vld [tilespmem:s30+$0x0]  }
0x126: {  	v22 =	vmul.f32 v23, v22;
	_ =	sdelay $0x1  }
0x127: {  	v22 =	vmul.f32 $5.000000000e-01, v22;
	_ =	sdelay $0x1  }
0x128: {  	v22 =	vadd.f32 v22, v14;
	_ =	sdelay $0x1  }
0x129: {  	[tilespmem:s31+$0x0] =	vst v22  }
0x12a: {  	s22 =	simm.s32 $0x0;
	s23 =	simm.s32 $0x8B0;
	[tilespmem:v24+s21+$0x0] =	vst.idx.add.f32.msk $0xffff, v22  }
.LBB2_6:
0x12b: {  	v22 =	vld [tilespmem:s23+$0xFFFFFFF0];
	s30 =	sadd.s32 $0x20, s30  }
0x12c: {  	v23 =	vld [tilespmem:s30+$0xFFFFFFF0]  }
0x12d: {  	s22 =	sadd.s32 $0x2, s22  }
0x12e: {  	p0 =	slt.u32 s22, $0x7A;
	_ =	sdelay $0x1  }
0x12f: {  	v22 =	vsub.f32 $0.0e+00, v22;
	_ =	sdelay $0x1  }
0x130: {  	v22 =	vmul.f32 $1.442695020e+00, v22;
	_ =	sdelay $0x1  }
0x131: {  	(erf) = vpow2.f32 v22;
	_ =	sdelay $0x8  }
0x132: {  	v22 =	vpop (erf)  }
0x133: {  	v24 =	vmul.f32 v22, v21;
	_ =	sdelay $0x1  }
0x134: {  	v24 =	vadd.f32 v24, v20;
	_ =	sdelay $0x1  }
0x135: {  	v24 =	vmul.f32 v24, v22;
	_ =	sdelay $0x1  }
0x136: {  	v24 =	vadd.f32 v24, v19;
	_ =	sdelay $0x1  }
0x137: {  	v24 =	vmul.f32 v24, v22;
	_ =	sdelay $0x1  }
0x138: {  	v24 =	vadd.f32 v24, v18;
	_ =	sdelay $0x1  }
0x139: {  	v24 =	vmul.f32 v24, v22;
	_ =	sdelay $0x1  }
0x13a: {  	v24 =	vadd.f32 v24, v17;
	_ =	sdelay $0x1  }
0x13b: {  	v24 =	vmul.f32 v24, v22;
	_ =	sdelay $0x1  }
0x13c: {  	v24 =	vadd.f32 v24, v16;
	_ =	sdelay $0x1  }
0x13d: {  	v24 =	vmul.f32 v24, v22;
	_ =	sdelay $0x1  }
0x13e: {  	v24 =	vadd.f32 v24, v15;
	_ =	sdelay $0x1  }
0x13f: {  	v24 =	vmul.f32 v24, v22;
	_ =	sdelay $0x1  }
0x140: {  	v24 =	vadd.f32 v24, v13;
	_ =	sdelay $0x1  }
0x141: {  	v24 =	vmul.f32 v24, v22;
	_ =	sdelay $0x1  }
0x142: {  	v24 =	vadd.f32 v24, v12;
	_ =	sdelay $0x1  }
0x143: {  	v24 =	vmul.f32 v24, v22;
	_ =	sdelay $0x1  }
0x144: {  	v24 =	vadd.f32 v24, v11;
	_ =	sdelay $0x1  }
0x145: {  	v22 =	vmul.f32 v24, v22;
	_ =	sdelay $0x1  }
0x146: {  	v22 =	vmul.f32 $5.000000000e-01, v22;
	_ =	sdelay $0x1  }
0x147: {  	v22 =	vadd.f32 v22, v14  }
0x148: {  	s31 =	sadd.s32 $0x20, s31  }
0x149: {  	[tilespmem:s31+$0xFFFFFFF0] =	vst v22  }
0x14a: {  	[tilespmem:v23+s21+$0x0] =	vst.idx.add.f32.msk $0xffff, v22  }
0x14b: {  	v22 =	vld [tilespmem:s23+$0x0]  }
0x14c: {  	v23 =	vld [tilespmem:s30+$0x0];
	_ =	sdelay $0x3  }
0x14d: {  	v22 =	vsub.f32 $0.0e+00, v22;
	_ =	sdelay $0x1  }
0x14e: {  	v22 =	vmul.f32 $1.442695020e+00, v22;
	_ =	sdelay $0x1  }
0x14f: {  	(erf) = vpow2.f32 v22;
	_ =	sdelay $0x8  }
0x150: {  	v22 =	vpop (erf)  }
0x151: {  	v24 =	vmul.f32 v22, v21;
	_ =	sdelay $0x1  }
0x152: {  	v24 =	vadd.f32 v24, v20;
	_ =	sdelay $0x1  }
0x153: {  	v24 =	vmul.f32 v24, v22;
	_ =	sdelay $0x1  }
0x154: {  	v24 =	vadd.f32 v24, v19;
	_ =	sdelay $0x1  }
0x155: {  	v24 =	vmul.f32 v24, v22;
	_ =	sdelay $0x1  }
0x156: {  	v24 =	vadd.f32 v24, v18;
	_ =	sdelay $0x1  }
0x157: {  	v24 =	vmul.f32 v24, v22;
	_ =	sdelay $0x1  }
0x158: {  	v24 =	vadd.f32 v24, v17;
	_ =	sdelay $0x1  }
0x159: {  	v24 =	vmul.f32 v24, v22;
	_ =	sdelay $0x1  }
0x15a: {  	v24 =	vadd.f32 v24, v16;
	_ =	sdelay $0x1  }
0x15b: {  	v24 =	vmul.f32 v24, v22;
	_ =	sdelay $0x1  }
0x15c: {  	v24 =	vadd.f32 v24, v15;
	_ =	sdelay $0x1  }
0x15d: {  	v24 =	vmul.f32 v24, v22;
	_ =	sdelay $0x1  }
0x15e: {  	v24 =	vadd.f32 v24, v13;
	_ =	sdelay $0x1  }
0x15f: {  	v24 =	vmul.f32 v24, v22;
	_ =	sdelay $0x1  }
0x160: {  	v24 =	vadd.f32 v24, v12;
	_ =	sdelay $0x1  }
0x161: {  	v24 =	vmul.f32 v24, v22;
	_ =	sdelay $0x1  }
0x162: {  	v24 =	vadd.f32 v24, v11;
	_ =	sdelay $0x1  }
0x163: {  	v22 =	vmul.f32 v24, v22;
	_ =	sdelay $0x1  }
0x164: {  	v22 =	vmul.f32 $5.000000000e-01, v22  }
.Ltmp2:
0x165: {  	(pc) =	sbr.rel @p0 .LBB2_6-.Ltmp2, $3  }
0x166: {  	v22 =	vadd.f32 v22, v14;
	_ =	sdelay $0x1  }
0x167: {  	[tilespmem:s31+$0x0] =	vst v22  }
0x168: {  	s23 =	sadd.s32 $0x20, s23;
	[tilespmem:v23+s21+$0x0] =	vst.idx.add.f32.msk $0xffff, v22  }
0x169: {  	v22 =	vld [tilespmem:$0x1040];
	_ =	sdelay $0x4  }
0x16a: {  	v22 =	vsub.f32 $0.0e+00, v22;
	_ =	sdelay $0x1  }
0x16b: {  	v22 =	vmul.f32 $1.442695020e+00, v22;
	_ =	sdelay $0x1  }
0x16c: {  	(erf) = vpow2.f32 v22;
	_ =	sdelay $0x8  }
0x16d: {  	v22 =	vpop (erf)  }
0x16e: {  	v23 =	vmul.f32 v22, v21;
	_ =	sdelay $0x1  }
0x16f: {  	v23 =	vadd.f32 v23, v20;
	_ =	sdelay $0x1  }
0x170: {  	v23 =	vmul.f32 v23, v22;
	_ =	sdelay $0x1  }
0x171: {  	v23 =	vadd.f32 v23, v19;
	_ =	sdelay $0x1  }
0x172: {  	v23 =	vmul.f32 v23, v22;
	_ =	sdelay $0x1  }
0x173: {  	v23 =	vadd.f32 v23, v18;
	_ =	sdelay $0x1  }
0x174: {  	v23 =	vmul.f32 v23, v22;
	_ =	sdelay $0x1  }
0x175: {  	v23 =	vadd.f32 v23, v17;
	_ =	sdelay $0x1  }
0x176: {  	v23 =	vmul.f32 v23, v22;
	_ =	sdelay $0x1  }
0x177: {  	v23 =	vadd.f32 v23, v16;
	_ =	sdelay $0x1  }
0x178: {  	v23 =	vmul.f32 v23, v22;
	_ =	sdelay $0x1  }
0x179: {  	v23 =	vadd.f32 v23, v15;
	_ =	sdelay $0x1  }
0x17a: {  	v23 =	vmul.f32 v23, v22;
	_ =	sdelay $0x1  }
0x17b: {  	v23 =	vadd.f32 v23, v13;
	_ =	sdelay $0x1  }
0x17c: {  	v23 =	vmul.f32 v23, v22;
	_ =	sdelay $0x1  }
0x17d: {  	v23 =	vadd.f32 v23, v12;
	_ =	sdelay $0x1  }
0x17e: {  	v23 =	vmul.f32 v23, v22;
	_ =	sdelay $0x1  }
0x17f: {  	v23 =	vadd.f32 v23, v11  }
0x180: {  	v24 =	vld [tilespmem:$0x3840]  }
0x181: {  	v22 =	vmul.f32 v23, v22;
	_ =	sdelay $0x1  }
0x182: {  	v22 =	vmul.f32 $5.000000000e-01, v22;
	_ =	sdelay $0x1  }
0x183: {  	v22 =	vadd.f32 v22, v14;
	_ =	sdelay $0x1  }
0x184: {  	[tilespmem:$0x6040] =	vst v22  }
0x185: {  	s22 =	simm.s32 $0x5880;
	s23 =	simm.s32 $0x1090;
	[tilespmem:v24+s21+$0x0] =	vst.idx.add.f32.msk $0xffff, v22  }
0x186: {  	[hbm4b:s15+s2] =	stream.linear.scatter [tilespmem:s22], [sflag:$0x2], $0x7D0, $0x38;
	[tilespmem:$0xA000] =	vst v63  }
0x187: {  	v22 =	vld [tilespmem:s23+$0xFFFFFFF0];
	_ =	sdelay $0x4  }
0x188: {  	v22 =	vsub.f32 $0.0e+00, v22;
	_ =	sdelay $0x1  }
0x189: {  	v22 =	vmul.f32 $1.442695020e+00, v22;
	_ =	sdelay $0x1  }
0x18a: {  	(erf) = vpow2.f32 v22;
	_ =	sdelay $0x8  }
0x18b: {  	v22 =	vpop (erf)  }
0x18c: {  	v23 =	vmul.f32 v22, v21;
	_ =	sdelay $0x1  }
0x18d: {  	v23 =	vadd.f32 v23, v20;
	_ =	sdelay $0x1  }
0x18e: {  	v23 =	vmul.f32 v23, v22;
	_ =	sdelay $0x1  }
0x18f: {  	v23 =	vadd.f32 v23, v19;
	_ =	sdelay $0x1  }
0x190: {  	v23 =	vmul.f32 v23, v22;
	_ =	sdelay $0x1  }
0x191: {  	v23 =	vadd.f32 v23, v18;
	_ =	sdelay $0x1  }
0x192: {  	v23 =	vmul.f32 v23, v22;
	_ =	sdelay $0x1  }
0x193: {  	v23 =	vadd.f32 v23, v17;
	_ =	sdelay $0x1  }
0x194: {  	v23 =	vmul.f32 v23, v22;
	_ =	sdelay $0x1  }
0x195: {  	v23 =	vadd.f32 v23, v16;
	_ =	sdelay $0x1  }
0x196: {  	v23 =	vmul.f32 v23, v22;
	_ =	sdelay $0x1  }
0x197: {  	v23 =	vadd.f32 v23, v15;
	_ =	sdelay $0x1  }
0x198: {  	v23 =	vmul.f32 v23, v22;
	_ =	sdelay $0x1  }
0x199: {  	v23 =	vadd.f32 v23, v13;
	_ =	sdelay $0x1  }
0x19a: {  	v23 =	vmul.f32 v23, v22;
	_ =	sdelay $0x1  }
0x19b: {  	v23 =	vadd.f32 v23, v12;
	_ =	sdelay $0x1  }
0x19c: {  	v23 =	vmul.f32 v23, v22;
	_ =	sdelay $0x1  }
0x19d: {  	s30 =	simm.s32 $0x3890;
	v23 =	vadd.f32 v23, v11  }
0x19e: {  	v24 =	vld [tilespmem:s30+$0xFFFFFFF0]  }
0x19f: {  	v22 =	vmul.f32 v23, v22;
	_ =	sdelay $0x1  }
0x1a0: {  	v22 =	vmul.f32 $5.000000000e-01, v22;
	_ =	sdelay $0x1  }
0x1a1: {  	v22 =	vadd.f32 v22, v14  }
0x1a2: {  	s31 =	simm.s32 $0x6090  }
0x1a3: {  	[tilespmem:s31+$0xFFFFFFF0] =	vst v22  }
0x1a4: {  	[tilespmem:v24+s21+$0x0] =	vst.idx.add.f32.msk $0xffff, v22  }
0x1a5: {  	v22 =	vld [tilespmem:s23+$0x0];
	_ =	sdelay $0x4  }
0x1a6: {  	v22 =	vsub.f32 $0.0e+00, v22;
	_ =	sdelay $0x1  }
0x1a7: {  	v22 =	vmul.f32 $1.442695020e+00, v22;
	_ =	sdelay $0x1  }
0x1a8: {  	(erf) = vpow2.f32 v22;
	_ =	sdelay $0x8  }
0x1a9: {  	v22 =	vpop (erf)  }
0x1aa: {  	v23 =	vmul.f32 v22, v21;
	_ =	sdelay $0x1  }
0x1ab: {  	v23 =	vadd.f32 v23, v20;
	_ =	sdelay $0x1  }
0x1ac: {  	v23 =	vmul.f32 v23, v22;
	_ =	sdelay $0x1  }
0x1ad: {  	v23 =	vadd.f32 v23, v19;
	_ =	sdelay $0x1  }
0x1ae: {  	v23 =	vmul.f32 v23, v22;
	_ =	sdelay $0x1  }
0x1af: {  	v23 =	vadd.f32 v23, v18;
	_ =	sdelay $0x1  }
0x1b0: {  	v23 =	vmul.f32 v23, v22;
	_ =	sdelay $0x1  }
0x1b1: {  	v23 =	vadd.f32 v23, v17;
	_ =	sdelay $0x1  }
0x1b2: {  	v23 =	vmul.f32 v23, v22;
	_ =	sdelay $0x1  }
0x1b3: {  	v23 =	vadd.f32 v23, v16;
	_ =	sdelay $0x1  }
0x1b4: {  	v23 =	vmul.f32 v23, v22;
	_ =	sdelay $0x1  }
0x1b5: {  	v23 =	vadd.f32 v23, v15;
	_ =	sdelay $0x1  }
0x1b6: {  	v23 =	vmul.f32 v23, v22;
	_ =	sdelay $0x1  }
0x1b7: {  	v23 =	vadd.f32 v23, v13;
	_ =	sdelay $0x1  }
0x1b8: {  	v23 =	vmul.f32 v23, v22;
	_ =	sdelay $0x1  }
0x1b9: {  	v23 =	vadd.f32 v23, v12;
	_ =	sdelay $0x1  }
0x1ba: {  	v23 =	vmul.f32 v23, v22;
	_ =	sdelay $0x1  }
0x1bb: {  	v23 =	vadd.f32 v23, v11  }
0x1bc: {  	v24 =	vld [tilespmem:s30+$0x0]  }
0x1bd: {  	v22 =	vmul.f32 v23, v22;
	_ =	sdelay $0x1  }
0x1be: {  	v22 =	vmul.f32 $5.000000000e-01, v22;
	_ =	sdelay $0x1  }
0x1bf: {  	v22 =	vadd.f32 v22, v14;
	_ =	sdelay $0x1  }
0x1c0: {  	[tilespmem:s31+$0x0] =	vst v22  }
0x1c1: {  	s22 =	simm.s32 $0x0;
	s23 =	simm.s32 $0x10B0;
	[tilespmem:v24+s21+$0x0] =	vst.idx.add.f32.msk $0xffff, v22  }
.LBB2_8:
0x1c2: {  	v22 =	vld [tilespmem:s23+$0xFFFFFFF0];
	s30 =	sadd.s32 $0x20, s30  }
0x1c3: {  	v23 =	vld [tilespmem:s30+$0xFFFFFFF0]  }
0x1c4: {  	s22 =	sadd.s32 $0x2, s22  }
0x1c5: {  	p0 =	slt.u32 s22, $0x7A;
	_ =	sdelay $0x1  }
0x1c6: {  	v22 =	vsub.f32 $0.0e+00, v22;
	_ =	sdelay $0x1  }
0x1c7: {  	v22 =	vmul.f32 $1.442695020e+00, v22;
	_ =	sdelay $0x1  }
0x1c8: {  	(erf) = vpow2.f32 v22;
	_ =	sdelay $0x8  }
0x1c9: {  	v22 =	vpop (erf)  }
0x1ca: {  	v24 =	vmul.f32 v22, v21;
	_ =	sdelay $0x1  }
0x1cb: {  	v24 =	vadd.f32 v24, v20;
	_ =	sdelay $0x1  }
0x1cc: {  	v24 =	vmul.f32 v24, v22;
	_ =	sdelay $0x1  }
0x1cd: {  	v24 =	vadd.f32 v24, v19;
	_ =	sdelay $0x1  }
0x1ce: {  	v24 =	vmul.f32 v24, v22;
	_ =	sdelay $0x1  }
0x1cf: {  	v24 =	vadd.f32 v24, v18;
	_ =	sdelay $0x1  }
0x1d0: {  	v24 =	vmul.f32 v24, v22;
	_ =	sdelay $0x1  }
0x1d1: {  	v24 =	vadd.f32 v24, v17;
	_ =	sdelay $0x1  }
0x1d2: {  	v24 =	vmul.f32 v24, v22;
	_ =	sdelay $0x1  }
0x1d3: {  	v24 =	vadd.f32 v24, v16;
	_ =	sdelay $0x1  }
0x1d4: {  	v24 =	vmul.f32 v24, v22;
	_ =	sdelay $0x1  }
0x1d5: {  	v24 =	vadd.f32 v24, v15;
	_ =	sdelay $0x1  }
0x1d6: {  	v24 =	vmul.f32 v24, v22;
	_ =	sdelay $0x1  }
0x1d7: {  	v24 =	vadd.f32 v24, v13;
	_ =	sdelay $0x1  }
0x1d8: {  	v24 =	vmul.f32 v24, v22;
	_ =	sdelay $0x1  }
0x1d9: {  	v24 =	vadd.f32 v24, v12;
	_ =	sdelay $0x1  }
0x1da: {  	v24 =	vmul.f32 v24, v22;
	_ =	sdelay $0x1  }
0x1db: {  	v24 =	vadd.f32 v24, v11;
	_ =	sdelay $0x1  }
0x1dc: {  	v22 =	vmul.f32 v24, v22;
	_ =	sdelay $0x1  }
0x1dd: {  	v22 =	vmul.f32 $5.000000000e-01, v22;
	_ =	sdelay $0x1  }
0x1de: {  	v22 =	vadd.f32 v22, v14  }
0x1df: {  	s31 =	sadd.s32 $0x20, s31  }
0x1e0: {  	[tilespmem:s31+$0xFFFFFFF0] =	vst v22  }
0x1e1: {  	[tilespmem:v23+s21+$0x0] =	vst.idx.add.f32.msk $0xffff, v22  }
0x1e2: {  	v22 =	vld [tilespmem:s23+$0x0]  }
0x1e3: {  	v23 =	vld [tilespmem:s30+$0x0];
	_ =	sdelay $0x3  }
0x1e4: {  	v22 =	vsub.f32 $0.0e+00, v22;
	_ =	sdelay $0x1  }
0x1e5: {  	v22 =	vmul.f32 $1.442695020e+00, v22;
	_ =	sdelay $0x1  }
0x1e6: {  	(erf) = vpow2.f32 v22;
	_ =	sdelay $0x8  }
0x1e7: {  	v22 =	vpop (erf)  }
0x1e8: {  	v24 =	vmul.f32 v22, v21;
	_ =	sdelay $0x1  }
0x1e9: {  	v24 =	vadd.f32 v24, v20;
	_ =	sdelay $0x1  }
0x1ea: {  	v24 =	vmul.f32 v24, v22;
	_ =	sdelay $0x1  }
0x1eb: {  	v24 =	vadd.f32 v24, v19;
	_ =	sdelay $0x1  }
0x1ec: {  	v24 =	vmul.f32 v24, v22;
	_ =	sdelay $0x1  }
0x1ed: {  	v24 =	vadd.f32 v24, v18;
	_ =	sdelay $0x1  }
0x1ee: {  	v24 =	vmul.f32 v24, v22;
	_ =	sdelay $0x1  }
0x1ef: {  	v24 =	vadd.f32 v24, v17;
	_ =	sdelay $0x1  }
0x1f0: {  	v24 =	vmul.f32 v24, v22;
	_ =	sdelay $0x1  }
0x1f1: {  	v24 =	vadd.f32 v24, v16;
	_ =	sdelay $0x1  }
0x1f2: {  	v24 =	vmul.f32 v24, v22;
	_ =	sdelay $0x1  }
0x1f3: {  	v24 =	vadd.f32 v24, v15;
	_ =	sdelay $0x1  }
0x1f4: {  	v24 =	vmul.f32 v24, v22;
	_ =	sdelay $0x1  }
0x1f5: {  	v24 =	vadd.f32 v24, v13;
	_ =	sdelay $0x1  }
0x1f6: {  	v24 =	vmul.f32 v24, v22;
	_ =	sdelay $0x1  }
0x1f7: {  	v24 =	vadd.f32 v24, v12;
	_ =	sdelay $0x1  }
0x1f8: {  	v24 =	vmul.f32 v24, v22;
	_ =	sdelay $0x1  }
0x1f9: {  	v24 =	vadd.f32 v24, v11;
	_ =	sdelay $0x1  }
0x1fa: {  	v22 =	vmul.f32 v24, v22;
	_ =	sdelay $0x1  }
0x1fb: {  	v22 =	vmul.f32 $5.000000000e-01, v22  }
.Ltmp3:
0x1fc: {  	(pc) =	sbr.rel @p0 .LBB2_8-.Ltmp3, $3  }
0x1fd: {  	v22 =	vadd.f32 v22, v14;
	_ =	sdelay $0x1  }
0x1fe: {  	[tilespmem:s31+$0x0] =	vst v22  }
0x1ff: {  	s23 =	sadd.s32 $0x20, s23;
	[tilespmem:v23+s21+$0x0] =	vst.idx.add.f32.msk $0xffff, v22  }
0x200: {  	v22 =	vld [tilespmem:$0x1840];
	_ =	sdelay $0x4  }
0x201: {  	v22 =	vsub.f32 $0.0e+00, v22;
	_ =	sdelay $0x1  }
0x202: {  	v22 =	vmul.f32 $1.442695020e+00, v22;
	_ =	sdelay $0x1  }
0x203: {  	(erf) = vpow2.f32 v22;
	_ =	sdelay $0x8  }
0x204: {  	v22 =	vpop (erf)  }
0x205: {  	v23 =	vmul.f32 v22, v21;
	_ =	sdelay $0x1  }
0x206: {  	v23 =	vadd.f32 v23, v20;
	_ =	sdelay $0x1  }
0x207: {  	v23 =	vmul.f32 v23, v22;
	_ =	sdelay $0x1  }
0x208: {  	v23 =	vadd.f32 v23, v19;
	_ =	sdelay $0x1  }
0x209: {  	v23 =	vmul.f32 v23, v22;
	_ =	sdelay $0x1  }
0x20a: {  	v23 =	vadd.f32 v23, v18;
	_ =	sdelay $0x1  }
0x20b: {  	v23 =	vmul.f32 v23, v22;
	_ =	sdelay $0x1  }
0x20c: {  	v23 =	vadd.f32 v23, v17;
	_ =	sdelay $0x1  }
0x20d: {  	v23 =	vmul.f32 v23, v22;
	_ =	sdelay $0x1  }
0x20e: {  	v23 =	vadd.f32 v23, v16;
	_ =	sdelay $0x1  }
0x20f: {  	v23 =	vmul.f32 v23, v22;
	_ =	sdelay $0x1  }
0x210: {  	v23 =	vadd.f32 v23, v15;
	_ =	sdelay $0x1  }
0x211: {  	v23 =	vmul.f32 v23, v22;
	_ =	sdelay $0x1  }
0x212: {  	v23 =	vadd.f32 v23, v13;
	_ =	sdelay $0x1  }
0x213: {  	v23 =	vmul.f32 v23, v22;
	_ =	sdelay $0x1  }
0x214: {  	v23 =	vadd.f32 v23, v12;
	_ =	sdelay $0x1  }
0x215: {  	v23 =	vmul.f32 v23, v22;
	_ =	sdelay $0x1  }
0x216: {  	v23 =	vadd.f32 v23, v11  }
0x217: {  	v24 =	vld [tilespmem:$0x4040]  }
0x218: {  	v22 =	vmul.f32 v23, v22;
	_ =	sdelay $0x1  }
0x219: {  	v22 =	vmul.f32 $5.000000000e-01, v22;
	_ =	sdelay $0x1  }
0x21a: {  	v22 =	vadd.f32 v22, v14;
	_ =	sdelay $0x1  }
0x21b: {  	[tilespmem:$0x6840] =	vst v22  }
0x21c: {  	s22 =	simm.s32 $0x1890;
	[tilespmem:v24+s21+$0x0] =	vst.idx.add.f32.msk $0xffff, v22  }
0x21d: {  	[hbm4b:s16+s2] =	stream.linear.scatter [tilespmem:s24], [sflag:$0x2], $0x7D0, $0x38;
	[tilespmem:$0xA000] =	vst v63  }
0x21e: {  	v22 =	vld [tilespmem:s22+$0xFFFFFFF0];
	_ =	sdelay $0x4  }
0x21f: {  	v22 =	vsub.f32 $0.0e+00, v22;
	_ =	sdelay $0x1  }
0x220: {  	v22 =	vmul.f32 $1.442695020e+00, v22;
	_ =	sdelay $0x1  }
0x221: {  	(erf) = vpow2.f32 v22;
	_ =	sdelay $0x8  }
0x222: {  	v22 =	vpop (erf)  }
0x223: {  	v23 =	vmul.f32 v22, v21;
	_ =	sdelay $0x1  }
0x224: {  	v23 =	vadd.f32 v23, v20;
	_ =	sdelay $0x1  }
0x225: {  	v23 =	vmul.f32 v23, v22;
	_ =	sdelay $0x1  }
0x226: {  	v23 =	vadd.f32 v23, v19;
	_ =	sdelay $0x1  }
0x227: {  	v23 =	vmul.f32 v23, v22;
	_ =	sdelay $0x1  }
0x228: {  	v23 =	vadd.f32 v23, v18;
	_ =	sdelay $0x1  }
0x229: {  	v23 =	vmul.f32 v23, v22;
	_ =	sdelay $0x1  }
0x22a: {  	v23 =	vadd.f32 v23, v17;
	_ =	sdelay $0x1  }
0x22b: {  	v23 =	vmul.f32 v23, v22;
	_ =	sdelay $0x1  }
0x22c: {  	v23 =	vadd.f32 v23, v16;
	_ =	sdelay $0x1  }
0x22d: {  	v23 =	vmul.f32 v23, v22;
	_ =	sdelay $0x1  }
0x22e: {  	v23 =	vadd.f32 v23, v15;
	_ =	sdelay $0x1  }
0x22f: {  	v23 =	vmul.f32 v23, v22;
	_ =	sdelay $0x1  }
0x230: {  	v23 =	vadd.f32 v23, v13;
	_ =	sdelay $0x1  }
0x231: {  	v23 =	vmul.f32 v23, v22;
	_ =	sdelay $0x1  }
0x232: {  	v23 =	vadd.f32 v23, v12;
	_ =	sdelay $0x1  }
0x233: {  	v23 =	vmul.f32 v23, v22;
	_ =	sdelay $0x1  }
0x234: {  	s30 =	simm.s32 $0x4090;
	v23 =	vadd.f32 v23, v11  }
0x235: {  	v24 =	vld [tilespmem:s30+$0xFFFFFFF0]  }
0x236: {  	v22 =	vmul.f32 v23, v22;
	_ =	sdelay $0x1  }
0x237: {  	v22 =	vmul.f32 $5.000000000e-01, v22;
	_ =	sdelay $0x1  }
0x238: {  	v22 =	vadd.f32 v22, v14  }
0x239: {  	s31 =	simm.s32 $0x6890  }
0x23a: {  	[tilespmem:s31+$0xFFFFFFF0] =	vst v22  }
0x23b: {  	[tilespmem:v24+s21+$0x0] =	vst.idx.add.f32.msk $0xffff, v22  }
0x23c: {  	v22 =	vld [tilespmem:s22+$0x0];
	_ =	sdelay $0x4  }
0x23d: {  	v22 =	vsub.f32 $0.0e+00, v22;
	_ =	sdelay $0x1  }
0x23e: {  	v22 =	vmul.f32 $1.442695020e+00, v22;
	_ =	sdelay $0x1  }
0x23f: {  	(erf) = vpow2.f32 v22;
	_ =	sdelay $0x8  }
0x240: {  	v22 =	vpop (erf)  }
0x241: {  	v23 =	vmul.f32 v22, v21;
	_ =	sdelay $0x1  }
0x242: {  	v23 =	vadd.f32 v23, v20;
	_ =	sdelay $0x1  }
0x243: {  	v23 =	vmul.f32 v23, v22;
	_ =	sdelay $0x1  }
0x244: {  	v23 =	vadd.f32 v23, v19;
	_ =	sdelay $0x1  }
0x245: {  	v23 =	vmul.f32 v23, v22;
	_ =	sdelay $0x1  }
0x246: {  	v23 =	vadd.f32 v23, v18;
	_ =	sdelay $0x1  }
0x247: {  	v23 =	vmul.f32 v23, v22;
	_ =	sdelay $0x1  }
0x248: {  	v23 =	vadd.f32 v23, v17;
	_ =	sdelay $0x1  }
0x249: {  	v23 =	vmul.f32 v23, v22;
	_ =	sdelay $0x1  }
0x24a: {  	v23 =	vadd.f32 v23, v16;
	_ =	sdelay $0x1  }
0x24b: {  	v23 =	vmul.f32 v23, v22;
	_ =	sdelay $0x1  }
0x24c: {  	v23 =	vadd.f32 v23, v15;
	_ =	sdelay $0x1  }
0x24d: {  	v23 =	vmul.f32 v23, v22;
	_ =	sdelay $0x1  }
0x24e: {  	v23 =	vadd.f32 v23, v13;
	_ =	sdelay $0x1  }
0x24f: {  	v23 =	vmul.f32 v23, v22;
	_ =	sdelay $0x1  }
0x250: {  	v23 =	vadd.f32 v23, v12;
	_ =	sdelay $0x1  }
0x251: {  	v23 =	vmul.f32 v23, v22;
	_ =	sdelay $0x1  }
0x252: {  	v23 =	vadd.f32 v23, v11  }
0x253: {  	v24 =	vld [tilespmem:s30+$0x0]  }
0x254: {  	v22 =	vmul.f32 v23, v22;
	_ =	sdelay $0x1  }
0x255: {  	v22 =	vmul.f32 $5.000000000e-01, v22;
	_ =	sdelay $0x1  }
0x256: {  	v22 =	vadd.f32 v22, v14;
	_ =	sdelay $0x1  }
0x257: {  	[tilespmem:s31+$0x0] =	vst v22  }
0x258: {  	s23 =	simm.s32 $0x18B0;
	s22 =	simm.s32 $0x0;
	[tilespmem:v24+s21+$0x0] =	vst.idx.add.f32.msk $0xffff, v22  }
.LBB2_10:
0x259: {  	v22 =	vld [tilespmem:s23+$0xFFFFFFF0];
	s30 =	sadd.s32 $0x20, s30  }
0x25a: {  	v23 =	vld [tilespmem:s30+$0xFFFFFFF0]  }
0x25b: {  	s22 =	sadd.s32 $0x2, s22  }
0x25c: {  	p0 =	slt.u32 s22, $0x7A;
	_ =	sdelay $0x1  }
0x25d: {  	v22 =	vsub.f32 $0.0e+00, v22;
	_ =	sdelay $0x1  }
0x25e: {  	v22 =	vmul.f32 $1.442695020e+00, v22;
	_ =	sdelay $0x1  }
0x25f: {  	(erf) = vpow2.f32 v22;
	_ =	sdelay $0x8  }
0x260: {  	v22 =	vpop (erf)  }
0x261: {  	v24 =	vmul.f32 v22, v21;
	_ =	sdelay $0x1  }
0x262: {  	v24 =	vadd.f32 v24, v20;
	_ =	sdelay $0x1  }
0x263: {  	v24 =	vmul.f32 v24, v22;
	_ =	sdelay $0x1  }
0x264: {  	v24 =	vadd.f32 v24, v19;
	_ =	sdelay $0x1  }
0x265: {  	v24 =	vmul.f32 v24, v22;
	_ =	sdelay $0x1  }
0x266: {  	v24 =	vadd.f32 v24, v18;
	_ =	sdelay $0x1  }
0x267: {  	v24 =	vmul.f32 v24, v22;
	_ =	sdelay $0x1  }
0x268: {  	v24 =	vadd.f32 v24, v17;
	_ =	sdelay $0x1  }
0x269: {  	v24 =	vmul.f32 v24, v22;
	_ =	sdelay $0x1  }
0x26a: {  	v24 =	vadd.f32 v24, v16;
	_ =	sdelay $0x1  }
0x26b: {  	v24 =	vmul.f32 v24, v22;
	_ =	sdelay $0x1  }
0x26c: {  	v24 =	vadd.f32 v24, v15;
	_ =	sdelay $0x1  }
0x26d: {  	v24 =	vmul.f32 v24, v22;
	_ =	sdelay $0x1  }
0x26e: {  	v24 =	vadd.f32 v24, v13;
	_ =	sdelay $0x1  }
0x26f: {  	v24 =	vmul.f32 v24, v22;
	_ =	sdelay $0x1  }
0x270: {  	v24 =	vadd.f32 v24, v12;
	_ =	sdelay $0x1  }
0x271: {  	v24 =	vmul.f32 v24, v22;
	_ =	sdelay $0x1  }
0x272: {  	v24 =	vadd.f32 v24, v11;
	_ =	sdelay $0x1  }
0x273: {  	v22 =	vmul.f32 v24, v22;
	_ =	sdelay $0x1  }
0x274: {  	v22 =	vmul.f32 $5.000000000e-01, v22;
	_ =	sdelay $0x1  }
0x275: {  	v22 =	vadd.f32 v22, v14  }
0x276: {  	s31 =	sadd.s32 $0x20, s31  }
0x277: {  	[tilespmem:s31+$0xFFFFFFF0] =	vst v22  }
0x278: {  	[tilespmem:v23+s21+$0x0] =	vst.idx.add.f32.msk $0xffff, v22  }
0x279: {  	v22 =	vld [tilespmem:s23+$0x0]  }
0x27a: {  	v23 =	vld [tilespmem:s30+$0x0];
	_ =	sdelay $0x3  }
0x27b: {  	v22 =	vsub.f32 $0.0e+00, v22;
	_ =	sdelay $0x1  }
0x27c: {  	v22 =	vmul.f32 $1.442695020e+00, v22;
	_ =	sdelay $0x1  }
0x27d: {  	(erf) = vpow2.f32 v22;
	_ =	sdelay $0x8  }
0x27e: {  	v22 =	vpop (erf)  }
0x27f: {  	v24 =	vmul.f32 v22, v21;
	_ =	sdelay $0x1  }
0x280: {  	v24 =	vadd.f32 v24, v20;
	_ =	sdelay $0x1  }
0x281: {  	v24 =	vmul.f32 v24, v22;
	_ =	sdelay $0x1  }
0x282: {  	v24 =	vadd.f32 v24, v19;
	_ =	sdelay $0x1  }
0x283: {  	v24 =	vmul.f32 v24, v22;
	_ =	sdelay $0x1  }
0x284: {  	v24 =	vadd.f32 v24, v18;
	_ =	sdelay $0x1  }
0x285: {  	v24 =	vmul.f32 v24, v22;
	_ =	sdelay $0x1  }
0x286: {  	v24 =	vadd.f32 v24, v17;
	_ =	sdelay $0x1  }
0x287: {  	v24 =	vmul.f32 v24, v22;
	_ =	sdelay $0x1  }
0x288: {  	v24 =	vadd.f32 v24, v16;
	_ =	sdelay $0x1  }
0x289: {  	v24 =	vmul.f32 v24, v22;
	_ =	sdelay $0x1  }
0x28a: {  	v24 =	vadd.f32 v24, v15;
	_ =	sdelay $0x1  }
0x28b: {  	v24 =	vmul.f32 v24, v22;
	_ =	sdelay $0x1  }
0x28c: {  	v24 =	vadd.f32 v24, v13;
	_ =	sdelay $0x1  }
0x28d: {  	v24 =	vmul.f32 v24, v22;
	_ =	sdelay $0x1  }
0x28e: {  	v24 =	vadd.f32 v24, v12;
	_ =	sdelay $0x1  }
0x28f: {  	v24 =	vmul.f32 v24, v22;
	_ =	sdelay $0x1  }
0x290: {  	v24 =	vadd.f32 v24, v11;
	_ =	sdelay $0x1  }
0x291: {  	v22 =	vmul.f32 v24, v22;
	_ =	sdelay $0x1  }
0x292: {  	v22 =	vmul.f32 $5.000000000e-01, v22  }
.Ltmp4:
0x293: {  	(pc) =	sbr.rel @p0 .LBB2_10-.Ltmp4, $3  }
0x294: {  	v22 =	vadd.f32 v22, v14;
	_ =	sdelay $0x1  }
0x295: {  	[tilespmem:s31+$0x0] =	vst v22  }
0x296: {  	s23 =	sadd.s32 $0x20, s23;
	[tilespmem:v23+s21+$0x0] =	vst.idx.add.f32.msk $0xffff, v22  }
0x297: {  	v22 =	vld [tilespmem:$0x2040];
	_ =	sdelay $0x4  }
0x298: {  	v22 =	vsub.f32 $0.0e+00, v22;
	_ =	sdelay $0x1  }
0x299: {  	v22 =	vmul.f32 $1.442695020e+00, v22;
	_ =	sdelay $0x1  }
0x29a: {  	(erf) = vpow2.f32 v22;
	_ =	sdelay $0x8  }
0x29b: {  	v22 =	vpop (erf)  }
0x29c: {  	v23 =	vmul.f32 v22, v21;
	_ =	sdelay $0x1  }
0x29d: {  	v23 =	vadd.f32 v23, v20;
	_ =	sdelay $0x1  }
0x29e: {  	v23 =	vmul.f32 v23, v22;
	_ =	sdelay $0x1  }
0x29f: {  	v23 =	vadd.f32 v23, v19;
	_ =	sdelay $0x1  }
0x2a0: {  	v23 =	vmul.f32 v23, v22;
	_ =	sdelay $0x1  }
0x2a1: {  	v23 =	vadd.f32 v23, v18;
	_ =	sdelay $0x1  }
0x2a2: {  	v23 =	vmul.f32 v23, v22;
	_ =	sdelay $0x1  }
0x2a3: {  	v23 =	vadd.f32 v23, v17;
	_ =	sdelay $0x1  }
0x2a4: {  	v23 =	vmul.f32 v23, v22;
	_ =	sdelay $0x1  }
0x2a5: {  	v23 =	vadd.f32 v23, v16;
	_ =	sdelay $0x1  }
0x2a6: {  	v23 =	vmul.f32 v23, v22;
	_ =	sdelay $0x1  }
0x2a7: {  	v23 =	vadd.f32 v23, v15;
	_ =	sdelay $0x1  }
0x2a8: {  	v23 =	vmul.f32 v23, v22;
	_ =	sdelay $0x1  }
0x2a9: {  	v23 =	vadd.f32 v23, v13;
	_ =	sdelay $0x1  }
0x2aa: {  	v23 =	vmul.f32 v23, v22;
	_ =	sdelay $0x1  }
0x2ab: {  	v23 =	vadd.f32 v23, v12;
	_ =	sdelay $0x1  }
0x2ac: {  	v23 =	vmul.f32 v23, v22;
	_ =	sdelay $0x1  }
0x2ad: {  	v23 =	vadd.f32 v23, v11  }
0x2ae: {  	v24 =	vld [tilespmem:$0x4840]  }
0x2af: {  	v22 =	vmul.f32 v23, v22;
	_ =	sdelay $0x1  }
0x2b0: {  	v22 =	vmul.f32 $5.000000000e-01, v22;
	_ =	sdelay $0x1  }
0x2b1: {  	v22 =	vadd.f32 v22, v14;
	_ =	sdelay $0x1  }
0x2b2: {  	[tilespmem:$0x7040] =	vst v22  }
0x2b3: {  	s22 =	simm.s32 $0x2090;
	[tilespmem:v24+s21+$0x0] =	vst.idx.add.f32.msk $0xffff, v22  }
0x2b4: {  	[hbm4b:s17+s2] =	stream.linear.scatter [tilespmem:s25], [sflag:$0x2], $0x7D0, $0x38;
	[tilespmem:$0xA000] =	vst v63  }
0x2b5: {  	v22 =	vld [tilespmem:s22+$0xFFFFFFF0];
	_ =	sdelay $0x4  }
0x2b6: {  	v22 =	vsub.f32 $0.0e+00, v22;
	_ =	sdelay $0x1  }
0x2b7: {  	v22 =	vmul.f32 $1.442695020e+00, v22;
	_ =	sdelay $0x1  }
0x2b8: {  	(erf) = vpow2.f32 v22;
	_ =	sdelay $0x8  }
0x2b9: {  	v22 =	vpop (erf)  }
0x2ba: {  	v23 =	vmul.f32 v22, v21;
	_ =	sdelay $0x1  }
0x2bb: {  	v23 =	vadd.f32 v23, v20;
	_ =	sdelay $0x1  }
0x2bc: {  	v23 =	vmul.f32 v23, v22;
	_ =	sdelay $0x1  }
0x2bd: {  	v23 =	vadd.f32 v23, v19;
	_ =	sdelay $0x1  }
0x2be: {  	v23 =	vmul.f32 v23, v22;
	_ =	sdelay $0x1  }
0x2bf: {  	v23 =	vadd.f32 v23, v18;
	_ =	sdelay $0x1  }
0x2c0: {  	v23 =	vmul.f32 v23, v22;
	_ =	sdelay $0x1  }
0x2c1: {  	v23 =	vadd.f32 v23, v17;
	_ =	sdelay $0x1  }
0x2c2: {  	v23 =	vmul.f32 v23, v22;
	_ =	sdelay $0x1  }
0x2c3: {  	v23 =	vadd.f32 v23, v16;
	_ =	sdelay $0x1  }
0x2c4: {  	v23 =	vmul.f32 v23, v22;
	_ =	sdelay $0x1  }
0x2c5: {  	v23 =	vadd.f32 v23, v15;
	_ =	sdelay $0x1  }
0x2c6: {  	v23 =	vmul.f32 v23, v22;
	_ =	sdelay $0x1  }
0x2c7: {  	v23 =	vadd.f32 v23, v13;
	_ =	sdelay $0x1  }
0x2c8: {  	v23 =	vmul.f32 v23, v22;
	_ =	sdelay $0x1  }
0x2c9: {  	v23 =	vadd.f32 v23, v12;
	_ =	sdelay $0x1  }
0x2ca: {  	v23 =	vmul.f32 v23, v22;
	_ =	sdelay $0x1  }
0x2cb: {  	s30 =	simm.s32 $0x4890;
	v23 =	vadd.f32 v23, v11  }
0x2cc: {  	v24 =	vld [tilespmem:s30+$0xFFFFFFF0]  }
0x2cd: {  	v22 =	vmul.f32 v23, v22;
	_ =	sdelay $0x1  }
0x2ce: {  	v22 =	vmul.f32 $5.000000000e-01, v22;
	_ =	sdelay $0x1  }
0x2cf: {  	v22 =	vadd.f32 v22, v14  }
0x2d0: {  	s31 =	simm.s32 $0x7090  }
0x2d1: {  	[tilespmem:s31+$0xFFFFFFF0] =	vst v22  }
0x2d2: {  	[tilespmem:v24+s21+$0x0] =	vst.idx.add.f32.msk $0xffff, v22  }
0x2d3: {  	v22 =	vld [tilespmem:s22+$0x0];
	_ =	sdelay $0x4  }
0x2d4: {  	v22 =	vsub.f32 $0.0e+00, v22;
	_ =	sdelay $0x1  }
0x2d5: {  	v22 =	vmul.f32 $1.442695020e+00, v22;
	_ =	sdelay $0x1  }
0x2d6: {  	(erf) = vpow2.f32 v22;
	_ =	sdelay $0x8  }
0x2d7: {  	v22 =	vpop (erf)  }
0x2d8: {  	v23 =	vmul.f32 v22, v21;
	_ =	sdelay $0x1  }
0x2d9: {  	v23 =	vadd.f32 v23, v20;
	_ =	sdelay $0x1  }
0x2da: {  	v23 =	vmul.f32 v23, v22;
	_ =	sdelay $0x1  }
0x2db: {  	v23 =	vadd.f32 v23, v19;
	_ =	sdelay $0x1  }
0x2dc: {  	v23 =	vmul.f32 v23, v22;
	_ =	sdelay $0x1  }
0x2dd: {  	v23 =	vadd.f32 v23, v18;
	_ =	sdelay $0x1  }
0x2de: {  	v23 =	vmul.f32 v23, v22;
	_ =	sdelay $0x1  }
0x2df: {  	v23 =	vadd.f32 v23, v17;
	_ =	sdelay $0x1  }
0x2e0: {  	v23 =	vmul.f32 v23, v22;
	_ =	sdelay $0x1  }
0x2e1: {  	v23 =	vadd.f32 v23, v16;
	_ =	sdelay $0x1  }
0x2e2: {  	v23 =	vmul.f32 v23, v22;
	_ =	sdelay $0x1  }
0x2e3: {  	v23 =	vadd.f32 v23, v15;
	_ =	sdelay $0x1  }
0x2e4: {  	v23 =	vmul.f32 v23, v22;
	_ =	sdelay $0x1  }
0x2e5: {  	v23 =	vadd.f32 v23, v13;
	_ =	sdelay $0x1  }
0x2e6: {  	v23 =	vmul.f32 v23, v22;
	_ =	sdelay $0x1  }
0x2e7: {  	v23 =	vadd.f32 v23, v12;
	_ =	sdelay $0x1  }
0x2e8: {  	v23 =	vmul.f32 v23, v22;
	_ =	sdelay $0x1  }
0x2e9: {  	v23 =	vadd.f32 v23, v11  }
0x2ea: {  	v24 =	vld [tilespmem:s30+$0x0]  }
0x2eb: {  	v22 =	vmul.f32 v23, v22;
	_ =	sdelay $0x1  }
0x2ec: {  	v22 =	vmul.f32 $5.000000000e-01, v22;
	_ =	sdelay $0x1  }
0x2ed: {  	v22 =	vadd.f32 v22, v14;
	_ =	sdelay $0x1  }
0x2ee: {  	[tilespmem:s31+$0x0] =	vst v22  }
0x2ef: {  	s23 =	simm.s32 $0x20B0;
	s22 =	simm.s32 $0x0;
	[tilespmem:v24+s21+$0x0] =	vst.idx.add.f32.msk $0xffff, v22  }
.LBB2_12:
0x2f0: {  	v22 =	vld [tilespmem:s23+$0xFFFFFFF0];
	s30 =	sadd.s32 $0x20, s30  }
0x2f1: {  	v23 =	vld [tilespmem:s30+$0xFFFFFFF0]  }
0x2f2: {  	s22 =	sadd.s32 $0x2, s22  }
0x2f3: {  	p0 =	slt.u32 s22, $0x7A;
	_ =	sdelay $0x1  }
0x2f4: {  	v22 =	vsub.f32 $0.0e+00, v22;
	_ =	sdelay $0x1  }
0x2f5: {  	v22 =	vmul.f32 $1.442695020e+00, v22;
	_ =	sdelay $0x1  }
0x2f6: {  	(erf) = vpow2.f32 v22;
	_ =	sdelay $0x8  }
0x2f7: {  	v22 =	vpop (erf)  }
0x2f8: {  	v24 =	vmul.f32 v22, v21;
	_ =	sdelay $0x1  }
0x2f9: {  	v24 =	vadd.f32 v24, v20;
	_ =	sdelay $0x1  }
0x2fa: {  	v24 =	vmul.f32 v24, v22;
	_ =	sdelay $0x1  }
0x2fb: {  	v24 =	vadd.f32 v24, v19;
	_ =	sdelay $0x1  }
0x2fc: {  	v24 =	vmul.f32 v24, v22;
	_ =	sdelay $0x1  }
0x2fd: {  	v24 =	vadd.f32 v24, v18;
	_ =	sdelay $0x1  }
0x2fe: {  	v24 =	vmul.f32 v24, v22;
	_ =	sdelay $0x1  }
0x2ff: {  	v24 =	vadd.f32 v24, v17;
	_ =	sdelay $0x1  }
0x300: {  	v24 =	vmul.f32 v24, v22;
	_ =	sdelay $0x1  }
0x301: {  	v24 =	vadd.f32 v24, v16;
	_ =	sdelay $0x1  }
0x302: {  	v24 =	vmul.f32 v24, v22;
	_ =	sdelay $0x1  }
0x303: {  	v24 =	vadd.f32 v24, v15;
	_ =	sdelay $0x1  }
0x304: {  	v24 =	vmul.f32 v24, v22;
	_ =	sdelay $0x1  }
0x305: {  	v24 =	vadd.f32 v24, v13;
	_ =	sdelay $0x1  }
0x306: {  	v24 =	vmul.f32 v24, v22;
	_ =	sdelay $0x1  }
0x307: {  	v24 =	vadd.f32 v24, v12;
	_ =	sdelay $0x1  }
0x308: {  	v24 =	vmul.f32 v24, v22;
	_ =	sdelay $0x1  }
0x309: {  	v24 =	vadd.f32 v24, v11;
	_ =	sdelay $0x1  }
0x30a: {  	v22 =	vmul.f32 v24, v22;
	_ =	sdelay $0x1  }
0x30b: {  	v22 =	vmul.f32 $5.000000000e-01, v22;
	_ =	sdelay $0x1  }
0x30c: {  	v22 =	vadd.f32 v22, v14  }
0x30d: {  	s31 =	sadd.s32 $0x20, s31  }
0x30e: {  	[tilespmem:s31+$0xFFFFFFF0] =	vst v22  }
0x30f: {  	[tilespmem:v23+s21+$0x0] =	vst.idx.add.f32.msk $0xffff, v22  }
0x310: {  	v22 =	vld [tilespmem:s23+$0x0]  }
0x311: {  	v23 =	vld [tilespmem:s30+$0x0];
	_ =	sdelay $0x3  }
0x312: {  	v22 =	vsub.f32 $0.0e+00, v22;
	_ =	sdelay $0x1  }
0x313: {  	v22 =	vmul.f32 $1.442695020e+00, v22;
	_ =	sdelay $0x1  }
0x314: {  	(erf) = vpow2.f32 v22;
	_ =	sdelay $0x8  }
0x315: {  	v22 =	vpop (erf)  }
0x316: {  	v24 =	vmul.f32 v22, v21;
	_ =	sdelay $0x1  }
0x317: {  	v24 =	vadd.f32 v24, v20;
	_ =	sdelay $0x1  }
0x318: {  	v24 =	vmul.f32 v24, v22;
	_ =	sdelay $0x1  }
0x319: {  	v24 =	vadd.f32 v24, v19;
	_ =	sdelay $0x1  }
0x31a: {  	v24 =	vmul.f32 v24, v22;
	_ =	sdelay $0x1  }
0x31b: {  	v24 =	vadd.f32 v24, v18;
	_ =	sdelay $0x1  }
0x31c: {  	v24 =	vmul.f32 v24, v22;
	_ =	sdelay $0x1  }
0x31d: {  	v24 =	vadd.f32 v24, v17;
	_ =	sdelay $0x1  }
0x31e: {  	v24 =	vmul.f32 v24, v22;
	_ =	sdelay $0x1  }
0x31f: {  	v24 =	vadd.f32 v24, v16;
	_ =	sdelay $0x1  }
0x320: {  	v24 =	vmul.f32 v24, v22;
	_ =	sdelay $0x1  }
0x321: {  	v24 =	vadd.f32 v24, v15;
	_ =	sdelay $0x1  }
0x322: {  	v24 =	vmul.f32 v24, v22;
	_ =	sdelay $0x1  }
0x323: {  	v24 =	vadd.f32 v24, v13;
	_ =	sdelay $0x1  }
0x324: {  	v24 =	vmul.f32 v24, v22;
	_ =	sdelay $0x1  }
0x325: {  	v24 =	vadd.f32 v24, v12;
	_ =	sdelay $0x1  }
0x326: {  	v24 =	vmul.f32 v24, v22;
	_ =	sdelay $0x1  }
0x327: {  	v24 =	vadd.f32 v24, v11;
	_ =	sdelay $0x1  }
0x328: {  	v22 =	vmul.f32 v24, v22;
	_ =	sdelay $0x1  }
0x329: {  	v22 =	vmul.f32 $5.000000000e-01, v22  }
.Ltmp5:
0x32a: {  	(pc) =	sbr.rel @p0 .LBB2_12-.Ltmp5, $3  }
0x32b: {  	v22 =	vadd.f32 v22, v14;
	_ =	sdelay $0x1  }
0x32c: {  	[tilespmem:s31+$0x0] =	vst v22  }
0x32d: {  	s23 =	sadd.s32 $0x20, s23;
	[tilespmem:v23+s21+$0x0] =	vst.idx.add.f32.msk $0xffff, v22  }
0x32e: {  	v22 =	vld [tilespmem:$0x2840];
	_ =	sdelay $0x4  }
0x32f: {  	v22 =	vsub.f32 $0.0e+00, v22;
	_ =	sdelay $0x1  }
0x330: {  	v22 =	vmul.f32 $1.442695020e+00, v22;
	_ =	sdelay $0x1  }
0x331: {  	(erf) = vpow2.f32 v22;
	_ =	sdelay $0x8  }
0x332: {  	v22 =	vpop (erf)  }
0x333: {  	v21 =	vmul.f32 v22, v21;
	_ =	sdelay $0x1  }
0x334: {  	v20 =	vadd.f32 v21, v20;
	_ =	sdelay $0x1  }
0x335: {  	v20 =	vmul.f32 v20, v22;
	_ =	sdelay $0x1  }
0x336: {  	v19 =	vadd.f32 v20, v19;
	_ =	sdelay $0x1  }
0x337: {  	v19 =	vmul.f32 v19, v22;
	_ =	sdelay $0x1  }
0x338: {  	v18 =	vadd.f32 v19, v18;
	_ =	sdelay $0x1  }
0x339: {  	v18 =	vmul.f32 v18, v22;
	_ =	sdelay $0x1  }
0x33a: {  	v17 =	vadd.f32 v18, v17;
	_ =	sdelay $0x1  }
0x33b: {  	v17 =	vmul.f32 v17, v22;
	_ =	sdelay $0x1  }
0x33c: {  	v16 =	vadd.f32 v17, v16;
	_ =	sdelay $0x1  }
0x33d: {  	v16 =	vmul.f32 v16, v22;
	_ =	sdelay $0x1  }
0x33e: {  	v15 =	vadd.f32 v16, v15;
	_ =	sdelay $0x1  }
0x33f: {  	v15 =	vmul.f32 v15, v22;
	_ =	sdelay $0x1  }
0x340: {  	v13 =	vadd.f32 v15, v13;
	_ =	sdelay $0x1  }
0x341: {  	v13 =	vmul.f32 v13, v22;
	_ =	sdelay $0x1  }
0x342: {  	v12 =	vadd.f32 v13, v12;
	_ =	sdelay $0x1  }
0x343: {  	v12 =	vmul.f32 v12, v22;
	_ =	sdelay $0x1  }
0x344: {  	v11 =	vadd.f32 v12, v11  }
0x345: {  	v63 =	vld [tilespmem:$0x5040]  }
0x346: {  	v11 =	vmul.f32 v11, v22;
	_ =	sdelay $0x1  }
0x347: {  	v11 =	vmul.f32 $5.000000000e-01, v11;
	_ =	sdelay $0x1  }
0x348: {  	v11 =	vadd.f32 v11, v14;
	_ =	sdelay $0x1  }
0x349: {  	[tilespmem:$0x7840] =	vst v11  }
0x34a: {  	[tilespmem:v63+s21+$0x0] =	vst.idx.add.f32.msk $0xffff, v11  }
0x34b: {  	[hbm4b:s18+s2] =	stream.linear.scatter [tilespmem:s26], [sflag:$0x2], $0x7D0, $0x38;
	[tilespmem:$0xA000] =	vst v63  }
0x34c: {  	_ = 	snop  }
0x34d: {  	[hbm4b:s19+s2] =	stream.linear.scatter [tilespmem:s21], [sflag:$0x3], $0x2710, $0x38;
	[tilespmem:$0xA000] =	vst v63  }
0x34e: {  	_ =	swait.ge [sflag:s1], $0x2710  }
0x34f: {  	[sflag:s1] =	ssyncset.done $0x0  }
0x350: {  	[sflag:s1] =	ssyncadd.s32 $0xFFFFD8F0  }
0x351: {  	_ =	swait.ge [sflag:s28], $0x7D0  }
0x352: {  	[sflag:s28] =	ssyncset.done $0x0  }
0x353: {  	[sflag:s28] =	ssyncadd.s32 $0xFFFFF830  }
0x354: {  	_ =	swait.ge [sflag:s28], $0x7D0  }
0x355: {  	[sflag:s28] =	ssyncset.done $0x0  }
0x356: {  	[sflag:s28] =	ssyncadd.s32 $0xFFFFF830  }
0x357: {  	_ =	swait.ge [sflag:s28], $0x7D0  }
0x358: {  	[sflag:s28] =	ssyncset.done $0x0  }
0x359: {  	s29 =	sadd.s32 $0x1, s29;
	[sflag:s28] =	ssyncadd.s32 $0xFFFFF830  }
0x35a: {  	p0 =	sne.s32 s29, s20;
	_ =	swait.ge [sflag:s28], $0x7D0  }
.Ltmp6:
0x35b: {  	[sflag:s28] =	ssyncset.done $0x0;
	(pc) =	sbr.rel @p0 .LBB2_1-.Ltmp6, $4  }
0x35c: {  	[sflag:s28] =	ssyncadd.s32 $0xFFFFF830  }
0x35d: {  	_ =	swait.ge [sflag:s28], $0x7D0  }
0x35e: {  	[sflag:s28] =	ssyncset.done $0x0  }
0x35f: {  	[sflag:s28] =	ssyncadd.s32 $0xFFFFF830  }
0x360: {  	_ =	sfence.sel $0x180000  }
0x361: {  	[bflag:$0x0] =	sbarrier.arrive $0xFFFF  }
0x362: {  	_ =	strace $0x90000047  }
0x363: {  	s0 =	stileid.u32;
	[bflag:$0x2] =	sbarrier.arrive $0xFFFF  }
0x364: {  	p0 =	sne.s32 s0, $0x0;
	s0 =	rddreg [dreg:$0x2]  }
0x365: {  	s0 =	sadd.s32 @!p0 $0x100000, s0  }
0x366: {  	[sflag:s0] =	ssyncadd.tile.s32 @!p0 $0x1;
	_ =	shalt  }
.Lfunc_end2:
_tile_overlayer_lowered:
.L_overlay_start_2:
0x367: {  	(tag) =	ssettag $0x2  }
0x368: {  	s0 =	rddreg [dreg:$0x0];
	s2 =	stileid.u32  }
0x369: {  	s1 =	rddreg [dreg:$0x1];
	p0 =	sne.s32 s2, $0x0  }
0x36a: {  	s3 =	rddreg [dreg:$0x2];
	[bflag:$0x3] =	sbarrier.arrive $0xFFFF;
	s2 =	simm.s32 @!p0 $0x1C03  }
0x36b: {  	[timem:s3], [sflag:s2] =	dma.local @!p0 [hbm:s0], s1  }
0x36c: {  	s0 =	simm.s32 @!p0 $0x3  }
0x36d: {  	_ =	swait.ge @!p0 [sflag:s0], s1  }
0x36e: {  	s1 =	ssub.s32 @!p0 $0x0, s1;
	[sflag:s0] =	ssyncset.done @!p0 $0x0  }
0x36f: {  	[sflag:s0] =	ssyncadd.s32 @!p0 s1  }
0x370: {  	[bflag:$0x3] =	sbarrier.arrive $0xFFFF  }
0x371: {  	_ =	shalt  }

</sc_bundles>
